<compile_context>
chip_gen: v7x
topology: tpu7x:2x2x1
jax: 0.10.2.dev20260603
libtpu: 0.0.44.dev20260713+nightly
codegen_flags: <defaults>
</compile_context>

<pallas_src>
import functools

import jax
import jax.numpy as jnp
import numpy as np
from jax import lax
from jax.experimental import pallas as pl
from jax.experimental.pallas import tpu as pltpu
from jax.experimental.pallas import tpu_sc as plsc

N_NODES = 10000
N_EDGES = 320000
NFEAT = 128
NHID = 128
NCLASS = 40
NCLS_PAD = 64

CHUNK = 128
NCHUNK = 80
NW = 32
EDGES_PER_W = NCHUNK * CHUNK
E_PAD = NW * EDGES_PER_W
DRAIN = 80
NDRAIN = N_NODES // DRAIN


def _unpack_perm(D):
  t = np.empty(D, np.int32)
  for g in range(D // 32):
    for i in range(16):
      t[32 * g + i] = 16 * g + i
      t[32 * g + 16 + i] = D // 2 + 16 * g + i
  return t


_INV_T128 = np.argsort(_unpack_perm(NHID))
_INV_T64 = np.argsort(_unpack_perm(NCLS_PAD))


def _make_spmm(D):
  mesh = plsc.VectorSubcoreMesh(
      core_axis_name="c", subcore_axis_name="s", num_cores=2, num_subcores=16)

  @functools.partial(
      pl.kernel,
      out_type=jax.ShapeDtypeStruct((2, N_NODES, D), jnp.float32),
      mesh=mesh,
      scratch_types=[
          [pltpu.VMEM((1, CHUNK), jnp.int32) for _ in range(2)],
          [pltpu.VMEM((1, CHUNK), jnp.int32) for _ in range(2)],
          [pltpu.VMEM((CHUNK,), jnp.float32) for _ in range(2)],
          [pltpu.VMEM((CHUNK, D // 2), jnp.int32) for _ in range(2)],
          pltpu.VMEM((CHUNK, D), jnp.float32),
          [pltpu.SemaphoreType.DMA for _ in range(8)],
          pltpu.VMEM_SHARED((N_NODES, D), jnp.float32),
      ],
      compiler_params=pltpu.CompilerParams(use_tc_tiling_on_sc=False,
                                           needs_layout_passes=False),
  )
  def spmm(sup_hbm, src_hbm, dst_hbm, ew_hbm, out_hbm,
           srcv, dstv, ewv, rows, frows, sems, acc):
    c = lax.axis_index("c")
    s = lax.axis_index("s")
    w = s * 2 + c
    ssr = sems[0:2]
    sds = sems[2:4]
    sew = sems[4:6]
    sg = sems[6:8]
    n_rr = jnp.where(s < NDRAIN % 16, NDRAIN // 16 + 1, NDRAIN // 16)

    def zero_rows(i, _):
      for g in range(D // 16):
        frows[i, pl.ds(16 * g, 16)] = jnp.zeros((16,), jnp.float32)
      return 0
    lax.fori_loop(0, DRAIN, zero_rows, 0)

    def zero_acc(j, _):
      pltpu.sync_copy(frows.at[pl.ds(0, DRAIN)],
                      acc.at[pl.ds((s + j * 16) * DRAIN, DRAIN)])
      return 0
    lax.fori_loop(0, n_rr, zero_acc, 0)
    plsc.subcore_barrier()

    def issue_idx(k, b):
      pltpu.async_copy(src_hbm.at[w].at[k], srcv[b], ssr[b])
      pltpu.async_copy(dst_hbm.at[w].at[k], dstv[b], sds[b])
      pltpu.async_copy(ew_hbm.at[w].at[pl.ds(k * CHUNK, CHUNK)],
                       ewv[b], sew[b])

    def wait_idx(k, b):
      pltpu.make_async_copy(src_hbm.at[w].at[k], srcv[b], ssr[b]).wait()
      pltpu.make_async_copy(dst_hbm.at[w].at[k], dstv[b], sds[b]).wait()
      pltpu.make_async_copy(ew_hbm.at[w].at[pl.ds(k * CHUNK, CHUNK)],
                            ewv[b], sew[b]).wait()

    def issue_gather(b):
      pltpu.async_copy(sup_hbm.at[srcv[b].at[0]], rows[b], sg[b])

    def wait_gather(b):
      pltpu.make_async_copy(sup_hbm.at[srcv[b].at[0]], rows[b], sg[b]).wait()

    def scale_scatter(b):
      @plsc.parallel_loop(0, CHUNK, unroll=4)
      def edge_body(i):
        w16 = plsc.load_gather(ewv[b], [jnp.full((16,), i, jnp.int32)])
        for g in range(D // 32):
          ab = rows[b][i, pl.ds(16 * g, 16)]
          lo = plsc.bitcast(jnp.left_shift(ab, 16), jnp.float32)
          hi = plsc.bitcast(jnp.bitwise_and(ab, jnp.int32(-65536)),
                            jnp.float32)
          frows[i, pl.ds(32 * g, 16)] = lo * w16
          frows[i, pl.ds(32 * g + 16, 16)] = hi * w16
      pltpu.sync_copy(frows, acc.at[dstv[b].at[0]], add=True)

    issue_idx(0, 0)
    wait_idx(0, 0)
    issue_idx(1, 1)
    issue_gather(0)

    def pipe_body(j, _):
      for b in range(2):
        k = 2 * j + b
        nb = 1 - b
        wait_idx(k + 1, nb)
        issue_gather(nb)
        wait_gather(b)
        scale_scatter(b)
        issue_idx(k + 2, b)
      return 0
    lax.fori_loop(0, NCHUNK // 2 - 1, pipe_body, 0)

    wait_idx(NCHUNK - 1, 1)
    issue_gather(1)
    wait_gather(0)
    scale_scatter(0)
    wait_gather(1)
    scale_scatter(1)

    plsc.subcore_barrier()

    def drain(j, _):
      base = (s + j * 16) * DRAIN
      pltpu.sync_copy(acc.at[pl.ds(base, DRAIN)], frows.at[pl.ds(0, DRAIN)])
      pltpu.sync_copy(frows.at[pl.ds(0, DRAIN)],
                      out_hbm.at[c].at[pl.ds(base, DRAIN)])
      return 0
    lax.fori_loop(0, n_rr, drain, 0)

  return spmm


_spmm128 = _make_spmm(NHID)
_spmm64 = _make_spmm(NCLS_PAD)

_RB = 1000


def _pack_bf16(r):
  h = r.shape[1] // 2
  v = lax.bitcast_convert_type(r, jnp.uint32) + jnp.uint32(0x8000)
  packed = (v[:, :h] >> 16) | (v[:, h:] & jnp.uint32(0xFFFF0000))
  return lax.bitcast_convert_type(packed, jnp.int32)


def _mm1_body(x_ref, w_ref, o_ref):
  o_ref[...] = _pack_bf16(jnp.dot(x_ref[...], w_ref[...],
                                  preferred_element_type=jnp.float32))


def _mm1(x, W1):
  return pl.pallas_call(
      _mm1_body,
      grid=(N_NODES // _RB,),
      in_specs=[
          pl.BlockSpec((_RB, NFEAT), lambda i: (i, 0)),
          pl.BlockSpec((NFEAT, NHID), lambda i: (0, 0)),
      ],
      out_specs=pl.BlockSpec((_RB, NHID // 2), lambda i: (i, 0)),
      out_shape=jax.ShapeDtypeStruct((N_NODES, NHID // 2), jnp.int32),
  )(x, W1)


def _combine_body(p0_ref, p1_ref, b_ref, w_ref, o_ref):
  h = jnp.maximum(p0_ref[...] + p1_ref[...] + b_ref[...], 0.0)
  o_ref[...] = _pack_bf16(jnp.dot(h, w_ref[...],
                                  preferred_element_type=jnp.float32))


def _combine(p0, p1, b1, W2p):
  return pl.pallas_call(
      _combine_body,
      grid=(N_NODES // _RB,),
      in_specs=[
          pl.BlockSpec((_RB, NHID), lambda i: (i, 0)),
          pl.BlockSpec((_RB, NHID), lambda i: (i, 0)),
          pl.BlockSpec((1, NHID), lambda i: (0, 0)),
          pl.BlockSpec((NHID, NCLS_PAD), lambda i: (0, 0)),
      ],
      out_specs=pl.BlockSpec((_RB, NCLS_PAD // 2), lambda i: (i, 0)),
      out_shape=jax.ShapeDtypeStruct((N_NODES, NCLS_PAD // 2), jnp.int32),
  )(p0, p1, b1.reshape(1, NHID), W2p)


def _final_body(p0_ref, p1_ref, b_ref, o_ref):
  z = (p0_ref[...] + p1_ref[...])[:, :NCLASS] + b_ref[...]
  z = z - jnp.max(z, axis=1, keepdims=True)
  e = jnp.exp(z)
  o_ref[...] = e / jnp.sum(e, axis=1, keepdims=True)


def _final(p0, p1, b2):
  return pl.pallas_call(
      _final_body,
      grid=(N_NODES // _RB,),
      in_specs=[
          pl.BlockSpec((_RB, NCLS_PAD), lambda i: (i, 0)),
          pl.BlockSpec((_RB, NCLS_PAD), lambda i: (i, 0)),
          pl.BlockSpec((1, NCLASS), lambda i: (0, 0)),
      ],
      out_specs=pl.BlockSpec((_RB, NCLASS), lambda i: (i, 0)),
      out_shape=jax.ShapeDtypeStruct((N_NODES, NCLASS), jnp.float32),
  )(p0, p1, b2.reshape(1, NCLASS))


@jax.jit
def kernel(x, edge_index, edge_weight, W1, b1, W2, b2):
  ei = jnp.pad(edge_index.astype(jnp.int32), ((0, 0), (0, E_PAD - N_EDGES)))
  src = ei[0].reshape(NW, NCHUNK, 1, CHUNK)
  dst = ei[1].reshape(NW, NCHUNK, 1, CHUNK)
  ew = jnp.pad(edge_weight, (0, E_PAD - N_EDGES)).reshape(NW, EDGES_PER_W)

  W1p = W1[:, _INV_T128]
  W2p = jnp.pad(W2, ((0, 0), (0, NCLS_PAD - NCLASS)))[:, _INV_T64]

  sup1 = _mm1(x, W1p)
  p1 = _spmm128(sup1, src, dst, ew)
  sup2 = _combine(p1[0], p1[1], b1, W2p)
  p2 = _spmm64(sup2, src, dst, ew)
  return _final(p2[0], p2[1], b2)

# --- scband reference (transcript-rebuilt; emitter-appended) ---
"""Pipeline reference for scband-gcn-classification-79706003079274 (READ-ONLY COPY).

The authoritative reference and input builder live on the scoring server;
editing this copy changes nothing except your own understanding.
"""

import jax, jax.numpy as jnp
import numpy as np

N_NODES = 10000
N_EDGES = 320000
NFEAT = 128
NHID = 128
NCLASS = 40


def setup_inputs(seed: int = 0) -> dict:
    key = jax.random.key(seed)
    k_x, k_ei, k_ew, k_w1, k_b1, k_w2, k_b2 = jax.random.split(key, 7)
    x = jax.random.normal(k_x, (N_NODES, NFEAT), dtype=jnp.float32)
    edge_index = jax.random.randint(k_ei, (2, N_EDGES), 0, N_NODES, dtype=jnp.int64 if jax.config.read('jax_enable_x64') else jnp.int32)
    edge_weight = jax.random.uniform(k_ew, (N_EDGES,), dtype=jnp.float32)
    # GraphConvolution params (Kipf-style: out = adj @ (x @ W) + b)
    W1 = jax.random.normal(k_w1, (NFEAT, NHID), dtype=jnp.float32) * (1.0 / np.sqrt(NFEAT))
    b1 = jnp.zeros((NHID,), dtype=jnp.float32)
    W2 = jax.random.normal(k_w2, (NHID, NCLASS), dtype=jnp.float32) * (1.0 / np.sqrt(NHID))
    b2 = jnp.zeros((NCLASS,), dtype=jnp.float32)
    return {"x": x, "edge_index": edge_index, "edge_weight": edge_weight,
            "W1": W1, "b1": b1, "W2": W2, "b2": b2}


def _gcn_layer(x, W, b, src, dst, ew, n_nodes):
    support = x @ W                       # dense matmul [N, d_out]
    msgs = jnp.take(support, src, axis=0) * ew[:, None]  # gather over edges
    agg = jax.ops.segment_sum(msgs, dst, num_segments=n_nodes)  # scatter-add spmm
    return agg + b


def reference(x, edge_index, edge_weight, W1, b1, W2, b2):
    src = edge_index[0]
    dst = edge_index[1]
    h = _gcn_layer(x, W1, b1, src, dst, edge_weight, N_NODES)
    h = jax.nn.relu(h)
    # dropout: eval mode (training=False) -> identity
    out = _gcn_layer(h, W2, b2, src, dst, edge_weight, N_NODES)
    return jax.nn.softmax(out, axis=1)

if __name__ == "__main__":
    import jax
    _d = setup_inputs()
    print(jax.jit(kernel)(*tuple(_d.values())))

</pallas_src>

<mosaic_0001>
#map = affine_map<(d0, d1) -> (0, 0)>
#map1 = affine_map<(d0, d1) -> (0, 0, 0, 0)>
#map2 = affine_map<(d0, d1) -> (0, 0, 0)>
module attributes {stable_mosaic.version = 14 : i64} {
  func.func @spmm(%arg0: i32, %arg1: i32, %arg2: memref<10000x64xi32, #tpu.memory_space<hbm>>, %arg3: memref<32x80x1x128xi32, #tpu.memory_space<hbm>>, %arg4: memref<32x80x1x128xi32, #tpu.memory_space<hbm>>, %arg5: memref<32x10240xf32, #tpu.memory_space<hbm>>, %arg6: memref<2x10000x128xf32, #tpu.memory_space<hbm>>, %arg7: memref<1x128xi32, #tpu.memory_space<vmem>>, %arg8: memref<1x128xi32, #tpu.memory_space<vmem>>, %arg9: memref<1x128xi32, #tpu.memory_space<vmem>>, %arg10: memref<1x128xi32, #tpu.memory_space<vmem>>, %arg11: memref<128xf32, #tpu.memory_space<vmem>>, %arg12: memref<128xf32, #tpu.memory_space<vmem>>, %arg13: memref<128x64xi32, #tpu.memory_space<vmem>>, %arg14: memref<128x64xi32, #tpu.memory_space<vmem>>, %arg15: memref<128x128xf32, #tpu.memory_space<vmem>>, %arg16: memref<!tpu.dma_semaphore, #tpu.memory_space<semaphore_mem>>, %arg17: memref<!tpu.dma_semaphore, #tpu.memory_space<semaphore_mem>>, %arg18: memref<!tpu.dma_semaphore, #tpu.memory_space<semaphore_mem>>, %arg19: memref<!tpu.dma_semaphore, #tpu.memory_space<semaphore_mem>>, %arg20: memref<!tpu.dma_semaphore, #tpu.memory_space<semaphore_mem>>, %arg21: memref<!tpu.dma_semaphore, #tpu.memory_space<semaphore_mem>>, %arg22: memref<!tpu.dma_semaphore, #tpu.memory_space<semaphore_mem>>, %arg23: memref<!tpu.dma_semaphore, #tpu.memory_space<semaphore_mem>>, %arg24: memref<10000x128xf32, #tpu.memory_space<vmem_shared>>) attributes {dimension_semantics = [#tpu.dimension_semantics<core_parallel>, #tpu.dimension_semantics<subcore_parallel>], iteration_bounds = array<i64: 2, 16>, scalar_prefetch = 0 : i64, scratch_operands = 18 : i64, tpu.core_type = #tpu.core_type<sc_vector_subcore>, window_params = [{transform_indices = #map}, {transform_indices = #map1}, {transform_indices = #map1}, {transform_indices = #map}, {transform_indices = #map2}]} {
    %mul3A = arith.constant 2 : i32
    %mul3A_0 = arith.muli %arg1, %mul3A : i32
    %add3A = arith.addi %mul3A_0, %arg0 : i32
    %lt3A = arith.constant 13 : i32
    %lt3A_1 = arith.cmpi slt, %arg1, %lt3A : i32
    %jit3A = arith.constant 8 : i32
    %jit3A_2 = arith.constant 7 : i32
    %select_n3A = arith.select %lt3A_1, %jit3A, %jit3A_2 : i32
    %scan3A = arith.constant 0 : i32
    %scan3A_3 = arith.constant 0 : i32
    %scan3A_4 = arith.constant 80 : i32
    %scan3A_5 = arith.addi %scan3A_3, %scan3A_4 : i32
    %scan3A_6 = arith.constant 1 : i32
    %scan3A_7 = scf.for %scan3A_264 = %scan3A_3 to %scan3A_5 step %scan3A_6 iter_args(%scan3A_265 = %scan3A) -> (i32)  : i32 {
      %broadcast_in_dim3A = arith.constant 0.000000e+00 : f32
      %broadcast_in_dim3A_266 = vector.broadcast %broadcast_in_dim3A : f32 to vector<16xf32>
      %swap3A = arith.index_cast %scan3A_264 : i32 to index
      %swap3A_267 = arith.constant 0 : index
      %swap3A_268 = tpu.vector_load %arg15[%swap3A, %swap3A_267] {strides = array<i32>} : memref<128x128xf32, #tpu.memory_space<vmem>>, vector<16xf32>,
      tpu.vector_store %arg15[%swap3A, %swap3A_267], %broadcast_in_dim3A_266 {strides = array<i32>} : memref<128x128xf32, #tpu.memory_space<vmem>>, vector<16xf32>,
      %broadcast_in_dim3A_269 = arith.constant 0.000000e+00 : f32
      %broadcast_in_dim3A_270 = vector.broadcast %broadcast_in_dim3A_269 : f32 to vector<16xf32>
      %swap3A_271 = arith.index_cast %scan3A_264 : i32 to index
      %swap3A_272 = arith.constant 16 : index
      %swap3A_273 = tpu.vector_load %arg15[%swap3A_271, %swap3A_272] {strides = array<i32>} : memref<128x128xf32, #tpu.memory_space<vmem>>, vector<16xf32>,
      tpu.vector_store %arg15[%swap3A_271, %swap3A_272], %broadcast_in_dim3A_270 {strides = array<i32>} : memref<128x128xf32, #tpu.memory_space<vmem>>, vector<16xf32>,
      %broadcast_in_dim3A_274 = arith.constant 0.000000e+00 : f32
      %broadcast_in_dim3A_275 = vector.broadcast %broadcast_in_dim3A_274 : f32 to vector<16xf32>
      %swap3A_276 = arith.index_cast %scan3A_264 : i32 to index
      %swap3A_277 = arith.constant 32 : index
      %swap3A_278 = tpu.vector_load %arg15[%swap3A_276, %swap3A_277] {strides = array<i32>} : memref<128x128xf32, #tpu.memory_space<vmem>>, vector<16xf32>,
      tpu.vector_store %arg15[%swap3A_276, %swap3A_277], %broadcast_in_dim3A_275 {strides = array<i32>} : memref<128x128xf32, #tpu.memory_space<vmem>>, vector<16xf32>,
      %broadcast_in_dim3A_279 = arith.constant 0.000000e+00 : f32
      %broadcast_in_dim3A_280 = vector.broadcast %broadcast_in_dim3A_279 : f32 to vector<16xf32>
      %swap3A_281 = arith.index_cast %scan3A_264 : i32 to index
      %swap3A_282 = arith.constant 48 : index
      %swap3A_283 = tpu.vector_load %arg15[%swap3A_281, %swap3A_282] {strides = array<i32>} : memref<128x128xf32, #tpu.memory_space<vmem>>, vector<16xf32>,
      tpu.vector_store %arg15[%swap3A_281, %swap3A_282], %broadcast_in_dim3A_280 {strides = array<i32>} : memref<128x128xf32, #tpu.memory_space<vmem>>, vector<16xf32>,
      %broadcast_in_dim3A_284 = arith.constant 0.000000e+00 : f32
      %broadcast_in_dim3A_285 = vector.broadcast %broadcast_in_dim3A_284 : f32 to vector<16xf32>
      %swap3A_286 = arith.index_cast %scan3A_264 : i32 to index
      %swap3A_287 = arith.constant 64 : index
      %swap3A_288 = tpu.vector_load %arg15[%swap3A_286, %swap3A_287] {strides = array<i32>} : memref<128x128xf32, #tpu.memory_space<vmem>>, vector<16xf32>,
      tpu.vector_store %arg15[%swap3A_286, %swap3A_287], %broadcast_in_dim3A_285 {strides = array<i32>} : memref<128x128xf32, #tpu.memory_space<vmem>>, vector<16xf32>,
      %broadcast_in_dim3A_289 = arith.constant 0.000000e+00 : f32
      %broadcast_in_dim3A_290 = vector.broadcast %broadcast_in_dim3A_289 : f32 to vector<16xf32>
      %swap3A_291 = arith.index_cast %scan3A_264 : i32 to index
      %swap3A_292 = arith.constant 80 : index
      %swap3A_293 = tpu.vector_load %arg15[%swap3A_291, %swap3A_292] {strides = array<i32>} : memref<128x128xf32, #tpu.memory_space<vmem>>, vector<16xf32>,
      tpu.vector_store %arg15[%swap3A_291, %swap3A_292], %broadcast_in_dim3A_290 {strides = array<i32>} : memref<128x128xf32, #tpu.memory_space<vmem>>, vector<16xf32>,
      %broadcast_in_dim3A_294 = arith.constant 0.000000e+00 : f32
      %broadcast_in_dim3A_295 = vector.broadcast %broadcast_in_dim3A_294 : f32 to vector<16xf32>
      %swap3A_296 = arith.index_cast %scan3A_264 : i32 to index
      %swap3A_297 = arith.constant 96 : index
      %swap3A_298 = tpu.vector_load %arg15[%swap3A_296, %swap3A_297] {strides = array<i32>} : memref<128x128xf32, #tpu.memory_space<vmem>>, vector<16xf32>,
      tpu.vector_store %arg15[%swap3A_296, %swap3A_297], %broadcast_in_dim3A_295 {strides = array<i32>} : memref<128x128xf32, #tpu.memory_space<vmem>>, vector<16xf32>,
      %broadcast_in_dim3A_299 = arith.constant 0.000000e+00 : f32
      %broadcast_in_dim3A_300 = vector.broadcast %broadcast_in_dim3A_299 : f32 to vector<16xf32>
      %swap3A_301 = arith.index_cast %scan3A_264 : i32 to index
      %swap3A_302 = arith.constant 112 : index
      %swap3A_303 = tpu.vector_load %arg15[%swap3A_301, %swap3A_302] {strides = array<i32>} : memref<128x128xf32, #tpu.memory_space<vmem>>, vector<16xf32>,
      tpu.vector_store %arg15[%swap3A_301, %swap3A_302], %broadcast_in_dim3A_300 {strides = array<i32>} : memref<128x128xf32, #tpu.memory_space<vmem>>, vector<16xf32>,
      %scan3A_304 = arith.constant 0 : i32
      scf.yield %scan3A_304 : i32
    }
    %scan3A_8 = arith.constant 80 : i32
    %while3A = arith.constant 0 : i32
    %while3A_9 = arith.constant 0 : i32
    %while3A_10 = arith.subi %select_n3A, %while3A : i32
    %while3A_11 = arith.addi %while3A, %while3A_10 : i32
    %while3A_12 = arith.constant 1 : i32
    %while3A_13 = arith.divsi %while3A_10, %while3A_12 : i32
    %while3A_14 = arith.muli %while3A_13, %while3A_12 : i32
    %while3A_15 = arith.addi %while3A, %while3A_14 : i32
    %while3A_16 = arith.constant 1 : i32
    %while3A_17 = scf.for %while3A_264 = %while3A to %while3A_15 step %while3A_16 iter_args(%while3A_265 = %while3A_9) -> (i32)  : i32 {
      %mul3A_266 = arith.constant 16 : i32
      %mul3A_267 = arith.muli %while3A_264, %mul3A_266 : i32
      %add3A_268 = arith.addi %arg1, %mul3A_267 : i32
      %mul3A_269 = arith.constant 80 : i32
      %mul3A_270 = arith.muli %add3A_268, %mul3A_269 : i32
      "tpu.region"() ({
        %run_scoped3A_272 = tpu.sem_alloc : memref<!tpu.dma_semaphore, #tpu.memory_space<semaphore_mem>>
        %dma_start3A_273 = arith.constant 0 : i32
        %dma_start3A_274 = arith.constant 0 : i32
        %dma_start3A_275 = tpu.memref_slice %arg15[%dma_start3A_273, %dma_start3A_274] : memref<128x128xf32, #tpu.memory_space<vmem>> -> memref<80x128xf32, #tpu.memory_space<vmem>>
        %dma_start3A_276 = arith.constant 0 : i32
        %dma_start3A_277 = tpu.memref_slice %arg24[%mul3A_270, %dma_start3A_276] : memref<10000x128xf32, #tpu.memory_space<vmem_shared>> -> memref<80x128xf32, #tpu.memory_space<vmem_shared>>
        %dma_start3A_278 = arith.constant 0 : i32
        %dma_start3A_279 = tpu.memref_slice %arg24[%mul3A_270, %dma_start3A_278] : memref<10000x128xf32, #tpu.memory_space<vmem_shared>> -> memref<80x128xf32, #tpu.memory_space<vmem_shared>>
        %dma_start3A_280 = arith.constant 0 : i32
        %dma_start3A_281 = arith.constant 0 : i32
        %dma_start3A_282 = tpu.memref_slice %arg15[%dma_start3A_280, %dma_start3A_281] : memref<128x128xf32, #tpu.memory_space<vmem>> -> memref<80x128xf32, #tpu.memory_space<vmem>>
        tpu.enqueue_dma source(%dma_start3A_282 : memref<80x128xf32, #tpu.memory_space<vmem>>) target(%dma_start3A_279 : memref<80x128xf32, #tpu.memory_space<vmem_shared>>) target_semaphore(%run_scoped3A_272 : memref<!tpu.dma_semaphore, #tpu.memory_space<semaphore_mem>>)
        %dma_wait3A_283 = arith.constant 0 : i32
        %dma_wait3A_284 = arith.constant 0 : i32
        %dma_wait3A_285 = tpu.memref_slice %arg15[%dma_wait3A_283, %dma_wait3A_284] : memref<128x128xf32, #tpu.memory_space<vmem>> -> memref<80x128xf32, #tpu.memory_space<vmem>>
        %dma_wait3A_286 = arith.constant 0 : i32
        %dma_wait3A_287 = tpu.memref_slice %arg24[%mul3A_270, %dma_wait3A_286] : memref<10000x128xf32, #tpu.memory_space<vmem_shared>> -> memref<80x128xf32, #tpu.memory_space<vmem_shared>>
        %dma_wait3A_288 = arith.constant 0 : i32
        %dma_wait3A_289 = tpu.memref_slice %arg24[%mul3A_270, %dma_wait3A_288] : memref<10000x128xf32, #tpu.memory_space<vmem_shared>> -> memref<80x128xf32, #tpu.memory_space<vmem_shared>>
        %dma_wait3A_290 = arith.constant 0 : i32
        %dma_wait3A_291 = arith.constant 0 : i32
        %dma_wait3A_292 = tpu.memref_slice %arg15[%dma_wait3A_290, %dma_wait3A_291] : memref<128x128xf32, #tpu.memory_space<vmem>> -> memref<80x128xf32, #tpu.memory_space<vmem>>
        tpu.wait_dma2 semaphore(%run_scoped3A_272 : memref<!tpu.dma_semaphore, #tpu.memory_space<semaphore_mem>>) src(%dma_wait3A_292 : memref<80x128xf32, #tpu.memory_space<vmem>>) dst(%dma_wait3A_289 : memref<80x128xf32, #tpu.memory_space<vmem_shared>>)
        tpu.yield
      }) : () -> ()
      %while3A_271 = arith.constant 0 : i32
      scf.yield %while3A_271 : i32
    }
    %while3A_18 = arith.constant 1 : i32
    %while3A_19 = scf.for %while3A_264 = %while3A_15 to %while3A_11 step %while3A_18 iter_args(%while3A_265 = %while3A_17) -> (i32)  : i32 {
      %mul3A_266 = arith.constant 16 : i32
      %mul3A_267 = arith.muli %while3A_264, %mul3A_266 : i32
      %add3A_268 = arith.addi %arg1, %mul3A_267 : i32
      %mul3A_269 = arith.constant 80 : i32
      %mul3A_270 = arith.muli %add3A_268, %mul3A_269 : i32
      "tpu.region"() ({
        %run_scoped3A_272 = tpu.sem_alloc : memref<!tpu.dma_semaphore, #tpu.memory_space<semaphore_mem>>
        %dma_start3A_273 = arith.constant 0 : i32
        %dma_start3A_274 = arith.constant 0 : i32
        %dma_start3A_275 = tpu.memref_slice %arg15[%dma_start3A_273, %dma_start3A_274] : memref<128x128xf32, #tpu.memory_space<vmem>> -> memref<80x128xf32, #tpu.memory_space<vmem>>
        %dma_start3A_276 = arith.constant 0 : i32
        %dma_start3A_277 = tpu.memref_slice %arg24[%mul3A_270, %dma_start3A_276] : memref<10000x128xf32, #tpu.memory_space<vmem_shared>> -> memref<80x128xf32, #tpu.memory_space<vmem_shared>>
        %dma_start3A_278 = arith.constant 0 : i32
        %dma_start3A_279 = tpu.memref_slice %arg24[%mul3A_270, %dma_start3A_278] : memref<10000x128xf32, #tpu.memory_space<vmem_shared>> -> memref<80x128xf32, #tpu.memory_space<vmem_shared>>
        %dma_start3A_280 = arith.constant 0 : i32
        %dma_start3A_281 = arith.constant 0 : i32
        %dma_start3A_282 = tpu.memref_slice %arg15[%dma_start3A_280, %dma_start3A_281] : memref<128x128xf32, #tpu.memory_space<vmem>> -> memref<80x128xf32, #tpu.memory_space<vmem>>
        tpu.enqueue_dma source(%dma_start3A_282 : memref<80x128xf32, #tpu.memory_space<vmem>>) target(%dma_start3A_279 : memref<80x128xf32, #tpu.memory_space<vmem_shared>>) target_semaphore(%run_scoped3A_272 : memref<!tpu.dma_semaphore, #tpu.memory_space<semaphore_mem>>)
        %dma_wait3A_283 = arith.constant 0 : i32
        %dma_wait3A_284 = arith.constant 0 : i32
        %dma_wait3A_285 = tpu.memref_slice %arg15[%dma_wait3A_283, %dma_wait3A_284] : memref<128x128xf32, #tpu.memory_space<vmem>> -> memref<80x128xf32, #tpu.memory_space<vmem>>
        %dma_wait3A_286 = arith.constant 0 : i32
        %dma_wait3A_287 = tpu.memref_slice %arg24[%mul3A_270, %dma_wait3A_286] : memref<10000x128xf32, #tpu.memory_space<vmem_shared>> -> memref<80x128xf32, #tpu.memory_space<vmem_shared>>
        %dma_wait3A_288 = arith.constant 0 : i32
        %dma_wait3A_289 = tpu.memref_slice %arg24[%mul3A_270, %dma_wait3A_288] : memref<10000x128xf32, #tpu.memory_space<vmem_shared>> -> memref<80x128xf32, #tpu.memory_space<vmem_shared>>
        %dma_wait3A_290 = arith.constant 0 : i32
        %dma_wait3A_291 = arith.constant 0 : i32
        %dma_wait3A_292 = tpu.memref_slice %arg15[%dma_wait3A_290, %dma_wait3A_291] : memref<128x128xf32, #tpu.memory_space<vmem>> -> memref<80x128xf32, #tpu.memory_space<vmem>>
        tpu.wait_dma2 semaphore(%run_scoped3A_272 : memref<!tpu.dma_semaphore, #tpu.memory_space<semaphore_mem>>) src(%dma_wait3A_292 : memref<80x128xf32, #tpu.memory_space<vmem>>) dst(%dma_wait3A_289 : memref<80x128xf32, #tpu.memory_space<vmem_shared>>)
        tpu.yield
      }) : () -> ()
      %while3A_271 = arith.constant 0 : i32
      scf.yield %while3A_271 : i32
    }
    %barrier3A = arith.constant 0 : index
    tpu.barrier barrier_id(%barrier3A)
    %dma_start3A = arith.constant 0 : i32
    %dma_start3A_20 = arith.constant 0 : i32
    %dma_start3A_21 = arith.constant 0 : i32
    %dma_start3A_22 = arith.constant 0 : i32
    %dma_start3A_23 = tpu.memref_slice %arg3[%add3A, %dma_start3A_20, %dma_start3A_21, %dma_start3A_22] : memref<32x80x1x128xi32, #tpu.memory_space<hbm>> -> memref<1x80x1x128xi32, #tpu.memory_space<hbm>>
    %dma_start3A_24 = tpu.memref_squeeze %dma_start3A_23 : memref<1x80x1x128xi32, #tpu.memory_space<hbm>> -> memref<80x1x128xi32, #tpu.memory_space<hbm>>
    %dma_start3A_25 = arith.constant 0 : i32
    %dma_start3A_26 = arith.constant 0 : i32
    %dma_start3A_27 = tpu.memref_slice %dma_start3A_24[%dma_start3A, %dma_start3A_25, %dma_start3A_26] : memref<80x1x128xi32, #tpu.memory_space<hbm>> -> memref<1x1x128xi32, #tpu.memory_space<hbm>>
    %dma_start3A_28 = tpu.memref_squeeze %dma_start3A_27 : memref<1x1x128xi32, #tpu.memory_space<hbm>> -> memref<1x128xi32, #tpu.memory_space<hbm>>
    %dma_start3A_29 = arith.constant 0 : i32
    %dma_start3A_30 = arith.constant 0 : i32
    %dma_start3A_31 = arith.constant 0 : i32
    %dma_start3A_32 = tpu.memref_slice %arg3[%add3A, %dma_start3A_29, %dma_start3A_30, %dma_start3A_31] : memref<32x80x1x128xi32, #tpu.memory_space<hbm>> -> memref<1x80x1x128xi32, #tpu.memory_space<hbm>>
    %dma_start3A_33 = tpu.memref_squeeze %dma_start3A_32 : memref<1x80x1x128xi32, #tpu.memory_space<hbm>> -> memref<80x1x128xi32, #tpu.memory_space<hbm>>
    %dma_start3A_34 = arith.constant 0 : i32
    %dma_start3A_35 = arith.constant 0 : i32
    %dma_start3A_36 = tpu.memref_slice %dma_start3A_33[%dma_start3A, %dma_start3A_34, %dma_start3A_35] : memref<80x1x128xi32, #tpu.memory_space<hbm>> -> memref<1x1x128xi32, #tpu.memory_space<hbm>>
    %dma_start3A_37 = tpu.memref_squeeze %dma_start3A_36 : memref<1x1x128xi32, #tpu.memory_space<hbm>> -> memref<1x128xi32, #tpu.memory_space<hbm>>
    tpu.enqueue_dma source(%dma_start3A_37 : memref<1x128xi32, #tpu.memory_space<hbm>>) target(%arg7 : memref<1x128xi32, #tpu.memory_space<vmem>>) target_semaphore(%arg16 : memref<!tpu.dma_semaphore, #tpu.memory_space<semaphore_mem>>)
    %dma_start3A_38 = arith.constant 0 : i32
    %dma_start3A_39 = arith.constant 0 : i32
    %dma_start3A_40 = arith.constant 0 : i32
    %dma_start3A_41 = arith.constant 0 : i32
    %dma_start3A_42 = tpu.memref_slice %arg4[%add3A, %dma_start3A_39, %dma_start3A_40, %dma_start3A_41] : memref<32x80x1x128xi32, #tpu.memory_space<hbm>> -> memref<1x80x1x128xi32, #tpu.memory_space<hbm>>
    %dma_start3A_43 = tpu.memref_squeeze %dma_start3A_42 : memref<1x80x1x128xi32, #tpu.memory_space<hbm>> -> memref<80x1x128xi32, #tpu.memory_space<hbm>>
    %dma_start3A_44 = arith.constant 0 : i32
    %dma_start3A_45 = arith.constant 0 : i32
    %dma_start3A_46 = tpu.memref_slice %dma_start3A_43[%dma_start3A_38, %dma_start3A_44, %dma_start3A_45] : memref<80x1x128xi32, #tpu.memory_space<hbm>> -> memref<1x1x128xi32, #tpu.memory_space<hbm>>
    %dma_start3A_47 = tpu.memref_squeeze %dma_start3A_46 : memref<1x1x128xi32, #tpu.memory_space<hbm>> -> memref<1x128xi32, #tpu.memory_space<hbm>>
    %dma_start3A_48 = arith.constant 0 : i32
    %dma_start3A_49 = arith.constant 0 : i32
    %dma_start3A_50 = arith.constant 0 : i32
    %dma_start3A_51 = tpu.memref_slice %arg4[%add3A, %dma_start3A_48, %dma_start3A_49, %dma_start3A_50] : memref<32x80x1x128xi32, #tpu.memory_space<hbm>> -> memref<1x80x1x128xi32, #tpu.memory_space<hbm>>
    %dma_start3A_52 = tpu.memref_squeeze %dma_start3A_51 : memref<1x80x1x128xi32, #tpu.memory_space<hbm>> -> memref<80x1x128xi32, #tpu.memory_space<hbm>>
    %dma_start3A_53 = arith.constant 0 : i32
    %dma_start3A_54 = arith.constant 0 : i32
    %dma_start3A_55 = tpu.memref_slice %dma_start3A_52[%dma_start3A_38, %dma_start3A_53, %dma_start3A_54] : memref<80x1x128xi32, #tpu.memory_space<hbm>> -> memref<1x1x128xi32, #tpu.memory_space<hbm>>
    %dma_start3A_56 = tpu.memref_squeeze %dma_start3A_55 : memref<1x1x128xi32, #tpu.memory_space<hbm>> -> memref<1x128xi32, #tpu.memory_space<hbm>>
    tpu.enqueue_dma source(%dma_start3A_56 : memref<1x128xi32, #tpu.memory_space<hbm>>) target(%arg9 : memref<1x128xi32, #tpu.memory_space<vmem>>) target_semaphore(%arg18 : memref<!tpu.dma_semaphore, #tpu.memory_space<semaphore_mem>>)
    %dma_start3A_57 = arith.constant 0 : i32
    %dma_start3A_58 = tpu.memref_slice %arg5[%add3A, %dma_start3A_57] : memref<32x10240xf32, #tpu.memory_space<hbm>> -> memref<1x10240xf32, #tpu.memory_space<hbm>>
    %dma_start3A_59 = tpu.memref_squeeze %dma_start3A_58 : memref<1x10240xf32, #tpu.memory_space<hbm>> -> memref<10240xf32, #tpu.memory_space<hbm>>
    %dma_start3A_60 = arith.constant 0 : i32
    %dma_start3A_61 = tpu.memref_slice %dma_start3A_59[%dma_start3A_60] : memref<10240xf32, #tpu.memory_space<hbm>> -> memref<128xf32, #tpu.memory_space<hbm>>
    %dma_start3A_62 = arith.constant 0 : i32
    %dma_start3A_63 = tpu.memref_slice %arg5[%add3A, %dma_start3A_62] : memref<32x10240xf32, #tpu.memory_space<hbm>> -> memref<1x10240xf32, #tpu.memory_space<hbm>>
    %dma_start3A_64 = tpu.memref_squeeze %dma_start3A_63 : memref<1x10240xf32, #tpu.memory_space<hbm>> -> memref<10240xf32, #tpu.memory_space<hbm>>
    %dma_start3A_65 = arith.constant 0 : i32
    %dma_start3A_66 = tpu.memref_slice %dma_start3A_64[%dma_start3A_65] : memref<10240xf32, #tpu.memory_space<hbm>> -> memref<128xf32, #tpu.memory_space<hbm>>
    tpu.enqueue_dma source(%dma_start3A_66 : memref<128xf32, #tpu.memory_space<hbm>>) target(%arg11 : memref<128xf32, #tpu.memory_space<vmem>>) target_semaphore(%arg20 : memref<!tpu.dma_semaphore, #tpu.memory_space<semaphore_mem>>)
    %dma_wait3A = arith.constant 0 : i32
    %dma_wait3A_67 = arith.constant 0 : i32
    %dma_wait3A_68 = arith.constant 0 : i32
    %dma_wait3A_69 = arith.constant 0 : i32
    %dma_wait3A_70 = tpu.memref_slice %arg3[%add3A, %dma_wait3A_67, %dma_wait3A_68, %dma_wait3A_69] : memref<32x80x1x128xi32, #tpu.memory_space<hbm>> -> memref<1x80x1x128xi32, #tpu.memory_space<hbm>>
    %dma_wait3A_71 = tpu.memref_squeeze %dma_wait3A_70 : memref<1x80x1x128xi32, #tpu.memory_space<hbm>> -> memref<80x1x128xi32, #tpu.memory_space<hbm>>
    %dma_wait3A_72 = arith.constant 0 : i32
    %dma_wait3A_73 = arith.constant 0 : i32
    %dma_wait3A_74 = tpu.memref_slice %dma_wait3A_71[%dma_wait3A, %dma_wait3A_72, %dma_wait3A_73] : memref<80x1x128xi32, #tpu.memory_space<hbm>> -> memref<1x1x128xi32, #tpu.memory_space<hbm>>
    %dma_wait3A_75 = tpu.memref_squeeze %dma_wait3A_74 : memref<1x1x128xi32, #tpu.memory_space<hbm>> -> memref<1x128xi32, #tpu.memory_space<hbm>>
    %dma_wait3A_76 = arith.constant 0 : i32
    %dma_wait3A_77 = arith.constant 0 : i32
    %dma_wait3A_78 = arith.constant 0 : i32
    %dma_wait3A_79 = tpu.memref_slice %arg3[%add3A, %dma_wait3A_76, %dma_wait3A_77, %dma_wait3A_78] : memref<32x80x1x128xi32, #tpu.memory_space<hbm>> -> memref<1x80x1x128xi32, #tpu.memory_space<hbm>>
    %dma_wait3A_80 = tpu.memref_squeeze %dma_wait3A_79 : memref<1x80x1x128xi32, #tpu.memory_space<hbm>> -> memref<80x1x128xi32, #tpu.memory_space<hbm>>
    %dma_wait3A_81 = arith.constant 0 : i32
    %dma_wait3A_82 = arith.constant 0 : i32
    %dma_wait3A_83 = tpu.memref_slice %dma_wait3A_80[%dma_wait3A, %dma_wait3A_81, %dma_wait3A_82] : memref<80x1x128xi32, #tpu.memory_space<hbm>> -> memref<1x1x128xi32, #tpu.memory_space<hbm>>
    %dma_wait3A_84 = tpu.memref_squeeze %dma_wait3A_83 : memref<1x1x128xi32, #tpu.memory_space<hbm>> -> memref<1x128xi32, #tpu.memory_space<hbm>>
    tpu.wait_dma2 semaphore(%arg16 : memref<!tpu.dma_semaphore, #tpu.memory_space<semaphore_mem>>) src(%dma_wait3A_84 : memref<1x128xi32, #tpu.memory_space<hbm>>) dst(%arg7 : memref<1x128xi32, #tpu.memory_space<vmem>>)
    %dma_wait3A_85 = arith.constant 0 : i32
    %dma_wait3A_86 = arith.constant 0 : i32
    %dma_wait3A_87 = arith.constant 0 : i32
    %dma_wait3A_88 = arith.constant 0 : i32
    %dma_wait3A_89 = tpu.memref_slice %arg4[%add3A, %dma_wait3A_86, %dma_wait3A_87, %dma_wait3A_88] : memref<32x80x1x128xi32, #tpu.memory_space<hbm>> -> memref<1x80x1x128xi32, #tpu.memory_space<hbm>>
    %dma_wait3A_90 = tpu.memref_squeeze %dma_wait3A_89 : memref<1x80x1x128xi32, #tpu.memory_space<hbm>> -> memref<80x1x128xi32, #tpu.memory_space<hbm>>
    %dma_wait3A_91 = arith.constant 0 : i32
    %dma_wait3A_92 = arith.constant 0 : i32
    %dma_wait3A_93 = tpu.memref_slice %dma_wait3A_90[%dma_wait3A_85, %dma_wait3A_91, %dma_wait3A_92] : memref<80x1x128xi32, #tpu.memory_space<hbm>> -> memref<1x1x128xi32, #tpu.memory_space<hbm>>
    %dma_wait3A_94 = tpu.memref_squeeze %dma_wait3A_93 : memref<1x1x128xi32, #tpu.memory_space<hbm>> -> memref<1x128xi32, #tpu.memory_space<hbm>>
    %dma_wait3A_95 = arith.constant 0 : i32
    %dma_wait3A_96 = arith.constant 0 : i32
    %dma_wait3A_97 = arith.constant 0 : i32
    %dma_wait3A_98 = tpu.memref_slice %arg4[%add3A, %dma_wait3A_95, %dma_wait3A_96, %dma_wait3A_97] : memref<32x80x1x128xi32, #tpu.memory_space<hbm>> -> memref<1x80x1x128xi32, #tpu.memory_space<hbm>>
    %dma_wait3A_99 = tpu.memref_squeeze %dma_wait3A_98 : memref<1x80x1x128xi32, #tpu.memory_space<hbm>> -> memref<80x1x128xi32, #tpu.memory_space<hbm>>
    %dma_wait3A_100 = arith.constant 0 : i32
    %dma_wait3A_101 = arith.constant 0 : i32
    %dma_wait3A_102 = tpu.memref_slice %dma_wait3A_99[%dma_wait3A_85, %dma_wait3A_100, %dma_wait3A_101] : memref<80x1x128xi32, #tpu.memory_space<hbm>> -> memref<1x1x128xi32, #tpu.memory_space<hbm>>
    %dma_wait3A_103 = tpu.memref_squeeze %dma_wait3A_102 : memref<1x1x128xi32, #tpu.memory_space<hbm>> -> memref<1x128xi32, #tpu.memory_space<hbm>>
    tpu.wait_dma2 semaphore(%arg18 : memref<!tpu.dma_semaphore, #tpu.memory_space<semaphore_mem>>) src(%dma_wait3A_103 : memref<1x128xi32, #tpu.memory_space<hbm>>) dst(%arg9 : memref<1x128xi32, #tpu.memory_space<vmem>>)
    %dma_wait3A_104 = arith.constant 0 : i32
    %dma_wait3A_105 = tpu.memref_slice %arg5[%add3A, %dma_wait3A_104] : memref<32x10240xf32, #tpu.memory_space<hbm>> -> memref<1x10240xf32, #tpu.memory_space<hbm>>
    %dma_wait3A_106 = tpu.memref_squeeze %dma_wait3A_105 : memref<1x10240xf32, #tpu.memory_space<hbm>> -> memref<10240xf32, #tpu.memory_space<hbm>>
    %dma_wait3A_107 = arith.constant 0 : i32
    %dma_wait3A_108 = tpu.memref_slice %dma_wait3A_106[%dma_wait3A_107] : memref<10240xf32, #tpu.memory_space<hbm>> -> memref<128xf32, #tpu.memory_space<hbm>>
    %dma_wait3A_109 = arith.constant 0 : i32
    %dma_wait3A_110 = tpu.memref_slice %arg5[%add3A, %dma_wait3A_109] : memref<32x10240xf32, #tpu.memory_space<hbm>> -> memref<1x10240xf32, #tpu.memory_space<hbm>>
    %dma_wait3A_111 = tpu.memref_squeeze %dma_wait3A_110 : memref<1x10240xf32, #tpu.memory_space<hbm>> -> memref<10240xf32, #tpu.memory_space<hbm>>
    %dma_wait3A_112 = arith.constant 0 : i32
    %dma_wait3A_113 = tpu.memref_slice %dma_wait3A_111[%dma_wait3A_112] : memref<10240xf32, #tpu.memory_space<hbm>> -> memref<128xf32, #tpu.memory_space<hbm>>
    tpu.wait_dma2 semaphore(%arg20 : memref<!tpu.dma_semaphore, #tpu.memory_space<semaphore_mem>>) src(%dma_wait3A_113 : memref<128xf32, #tpu.memory_space<hbm>>) dst(%arg11 : memref<128xf32, #tpu.memory_space<vmem>>)
    %dma_start3A_114 = arith.constant 1 : i32
    %dma_start3A_115 = arith.constant 0 : i32
    %dma_start3A_116 = arith.constant 0 : i32
    %dma_start3A_117 = arith.constant 0 : i32
    %dma_start3A_118 = tpu.memref_slice %arg3[%add3A, %dma_start3A_115, %dma_start3A_116, %dma_start3A_117] : memref<32x80x1x128xi32, #tpu.memory_space<hbm>> -> memref<1x80x1x128xi32, #tpu.memory_space<hbm>>
    %dma_start3A_119 = tpu.memref_squeeze %dma_start3A_118 : memref<1x80x1x128xi32, #tpu.memory_space<hbm>> -> memref<80x1x128xi32, #tpu.memory_space<hbm>>
    %dma_start3A_120 = arith.constant 0 : i32
    %dma_start3A_121 = arith.constant 0 : i32
    %dma_start3A_122 = tpu.memref_slice %dma_start3A_119[%dma_start3A_114, %dma_start3A_120, %dma_start3A_121] : memref<80x1x128xi32, #tpu.memory_space<hbm>> -> memref<1x1x128xi32, #tpu.memory_space<hbm>>
    %dma_start3A_123 = tpu.memref_squeeze %dma_start3A_122 : memref<1x1x128xi32, #tpu.memory_space<hbm>> -> memref<1x128xi32, #tpu.memory_space<hbm>>
    %dma_start3A_124 = arith.constant 0 : i32
    %dma_start3A_125 = arith.constant 0 : i32
    %dma_start3A_126 = arith.constant 0 : i32
    %dma_start3A_127 = tpu.memref_slice %arg3[%add3A, %dma_start3A_124, %dma_start3A_125, %dma_start3A_126] : memref<32x80x1x128xi32, #tpu.memory_space<hbm>> -> memref<1x80x1x128xi32, #tpu.memory_space<hbm>>
    %dma_start3A_128 = tpu.memref_squeeze %dma_start3A_127 : memref<1x80x1x128xi32, #tpu.memory_space<hbm>> -> memref<80x1x128xi32, #tpu.memory_space<hbm>>
    %dma_start3A_129 = arith.constant 0 : i32
    %dma_start3A_130 = arith.constant 0 : i32
    %dma_start3A_131 = tpu.memref_slice %dma_start3A_128[%dma_start3A_114, %dma_start3A_129, %dma_start3A_130] : memref<80x1x128xi32, #tpu.memory_space<hbm>> -> memref<1x1x128xi32, #tpu.memory_space<hbm>>
    %dma_start3A_132 = tpu.memref_squeeze %dma_start3A_131 : memref<1x1x128xi32, #tpu.memory_space<hbm>> -> memref<1x128xi32, #tpu.memory_space<hbm>>
    tpu.enqueue_dma source(%dma_start3A_132 : memref<1x128xi32, #tpu.memory_space<hbm>>) target(%arg8 : memref<1x128xi32, #tpu.memory_space<vmem>>) target_semaphore(%arg17 : memref<!tpu.dma_semaphore, #tpu.memory_space<semaphore_mem>>)
    %dma_start3A_133 = arith.constant 1 : i32
    %dma_start3A_134 = arith.constant 0 : i32
    %dma_start3A_135 = arith.constant 0 : i32
    %dma_start3A_136 = arith.constant 0 : i32
    %dma_start3A_137 = tpu.memref_slice %arg4[%add3A, %dma_start3A_134, %dma_start3A_135, %dma_start3A_136] : memref<32x80x1x128xi32, #tpu.memory_space<hbm>> -> memref<1x80x1x128xi32, #tpu.memory_space<hbm>>
    %dma_start3A_138 = tpu.memref_squeeze %dma_start3A_137 : memref<1x80x1x128xi32, #tpu.memory_space<hbm>> -> memref<80x1x128xi32, #tpu.memory_space<hbm>>
    %dma_start3A_139 = arith.constant 0 : i32
    %dma_start3A_140 = arith.constant 0 : i32
    %dma_start3A_141 = tpu.memref_slice %dma_start3A_138[%dma_start3A_133, %dma_start3A_139, %dma_start3A_140] : memref<80x1x128xi32, #tpu.memory_space<hbm>> -> memref<1x1x128xi32, #tpu.memory_space<hbm>>
    %dma_start3A_142 = tpu.memref_squeeze %dma_start3A_141 : memref<1x1x128xi32, #tpu.memory_space<hbm>> -> memref<1x128xi32, #tpu.memory_space<hbm>>
    %dma_start3A_143 = arith.constant 0 : i32
    %dma_start3A_144 = arith.constant 0 : i32
    %dma_start3A_145 = arith.constant 0 : i32
    %dma_start3A_146 = tpu.memref_slice %arg4[%add3A, %dma_start3A_143, %dma_start3A_144, %dma_start3A_145] : memref<32x80x1x128xi32, #tpu.memory_space<hbm>> -> memref<1x80x1x128xi32, #tpu.memory_space<hbm>>
    %dma_start3A_147 = tpu.memref_squeeze %dma_start3A_146 : memref<1x80x1x128xi32, #tpu.memory_space<hbm>> -> memref<80x1x128xi32, #tpu.memory_space<hbm>>
    %dma_start3A_148 = arith.constant 0 : i32
    %dma_start3A_149 = arith.constant 0 : i32
    %dma_start3A_150 = tpu.memref_slice %dma_start3A_147[%dma_start3A_133, %dma_start3A_148, %dma_start3A_149] : memref<80x1x128xi32, #tpu.memory_space<hbm>> -> memref<1x1x128xi32, #tpu.memory_space<hbm>>
    %dma_start3A_151 = tpu.memref_squeeze %dma_start3A_150 : memref<1x1x128xi32, #tpu.memory_space<hbm>> -> memref<1x128xi32, #tpu.memory_space<hbm>>
    tpu.enqueue_dma source(%dma_start3A_151 : memref<1x128xi32, #tpu.memory_space<hbm>>) target(%arg10 : memref<1x128xi32, #tpu.memory_space<vmem>>) target_semaphore(%arg19 : memref<!tpu.dma_semaphore, #tpu.memory_space<semaphore_mem>>)
    %dma_start3A_152 = arith.constant 0 : i32
    %dma_start3A_153 = tpu.memref_slice %arg5[%add3A, %dma_start3A_152] : memref<32x10240xf32, #tpu.memory_space<hbm>> -> memref<1x10240xf32, #tpu.memory_space<hbm>>
    %dma_start3A_154 = tpu.memref_squeeze %dma_start3A_153 : memref<1x10240xf32, #tpu.memory_space<hbm>> -> memref<10240xf32, #tpu.memory_space<hbm>>
    %dma_start3A_155 = arith.constant 128 : i32
    %dma_start3A_156 = tpu.memref_slice %dma_start3A_154[%dma_start3A_155] : memref<10240xf32, #tpu.memory_space<hbm>> -> memref<128xf32, #tpu.memory_space<hbm>>
    %dma_start3A_157 = arith.constant 0 : i32
    %dma_start3A_158 = tpu.memref_slice %arg5[%add3A, %dma_start3A_157] : memref<32x10240xf32, #tpu.memory_space<hbm>> -> memref<1x10240xf32, #tpu.memory_space<hbm>>
    %dma_start3A_159 = tpu.memref_squeeze %dma_start3A_158 : memref<1x10240xf32, #tpu.memory_space<hbm>> -> memref<10240xf32, #tpu.memory_space<hbm>>
    %dma_start3A_160 = arith.constant 128 : i32
    %dma_start3A_161 = tpu.memref_slice %dma_start3A_159[%dma_start3A_160] : memref<10240xf32, #tpu.memory_space<hbm>> -> memref<128xf32, #tpu.memory_space<hbm>>
    tpu.enqueue_dma source(%dma_start3A_161 : memref<128xf32, #tpu.memory_space<hbm>>) target(%arg12 : memref<128xf32, #tpu.memory_space<vmem>>) target_semaphore(%arg21 : memref<!tpu.dma_semaphore, #tpu.memory_space<semaphore_mem>>)
    %dma_start3A_162 = arith.constant 0 : i32
    %dma_start3A_163 = arith.constant 0 : i32
    %dma_start3A_164 = tpu.memref_slice %arg7[%dma_start3A_162, %dma_start3A_163] : memref<1x128xi32, #tpu.memory_space<vmem>> -> memref<1x128xi32, #tpu.memory_space<vmem>>
    %dma_start3A_165 = tpu.memref_squeeze %dma_start3A_164 : memref<1x128xi32, #tpu.memory_space<vmem>> -> memref<128xi32, #tpu.memory_space<vmem>>
    %dma_start3A_166 = arith.constant 0 : i32
    %dma_start3A_167 = arith.constant 0 : i32
    %dma_start3A_168 = tpu.memref_slice %arg2[%dma_start3A_166, %dma_start3A_167] : memref<10000x64xi32, #tpu.memory_space<hbm>> -> memref<10000x64xi32, #tpu.memory_space<hbm>>
    tpu.enqueue_indirect_dma source(%dma_start3A_168 : memref<10000x64xi32, #tpu.memory_space<hbm>>) target(%arg13 : memref<128x64xi32, #tpu.memory_space<vmem>>) offsets(%dma_start3A_165 : memref<128xi32, #tpu.memory_space<vmem>>) semaphore(%arg22 : memref<!tpu.dma_semaphore, #tpu.memory_space<semaphore_mem>>)
    %scan3A_169 = arith.constant 0 : i32
    %scan3A_170 = arith.constant 0 : i32
    %scan3A_171 = arith.constant 39 : i32
    %scan3A_172 = arith.addi %scan3A_170, %scan3A_171 : i32
    %scan3A_173 = arith.constant 1 : i32
    %scan3A_174 = scf.for %scan3A_264 = %scan3A_170 to %scan3A_172 step %scan3A_173 iter_args(%scan3A_265 = %scan3A_169) -> (i32)  : i32 {
      %mul3A_266 = arith.constant 2 : i32
      %mul3A_267 = arith.muli %mul3A_266, %scan3A_264 : i32
      %add3A_268 = arith.constant 0 : i32
      %add3A_269 = arith.addi %mul3A_267, %add3A_268 : i32
      %add3A_270 = arith.constant 1 : i32
      %add3A_271 = arith.addi %add3A_269, %add3A_270 : i32
      %dma_wait3A_272 = arith.constant 0 : i32
      %dma_wait3A_273 = arith.constant 0 : i32
      %dma_wait3A_274 = arith.constant 0 : i32
      %dma_wait3A_275 = tpu.memref_slice %arg3[%add3A, %dma_wait3A_272, %dma_wait3A_273, %dma_wait3A_274] : memref<32x80x1x128xi32, #tpu.memory_space<hbm>> -> memref<1x80x1x128xi32, #tpu.memory_space<hbm>>
      %dma_wait3A_276 = tpu.memref_squeeze %dma_wait3A_275 : memref<1x80x1x128xi32, #tpu.memory_space<hbm>> -> memref<80x1x128xi32, #tpu.memory_space<hbm>>
      %dma_wait3A_277 = arith.constant 0 : i32
      %dma_wait3A_278 = arith.constant 0 : i32
      %dma_wait3A_279 = tpu.memref_slice %dma_wait3A_276[%add3A_271, %dma_wait3A_277, %dma_wait3A_278] : memref<80x1x128xi32, #tpu.memory_space<hbm>> -> memref<1x1x128xi32, #tpu.memory_space<hbm>>
      %dma_wait3A_280 = tpu.memref_squeeze %dma_wait3A_279 : memref<1x1x128xi32, #tpu.memory_space<hbm>> -> memref<1x128xi32, #tpu.memory_space<hbm>>
      %dma_wait3A_281 = arith.constant 0 : i32
      %dma_wait3A_282 = arith.constant 0 : i32
      %dma_wait3A_283 = arith.constant 0 : i32
      %dma_wait3A_284 = tpu.memref_slice %arg3[%add3A, %dma_wait3A_281, %dma_wait3A_282, %dma_wait3A_283] : memref<32x80x1x128xi32, #tpu.memory_space<hbm>> -> memref<1x80x1x128xi32, #tpu.memory_space<hbm>>
      %dma_wait3A_285 = tpu.memref_squeeze %dma_wait3A_284 : memref<1x80x1x128xi32, #tpu.memory_space<hbm>> -> memref<80x1x128xi32, #tpu.memory_space<hbm>>
      %dma_wait3A_286 = arith.constant 0 : i32
      %dma_wait3A_287 = arith.constant 0 : i32
      %dma_wait3A_288 = tpu.memref_slice %dma_wait3A_285[%add3A_271, %dma_wait3A_286, %dma_wait3A_287] : memref<80x1x128xi32, #tpu.memory_space<hbm>> -> memref<1x1x128xi32, #tpu.memory_space<hbm>>
      %dma_wait3A_289 = tpu.memref_squeeze %dma_wait3A_288 : memref<1x1x128xi32, #tpu.memory_space<hbm>> -> memref<1x128xi32, #tpu.memory_space<hbm>>
      tpu.wait_dma2 semaphore(%arg17 : memref<!tpu.dma_semaphore, #tpu.memory_space<semaphore_mem>>) src(%dma_wait3A_289 : memref<1x128xi32, #tpu.memory_space<hbm>>) dst(%arg8 : memref<1x128xi32, #tpu.memory_space<vmem>>)
      %dma_wait3A_290 = arith.constant 0 : i32
      %dma_wait3A_291 = arith.constant 0 : i32
      %dma_wait3A_292 = arith.constant 0 : i32
      %dma_wait3A_293 = tpu.memref_slice %arg4[%add3A, %dma_wait3A_290, %dma_wait3A_291, %dma_wait3A_292] : memref<32x80x1x128xi32, #tpu.memory_space<hbm>> -> memref<1x80x1x128xi32, #tpu.memory_space<hbm>>
      %dma_wait3A_294 = tpu.memref_squeeze %dma_wait3A_293 : memref<1x80x1x128xi32, #tpu.memory_space<hbm>> -> memref<80x1x128xi32, #tpu.memory_space<hbm>>
      %dma_wait3A_295 = arith.constant 0 : i32
      %dma_wait3A_296 = arith.constant 0 : i32
      %dma_wait3A_297 = tpu.memref_slice %dma_wait3A_294[%add3A_271, %dma_wait3A_295, %dma_wait3A_296] : memref<80x1x128xi32, #tpu.memory_space<hbm>> -> memref<1x1x128xi32, #tpu.memory_space<hbm>>
      %dma_wait3A_298 = tpu.memref_squeeze %dma_wait3A_297 : memref<1x1x128xi32, #tpu.memory_space<hbm>> -> memref<1x128xi32, #tpu.memory_space<hbm>>
      %dma_wait3A_299 = arith.constant 0 : i32
      %dma_wait3A_300 = arith.constant 0 : i32
      %dma_wait3A_301 = arith.constant 0 : i32
      %dma_wait3A_302 = tpu.memref_slice %arg4[%add3A, %dma_wait3A_299, %dma_wait3A_300, %dma_wait3A_301] : memref<32x80x1x128xi32, #tpu.memory_space<hbm>> -> memref<1x80x1x128xi32, #tpu.memory_space<hbm>>
      %dma_wait3A_303 = tpu.memref_squeeze %dma_wait3A_302 : memref<1x80x1x128xi32, #tpu.memory_space<hbm>> -> memref<80x1x128xi32, #tpu.memory_space<hbm>>
      %dma_wait3A_304 = arith.constant 0 : i32
      %dma_wait3A_305 = arith.constant 0 : i32
      %dma_wait3A_306 = tpu.memref_slice %dma_wait3A_303[%add3A_271, %dma_wait3A_304, %dma_wait3A_305] : memref<80x1x128xi32, #tpu.memory_space<hbm>> -> memref<1x1x128xi32, #tpu.memory_space<hbm>>
      %dma_wait3A_307 = tpu.memref_squeeze %dma_wait3A_306 : memref<1x1x128xi32, #tpu.memory_space<hbm>> -> memref<1x128xi32, #tpu.memory_space<hbm>>
      tpu.wait_dma2 semaphore(%arg19 : memref<!tpu.dma_semaphore, #tpu.memory_space<semaphore_mem>>) src(%dma_wait3A_307 : memref<1x128xi32, #tpu.memory_space<hbm>>) dst(%arg10 : memref<1x128xi32, #tpu.memory_space<vmem>>)
      %mul3A_308 = arith.constant 128 : i32
      %mul3A_309 = arith.muli %add3A_271, %mul3A_308 : i32
      %dma_wait3A_310 = arith.constant 0 : i32
      %dma_wait3A_311 = tpu.memref_slice %arg5[%add3A, %dma_wait3A_310] : memref<32x10240xf32, #tpu.memory_space<hbm>> -> memref<1x10240xf32, #tpu.memory_space<hbm>>
      %dma_wait3A_312 = tpu.memref_squeeze %dma_wait3A_311 : memref<1x10240xf32, #tpu.memory_space<hbm>> -> memref<10240xf32, #tpu.memory_space<hbm>>
      %dma_wait3A_313 = tpu.memref_slice %dma_wait3A_312[%mul3A_309] : memref<10240xf32, #tpu.memory_space<hbm>> -> memref<128xf32, #tpu.memory_space<hbm>>
      %dma_wait3A_314 = arith.constant 0 : i32
      %dma_wait3A_315 = tpu.memref_slice %arg5[%add3A, %dma_wait3A_314] : memref<32x10240xf32, #tpu.memory_space<hbm>> -> memref<1x10240xf32, #tpu.memory_space<hbm>>
      %dma_wait3A_316 = tpu.memref_squeeze %dma_wait3A_315 : memref<1x10240xf32, #tpu.memory_space<hbm>> -> memref<10240xf32, #tpu.memory_space<hbm>>
      %dma_wait3A_317 = tpu.memref_slice %dma_wait3A_316[%mul3A_309] : memref<10240xf32, #tpu.memory_space<hbm>> -> memref<128xf32, #tpu.memory_space<hbm>>
      tpu.wait_dma2 semaphore(%arg21 : memref<!tpu.dma_semaphore, #tpu.memory_space<semaphore_mem>>) src(%dma_wait3A_317 : memref<128xf32, #tpu.memory_space<hbm>>) dst(%arg12 : memref<128xf32, #tpu.memory_space<vmem>>)
      %dma_start3A_318 = arith.constant 0 : i32
      %dma_start3A_319 = arith.constant 0 : i32
      %dma_start3A_320 = tpu.memref_slice %arg8[%dma_start3A_318, %dma_start3A_319] : memref<1x128xi32, #tpu.memory_space<vmem>> -> memref<1x128xi32, #tpu.memory_space<vmem>>
      %dma_start3A_321 = tpu.memref_squeeze %dma_start3A_320 : memref<1x128xi32, #tpu.memory_space<vmem>> -> memref<128xi32, #tpu.memory_space<vmem>>
      %dma_start3A_322 = arith.constant 0 : i32
      %dma_start3A_323 = arith.constant 0 : i32
      %dma_start3A_324 = tpu.memref_slice %arg2[%dma_start3A_322, %dma_start3A_323] : memref<10000x64xi32, #tpu.memory_space<hbm>> -> memref<10000x64xi32, #tpu.memory_space<hbm>>
      tpu.enqueue_indirect_dma source(%dma_start3A_324 : memref<10000x64xi32, #tpu.memory_space<hbm>>) target(%arg14 : memref<128x64xi32, #tpu.memory_space<vmem>>) offsets(%dma_start3A_321 : memref<128xi32, #tpu.memory_space<vmem>>) semaphore(%arg23 : memref<!tpu.dma_semaphore, #tpu.memory_space<semaphore_mem>>)
      %dma_wait3A_325 = arith.constant 0 : i32
      %dma_wait3A_326 = arith.constant 0 : i32
      %dma_wait3A_327 = tpu.memref_slice %arg7[%dma_wait3A_325, %dma_wait3A_326] : memref<1x128xi32, #tpu.memory_space<vmem>> -> memref<1x128xi32, #tpu.memory_space<vmem>>
      %dma_wait3A_328 = tpu.memref_squeeze %dma_wait3A_327 : memref<1x128xi32, #tpu.memory_space<vmem>> -> memref<128xi32, #tpu.memory_space<vmem>>
      %dma_wait3A_329 = arith.constant 0 : i32
      %dma_wait3A_330 = arith.constant 0 : i32
      %dma_wait3A_331 = tpu.memref_slice %arg2[%dma_wait3A_329, %dma_wait3A_330] : memref<10000x64xi32, #tpu.memory_space<hbm>> -> memref<10000x64xi32, #tpu.memory_space<hbm>>
      tpu.wait_indirect_dma semaphore(%arg22 : memref<!tpu.dma_semaphore, #tpu.memory_space<semaphore_mem>>) src(%dma_wait3A_331 : memref<10000x64xi32, #tpu.memory_space<hbm>>) dst(%arg13 : memref<128x64xi32, #tpu.memory_space<vmem>>)
      %parallel_loop3A_332 = arith.constant 0 : i32
      %parallel_loop3A_333 = arith.constant 128 : i32
      %parallel_loop3A_334 = arith.constant 1 : i32
      scf.for %parallel_loop3A_503 = %parallel_loop3A_332 to %parallel_loop3A_333 step %parallel_loop3A_334  : i32 {
        %parallel_loop3A_504 = vector.broadcast %parallel_loop3A_503 : i32 to vector<16xi32>
        %parallel_loop3A_505 = tpu.vector_load_idx %arg11[%parallel_loop3A_504] : memref<128xf32, #tpu.memory_space<vmem>>[vector<16xi32>], vector<16xf32>,
        %parallel_loop3A_506 = arith.index_cast %parallel_loop3A_503 : i32 to index
        %parallel_loop3A_507 = arith.constant 0 : index
        %parallel_loop3A_508 = tpu.vector_load %arg13[%parallel_loop3A_506, %parallel_loop3A_507] {strides = array<i32>} : memref<128x64xi32, #tpu.memory_space<vmem>>, vector<16xi32>,
        %parallel_loop3A_509 = arith.constant 16 : i32
        %parallel_loop3A_510 = vector.broadcast %parallel_loop3A_509 : i32 to vector<16xi32>
        %parallel_loop3A_511 = arith.shli %parallel_loop3A_508, %parallel_loop3A_510 : vector<16xi32>
        %parallel_loop3A_512 = vector.bitcast %parallel_loop3A_511 : vector<16xi32> to vector<16xf32>
        %parallel_loop3A_513 = arith.constant -65536 : i32
        %parallel_loop3A_514 = vector.broadcast %parallel_loop3A_513 : i32 to vector<16xi32>
        %parallel_loop3A_515 = arith.andi %parallel_loop3A_508, %parallel_loop3A_514 : vector<16xi32>
        %parallel_loop3A_516 = vector.bitcast %parallel_loop3A_515 : vector<16xi32> to vector<16xf32>
        %parallel_loop3A_517 = arith.mulf %parallel_loop3A_512, %parallel_loop3A_505 : vector<16xf32>
        %parallel_loop3A_518 = arith.index_cast %parallel_loop3A_503 : i32 to index
        %parallel_loop3A_519 = arith.constant 0 : index
        %parallel_loop3A_520 = tpu.vector_load %arg15[%parallel_loop3A_518, %parallel_loop3A_519] {strides = array<i32>} : memref<128x128xf32, #tpu.memory_space<vmem>>, vector<16xf32>,
        tpu.vector_store %arg15[%parallel_loop3A_518, %parallel_loop3A_519], %parallel_loop3A_517 {strides = array<i32>} : memref<128x128xf32, #tpu.memory_space<vmem>>, vector<16xf32>,
        %parallel_loop3A_521 = arith.mulf %parallel_loop3A_516, %parallel_loop3A_505 : vector<16xf32>
        %parallel_loop3A_522 = arith.index_cast %parallel_loop3A_503 : i32 to index
        %parallel_loop3A_523 = arith.constant 16 : index
        %parallel_loop3A_524 = tpu.vector_load %arg15[%parallel_loop3A_522, %parallel_loop3A_523] {strides = array<i32>} : memref<128x128xf32, #tpu.memory_space<vmem>>, vector<16xf32>,
        tpu.vector_store %arg15[%parallel_loop3A_522, %parallel_loop3A_523], %parallel_loop3A_521 {strides = array<i32>} : memref<128x128xf32, #tpu.memory_space<vmem>>, vector<16xf32>,
        %parallel_loop3A_525 = arith.index_cast %parallel_loop3A_503 : i32 to index
        %parallel_loop3A_526 = arith.constant 16 : index
        %parallel_loop3A_527 = tpu.vector_load %arg13[%parallel_loop3A_525, %parallel_loop3A_526] {strides = array<i32>} : memref<128x64xi32, #tpu.memory_space<vmem>>, vector<16xi32>,
        %parallel_loop3A_528 = arith.constant 16 : i32
        %parallel_loop3A_529 = vector.broadcast %parallel_loop3A_528 : i32 to vector<16xi32>
        %parallel_loop3A_530 = arith.shli %parallel_loop3A_527, %parallel_loop3A_529 : vector<16xi32>
        %parallel_loop3A_531 = vector.bitcast %parallel_loop3A_530 : vector<16xi32> to vector<16xf32>
        %parallel_loop3A_532 = arith.constant -65536 : i32
        %parallel_loop3A_533 = vector.broadcast %parallel_loop3A_532 : i32 to vector<16xi32>
        %parallel_loop3A_534 = arith.andi %parallel_loop3A_527, %parallel_loop3A_533 : vector<16xi32>
        %parallel_loop3A_535 = vector.bitcast %parallel_loop3A_534 : vector<16xi32> to vector<16xf32>
        %parallel_loop3A_536 = arith.mulf %parallel_loop3A_531, %parallel_loop3A_505 : vector<16xf32>
        %parallel_loop3A_537 = arith.index_cast %parallel_loop3A_503 : i32 to index
        %parallel_loop3A_538 = arith.constant 32 : index
        %parallel_loop3A_539 = tpu.vector_load %arg15[%parallel_loop3A_537, %parallel_loop3A_538] {strides = array<i32>} : memref<128x128xf32, #tpu.memory_space<vmem>>, vector<16xf32>,
        tpu.vector_store %arg15[%parallel_loop3A_537, %parallel_loop3A_538], %parallel_loop3A_536 {strides = array<i32>} : memref<128x128xf32, #tpu.memory_space<vmem>>, vector<16xf32>,
        %parallel_loop3A_540 = arith.mulf %parallel_loop3A_535, %parallel_loop3A_505 : vector<16xf32>
        %parallel_loop3A_541 = arith.index_cast %parallel_loop3A_503 : i32 to index
        %parallel_loop3A_542 = arith.constant 48 : index
        %parallel_loop3A_543 = tpu.vector_load %arg15[%parallel_loop3A_541, %parallel_loop3A_542] {strides = array<i32>} : memref<128x128xf32, #tpu.memory_space<vmem>>, vector<16xf32>,
        tpu.vector_store %arg15[%parallel_loop3A_541, %parallel_loop3A_542], %parallel_loop3A_540 {strides = array<i32>} : memref<128x128xf32, #tpu.memory_space<vmem>>, vector<16xf32>,
        %parallel_loop3A_544 = arith.index_cast %parallel_loop3A_503 : i32 to index
        %parallel_loop3A_545 = arith.constant 32 : index
        %parallel_loop3A_546 = tpu.vector_load %arg13[%parallel_loop3A_544, %parallel_loop3A_545] {strides = array<i32>} : memref<128x64xi32, #tpu.memory_space<vmem>>, vector<16xi32>,
        %parallel_loop3A_547 = arith.constant 16 : i32
        %parallel_loop3A_548 = vector.broadcast %parallel_loop3A_547 : i32 to vector<16xi32>
        %parallel_loop3A_549 = arith.shli %parallel_loop3A_546, %parallel_loop3A_548 : vector<16xi32>
        %parallel_loop3A_550 = vector.bitcast %parallel_loop3A_549 : vector<16xi32> to vector<16xf32>
        %parallel_loop3A_551 = arith.constant -65536 : i32
        %parallel_loop3A_552 = vector.broadcast %parallel_loop3A_551 : i32 to vector<16xi32>
        %parallel_loop3A_553 = arith.andi %parallel_loop3A_546, %parallel_loop3A_552 : vector<16xi32>
        %parallel_loop3A_554 = vector.bitcast %parallel_loop3A_553 : vector<16xi32> to vector<16xf32>
        %parallel_loop3A_555 = arith.mulf %parallel_loop3A_550, %parallel_loop3A_505 : vector<16xf32>
        %parallel_loop3A_556 = arith.index_cast %parallel_loop3A_503 : i32 to index
        %parallel_loop3A_557 = arith.constant 64 : index
        %parallel_loop3A_558 = tpu.vector_load %arg15[%parallel_loop3A_556, %parallel_loop3A_557] {strides = array<i32>} : memref<128x128xf32, #tpu.memory_space<vmem>>, vector<16xf32>,
        tpu.vector_store %arg15[%parallel_loop3A_556, %parallel_loop3A_557], %parallel_loop3A_555 {strides = array<i32>} : memref<128x128xf32, #tpu.memory_space<vmem>>, vector<16xf32>,
        %parallel_loop3A_559 = arith.mulf %parallel_loop3A_554, %parallel_loop3A_505 : vector<16xf32>
        %parallel_loop3A_560 = arith.index_cast %parallel_loop3A_503 : i32 to index
        %parallel_loop3A_561 = arith.constant 80 : index
        %parallel_loop3A_562 = tpu.vector_load %arg15[%parallel_loop3A_560, %parallel_loop3A_561] {strides = array<i32>} : memref<128x128xf32, #tpu.memory_space<vmem>>, vector<16xf32>,
        tpu.vector_store %arg15[%parallel_loop3A_560, %parallel_loop3A_561], %parallel_loop3A_559 {strides = array<i32>} : memref<128x128xf32, #tpu.memory_space<vmem>>, vector<16xf32>,
        %parallel_loop3A_563 = arith.index_cast %parallel_loop3A_503 : i32 to index
        %parallel_loop3A_564 = arith.constant 48 : index
        %parallel_loop3A_565 = tpu.vector_load %arg13[%parallel_loop3A_563, %parallel_loop3A_564] {strides = array<i32>} : memref<128x64xi32, #tpu.memory_space<vmem>>, vector<16xi32>,
        %parallel_loop3A_566 = arith.constant 16 : i32
        %parallel_loop3A_567 = vector.broadcast %parallel_loop3A_566 : i32 to vector<16xi32>
        %parallel_loop3A_568 = arith.shli %parallel_loop3A_565, %parallel_loop3A_567 : vector<16xi32>
        %parallel_loop3A_569 = vector.bitcast %parallel_loop3A_568 : vector<16xi32> to vector<16xf32>
        %parallel_loop3A_570 = arith.constant -65536 : i32
        %parallel_loop3A_571 = vector.broadcast %parallel_loop3A_570 : i32 to vector<16xi32>
        %parallel_loop3A_572 = arith.andi %parallel_loop3A_565, %parallel_loop3A_571 : vector<16xi32>
        %parallel_loop3A_573 = vector.bitcast %parallel_loop3A_572 : vector<16xi32> to vector<16xf32>
        %parallel_loop3A_574 = arith.mulf %parallel_loop3A_569, %parallel_loop3A_505 : vector<16xf32>
        %parallel_loop3A_575 = arith.index_cast %parallel_loop3A_503 : i32 to index
        %parallel_loop3A_576 = arith.constant 96 : index
        %parallel_loop3A_577 = tpu.vector_load %arg15[%parallel_loop3A_575, %parallel_loop3A_576] {strides = array<i32>} : memref<128x128xf32, #tpu.memory_space<vmem>>, vector<16xf32>,
        tpu.vector_store %arg15[%parallel_loop3A_575, %parallel_loop3A_576], %parallel_loop3A_574 {strides = array<i32>} : memref<128x128xf32, #tpu.memory_space<vmem>>, vector<16xf32>,
        %parallel_loop3A_578 = arith.mulf %parallel_loop3A_573, %parallel_loop3A_505 : vector<16xf32>
        %parallel_loop3A_579 = arith.index_cast %parallel_loop3A_503 : i32 to index
        %parallel_loop3A_580 = arith.constant 112 : index
        %parallel_loop3A_581 = tpu.vector_load %arg15[%parallel_loop3A_579, %parallel_loop3A_580] {strides = array<i32>} : memref<128x128xf32, #tpu.memory_space<vmem>>, vector<16xf32>,
        tpu.vector_store %arg15[%parallel_loop3A_579, %parallel_loop3A_580], %parallel_loop3A_578 {strides = array<i32>} : memref<128x128xf32, #tpu.memory_space<vmem>>, vector<16xf32>,
      } {sc.loop_unroll_factor = 4 : i64, sc.parallel_access}
      %run_scoped3A_335 = arith.constant 0 : i32
      "tpu.region"() ({
        %run_scoped3A_503 = tpu.sem_alloc : memref<!tpu.dma_semaphore, #tpu.memory_space<semaphore_mem>>
        %dma_start3A_504 = arith.constant 0 : i32
        %dma_start3A_505 = tpu.memref_slice %arg9[%run_scoped3A_335, %dma_start3A_504] : memref<1x128xi32, #tpu.memory_space<vmem>> -> memref<1x128xi32, #tpu.memory_space<vmem>>
        %dma_start3A_506 = tpu.memref_squeeze %dma_start3A_505 : memref<1x128xi32, #tpu.memory_space<vmem>> -> memref<128xi32, #tpu.memory_space<vmem>>
        %dma_start3A_507 = arith.constant 0 : i32
        %dma_start3A_508 = arith.constant 0 : i32
        %dma_start3A_509 = tpu.memref_slice %arg24[%dma_start3A_507, %dma_start3A_508] : memref<10000x128xf32, #tpu.memory_space<vmem_shared>> -> memref<10000x128xf32, #tpu.memory_space<vmem_shared>>
        tpu.enqueue_indirect_dma source(%arg15 : memref<128x128xf32, #tpu.memory_space<vmem>>) target(%dma_start3A_509 : memref<10000x128xf32, #tpu.memory_space<vmem_shared>>) offsets(%dma_start3A_506 : memref<128xi32, #tpu.memory_space<vmem>>) semaphore(%run_scoped3A_503 : memref<!tpu.dma_semaphore, #tpu.memory_space<semaphore_mem>>) {add = true}
        %dma_wait3A_510 = arith.constant 0 : i32
        %dma_wait3A_511 = tpu.memref_slice %arg9[%run_scoped3A_335, %dma_wait3A_510] : memref<1x128xi32, #tpu.memory_space<vmem>> -> memref<1x128xi32, #tpu.memory_space<vmem>>
        %dma_wait3A_512 = tpu.memref_squeeze %dma_wait3A_511 : memref<1x128xi32, #tpu.memory_space<vmem>> -> memref<128xi32, #tpu.memory_space<vmem>>
        %dma_wait3A_513 = arith.constant 0 : i32
        %dma_wait3A_514 = arith.constant 0 : i32
        %dma_wait3A_515 = tpu.memref_slice %arg24[%dma_wait3A_513, %dma_wait3A_514] : memref<10000x128xf32, #tpu.memory_space<vmem_shared>> -> memref<10000x128xf32, #tpu.memory_space<vmem_shared>>
        tpu.wait_indirect_dma semaphore(%run_scoped3A_503 : memref<!tpu.dma_semaphore, #tpu.memory_space<semaphore_mem>>) src(%arg15 : memref<128x128xf32, #tpu.memory_space<vmem>>) dst(%dma_wait3A_515 : memref<10000x128xf32, #tpu.memory_space<vmem_shared>>)
        tpu.yield
      }) : () -> ()
      %add3A_336 = arith.constant 2 : i32
      %add3A_337 = arith.addi %add3A_269, %add3A_336 : i32
      %dma_start3A_338 = arith.constant 0 : i32
      %dma_start3A_339 = arith.constant 0 : i32
      %dma_start3A_340 = arith.constant 0 : i32
      %dma_start3A_341 = tpu.memref_slice %arg3[%add3A, %dma_start3A_338, %dma_start3A_339, %dma_start3A_340] : memref<32x80x1x128xi32, #tpu.memory_space<hbm>> -> memref<1x80x1x128xi32, #tpu.memory_space<hbm>>
      %dma_start3A_342 = tpu.memref_squeeze %dma_start3A_341 : memref<1x80x1x128xi32, #tpu.memory_space<hbm>> -> memref<80x1x128xi32, #tpu.memory_space<hbm>>
      %dma_start3A_343 = arith.constant 0 : i32
      %dma_start3A_344 = arith.constant 0 : i32
      %dma_start3A_345 = tpu.memref_slice %dma_start3A_342[%add3A_337, %dma_start3A_343, %dma_start3A_344] : memref<80x1x128xi32, #tpu.memory_space<hbm>> -> memref<1x1x128xi32, #tpu.memory_space<hbm>>
      %dma_start3A_346 = tpu.memref_squeeze %dma_start3A_345 : memref<1x1x128xi32, #tpu.memory_space<hbm>> -> memref<1x128xi32, #tpu.memory_space<hbm>>
      %dma_start3A_347 = arith.constant 0 : i32
      %dma_start3A_348 = arith.constant 0 : i32
      %dma_start3A_349 = arith.constant 0 : i32
      %dma_start3A_350 = tpu.memref_slice %arg3[%add3A, %dma_start3A_347, %dma_start3A_348, %dma_start3A_349] : memref<32x80x1x128xi32, #tpu.memory_space<hbm>> -> memref<1x80x1x128xi32, #tpu.memory_space<hbm>>
      %dma_start3A_351 = tpu.memref_squeeze %dma_start3A_350 : memref<1x80x1x128xi32, #tpu.memory_space<hbm>> -> memref<80x1x128xi32, #tpu.memory_space<hbm>>
      %dma_start3A_352 = arith.constant 0 : i32
      %dma_start3A_353 = arith.constant 0 : i32
      %dma_start3A_354 = tpu.memref_slice %dma_start3A_351[%add3A_337, %dma_start3A_352, %dma_start3A_353] : memref<80x1x128xi32, #tpu.memory_space<hbm>> -> memref<1x1x128xi32, #tpu.memory_space<hbm>>
      %dma_start3A_355 = tpu.memref_squeeze %dma_start3A_354 : memref<1x1x128xi32, #tpu.memory_space<hbm>> -> memref<1x128xi32, #tpu.memory_space<hbm>>
      tpu.enqueue_dma source(%dma_start3A_355 : memref<1x128xi32, #tpu.memory_space<hbm>>) target(%arg7 : memref<1x128xi32, #tpu.memory_space<vmem>>) target_semaphore(%arg16 : memref<!tpu.dma_semaphore, #tpu.memory_space<semaphore_mem>>)
      %dma_start3A_356 = arith.constant 0 : i32
      %dma_start3A_357 = arith.constant 0 : i32
      %dma_start3A_358 = arith.constant 0 : i32
      %dma_start3A_359 = tpu.memref_slice %arg4[%add3A, %dma_start3A_356, %dma_start3A_357, %dma_start3A_358] : memref<32x80x1x128xi32, #tpu.memory_space<hbm>> -> memref<1x80x1x128xi32, #tpu.memory_space<hbm>>
      %dma_start3A_360 = tpu.memref_squeeze %dma_start3A_359 : memref<1x80x1x128xi32, #tpu.memory_space<hbm>> -> memref<80x1x128xi32, #tpu.memory_space<hbm>>
      %dma_start3A_361 = arith.constant 0 : i32
      %dma_start3A_362 = arith.constant 0 : i32
      %dma_start3A_363 = tpu.memref_slice %dma_start3A_360[%add3A_337, %dma_start3A_361, %dma_start3A_362] : memref<80x1x128xi32, #tpu.memory_space<hbm>> -> memref<1x1x128xi32, #tpu.memory_space<hbm>>
      %dma_start3A_364 = tpu.memref_squeeze %dma_start3A_363 : memref<1x1x128xi32, #tpu.memory_space<hbm>> -> memref<1x128xi32, #tpu.memory_space<hbm>>
      %dma_start3A_365 = arith.constant 0 : i32
      %dma_start3A_366 = arith.constant 0 : i32
      %dma_start3A_367 = arith.constant 0 : i32
      %dma_start3A_368 = tpu.memref_slice %arg4[%add3A, %dma_start3A_365, %dma_start3A_366, %dma_start3A_367] : memref<32x80x1x128xi32, #tpu.memory_space<hbm>> -> memref<1x80x1x128xi32, #tpu.memory_space<hbm>>
      %dma_start3A_369 = tpu.memref_squeeze %dma_start3A_368 : memref<1x80x1x128xi32, #tpu.memory_space<hbm>> -> memref<80x1x128xi32, #tpu.memory_space<hbm>>
      %dma_start3A_370 = arith.constant 0 : i32
      %dma_start3A_371 = arith.constant 0 : i32
      %dma_start3A_372 = tpu.memref_slice %dma_start3A_369[%add3A_337, %dma_start3A_370, %dma_start3A_371] : memref<80x1x128xi32, #tpu.memory_space<hbm>> -> memref<1x1x128xi32, #tpu.memory_space<hbm>>
      %dma_start3A_373 = tpu.memref_squeeze %dma_start3A_372 : memref<1x1x128xi32, #tpu.memory_space<hbm>> -> memref<1x128xi32, #tpu.memory_space<hbm>>
      tpu.enqueue_dma source(%dma_start3A_373 : memref<1x128xi32, #tpu.memory_space<hbm>>) target(%arg9 : memref<1x128xi32, #tpu.memory_space<vmem>>) target_semaphore(%arg18 : memref<!tpu.dma_semaphore, #tpu.memory_space<semaphore_mem>>)
      %mul3A_374 = arith.constant 128 : i32
      %mul3A_375 = arith.muli %add3A_337, %mul3A_374 : i32
      %dma_start3A_376 = arith.constant 0 : i32
      %dma_start3A_377 = tpu.memref_slice %arg5[%add3A, %dma_start3A_376] : memref<32x10240xf32, #tpu.memory_space<hbm>> -> memref<1x10240xf32, #tpu.memory_space<hbm>>
      %dma_start3A_378 = tpu.memref_squeeze %dma_start3A_377 : memref<1x10240xf32, #tpu.memory_space<hbm>> -> memref<10240xf32, #tpu.memory_space<hbm>>
      %dma_start3A_379 = tpu.memref_slice %dma_start3A_378[%mul3A_375] : memref<10240xf32, #tpu.memory_space<hbm>> -> memref<128xf32, #tpu.memory_space<hbm>>
      %dma_start3A_380 = arith.constant 0 : i32
      %dma_start3A_381 = tpu.memref_slice %arg5[%add3A, %dma_start3A_380] : memref<32x10240xf32, #tpu.memory_space<hbm>> -> memref<1x10240xf32, #tpu.memory_space<hbm>>
      %dma_start3A_382 = tpu.memref_squeeze %dma_start3A_381 : memref<1x10240xf32, #tpu.memory_space<hbm>> -> memref<10240xf32, #tpu.memory_space<hbm>>
      %dma_start3A_383 = tpu.memref_slice %dma_start3A_382[%mul3A_375] : memref<10240xf32, #tpu.memory_space<hbm>> -> memref<128xf32, #tpu.memory_space<hbm>>
      tpu.enqueue_dma source(%dma_start3A_383 : memref<128xf32, #tpu.memory_space<hbm>>) target(%arg11 : memref<128xf32, #tpu.memory_space<vmem>>) target_semaphore(%arg20 : memref<!tpu.dma_semaphore, #tpu.memory_space<semaphore_mem>>)
      %mul3A_384 = arith.constant 2 : i32
      %mul3A_385 = arith.muli %mul3A_384, %scan3A_264 : i32
      %add3A_386 = arith.constant 1 : i32
      %add3A_387 = arith.addi %mul3A_385, %add3A_386 : i32
      %add3A_388 = arith.constant 1 : i32
      %add3A_389 = arith.addi %add3A_387, %add3A_388 : i32
      %dma_wait3A_390 = arith.constant 0 : i32
      %dma_wait3A_391 = arith.constant 0 : i32
      %dma_wait3A_392 = arith.constant 0 : i32
      %dma_wait3A_393 = tpu.memref_slice %arg3[%add3A, %dma_wait3A_390, %dma_wait3A_391, %dma_wait3A_392] : memref<32x80x1x128xi32, #tpu.memory_space<hbm>> -> memref<1x80x1x128xi32, #tpu.memory_space<hbm>>
      %dma_wait3A_394 = tpu.memref_squeeze %dma_wait3A_393 : memref<1x80x1x128xi32, #tpu.memory_space<hbm>> -> memref<80x1x128xi32, #tpu.memory_space<hbm>>
      %dma_wait3A_395 = arith.constant 0 : i32
      %dma_wait3A_396 = arith.constant 0 : i32
      %dma_wait3A_397 = tpu.memref_slice %dma_wait3A_394[%add3A_389, %dma_wait3A_395, %dma_wait3A_396] : memref<80x1x128xi32, #tpu.memory_space<hbm>> -> memref<1x1x128xi32, #tpu.memory_space<hbm>>
      %dma_wait3A_398 = tpu.memref_squeeze %dma_wait3A_397 : memref<1x1x128xi32, #tpu.memory_space<hbm>> -> memref<1x128xi32, #tpu.memory_space<hbm>>
      %dma_wait3A_399 = arith.constant 0 : i32
      %dma_wait3A_400 = arith.constant 0 : i32
      %dma_wait3A_401 = arith.constant 0 : i32
      %dma_wait3A_402 = tpu.memref_slice %arg3[%add3A, %dma_wait3A_399, %dma_wait3A_400, %dma_wait3A_401] : memref<32x80x1x128xi32, #tpu.memory_space<hbm>> -> memref<1x80x1x128xi32, #tpu.memory_space<hbm>>
      %dma_wait3A_403 = tpu.memref_squeeze %dma_wait3A_402 : memref<1x80x1x128xi32, #tpu.memory_space<hbm>> -> memref<80x1x128xi32, #tpu.memory_space<hbm>>
      %dma_wait3A_404 = arith.constant 0 : i32
      %dma_wait3A_405 = arith.constant 0 : i32
      %dma_wait3A_406 = tpu.memref_slice %dma_wait3A_403[%add3A_389, %dma_wait3A_404, %dma_wait3A_405] : memref<80x1x128xi32, #tpu.memory_space<hbm>> -> memref<1x1x128xi32, #tpu.memory_space<hbm>>
      %dma_wait3A_407 = tpu.memref_squeeze %dma_wait3A_406 : memref<1x1x128xi32, #tpu.memory_space<hbm>> -> memref<1x128xi32, #tpu.memory_space<hbm>>
      tpu.wait_dma2 semaphore(%arg16 : memref<!tpu.dma_semaphore, #tpu.memory_space<semaphore_mem>>) src(%dma_wait3A_407 : memref<1x128xi32, #tpu.memory_space<hbm>>) dst(%arg7 : memref<1x128xi32, #tpu.memory_space<vmem>>)
      %dma_wait3A_408 = arith.constant 0 : i32
      %dma_wait3A_409 = arith.constant 0 : i32
      %dma_wait3A_410 = arith.constant 0 : i32
      %dma_wait3A_411 = tpu.memref_slice %arg4[%add3A, %dma_wait3A_408, %dma_wait3A_409, %dma_wait3A_410] : memref<32x80x1x128xi32, #tpu.memory_space<hbm>> -> memref<1x80x1x128xi32, #tpu.memory_space<hbm>>
      %dma_wait3A_412 = tpu.memref_squeeze %dma_wait3A_411 : memref<1x80x1x128xi32, #tpu.memory_space<hbm>> -> memref<80x1x128xi32, #tpu.memory_space<hbm>>
      %dma_wait3A_413 = arith.constant 0 : i32
      %dma_wait3A_414 = arith.constant 0 : i32
      %dma_wait3A_415 = tpu.memref_slice %dma_wait3A_412[%add3A_389, %dma_wait3A_413, %dma_wait3A_414] : memref<80x1x128xi32, #tpu.memory_space<hbm>> -> memref<1x1x128xi32, #tpu.memory_space<hbm>>
      %dma_wait3A_416 = tpu.memref_squeeze %dma_wait3A_415 : memref<1x1x128xi32, #tpu.memory_space<hbm>> -> memref<1x128xi32, #tpu.memory_space<hbm>>
      %dma_wait3A_417 = arith.constant 0 : i32
      %dma_wait3A_418 = arith.constant 0 : i32
      %dma_wait3A_419 = arith.constant 0 : i32
      %dma_wait3A_420 = tpu.memref_slice %arg4[%add3A, %dma_wait3A_417, %dma_wait3A_418, %dma_wait3A_419] : memref<32x80x1x128xi32, #tpu.memory_space<hbm>> -> memref<1x80x1x128xi32, #tpu.memory_space<hbm>>
      %dma_wait3A_421 = tpu.memref_squeeze %dma_wait3A_420 : memref<1x80x1x128xi32, #tpu.memory_space<hbm>> -> memref<80x1x128xi32, #tpu.memory_space<hbm>>
      %dma_wait3A_422 = arith.constant 0 : i32
      %dma_wait3A_423 = arith.constant 0 : i32
      %dma_wait3A_424 = tpu.memref_slice %dma_wait3A_421[%add3A_389, %dma_wait3A_422, %dma_wait3A_423] : memref<80x1x128xi32, #tpu.memory_space<hbm>> -> memref<1x1x128xi32, #tpu.memory_space<hbm>>
      %dma_wait3A_425 = tpu.memref_squeeze %dma_wait3A_424 : memref<1x1x128xi32, #tpu.memory_space<hbm>> -> memref<1x128xi32, #tpu.memory_space<hbm>>
      tpu.wait_dma2 semaphore(%arg18 : memref<!tpu.dma_semaphore, #tpu.memory_space<semaphore_mem>>) src(%dma_wait3A_425 : memref<1x128xi32, #tpu.memory_space<hbm>>) dst(%arg9 : memref<1x128xi32, #tpu.memory_space<vmem>>)
      %mul3A_426 = arith.constant 128 : i32
      %mul3A_427 = arith.muli %add3A_389, %mul3A_426 : i32
      %dma_wait3A_428 = arith.constant 0 : i32
      %dma_wait3A_429 = tpu.memref_slice %arg5[%add3A, %dma_wait3A_428] : memref<32x10240xf32, #tpu.memory_space<hbm>> -> memref<1x10240xf32, #tpu.memory_space<hbm>>
      %dma_wait3A_430 = tpu.memref_squeeze %dma_wait3A_429 : memref<1x10240xf32, #tpu.memory_space<hbm>> -> memref<10240xf32, #tpu.memory_space<hbm>>
      %dma_wait3A_431 = tpu.memref_slice %dma_wait3A_430[%mul3A_427] : memref<10240xf32, #tpu.memory_space<hbm>> -> memref<128xf32, #tpu.memory_space<hbm>>
      %dma_wait3A_432 = arith.constant 0 : i32
      %dma_wait3A_433 = tpu.memref_slice %arg5[%add3A, %dma_wait3A_432] : memref<32x10240xf32, #tpu.memory_space<hbm>> -> memref<1x10240xf32, #tpu.memory_space<hbm>>
      %dma_wait3A_434 = tpu.memref_squeeze %dma_wait3A_433 : memref<1x10240xf32, #tpu.memory_space<hbm>> -> memref<10240xf32, #tpu.memory_space<hbm>>
      %dma_wait3A_435 = tpu.memref_slice %dma_wait3A_434[%mul3A_427] : memref<10240xf32, #tpu.memory_space<hbm>> -> memref<128xf32, #tpu.memory_space<hbm>>
      tpu.wait_dma2 semaphore(%arg20 : memref<!tpu.dma_semaphore, #tpu.memory_space<semaphore_mem>>) src(%dma_wait3A_435 : memref<128xf32, #tpu.memory_space<hbm>>) dst(%arg11 : memref<128xf32, #tpu.memory_space<vmem>>)
      %dma_start3A_436 = arith.constant 0 : i32
      %dma_start3A_437 = arith.constant 0 : i32
      %dma_start3A_438 = tpu.memref_slice %arg7[%dma_start3A_436, %dma_start3A_437] : memref<1x128xi32, #tpu.memory_space<vmem>> -> memref<1x128xi32, #tpu.memory_space<vmem>>
      %dma_start3A_439 = tpu.memref_squeeze %dma_start3A_438 : memref<1x128xi32, #tpu.memory_space<vmem>> -> memref<128xi32, #tpu.memory_space<vmem>>
      %dma_start3A_440 = arith.constant 0 : i32
      %dma_start3A_441 = arith.constant 0 : i32
      %dma_start3A_442 = tpu.memref_slice %arg2[%dma_start3A_440, %dma_start3A_441] : memref<10000x64xi32, #tpu.memory_space<hbm>> -> memref<10000x64xi32, #tpu.memory_space<hbm>>
      tpu.enqueue_indirect_dma source(%dma_start3A_442 : memref<10000x64xi32, #tpu.memory_space<hbm>>) target(%arg13 : memref<128x64xi32, #tpu.memory_space<vmem>>) offsets(%dma_start3A_439 : memref<128xi32, #tpu.memory_space<vmem>>) semaphore(%arg22 : memref<!tpu.dma_semaphore, #tpu.memory_space<semaphore_mem>>)
      %dma_wait3A_443 = arith.constant 0 : i32
      %dma_wait3A_444 = arith.constant 0 : i32
      %dma_wait3A_445 = tpu.memref_slice %arg8[%dma_wait3A_443, %dma_wait3A_444] : memref<1x128xi32, #tpu.memory_space<vmem>> -> memref<1x128xi32, #tpu.memory_space<vmem>>
      %dma_wait3A_446 = tpu.memref_squeeze %dma_wait3A_445 : memref<1x128xi32, #tpu.memory_space<vmem>> -> memref<128xi32, #tpu.memory_space<vmem>>
      %dma_wait3A_447 = arith.constant 0 : i32
      %dma_wait3A_448 = arith.constant 0 : i32
      %dma_wait3A_449 = tpu.memref_slice %arg2[%dma_wait3A_447, %dma_wait3A_448] : memref<10000x64xi32, #tpu.memory_space<hbm>> -> memref<10000x64xi32, #tpu.memory_space<hbm>>
      tpu.wait_indirect_dma semaphore(%arg23 : memref<!tpu.dma_semaphore, #tpu.memory_space<semaphore_mem>>) src(%dma_wait3A_449 : memref<10000x64xi32, #tpu.memory_space<hbm>>) dst(%arg14 : memref<128x64xi32, #tpu.memory_space<vmem>>)
      %parallel_loop3A_450 = arith.constant 0 : i32
      %parallel_loop3A_451 = arith.constant 128 : i32
      %parallel_loop3A_452 = arith.constant 1 : i32
      scf.for %parallel_loop3A_503 = %parallel_loop3A_450 to %parallel_loop3A_451 step %parallel_loop3A_452  : i32 {
        %parallel_loop3A_504 = vector.broadcast %parallel_loop3A_503 : i32 to vector<16xi32>
        %parallel_loop3A_505 = tpu.vector_load_idx %arg12[%parallel_loop3A_504] : memref<128xf32, #tpu.memory_space<vmem>>[vector<16xi32>], vector<16xf32>,
        %parallel_loop3A_506 = arith.index_cast %parallel_loop3A_503 : i32 to index
        %parallel_loop3A_507 = arith.constant 0 : index
        %parallel_loop3A_508 = tpu.vector_load %arg14[%parallel_loop3A_506, %parallel_loop3A_507] {strides = array<i32>} : memref<128x64xi32, #tpu.memory_space<vmem>>, vector<16xi32>,
        %parallel_loop3A_509 = arith.constant 16 : i32
        %parallel_loop3A_510 = vector.broadcast %parallel_loop3A_509 : i32 to vector<16xi32>
        %parallel_loop3A_511 = arith.shli %parallel_loop3A_508, %parallel_loop3A_510 : vector<16xi32>
        %parallel_loop3A_512 = vector.bitcast %parallel_loop3A_511 : vector<16xi32> to vector<16xf32>
        %parallel_loop3A_513 = arith.constant -65536 : i32
        %parallel_loop3A_514 = vector.broadcast %parallel_loop3A_513 : i32 to vector<16xi32>
        %parallel_loop3A_515 = arith.andi %parallel_loop3A_508, %parallel_loop3A_514 : vector<16xi32>
        %parallel_loop3A_516 = vector.bitcast %parallel_loop3A_515 : vector<16xi32> to vector<16xf32>
        %parallel_loop3A_517 = arith.mulf %parallel_loop3A_512, %parallel_loop3A_505 : vector<16xf32>
        %parallel_loop3A_518 = arith.index_cast %parallel_loop3A_503 : i32 to index
        %parallel_loop3A_519 = arith.constant 0 : index
        %parallel_loop3A_520 = tpu.vector_load %arg15[%parallel_loop3A_518, %parallel_loop3A_519] {strides = array<i32>} : memref<128x128xf32, #tpu.memory_space<vmem>>, vector<16xf32>,
        tpu.vector_store %arg15[%parallel_loop3A_518, %parallel_loop3A_519], %parallel_loop3A_517 {strides = array<i32>} : memref<128x128xf32, #tpu.memory_space<vmem>>, vector<16xf32>,
        %parallel_loop3A_521 = arith.mulf %parallel_loop3A_516, %parallel_loop3A_505 : vector<16xf32>
        %parallel_loop3A_522 = arith.index_cast %parallel_loop3A_503 : i32 to index
        %parallel_loop3A_523 = arith.constant 16 : index
        %parallel_loop3A_524 = tpu.vector_load %arg15[%parallel_loop3A_522, %parallel_loop3A_523] {strides = array<i32>} : memref<128x128xf32, #tpu.memory_space<vmem>>, vector<16xf32>,
        tpu.vector_store %arg15[%parallel_loop3A_522, %parallel_loop3A_523], %parallel_loop3A_521 {strides = array<i32>} : memref<128x128xf32, #tpu.memory_space<vmem>>, vector<16xf32>,
        %parallel_loop3A_525 = arith.index_cast %parallel_loop3A_503 : i32 to index
        %parallel_loop3A_526 = arith.constant 16 : index
        %parallel_loop3A_527 = tpu.vector_load %arg14[%parallel_loop3A_525, %parallel_loop3A_526] {strides = array<i32>} : memref<128x64xi32, #tpu.memory_space<vmem>>, vector<16xi32>,
        %parallel_loop3A_528 = arith.constant 16 : i32
        %parallel_loop3A_529 = vector.broadcast %parallel_loop3A_528 : i32 to vector<16xi32>
        %parallel_loop3A_530 = arith.shli %parallel_loop3A_527, %parallel_loop3A_529 : vector<16xi32>
        %parallel_loop3A_531 = vector.bitcast %parallel_loop3A_530 : vector<16xi32> to vector<16xf32>
        %parallel_loop3A_532 = arith.constant -65536 : i32
        %parallel_loop3A_533 = vector.broadcast %parallel_loop3A_532 : i32 to vector<16xi32>
        %parallel_loop3A_534 = arith.andi %parallel_loop3A_527, %parallel_loop3A_533 : vector<16xi32>
        %parallel_loop3A_535 = vector.bitcast %parallel_loop3A_534 : vector<16xi32> to vector<16xf32>
        %parallel_loop3A_536 = arith.mulf %parallel_loop3A_531, %parallel_loop3A_505 : vector<16xf32>
        %parallel_loop3A_537 = arith.index_cast %parallel_loop3A_503 : i32 to index
        %parallel_loop3A_538 = arith.constant 32 : index
        %parallel_loop3A_539 = tpu.vector_load %arg15[%parallel_loop3A_537, %parallel_loop3A_538] {strides = array<i32>} : memref<128x128xf32, #tpu.memory_space<vmem>>, vector<16xf32>,
        tpu.vector_store %arg15[%parallel_loop3A_537, %parallel_loop3A_538], %parallel_loop3A_536 {strides = array<i32>} : memref<128x128xf32, #tpu.memory_space<vmem>>, vector<16xf32>,
        %parallel_loop3A_540 = arith.mulf %parallel_loop3A_535, %parallel_loop3A_505 : vector<16xf32>
        %parallel_loop3A_541 = arith.index_cast %parallel_loop3A_503 : i32 to index
        %parallel_loop3A_542 = arith.constant 48 : index
        %parallel_loop3A_543 = tpu.vector_load %arg15[%parallel_loop3A_541, %parallel_loop3A_542] {strides = array<i32>} : memref<128x128xf32, #tpu.memory_space<vmem>>, vector<16xf32>,
        tpu.vector_store %arg15[%parallel_loop3A_541, %parallel_loop3A_542], %parallel_loop3A_540 {strides = array<i32>} : memref<128x128xf32, #tpu.memory_space<vmem>>, vector<16xf32>,
        %parallel_loop3A_544 = arith.index_cast %parallel_loop3A_503 : i32 to index
        %parallel_loop3A_545 = arith.constant 32 : index
        %parallel_loop3A_546 = tpu.vector_load %arg14[%parallel_loop3A_544, %parallel_loop3A_545] {strides = array<i32>} : memref<128x64xi32, #tpu.memory_space<vmem>>, vector<16xi32>,
        %parallel_loop3A_547 = arith.constant 16 : i32
        %parallel_loop3A_548 = vector.broadcast %parallel_loop3A_547 : i32 to vector<16xi32>
        %parallel_loop3A_549 = arith.shli %parallel_loop3A_546, %parallel_loop3A_548 : vector<16xi32>
        %parallel_loop3A_550 = vector.bitcast %parallel_loop3A_549 : vector<16xi32> to vector<16xf32>
        %parallel_loop3A_551 = arith.constant -65536 : i32
        %parallel_loop3A_552 = vector.broadcast %parallel_loop3A_551 : i32 to vector<16xi32>
        %parallel_loop3A_553 = arith.andi %parallel_loop3A_546, %parallel_loop3A_552 : vector<16xi32>
        %parallel_loop3A_554 = vector.bitcast %parallel_loop3A_553 : vector<16xi32> to vector<16xf32>
        %parallel_loop3A_555 = arith.mulf %parallel_loop3A_550, %parallel_loop3A_505 : vector<16xf32>
        %parallel_loop3A_556 = arith.index_cast %parallel_loop3A_503 : i32 to index
        %parallel_loop3A_557 = arith.constant 64 : index
        %parallel_loop3A_558 = tpu.vector_load %arg15[%parallel_loop3A_556, %parallel_loop3A_557] {strides = array<i32>} : memref<128x128xf32, #tpu.memory_space<vmem>>, vector<16xf32>,
        tpu.vector_store %arg15[%parallel_loop3A_556, %parallel_loop3A_557], %parallel_loop3A_555 {strides = array<i32>} : memref<128x128xf32, #tpu.memory_space<vmem>>, vector<16xf32>,
        %parallel_loop3A_559 = arith.mulf %parallel_loop3A_554, %parallel_loop3A_505 : vector<16xf32>
        %parallel_loop3A_560 = arith.index_cast %parallel_loop3A_503 : i32 to index
        %parallel_loop3A_561 = arith.constant 80 : index
        %parallel_loop3A_562 = tpu.vector_load %arg15[%parallel_loop3A_560, %parallel_loop3A_561] {strides = array<i32>} : memref<128x128xf32, #tpu.memory_space<vmem>>, vector<16xf32>,
        tpu.vector_store %arg15[%parallel_loop3A_560, %parallel_loop3A_561], %parallel_loop3A_559 {strides = array<i32>} : memref<128x128xf32, #tpu.memory_space<vmem>>, vector<16xf32>,
        %parallel_loop3A_563 = arith.index_cast %parallel_loop3A_503 : i32 to index
        %parallel_loop3A_564 = arith.constant 48 : index
        %parallel_loop3A_565 = tpu.vector_load %arg14[%parallel_loop3A_563, %parallel_loop3A_564] {strides = array<i32>} : memref<128x64xi32, #tpu.memory_space<vmem>>, vector<16xi32>,
        %parallel_loop3A_566 = arith.constant 16 : i32
        %parallel_loop3A_567 = vector.broadcast %parallel_loop3A_566 : i32 to vector<16xi32>
        %parallel_loop3A_568 = arith.shli %parallel_loop3A_565, %parallel_loop3A_567 : vector<16xi32>
        %parallel_loop3A_569 = vector.bitcast %parallel_loop3A_568 : vector<16xi32> to vector<16xf32>
        %parallel_loop3A_570 = arith.constant -65536 : i32
        %parallel_loop3A_571 = vector.broadcast %parallel_loop3A_570 : i32 to vector<16xi32>
        %parallel_loop3A_572 = arith.andi %parallel_loop3A_565, %parallel_loop3A_571 : vector<16xi32>
        %parallel_loop3A_573 = vector.bitcast %parallel_loop3A_572 : vector<16xi32> to vector<16xf32>
        %parallel_loop3A_574 = arith.mulf %parallel_loop3A_569, %parallel_loop3A_505 : vector<16xf32>
        %parallel_loop3A_575 = arith.index_cast %parallel_loop3A_503 : i32 to index
        %parallel_loop3A_576 = arith.constant 96 : index
        %parallel_loop3A_577 = tpu.vector_load %arg15[%parallel_loop3A_575, %parallel_loop3A_576] {strides = array<i32>} : memref<128x128xf32, #tpu.memory_space<vmem>>, vector<16xf32>,
        tpu.vector_store %arg15[%parallel_loop3A_575, %parallel_loop3A_576], %parallel_loop3A_574 {strides = array<i32>} : memref<128x128xf32, #tpu.memory_space<vmem>>, vector<16xf32>,
        %parallel_loop3A_578 = arith.mulf %parallel_loop3A_573, %parallel_loop3A_505 : vector<16xf32>
        %parallel_loop3A_579 = arith.index_cast %parallel_loop3A_503 : i32 to index
        %parallel_loop3A_580 = arith.constant 112 : index
        %parallel_loop3A_581 = tpu.vector_load %arg15[%parallel_loop3A_579, %parallel_loop3A_580] {strides = array<i32>} : memref<128x128xf32, #tpu.memory_space<vmem>>, vector<16xf32>,
        tpu.vector_store %arg15[%parallel_loop3A_579, %parallel_loop3A_580], %parallel_loop3A_578 {strides = array<i32>} : memref<128x128xf32, #tpu.memory_space<vmem>>, vector<16xf32>,
      } {sc.loop_unroll_factor = 4 : i64, sc.parallel_access}
      %run_scoped3A_453 = arith.constant 0 : i32
      "tpu.region"() ({
        %run_scoped3A_503 = tpu.sem_alloc : memref<!tpu.dma_semaphore, #tpu.memory_space<semaphore_mem>>
        %dma_start3A_504 = arith.constant 0 : i32
        %dma_start3A_505 = tpu.memref_slice %arg10[%run_scoped3A_453, %dma_start3A_504] : memref<1x128xi32, #tpu.memory_space<vmem>> -> memref<1x128xi32, #tpu.memory_space<vmem>>
        %dma_start3A_506 = tpu.memref_squeeze %dma_start3A_505 : memref<1x128xi32, #tpu.memory_space<vmem>> -> memref<128xi32, #tpu.memory_space<vmem>>
        %dma_start3A_507 = arith.constant 0 : i32
        %dma_start3A_508 = arith.constant 0 : i32
        %dma_start3A_509 = tpu.memref_slice %arg24[%dma_start3A_507, %dma_start3A_508] : memref<10000x128xf32, #tpu.memory_space<vmem_shared>> -> memref<10000x128xf32, #tpu.memory_space<vmem_shared>>
        tpu.enqueue_indirect_dma source(%arg15 : memref<128x128xf32, #tpu.memory_space<vmem>>) target(%dma_start3A_509 : memref<10000x128xf32, #tpu.memory_space<vmem_shared>>) offsets(%dma_start3A_506 : memref<128xi32, #tpu.memory_space<vmem>>) semaphore(%run_scoped3A_503 : memref<!tpu.dma_semaphore, #tpu.memory_space<semaphore_mem>>) {add = true}
        %dma_wait3A_510 = arith.constant 0 : i32
        %dma_wait3A_511 = tpu.memref_slice %arg10[%run_scoped3A_453, %dma_wait3A_510] : memref<1x128xi32, #tpu.memory_space<vmem>> -> memref<1x128xi32, #tpu.memory_space<vmem>>
        %dma_wait3A_512 = tpu.memref_squeeze %dma_wait3A_511 : memref<1x128xi32, #tpu.memory_space<vmem>> -> memref<128xi32, #tpu.memory_space<vmem>>
        %dma_wait3A_513 = arith.constant 0 : i32
        %dma_wait3A_514 = arith.constant 0 : i32
        %dma_wait3A_515 = tpu.memref_slice %arg24[%dma_wait3A_513, %dma_wait3A_514] : memref<10000x128xf32, #tpu.memory_space<vmem_shared>> -> memref<10000x128xf32, #tpu.memory_space<vmem_shared>>
        tpu.wait_indirect_dma semaphore(%run_scoped3A_503 : memref<!tpu.dma_semaphore, #tpu.memory_space<semaphore_mem>>) src(%arg15 : memref<128x128xf32, #tpu.memory_space<vmem>>) dst(%dma_wait3A_515 : memref<10000x128xf32, #tpu.memory_space<vmem_shared>>)
        tpu.yield
      }) : () -> ()
      %add3A_454 = arith.constant 2 : i32
      %add3A_455 = arith.addi %add3A_387, %add3A_454 : i32
      %dma_start3A_456 = arith.constant 0 : i32
      %dma_start3A_457 = arith.constant 0 : i32
      %dma_start3A_458 = arith.constant 0 : i32
      %dma_start3A_459 = tpu.memref_slice %arg3[%add3A, %dma_start3A_456, %dma_start3A_457, %dma_start3A_458] : memref<32x80x1x128xi32, #tpu.memory_space<hbm>> -> memref<1x80x1x128xi32, #tpu.memory_space<hbm>>
      %dma_start3A_460 = tpu.memref_squeeze %dma_start3A_459 : memref<1x80x1x128xi32, #tpu.memory_space<hbm>> -> memref<80x1x128xi32, #tpu.memory_space<hbm>>
      %dma_start3A_461 = arith.constant 0 : i32
      %dma_start3A_462 = arith.constant 0 : i32
      %dma_start3A_463 = tpu.memref_slice %dma_start3A_460[%add3A_455, %dma_start3A_461, %dma_start3A_462] : memref<80x1x128xi32, #tpu.memory_space<hbm>> -> memref<1x1x128xi32, #tpu.memory_space<hbm>>
      %dma_start3A_464 = tpu.memref_squeeze %dma_start3A_463 : memref<1x1x128xi32, #tpu.memory_space<hbm>> -> memref<1x128xi32, #tpu.memory_space<hbm>>
      %dma_start3A_465 = arith.constant 0 : i32
      %dma_start3A_466 = arith.constant 0 : i32
      %dma_start3A_467 = arith.constant 0 : i32
      %dma_start3A_468 = tpu.memref_slice %arg3[%add3A, %dma_start3A_465, %dma_start3A_466, %dma_start3A_467] : memref<32x80x1x128xi32, #tpu.memory_space<hbm>> -> memref<1x80x1x128xi32, #tpu.memory_space<hbm>>
      %dma_start3A_469 = tpu.memref_squeeze %dma_start3A_468 : memref<1x80x1x128xi32, #tpu.memory_space<hbm>> -> memref<80x1x128xi32, #tpu.memory_space<hbm>>
      %dma_start3A_470 = arith.constant 0 : i32
      %dma_start3A_471 = arith.constant 0 : i32
      %dma_start3A_472 = tpu.memref_slice %dma_start3A_469[%add3A_455, %dma_start3A_470, %dma_start3A_471] : memref<80x1x128xi32, #tpu.memory_space<hbm>> -> memref<1x1x128xi32, #tpu.memory_space<hbm>>
      %dma_start3A_473 = tpu.memref_squeeze %dma_start3A_472 : memref<1x1x128xi32, #tpu.memory_space<hbm>> -> memref<1x128xi32, #tpu.memory_space<hbm>>
      tpu.enqueue_dma source(%dma_start3A_473 : memref<1x128xi32, #tpu.memory_space<hbm>>) target(%arg8 : memref<1x128xi32, #tpu.memory_space<vmem>>) target_semaphore(%arg17 : memref<!tpu.dma_semaphore, #tpu.memory_space<semaphore_mem>>)
      %dma_start3A_474 = arith.constant 0 : i32
      %dma_start3A_475 = arith.constant 0 : i32
      %dma_start3A_476 = arith.constant 0 : i32
      %dma_start3A_477 = tpu.memref_slice %arg4[%add3A, %dma_start3A_474, %dma_start3A_475, %dma_start3A_476] : memref<32x80x1x128xi32, #tpu.memory_space<hbm>> -> memref<1x80x1x128xi32, #tpu.memory_space<hbm>>
      %dma_start3A_478 = tpu.memref_squeeze %dma_start3A_477 : memref<1x80x1x128xi32, #tpu.memory_space<hbm>> -> memref<80x1x128xi32, #tpu.memory_space<hbm>>
      %dma_start3A_479 = arith.constant 0 : i32
      %dma_start3A_480 = arith.constant 0 : i32
      %dma_start3A_481 = tpu.memref_slice %dma_start3A_478[%add3A_455, %dma_start3A_479, %dma_start3A_480] : memref<80x1x128xi32, #tpu.memory_space<hbm>> -> memref<1x1x128xi32, #tpu.memory_space<hbm>>
      %dma_start3A_482 = tpu.memref_squeeze %dma_start3A_481 : memref<1x1x128xi32, #tpu.memory_space<hbm>> -> memref<1x128xi32, #tpu.memory_space<hbm>>
      %dma_start3A_483 = arith.constant 0 : i32
      %dma_start3A_484 = arith.constant 0 : i32
      %dma_start3A_485 = arith.constant 0 : i32
      %dma_start3A_486 = tpu.memref_slice %arg4[%add3A, %dma_start3A_483, %dma_start3A_484, %dma_start3A_485] : memref<32x80x1x128xi32, #tpu.memory_space<hbm>> -> memref<1x80x1x128xi32, #tpu.memory_space<hbm>>
      %dma_start3A_487 = tpu.memref_squeeze %dma_start3A_486 : memref<1x80x1x128xi32, #tpu.memory_space<hbm>> -> memref<80x1x128xi32, #tpu.memory_space<hbm>>
      %dma_start3A_488 = arith.constant 0 : i32
      %dma_start3A_489 = arith.constant 0 : i32
      %dma_start3A_490 = tpu.memref_slice %dma_start3A_487[%add3A_455, %dma_start3A_488, %dma_start3A_489] : memref<80x1x128xi32, #tpu.memory_space<hbm>> -> memref<1x1x128xi32, #tpu.memory_space<hbm>>
      %dma_start3A_491 = tpu.memref_squeeze %dma_start3A_490 : memref<1x1x128xi32, #tpu.memory_space<hbm>> -> memref<1x128xi32, #tpu.memory_space<hbm>>
      tpu.enqueue_dma source(%dma_start3A_491 : memref<1x128xi32, #tpu.memory_space<hbm>>) target(%arg10 : memref<1x128xi32, #tpu.memory_space<vmem>>) target_semaphore(%arg19 : memref<!tpu.dma_semaphore, #tpu.memory_space<semaphore_mem>>)
      %mul3A_492 = arith.constant 128 : i32
      %mul3A_493 = arith.muli %add3A_455, %mul3A_492 : i32
      %dma_start3A_494 = arith.constant 0 : i32
      %dma_start3A_495 = tpu.memref_slice %arg5[%add3A, %dma_start3A_494] : memref<32x10240xf32, #tpu.memory_space<hbm>> -> memref<1x10240xf32, #tpu.memory_space<hbm>>
      %dma_start3A_496 = tpu.memref_squeeze %dma_start3A_495 : memref<1x10240xf32, #tpu.memory_space<hbm>> -> memref<10240xf32, #tpu.memory_space<hbm>>
      %dma_start3A_497 = tpu.memref_slice %dma_start3A_496[%mul3A_493] : memref<10240xf32, #tpu.memory_space<hbm>> -> memref<128xf32, #tpu.memory_space<hbm>>
      %dma_start3A_498 = arith.constant 0 : i32
      %dma_start3A_499 = tpu.memref_slice %arg5[%add3A, %dma_start3A_498] : memref<32x10240xf32, #tpu.memory_space<hbm>> -> memref<1x10240xf32, #tpu.memory_space<hbm>>
      %dma_start3A_500 = tpu.memref_squeeze %dma_start3A_499 : memref<1x10240xf32, #tpu.memory_space<hbm>> -> memref<10240xf32, #tpu.memory_space<hbm>>
      %dma_start3A_501 = tpu.memref_slice %dma_start3A_500[%mul3A_493] : memref<10240xf32, #tpu.memory_space<hbm>> -> memref<128xf32, #tpu.memory_space<hbm>>
      tpu.enqueue_dma source(%dma_start3A_501 : memref<128xf32, #tpu.memory_space<hbm>>) target(%arg12 : memref<128xf32, #tpu.memory_space<vmem>>) target_semaphore(%arg21 : memref<!tpu.dma_semaphore, #tpu.memory_space<semaphore_mem>>)
      %scan3A_502 = arith.constant 0 : i32
      scf.yield %scan3A_502 : i32
    }
    %scan3A_175 = arith.constant 39 : i32
    %dma_wait3A_176 = arith.constant 79 : i32
    %dma_wait3A_177 = arith.constant 0 : i32
    %dma_wait3A_178 = arith.constant 0 : i32
    %dma_wait3A_179 = arith.constant 0 : i32
    %dma_wait3A_180 = tpu.memref_slice %arg3[%add3A, %dma_wait3A_177, %dma_wait3A_178, %dma_wait3A_179] : memref<32x80x1x128xi32, #tpu.memory_space<hbm>> -> memref<1x80x1x128xi32, #tpu.memory_space<hbm>>
    %dma_wait3A_181 = tpu.memref_squeeze %dma_wait3A_180 : memref<1x80x1x128xi32, #tpu.memory_space<hbm>> -> memref<80x1x128xi32, #tpu.memory_space<hbm>>
    %dma_wait3A_182 = arith.constant 0 : i32
    %dma_wait3A_183 = arith.constant 0 : i32
    %dma_wait3A_184 = tpu.memref_slice %dma_wait3A_181[%dma_wait3A_176, %dma_wait3A_182, %dma_wait3A_183] : memref<80x1x128xi32, #tpu.memory_space<hbm>> -> memref<1x1x128xi32, #tpu.memory_space<hbm>>
    %dma_wait3A_185 = tpu.memref_squeeze %dma_wait3A_184 : memref<1x1x128xi32, #tpu.memory_space<hbm>> -> memref<1x128xi32, #tpu.memory_space<hbm>>
    %dma_wait3A_186 = arith.constant 0 : i32
    %dma_wait3A_187 = arith.constant 0 : i32
    %dma_wait3A_188 = arith.constant 0 : i32
    %dma_wait3A_189 = tpu.memref_slice %arg3[%add3A, %dma_wait3A_186, %dma_wait3A_187, %dma_wait3A_188] : memref<32x80x1x128xi32, #tpu.memory_space<hbm>> -> memref<1x80x1x128xi32, #tpu.memory_space<hbm>>
    %dma_wait3A_190 = tpu.memref_squeeze %dma_wait3A_189 : memref<1x80x1x128xi32, #tpu.memory_space<hbm>> -> memref<80x1x128xi32, #tpu.memory_space<hbm>>
    %dma_wait3A_191 = arith.constant 0 : i32
    %dma_wait3A_192 = arith.constant 0 : i32
    %dma_wait3A_193 = tpu.memref_slice %dma_wait3A_190[%dma_wait3A_176, %dma_wait3A_191, %dma_wait3A_192] : memref<80x1x128xi32, #tpu.memory_space<hbm>> -> memref<1x1x128xi32, #tpu.memory_space<hbm>>
    %dma_wait3A_194 = tpu.memref_squeeze %dma_wait3A_193 : memref<1x1x128xi32, #tpu.memory_space<hbm>> -> memref<1x128xi32, #tpu.memory_space<hbm>>
    tpu.wait_dma2 semaphore(%arg17 : memref<!tpu.dma_semaphore, #tpu.memory_space<semaphore_mem>>) src(%dma_wait3A_194 : memref<1x128xi32, #tpu.memory_space<hbm>>) dst(%arg8 : memref<1x128xi32, #tpu.memory_space<vmem>>)
    %dma_wait3A_195 = arith.constant 79 : i32
    %dma_wait3A_196 = arith.constant 0 : i32
    %dma_wait3A_197 = arith.constant 0 : i32
    %dma_wait3A_198 = arith.constant 0 : i32
    %dma_wait3A_199 = tpu.memref_slice %arg4[%add3A, %dma_wait3A_196, %dma_wait3A_197, %dma_wait3A_198] : memref<32x80x1x128xi32, #tpu.memory_space<hbm>> -> memref<1x80x1x128xi32, #tpu.memory_space<hbm>>
    %dma_wait3A_200 = tpu.memref_squeeze %dma_wait3A_199 : memref<1x80x1x128xi32, #tpu.memory_space<hbm>> -> memref<80x1x128xi32, #tpu.memory_space<hbm>>
    %dma_wait3A_201 = arith.constant 0 : i32
    %dma_wait3A_202 = arith.constant 0 : i32
    %dma_wait3A_203 = tpu.memref_slice %dma_wait3A_200[%dma_wait3A_195, %dma_wait3A_201, %dma_wait3A_202] : memref<80x1x128xi32, #tpu.memory_space<hbm>> -> memref<1x1x128xi32, #tpu.memory_space<hbm>>
    %dma_wait3A_204 = tpu.memref_squeeze %dma_wait3A_203 : memref<1x1x128xi32, #tpu.memory_space<hbm>> -> memref<1x128xi32, #tpu.memory_space<hbm>>
    %dma_wait3A_205 = arith.constant 0 : i32
    %dma_wait3A_206 = arith.constant 0 : i32
    %dma_wait3A_207 = arith.constant 0 : i32
    %dma_wait3A_208 = tpu.memref_slice %arg4[%add3A, %dma_wait3A_205, %dma_wait3A_206, %dma_wait3A_207] : memref<32x80x1x128xi32, #tpu.memory_space<hbm>> -> memref<1x80x1x128xi32, #tpu.memory_space<hbm>>
    %dma_wait3A_209 = tpu.memref_squeeze %dma_wait3A_208 : memref<1x80x1x128xi32, #tpu.memory_space<hbm>> -> memref<80x1x128xi32, #tpu.memory_space<hbm>>
    %dma_wait3A_210 = arith.constant 0 : i32
    %dma_wait3A_211 = arith.constant 0 : i32
    %dma_wait3A_212 = tpu.memref_slice %dma_wait3A_209[%dma_wait3A_195, %dma_wait3A_210, %dma_wait3A_211] : memref<80x1x128xi32, #tpu.memory_space<hbm>> -> memref<1x1x128xi32, #tpu.memory_space<hbm>>
    %dma_wait3A_213 = tpu.memref_squeeze %dma_wait3A_212 : memref<1x1x128xi32, #tpu.memory_space<hbm>> -> memref<1x128xi32, #tpu.memory_space<hbm>>
    tpu.wait_dma2 semaphore(%arg19 : memref<!tpu.dma_semaphore, #tpu.memory_space<semaphore_mem>>) src(%dma_wait3A_213 : memref<1x128xi32, #tpu.memory_space<hbm>>) dst(%arg10 : memref<1x128xi32, #tpu.memory_space<vmem>>)
    %dma_wait3A_214 = arith.constant 0 : i32
    %dma_wait3A_215 = tpu.memref_slice %arg5[%add3A, %dma_wait3A_214] : memref<32x10240xf32, #tpu.memory_space<hbm>> -> memref<1x10240xf32, #tpu.memory_space<hbm>>
    %dma_wait3A_216 = tpu.memref_squeeze %dma_wait3A_215 : memref<1x10240xf32, #tpu.memory_space<hbm>> -> memref<10240xf32, #tpu.memory_space<hbm>>
    %dma_wait3A_217 = arith.constant 10112 : i32
    %dma_wait3A_218 = tpu.memref_slice %dma_wait3A_216[%dma_wait3A_217] : memref<10240xf32, #tpu.memory_space<hbm>> -> memref<128xf32, #tpu.memory_space<hbm>>
    %dma_wait3A_219 = arith.constant 0 : i32
    %dma_wait3A_220 = tpu.memref_slice %arg5[%add3A, %dma_wait3A_219] : memref<32x10240xf32, #tpu.memory_space<hbm>> -> memref<1x10240xf32, #tpu.memory_space<hbm>>
    %dma_wait3A_221 = tpu.memref_squeeze %dma_wait3A_220 : memref<1x10240xf32, #tpu.memory_space<hbm>> -> memref<10240xf32, #tpu.memory_space<hbm>>
    %dma_wait3A_222 = arith.constant 10112 : i32
    %dma_wait3A_223 = tpu.memref_slice %dma_wait3A_221[%dma_wait3A_222] : memref<10240xf32, #tpu.memory_space<hbm>> -> memref<128xf32, #tpu.memory_space<hbm>>
    tpu.wait_dma2 semaphore(%arg21 : memref<!tpu.dma_semaphore, #tpu.memory_space<semaphore_mem>>) src(%dma_wait3A_223 : memref<128xf32, #tpu.memory_space<hbm>>) dst(%arg12 : memref<128xf32, #tpu.memory_space<vmem>>)
    %dma_start3A_224 = arith.constant 0 : i32
    %dma_start3A_225 = arith.constant 0 : i32
    %dma_start3A_226 = tpu.memref_slice %arg8[%dma_start3A_224, %dma_start3A_225] : memref<1x128xi32, #tpu.memory_space<vmem>> -> memref<1x128xi32, #tpu.memory_space<vmem>>
    %dma_start3A_227 = tpu.memref_squeeze %dma_start3A_226 : memref<1x128xi32, #tpu.memory_space<vmem>> -> memref<128xi32, #tpu.memory_space<vmem>>
    %dma_start3A_228 = arith.constant 0 : i32
    %dma_start3A_229 = arith.constant 0 : i32
    %dma_start3A_230 = tpu.memref_slice %arg2[%dma_start3A_228, %dma_start3A_229] : memref<10000x64xi32, #tpu.memory_space<hbm>> -> memref<10000x64xi32, #tpu.memory_space<hbm>>
    tpu.enqueue_indirect_dma source(%dma_start3A_230 : memref<10000x64xi32, #tpu.memory_space<hbm>>) target(%arg14 : memref<128x64xi32, #tpu.memory_space<vmem>>) offsets(%dma_start3A_227 : memref<128xi32, #tpu.memory_space<vmem>>) semaphore(%arg23 : memref<!tpu.dma_semaphore, #tpu.memory_space<semaphore_mem>>)
    %dma_wait3A_231 = arith.constant 0 : i32
    %dma_wait3A_232 = arith.constant 0 : i32
    %dma_wait3A_233 = tpu.memref_slice %arg7[%dma_wait3A_231, %dma_wait3A_232] : memref<1x128xi32, #tpu.memory_space<vmem>> -> memref<1x128xi32, #tpu.memory_space<vmem>>
    %dma_wait3A_234 = tpu.memref_squeeze %dma_wait3A_233 : memref<1x128xi32, #tpu.memory_space<vmem>> -> memref<128xi32, #tpu.memory_space<vmem>>
    %dma_wait3A_235 = arith.constant 0 : i32
    %dma_wait3A_236 = arith.constant 0 : i32
    %dma_wait3A_237 = tpu.memref_slice %arg2[%dma_wait3A_235, %dma_wait3A_236] : memref<10000x64xi32, #tpu.memory_space<hbm>> -> memref<10000x64xi32, #tpu.memory_space<hbm>>
    tpu.wait_indirect_dma semaphore(%arg22 : memref<!tpu.dma_semaphore, #tpu.memory_space<semaphore_mem>>) src(%dma_wait3A_237 : memref<10000x64xi32, #tpu.memory_space<hbm>>) dst(%arg13 : memref<128x64xi32, #tpu.memory_space<vmem>>)
    %parallel_loop3A = arith.constant 0 : i32
    %parallel_loop3A_238 = arith.constant 128 : i32
    %parallel_loop3A_239 = arith.constant 1 : i32
    scf.for %parallel_loop3A_264 = %parallel_loop3A to %parallel_loop3A_238 step %parallel_loop3A_239  : i32 {
      %parallel_loop3A_265 = vector.broadcast %parallel_loop3A_264 : i32 to vector<16xi32>
      %parallel_loop3A_266 = tpu.vector_load_idx %arg11[%parallel_loop3A_265] : memref<128xf32, #tpu.memory_space<vmem>>[vector<16xi32>], vector<16xf32>,
      %parallel_loop3A_267 = arith.index_cast %parallel_loop3A_264 : i32 to index
      %parallel_loop3A_268 = arith.constant 0 : index
      %parallel_loop3A_269 = tpu.vector_load %arg13[%parallel_loop3A_267, %parallel_loop3A_268] {strides = array<i32>} : memref<128x64xi32, #tpu.memory_space<vmem>>, vector<16xi32>,
      %parallel_loop3A_270 = arith.constant 16 : i32
      %parallel_loop3A_271 = vector.broadcast %parallel_loop3A_270 : i32 to vector<16xi32>
      %parallel_loop3A_272 = arith.shli %parallel_loop3A_269, %parallel_loop3A_271 : vector<16xi32>
      %parallel_loop3A_273 = vector.bitcast %parallel_loop3A_272 : vector<16xi32> to vector<16xf32>
      %parallel_loop3A_274 = arith.constant -65536 : i32
      %parallel_loop3A_275 = vector.broadcast %parallel_loop3A_274 : i32 to vector<16xi32>
      %parallel_loop3A_276 = arith.andi %parallel_loop3A_269, %parallel_loop3A_275 : vector<16xi32>
      %parallel_loop3A_277 = vector.bitcast %parallel_loop3A_276 : vector<16xi32> to vector<16xf32>
      %parallel_loop3A_278 = arith.mulf %parallel_loop3A_273, %parallel_loop3A_266 : vector<16xf32>
      %parallel_loop3A_279 = arith.index_cast %parallel_loop3A_264 : i32 to index
      %parallel_loop3A_280 = arith.constant 0 : index
      %parallel_loop3A_281 = tpu.vector_load %arg15[%parallel_loop3A_279, %parallel_loop3A_280] {strides = array<i32>} : memref<128x128xf32, #tpu.memory_space<vmem>>, vector<16xf32>,
      tpu.vector_store %arg15[%parallel_loop3A_279, %parallel_loop3A_280], %parallel_loop3A_278 {strides = array<i32>} : memref<128x128xf32, #tpu.memory_space<vmem>>, vector<16xf32>,
      %parallel_loop3A_282 = arith.mulf %parallel_loop3A_277, %parallel_loop3A_266 : vector<16xf32>
      %parallel_loop3A_283 = arith.index_cast %parallel_loop3A_264 : i32 to index
      %parallel_loop3A_284 = arith.constant 16 : index
      %parallel_loop3A_285 = tpu.vector_load %arg15[%parallel_loop3A_283, %parallel_loop3A_284] {strides = array<i32>} : memref<128x128xf32, #tpu.memory_space<vmem>>, vector<16xf32>,
      tpu.vector_store %arg15[%parallel_loop3A_283, %parallel_loop3A_284], %parallel_loop3A_282 {strides = array<i32>} : memref<128x128xf32, #tpu.memory_space<vmem>>, vector<16xf32>,
      %parallel_loop3A_286 = arith.index_cast %parallel_loop3A_264 : i32 to index
      %parallel_loop3A_287 = arith.constant 16 : index
      %parallel_loop3A_288 = tpu.vector_load %arg13[%parallel_loop3A_286, %parallel_loop3A_287] {strides = array<i32>} : memref<128x64xi32, #tpu.memory_space<vmem>>, vector<16xi32>,
      %parallel_loop3A_289 = arith.constant 16 : i32
      %parallel_loop3A_290 = vector.broadcast %parallel_loop3A_289 : i32 to vector<16xi32>
      %parallel_loop3A_291 = arith.shli %parallel_loop3A_288, %parallel_loop3A_290 : vector<16xi32>
      %parallel_loop3A_292 = vector.bitcast %parallel_loop3A_291 : vector<16xi32> to vector<16xf32>
      %parallel_loop3A_293 = arith.constant -65536 : i32
      %parallel_loop3A_294 = vector.broadcast %parallel_loop3A_293 : i32 to vector<16xi32>
      %parallel_loop3A_295 = arith.andi %parallel_loop3A_288, %parallel_loop3A_294 : vector<16xi32>
      %parallel_loop3A_296 = vector.bitcast %parallel_loop3A_295 : vector<16xi32> to vector<16xf32>
      %parallel_loop3A_297 = arith.mulf %parallel_loop3A_292, %parallel_loop3A_266 : vector<16xf32>
      %parallel_loop3A_298 = arith.index_cast %parallel_loop3A_264 : i32 to index
      %parallel_loop3A_299 = arith.constant 32 : index
      %parallel_loop3A_300 = tpu.vector_load %arg15[%parallel_loop3A_298, %parallel_loop3A_299] {strides = array<i32>} : memref<128x128xf32, #tpu.memory_space<vmem>>, vector<16xf32>,
      tpu.vector_store %arg15[%parallel_loop3A_298, %parallel_loop3A_299], %parallel_loop3A_297 {strides = array<i32>} : memref<128x128xf32, #tpu.memory_space<vmem>>, vector<16xf32>,
      %parallel_loop3A_301 = arith.mulf %parallel_loop3A_296, %parallel_loop3A_266 : vector<16xf32>
      %parallel_loop3A_302 = arith.index_cast %parallel_loop3A_264 : i32 to index
      %parallel_loop3A_303 = arith.constant 48 : index
      %parallel_loop3A_304 = tpu.vector_load %arg15[%parallel_loop3A_302, %parallel_loop3A_303] {strides = array<i32>} : memref<128x128xf32, #tpu.memory_space<vmem>>, vector<16xf32>,
      tpu.vector_store %arg15[%parallel_loop3A_302, %parallel_loop3A_303], %parallel_loop3A_301 {strides = array<i32>} : memref<128x128xf32, #tpu.memory_space<vmem>>, vector<16xf32>,
      %parallel_loop3A_305 = arith.index_cast %parallel_loop3A_264 : i32 to index
      %parallel_loop3A_306 = arith.constant 32 : index
      %parallel_loop3A_307 = tpu.vector_load %arg13[%parallel_loop3A_305, %parallel_loop3A_306] {strides = array<i32>} : memref<128x64xi32, #tpu.memory_space<vmem>>, vector<16xi32>,
      %parallel_loop3A_308 = arith.constant 16 : i32
      %parallel_loop3A_309 = vector.broadcast %parallel_loop3A_308 : i32 to vector<16xi32>
      %parallel_loop3A_310 = arith.shli %parallel_loop3A_307, %parallel_loop3A_309 : vector<16xi32>
      %parallel_loop3A_311 = vector.bitcast %parallel_loop3A_310 : vector<16xi32> to vector<16xf32>
      %parallel_loop3A_312 = arith.constant -65536 : i32
      %parallel_loop3A_313 = vector.broadcast %parallel_loop3A_312 : i32 to vector<16xi32>
      %parallel_loop3A_314 = arith.andi %parallel_loop3A_307, %parallel_loop3A_313 : vector<16xi32>
      %parallel_loop3A_315 = vector.bitcast %parallel_loop3A_314 : vector<16xi32> to vector<16xf32>
      %parallel_loop3A_316 = arith.mulf %parallel_loop3A_311, %parallel_loop3A_266 : vector<16xf32>
      %parallel_loop3A_317 = arith.index_cast %parallel_loop3A_264 : i32 to index
      %parallel_loop3A_318 = arith.constant 64 : index
      %parallel_loop3A_319 = tpu.vector_load %arg15[%parallel_loop3A_317, %parallel_loop3A_318] {strides = array<i32>} : memref<128x128xf32, #tpu.memory_space<vmem>>, vector<16xf32>,
      tpu.vector_store %arg15[%parallel_loop3A_317, %parallel_loop3A_318], %parallel_loop3A_316 {strides = array<i32>} : memref<128x128xf32, #tpu.memory_space<vmem>>, vector<16xf32>,
      %parallel_loop3A_320 = arith.mulf %parallel_loop3A_315, %parallel_loop3A_266 : vector<16xf32>
      %parallel_loop3A_321 = arith.index_cast %parallel_loop3A_264 : i32 to index
      %parallel_loop3A_322 = arith.constant 80 : index
      %parallel_loop3A_323 = tpu.vector_load %arg15[%parallel_loop3A_321, %parallel_loop3A_322] {strides = array<i32>} : memref<128x128xf32, #tpu.memory_space<vmem>>, vector<16xf32>,
      tpu.vector_store %arg15[%parallel_loop3A_321, %parallel_loop3A_322], %parallel_loop3A_320 {strides = array<i32>} : memref<128x128xf32, #tpu.memory_space<vmem>>, vector<16xf32>,
      %parallel_loop3A_324 = arith.index_cast %parallel_loop3A_264 : i32 to index
      %parallel_loop3A_325 = arith.constant 48 : index
      %parallel_loop3A_326 = tpu.vector_load %arg13[%parallel_loop3A_324, %parallel_loop3A_325] {strides = array<i32>} : memref<128x64xi32, #tpu.memory_space<vmem>>, vector<16xi32>,
      %parallel_loop3A_327 = arith.constant 16 : i32
      %parallel_loop3A_328 = vector.broadcast %parallel_loop3A_327 : i32 to vector<16xi32>
      %parallel_loop3A_329 = arith.shli %parallel_loop3A_326, %parallel_loop3A_328 : vector<16xi32>
      %parallel_loop3A_330 = vector.bitcast %parallel_loop3A_329 : vector<16xi32> to vector<16xf32>
      %parallel_loop3A_331 = arith.constant -65536 : i32
      %parallel_loop3A_332 = vector.broadcast %parallel_loop3A_331 : i32 to vector<16xi32>
      %parallel_loop3A_333 = arith.andi %parallel_loop3A_326, %parallel_loop3A_332 : vector<16xi32>
      %parallel_loop3A_334 = vector.bitcast %parallel_loop3A_333 : vector<16xi32> to vector<16xf32>
      %parallel_loop3A_335 = arith.mulf %parallel_loop3A_330, %parallel_loop3A_266 : vector<16xf32>
      %parallel_loop3A_336 = arith.index_cast %parallel_loop3A_264 : i32 to index
      %parallel_loop3A_337 = arith.constant 96 : index
      %parallel_loop3A_338 = tpu.vector_load %arg15[%parallel_loop3A_336, %parallel_loop3A_337] {strides = array<i32>} : memref<128x128xf32, #tpu.memory_space<vmem>>, vector<16xf32>,
      tpu.vector_store %arg15[%parallel_loop3A_336, %parallel_loop3A_337], %parallel_loop3A_335 {strides = array<i32>} : memref<128x128xf32, #tpu.memory_space<vmem>>, vector<16xf32>,
      %parallel_loop3A_339 = arith.mulf %parallel_loop3A_334, %parallel_loop3A_266 : vector<16xf32>
      %parallel_loop3A_340 = arith.index_cast %parallel_loop3A_264 : i32 to index
      %parallel_loop3A_341 = arith.constant 112 : index
      %parallel_loop3A_342 = tpu.vector_load %arg15[%parallel_loop3A_340, %parallel_loop3A_341] {strides = array<i32>} : memref<128x128xf32, #tpu.memory_space<vmem>>, vector<16xf32>,
      tpu.vector_store %arg15[%parallel_loop3A_340, %parallel_loop3A_341], %parallel_loop3A_339 {strides = array<i32>} : memref<128x128xf32, #tpu.memory_space<vmem>>, vector<16xf32>,
    } {sc.loop_unroll_factor = 4 : i64, sc.parallel_access}
    %run_scoped3A = arith.constant 0 : i32
    "tpu.region"() ({
      %run_scoped3A_264 = tpu.sem_alloc : memref<!tpu.dma_semaphore, #tpu.memory_space<semaphore_mem>>
      %dma_start3A_265 = arith.constant 0 : i32
      %dma_start3A_266 = tpu.memref_slice %arg9[%run_scoped3A, %dma_start3A_265] : memref<1x128xi32, #tpu.memory_space<vmem>> -> memref<1x128xi32, #tpu.memory_space<vmem>>
      %dma_start3A_267 = tpu.memref_squeeze %dma_start3A_266 : memref<1x128xi32, #tpu.memory_space<vmem>> -> memref<128xi32, #tpu.memory_space<vmem>>
      %dma_start3A_268 = arith.constant 0 : i32
      %dma_start3A_269 = arith.constant 0 : i32
      %dma_start3A_270 = tpu.memref_slice %arg24[%dma_start3A_268, %dma_start3A_269] : memref<10000x128xf32, #tpu.memory_space<vmem_shared>> -> memref<10000x128xf32, #tpu.memory_space<vmem_shared>>
      tpu.enqueue_indirect_dma source(%arg15 : memref<128x128xf32, #tpu.memory_space<vmem>>) target(%dma_start3A_270 : memref<10000x128xf32, #tpu.memory_space<vmem_shared>>) offsets(%dma_start3A_267 : memref<128xi32, #tpu.memory_space<vmem>>) semaphore(%run_scoped3A_264 : memref<!tpu.dma_semaphore, #tpu.memory_space<semaphore_mem>>) {add = true}
      %dma_wait3A_271 = arith.constant 0 : i32
      %dma_wait3A_272 = tpu.memref_slice %arg9[%run_scoped3A, %dma_wait3A_271] : memref<1x128xi32, #tpu.memory_space<vmem>> -> memref<1x128xi32, #tpu.memory_space<vmem>>
      %dma_wait3A_273 = tpu.memref_squeeze %dma_wait3A_272 : memref<1x128xi32, #tpu.memory_space<vmem>> -> memref<128xi32, #tpu.memory_space<vmem>>
      %dma_wait3A_274 = arith.constant 0 : i32
      %dma_wait3A_275 = arith.constant 0 : i32
      %dma_wait3A_276 = tpu.memref_slice %arg24[%dma_wait3A_274, %dma_wait3A_275] : memref<10000x128xf32, #tpu.memory_space<vmem_shared>> -> memref<10000x128xf32, #tpu.memory_space<vmem_shared>>
      tpu.wait_indirect_dma semaphore(%run_scoped3A_264 : memref<!tpu.dma_semaphore, #tpu.memory_space<semaphore_mem>>) src(%arg15 : memref<128x128xf32, #tpu.memory_space<vmem>>) dst(%dma_wait3A_276 : memref<10000x128xf32, #tpu.memory_space<vmem_shared>>)
      tpu.yield
    }) : () -> ()
    %dma_wait3A_240 = arith.constant 0 : i32
    %dma_wait3A_241 = arith.constant 0 : i32
    %dma_wait3A_242 = tpu.memref_slice %arg8[%dma_wait3A_240, %dma_wait3A_241] : memref<1x128xi32, #tpu.memory_space<vmem>> -> memref<1x128xi32, #tpu.memory_space<vmem>>
    %dma_wait3A_243 = tpu.memref_squeeze %dma_wait3A_242 : memref<1x128xi32, #tpu.memory_space<vmem>> -> memref<128xi32, #tpu.memory_space<vmem>>
    %dma_wait3A_244 = arith.constant 0 : i32
    %dma_wait3A_245 = arith.constant 0 : i32
    %dma_wait3A_246 = tpu.memref_slice %arg2[%dma_wait3A_244, %dma_wait3A_245] : memref<10000x64xi32, #tpu.memory_space<hbm>> -> memref<10000x64xi32, #tpu.memory_space<hbm>>
    tpu.wait_indirect_dma semaphore(%arg23 : memref<!tpu.dma_semaphore, #tpu.memory_space<semaphore_mem>>) src(%dma_wait3A_246 : memref<10000x64xi32, #tpu.memory_space<hbm>>) dst(%arg14 : memref<128x64xi32, #tpu.memory_space<vmem>>)
    %parallel_loop3A_247 = arith.constant 0 : i32
    %parallel_loop3A_248 = arith.constant 128 : i32
    %parallel_loop3A_249 = arith.constant 1 : i32
    scf.for %parallel_loop3A_264 = %parallel_loop3A_247 to %parallel_loop3A_248 step %parallel_loop3A_249  : i32 {
      %parallel_loop3A_265 = vector.broadcast %parallel_loop3A_264 : i32 to vector<16xi32>
      %parallel_loop3A_266 = tpu.vector_load_idx %arg12[%parallel_loop3A_265] : memref<128xf32, #tpu.memory_space<vmem>>[vector<16xi32>], vector<16xf32>,
      %parallel_loop3A_267 = arith.index_cast %parallel_loop3A_264 : i32 to index
      %parallel_loop3A_268 = arith.constant 0 : index
      %parallel_loop3A_269 = tpu.vector_load %arg14[%parallel_loop3A_267, %parallel_loop3A_268] {strides = array<i32>} : memref<128x64xi32, #tpu.memory_space<vmem>>, vector<16xi32>,
      %parallel_loop3A_270 = arith.constant 16 : i32
      %parallel_loop3A_271 = vector.broadcast %parallel_loop3A_270 : i32 to vector<16xi32>
      %parallel_loop3A_272 = arith.shli %parallel_loop3A_269, %parallel_loop3A_271 : vector<16xi32>
      %parallel_loop3A_273 = vector.bitcast %parallel_loop3A_272 : vector<16xi32> to vector<16xf32>
      %parallel_loop3A_274 = arith.constant -65536 : i32
      %parallel_loop3A_275 = vector.broadcast %parallel_loop3A_274 : i32 to vector<16xi32>
      %parallel_loop3A_276 = arith.andi %parallel_loop3A_269, %parallel_loop3A_275 : vector<16xi32>
      %parallel_loop3A_277 = vector.bitcast %parallel_loop3A_276 : vector<16xi32> to vector<16xf32>
      %parallel_loop3A_278 = arith.mulf %parallel_loop3A_273, %parallel_loop3A_266 : vector<16xf32>
      %parallel_loop3A_279 = arith.index_cast %parallel_loop3A_264 : i32 to index
      %parallel_loop3A_280 = arith.constant 0 : index
      %parallel_loop3A_281 = tpu.vector_load %arg15[%parallel_loop3A_279, %parallel_loop3A_280] {strides = array<i32>} : memref<128x128xf32, #tpu.memory_space<vmem>>, vector<16xf32>,
      tpu.vector_store %arg15[%parallel_loop3A_279, %parallel_loop3A_280], %parallel_loop3A_278 {strides = array<i32>} : memref<128x128xf32, #tpu.memory_space<vmem>>, vector<16xf32>,
      %parallel_loop3A_282 = arith.mulf %parallel_loop3A_277, %parallel_loop3A_266 : vector<16xf32>
      %parallel_loop3A_283 = arith.index_cast %parallel_loop3A_264 : i32 to index
      %parallel_loop3A_284 = arith.constant 16 : index
      %parallel_loop3A_285 = tpu.vector_load %arg15[%parallel_loop3A_283, %parallel_loop3A_284] {strides = array<i32>} : memref<128x128xf32, #tpu.memory_space<vmem>>, vector<16xf32>,
      tpu.vector_store %arg15[%parallel_loop3A_283, %parallel_loop3A_284], %parallel_loop3A_282 {strides = array<i32>} : memref<128x128xf32, #tpu.memory_space<vmem>>, vector<16xf32>,
      %parallel_loop3A_286 = arith.index_cast %parallel_loop3A_264 : i32 to index
      %parallel_loop3A_287 = arith.constant 16 : index
      %parallel_loop3A_288 = tpu.vector_load %arg14[%parallel_loop3A_286, %parallel_loop3A_287] {strides = array<i32>} : memref<128x64xi32, #tpu.memory_space<vmem>>, vector<16xi32>,
      %parallel_loop3A_289 = arith.constant 16 : i32
      %parallel_loop3A_290 = vector.broadcast %parallel_loop3A_289 : i32 to vector<16xi32>
      %parallel_loop3A_291 = arith.shli %parallel_loop3A_288, %parallel_loop3A_290 : vector<16xi32>
      %parallel_loop3A_292 = vector.bitcast %parallel_loop3A_291 : vector<16xi32> to vector<16xf32>
      %parallel_loop3A_293 = arith.constant -65536 : i32
      %parallel_loop3A_294 = vector.broadcast %parallel_loop3A_293 : i32 to vector<16xi32>
      %parallel_loop3A_295 = arith.andi %parallel_loop3A_288, %parallel_loop3A_294 : vector<16xi32>
      %parallel_loop3A_296 = vector.bitcast %parallel_loop3A_295 : vector<16xi32> to vector<16xf32>
      %parallel_loop3A_297 = arith.mulf %parallel_loop3A_292, %parallel_loop3A_266 : vector<16xf32>
      %parallel_loop3A_298 = arith.index_cast %parallel_loop3A_264 : i32 to index
      %parallel_loop3A_299 = arith.constant 32 : index
      %parallel_loop3A_300 = tpu.vector_load %arg15[%parallel_loop3A_298, %parallel_loop3A_299] {strides = array<i32>} : memref<128x128xf32, #tpu.memory_space<vmem>>, vector<16xf32>,
      tpu.vector_store %arg15[%parallel_loop3A_298, %parallel_loop3A_299], %parallel_loop3A_297 {strides = array<i32>} : memref<128x128xf32, #tpu.memory_space<vmem>>, vector<16xf32>,
      %parallel_loop3A_301 = arith.mulf %parallel_loop3A_296, %parallel_loop3A_266 : vector<16xf32>
      %parallel_loop3A_302 = arith.index_cast %parallel_loop3A_264 : i32 to index
      %parallel_loop3A_303 = arith.constant 48 : index
      %parallel_loop3A_304 = tpu.vector_load %arg15[%parallel_loop3A_302, %parallel_loop3A_303] {strides = array<i32>} : memref<128x128xf32, #tpu.memory_space<vmem>>, vector<16xf32>,
      tpu.vector_store %arg15[%parallel_loop3A_302, %parallel_loop3A_303], %parallel_loop3A_301 {strides = array<i32>} : memref<128x128xf32, #tpu.memory_space<vmem>>, vector<16xf32>,
      %parallel_loop3A_305 = arith.index_cast %parallel_loop3A_264 : i32 to index
      %parallel_loop3A_306 = arith.constant 32 : index
      %parallel_loop3A_307 = tpu.vector_load %arg14[%parallel_loop3A_305, %parallel_loop3A_306] {strides = array<i32>} : memref<128x64xi32, #tpu.memory_space<vmem>>, vector<16xi32>,
      %parallel_loop3A_308 = arith.constant 16 : i32
      %parallel_loop3A_309 = vector.broadcast %parallel_loop3A_308 : i32 to vector<16xi32>
      %parallel_loop3A_310 = arith.shli %parallel_loop3A_307, %parallel_loop3A_309 : vector<16xi32>
      %parallel_loop3A_311 = vector.bitcast %parallel_loop3A_310 : vector<16xi32> to vector<16xf32>
      %parallel_loop3A_312 = arith.constant -65536 : i32
      %parallel_loop3A_313 = vector.broadcast %parallel_loop3A_312 : i32 to vector<16xi32>
      %parallel_loop3A_314 = arith.andi %parallel_loop3A_307, %parallel_loop3A_313 : vector<16xi32>
      %parallel_loop3A_315 = vector.bitcast %parallel_loop3A_314 : vector<16xi32> to vector<16xf32>
      %parallel_loop3A_316 = arith.mulf %parallel_loop3A_311, %parallel_loop3A_266 : vector<16xf32>
      %parallel_loop3A_317 = arith.index_cast %parallel_loop3A_264 : i32 to index
      %parallel_loop3A_318 = arith.constant 64 : index
      %parallel_loop3A_319 = tpu.vector_load %arg15[%parallel_loop3A_317, %parallel_loop3A_318] {strides = array<i32>} : memref<128x128xf32, #tpu.memory_space<vmem>>, vector<16xf32>,
      tpu.vector_store %arg15[%parallel_loop3A_317, %parallel_loop3A_318], %parallel_loop3A_316 {strides = array<i32>} : memref<128x128xf32, #tpu.memory_space<vmem>>, vector<16xf32>,
      %parallel_loop3A_320 = arith.mulf %parallel_loop3A_315, %parallel_loop3A_266 : vector<16xf32>
      %parallel_loop3A_321 = arith.index_cast %parallel_loop3A_264 : i32 to index
      %parallel_loop3A_322 = arith.constant 80 : index
      %parallel_loop3A_323 = tpu.vector_load %arg15[%parallel_loop3A_321, %parallel_loop3A_322] {strides = array<i32>} : memref<128x128xf32, #tpu.memory_space<vmem>>, vector<16xf32>,
      tpu.vector_store %arg15[%parallel_loop3A_321, %parallel_loop3A_322], %parallel_loop3A_320 {strides = array<i32>} : memref<128x128xf32, #tpu.memory_space<vmem>>, vector<16xf32>,
      %parallel_loop3A_324 = arith.index_cast %parallel_loop3A_264 : i32 to index
      %parallel_loop3A_325 = arith.constant 48 : index
      %parallel_loop3A_326 = tpu.vector_load %arg14[%parallel_loop3A_324, %parallel_loop3A_325] {strides = array<i32>} : memref<128x64xi32, #tpu.memory_space<vmem>>, vector<16xi32>,
      %parallel_loop3A_327 = arith.constant 16 : i32
      %parallel_loop3A_328 = vector.broadcast %parallel_loop3A_327 : i32 to vector<16xi32>
      %parallel_loop3A_329 = arith.shli %parallel_loop3A_326, %parallel_loop3A_328 : vector<16xi32>
      %parallel_loop3A_330 = vector.bitcast %parallel_loop3A_329 : vector<16xi32> to vector<16xf32>
      %parallel_loop3A_331 = arith.constant -65536 : i32
      %parallel_loop3A_332 = vector.broadcast %parallel_loop3A_331 : i32 to vector<16xi32>
      %parallel_loop3A_333 = arith.andi %parallel_loop3A_326, %parallel_loop3A_332 : vector<16xi32>
      %parallel_loop3A_334 = vector.bitcast %parallel_loop3A_333 : vector<16xi32> to vector<16xf32>
      %parallel_loop3A_335 = arith.mulf %parallel_loop3A_330, %parallel_loop3A_266 : vector<16xf32>
      %parallel_loop3A_336 = arith.index_cast %parallel_loop3A_264 : i32 to index
      %parallel_loop3A_337 = arith.constant 96 : index
      %parallel_loop3A_338 = tpu.vector_load %arg15[%parallel_loop3A_336, %parallel_loop3A_337] {strides = array<i32>} : memref<128x128xf32, #tpu.memory_space<vmem>>, vector<16xf32>,
      tpu.vector_store %arg15[%parallel_loop3A_336, %parallel_loop3A_337], %parallel_loop3A_335 {strides = array<i32>} : memref<128x128xf32, #tpu.memory_space<vmem>>, vector<16xf32>,
      %parallel_loop3A_339 = arith.mulf %parallel_loop3A_334, %parallel_loop3A_266 : vector<16xf32>
      %parallel_loop3A_340 = arith.index_cast %parallel_loop3A_264 : i32 to index
      %parallel_loop3A_341 = arith.constant 112 : index
      %parallel_loop3A_342 = tpu.vector_load %arg15[%parallel_loop3A_340, %parallel_loop3A_341] {strides = array<i32>} : memref<128x128xf32, #tpu.memory_space<vmem>>, vector<16xf32>,
      tpu.vector_store %arg15[%parallel_loop3A_340, %parallel_loop3A_341], %parallel_loop3A_339 {strides = array<i32>} : memref<128x128xf32, #tpu.memory_space<vmem>>, vector<16xf32>,
    } {sc.loop_unroll_factor = 4 : i64, sc.parallel_access}
    %run_scoped3A_250 = arith.constant 0 : i32
    "tpu.region"() ({
      %run_scoped3A_264 = tpu.sem_alloc : memref<!tpu.dma_semaphore, #tpu.memory_space<semaphore_mem>>
      %dma_start3A_265 = arith.constant 0 : i32
      %dma_start3A_266 = tpu.memref_slice %arg10[%run_scoped3A_250, %dma_start3A_265] : memref<1x128xi32, #tpu.memory_space<vmem>> -> memref<1x128xi32, #tpu.memory_space<vmem>>
      %dma_start3A_267 = tpu.memref_squeeze %dma_start3A_266 : memref<1x128xi32, #tpu.memory_space<vmem>> -> memref<128xi32, #tpu.memory_space<vmem>>
      %dma_start3A_268 = arith.constant 0 : i32
      %dma_start3A_269 = arith.constant 0 : i32
      %dma_start3A_270 = tpu.memref_slice %arg24[%dma_start3A_268, %dma_start3A_269] : memref<10000x128xf32, #tpu.memory_space<vmem_shared>> -> memref<10000x128xf32, #tpu.memory_space<vmem_shared>>
      tpu.enqueue_indirect_dma source(%arg15 : memref<128x128xf32, #tpu.memory_space<vmem>>) target(%dma_start3A_270 : memref<10000x128xf32, #tpu.memory_space<vmem_shared>>) offsets(%dma_start3A_267 : memref<128xi32, #tpu.memory_space<vmem>>) semaphore(%run_scoped3A_264 : memref<!tpu.dma_semaphore, #tpu.memory_space<semaphore_mem>>) {add = true}
      %dma_wait3A_271 = arith.constant 0 : i32
      %dma_wait3A_272 = tpu.memref_slice %arg10[%run_scoped3A_250, %dma_wait3A_271] : memref<1x128xi32, #tpu.memory_space<vmem>> -> memref<1x128xi32, #tpu.memory_space<vmem>>
      %dma_wait3A_273 = tpu.memref_squeeze %dma_wait3A_272 : memref<1x128xi32, #tpu.memory_space<vmem>> -> memref<128xi32, #tpu.memory_space<vmem>>
      %dma_wait3A_274 = arith.constant 0 : i32
      %dma_wait3A_275 = arith.constant 0 : i32
      %dma_wait3A_276 = tpu.memref_slice %arg24[%dma_wait3A_274, %dma_wait3A_275] : memref<10000x128xf32, #tpu.memory_space<vmem_shared>> -> memref<10000x128xf32, #tpu.memory_space<vmem_shared>>
      tpu.wait_indirect_dma semaphore(%run_scoped3A_264 : memref<!tpu.dma_semaphore, #tpu.memory_space<semaphore_mem>>) src(%arg15 : memref<128x128xf32, #tpu.memory_space<vmem>>) dst(%dma_wait3A_276 : memref<10000x128xf32, #tpu.memory_space<vmem_shared>>)
      tpu.yield
    }) : () -> ()
    %barrier3A_251 = arith.constant 0 : index
    tpu.barrier barrier_id(%barrier3A_251)
    %while3A_252 = arith.constant 0 : i32
    %while3A_253 = arith.constant 0 : i32
    %while3A_254 = arith.subi %select_n3A, %while3A_252 : i32
    %while3A_255 = arith.addi %while3A_252, %while3A_254 : i32
    %while3A_256 = arith.constant 1 : i32
    %while3A_257 = arith.divsi %while3A_254, %while3A_256 : i32
    %while3A_258 = arith.muli %while3A_257, %while3A_256 : i32
    %while3A_259 = arith.addi %while3A_252, %while3A_258 : i32
    %while3A_260 = arith.constant 1 : i32
    %while3A_261 = scf.for %while3A_264 = %while3A_252 to %while3A_259 step %while3A_260 iter_args(%while3A_265 = %while3A_253) -> (i32)  : i32 {
      %mul3A_266 = arith.constant 16 : i32
      %mul3A_267 = arith.muli %while3A_264, %mul3A_266 : i32
      %add3A_268 = arith.addi %arg1, %mul3A_267 : i32
      %mul3A_269 = arith.constant 80 : i32
      %mul3A_270 = arith.muli %add3A_268, %mul3A_269 : i32
      "tpu.region"() ({
        %run_scoped3A_272 = tpu.sem_alloc : memref<!tpu.dma_semaphore, #tpu.memory_space<semaphore_mem>>
        %dma_start3A_273 = arith.constant 0 : i32
        %dma_start3A_274 = arith.constant 0 : i32
        %dma_start3A_275 = tpu.memref_slice %arg15[%dma_start3A_273, %dma_start3A_274] : memref<128x128xf32, #tpu.memory_space<vmem>> -> memref<80x128xf32, #tpu.memory_space<vmem>>
        %dma_start3A_276 = arith.constant 0 : i32
        %dma_start3A_277 = tpu.memref_slice %arg24[%mul3A_270, %dma_start3A_276] : memref<10000x128xf32, #tpu.memory_space<vmem_shared>> -> memref<80x128xf32, #tpu.memory_space<vmem_shared>>
        %dma_start3A_278 = arith.constant 0 : i32
        %dma_start3A_279 = arith.constant 0 : i32
        %dma_start3A_280 = tpu.memref_slice %arg15[%dma_start3A_278, %dma_start3A_279] : memref<128x128xf32, #tpu.memory_space<vmem>> -> memref<80x128xf32, #tpu.memory_space<vmem>>
        %dma_start3A_281 = arith.constant 0 : i32
        %dma_start3A_282 = tpu.memref_slice %arg24[%mul3A_270, %dma_start3A_281] : memref<10000x128xf32, #tpu.memory_space<vmem_shared>> -> memref<80x128xf32, #tpu.memory_space<vmem_shared>>
        tpu.enqueue_dma source(%dma_start3A_282 : memref<80x128xf32, #tpu.memory_space<vmem_shared>>) target(%dma_start3A_280 : memref<80x128xf32, #tpu.memory_space<vmem>>) target_semaphore(%run_scoped3A_272 : memref<!tpu.dma_semaphore, #tpu.memory_space<semaphore_mem>>)
        %dma_wait3A_283 = arith.constant 0 : i32
        %dma_wait3A_284 = arith.constant 0 : i32
        %dma_wait3A_285 = tpu.memref_slice %arg15[%dma_wait3A_283, %dma_wait3A_284] : memref<128x128xf32, #tpu.memory_space<vmem>> -> memref<80x128xf32, #tpu.memory_space<vmem>>
        %dma_wait3A_286 = arith.constant 0 : i32
        %dma_wait3A_287 = tpu.memref_slice %arg24[%mul3A_270, %dma_wait3A_286] : memref<10000x128xf32, #tpu.memory_space<vmem_shared>> -> memref<80x128xf32, #tpu.memory_space<vmem_shared>>
        %dma_wait3A_288 = arith.constant 0 : i32
        %dma_wait3A_289 = arith.constant 0 : i32
        %dma_wait3A_290 = tpu.memref_slice %arg15[%dma_wait3A_288, %dma_wait3A_289] : memref<128x128xf32, #tpu.memory_space<vmem>> -> memref<80x128xf32, #tpu.memory_space<vmem>>
        %dma_wait3A_291 = arith.constant 0 : i32
        %dma_wait3A_292 = tpu.memref_slice %arg24[%mul3A_270, %dma_wait3A_291] : memref<10000x128xf32, #tpu.memory_space<vmem_shared>> -> memref<80x128xf32, #tpu.memory_space<vmem_shared>>
        tpu.wait_dma2 semaphore(%run_scoped3A_272 : memref<!tpu.dma_semaphore, #tpu.memory_space<semaphore_mem>>) src(%dma_wait3A_292 : memref<80x128xf32, #tpu.memory_space<vmem_shared>>) dst(%dma_wait3A_290 : memref<80x128xf32, #tpu.memory_space<vmem>>)
        tpu.yield
      }) : () -> ()
      "tpu.region"() ({
        %run_scoped3A_272 = tpu.sem_alloc : memref<!tpu.dma_semaphore, #tpu.memory_space<semaphore_mem>>
        %dma_start3A_273 = arith.constant 0 : i32
        %dma_start3A_274 = arith.constant 0 : i32
        %dma_start3A_275 = tpu.memref_slice %arg15[%dma_start3A_273, %dma_start3A_274] : memref<128x128xf32, #tpu.memory_space<vmem>> -> memref<80x128xf32, #tpu.memory_space<vmem>>
        %dma_start3A_276 = arith.constant 0 : i32
        %dma_start3A_277 = arith.constant 0 : i32
        %dma_start3A_278 = tpu.memref_slice %arg6[%arg0, %dma_start3A_276, %dma_start3A_277] : memref<2x10000x128xf32, #tpu.memory_space<hbm>> -> memref<1x10000x128xf32, #tpu.memory_space<hbm>>
        %dma_start3A_279 = tpu.memref_squeeze %dma_start3A_278 : memref<1x10000x128xf32, #tpu.memory_space<hbm>> -> memref<10000x128xf32, #tpu.memory_space<hbm>>
        %dma_start3A_280 = arith.constant 0 : i32
        %dma_start3A_281 = tpu.memref_slice %dma_start3A_279[%mul3A_270, %dma_start3A_280] : memref<10000x128xf32, #tpu.memory_space<hbm>> -> memref<80x128xf32, #tpu.memory_space<hbm>>
        %dma_start3A_282 = arith.constant 0 : i32
        %dma_start3A_283 = arith.constant 0 : i32
        %dma_start3A_284 = tpu.memref_slice %arg6[%arg0, %dma_start3A_282, %dma_start3A_283] : memref<2x10000x128xf32, #tpu.memory_space<hbm>> -> memref<1x10000x128xf32, #tpu.memory_space<hbm>>
        %dma_start3A_285 = tpu.memref_squeeze %dma_start3A_284 : memref<1x10000x128xf32, #tpu.memory_space<hbm>> -> memref<10000x128xf32, #tpu.memory_space<hbm>>
        %dma_start3A_286 = arith.constant 0 : i32
        %dma_start3A_287 = tpu.memref_slice %dma_start3A_285[%mul3A_270, %dma_start3A_286] : memref<10000x128xf32, #tpu.memory_space<hbm>> -> memref<80x128xf32, #tpu.memory_space<hbm>>
        %dma_start3A_288 = arith.constant 0 : i32
        %dma_start3A_289 = arith.constant 0 : i32
        %dma_start3A_290 = tpu.memref_slice %arg15[%dma_start3A_288, %dma_start3A_289] : memref<128x128xf32, #tpu.memory_space<vmem>> -> memref<80x128xf32, #tpu.memory_space<vmem>>
        tpu.enqueue_dma source(%dma_start3A_290 : memref<80x128xf32, #tpu.memory_space<vmem>>) target(%dma_start3A_287 : memref<80x128xf32, #tpu.memory_space<hbm>>) target_semaphore(%run_scoped3A_272 : memref<!tpu.dma_semaphore, #tpu.memory_space<semaphore_mem>>)
        %dma_wait3A_291 = arith.constant 0 : i32
        %dma_wait3A_292 = arith.constant 0 : i32
        %dma_wait3A_293 = tpu.memref_slice %arg15[%dma_wait3A_291, %dma_wait3A_292] : memref<128x128xf32, #tpu.memory_space<vmem>> -> memref<80x128xf32, #tpu.memory_space<vmem>>
        %dma_wait3A_294 = arith.constant 0 : i32
        %dma_wait3A_295 = arith.constant 0 : i32
        %dma_wait3A_296 = tpu.memref_slice %arg6[%arg0, %dma_wait3A_294, %dma_wait3A_295] : memref<2x10000x128xf32, #tpu.memory_space<hbm>> -> memref<1x10000x128xf32, #tpu.memory_space<hbm>>
        %dma_wait3A_297 = tpu.memref_squeeze %dma_wait3A_296 : memref<1x10000x128xf32, #tpu.memory_space<hbm>> -> memref<10000x128xf32, #tpu.memory_space<hbm>>
        %dma_wait3A_298 = arith.constant 0 : i32
        %dma_wait3A_299 = tpu.memref_slice %dma_wait3A_297[%mul3A_270, %dma_wait3A_298] : memref<10000x128xf32, #tpu.memory_space<hbm>> -> memref<80x128xf32, #tpu.memory_space<hbm>>
        %dma_wait3A_300 = arith.constant 0 : i32
        %dma_wait3A_301 = arith.constant 0 : i32
        %dma_wait3A_302 = tpu.memref_slice %arg6[%arg0, %dma_wait3A_300, %dma_wait3A_301] : memref<2x10000x128xf32, #tpu.memory_space<hbm>> -> memref<1x10000x128xf32, #tpu.memory_space<hbm>>
        %dma_wait3A_303 = tpu.memref_squeeze %dma_wait3A_302 : memref<1x10000x128xf32, #tpu.memory_space<hbm>> -> memref<10000x128xf32, #tpu.memory_space<hbm>>
        %dma_wait3A_304 = arith.constant 0 : i32
        %dma_wait3A_305 = tpu.memref_slice %dma_wait3A_303[%mul3A_270, %dma_wait3A_304] : memref<10000x128xf32, #tpu.memory_space<hbm>> -> memref<80x128xf32, #tpu.memory_space<hbm>>
        %dma_wait3A_306 = arith.constant 0 : i32
        %dma_wait3A_307 = arith.constant 0 : i32
        %dma_wait3A_308 = tpu.memref_slice %arg15[%dma_wait3A_306, %dma_wait3A_307] : memref<128x128xf32, #tpu.memory_space<vmem>> -> memref<80x128xf32, #tpu.memory_space<vmem>>
        tpu.wait_dma2 semaphore(%run_scoped3A_272 : memref<!tpu.dma_semaphore, #tpu.memory_space<semaphore_mem>>) src(%dma_wait3A_308 : memref<80x128xf32, #tpu.memory_space<vmem>>) dst(%dma_wait3A_305 : memref<80x128xf32, #tpu.memory_space<hbm>>)
        tpu.yield
      }) : () -> ()
      %while3A_271 = arith.constant 0 : i32
      scf.yield %while3A_271 : i32
    }
    %while3A_262 = arith.constant 1 : i32
    %while3A_263 = scf.for %while3A_264 = %while3A_259 to %while3A_255 step %while3A_262 iter_args(%while3A_265 = %while3A_261) -> (i32)  : i32 {
      %mul3A_266 = arith.constant 16 : i32
      %mul3A_267 = arith.muli %while3A_264, %mul3A_266 : i32
      %add3A_268 = arith.addi %arg1, %mul3A_267 : i32
      %mul3A_269 = arith.constant 80 : i32
      %mul3A_270 = arith.muli %add3A_268, %mul3A_269 : i32
      "tpu.region"() ({
        %run_scoped3A_272 = tpu.sem_alloc : memref<!tpu.dma_semaphore, #tpu.memory_space<semaphore_mem>>
        %dma_start3A_273 = arith.constant 0 : i32
        %dma_start3A_274 = arith.constant 0 : i32
        %dma_start3A_275 = tpu.memref_slice %arg15[%dma_start3A_273, %dma_start3A_274] : memref<128x128xf32, #tpu.memory_space<vmem>> -> memref<80x128xf32, #tpu.memory_space<vmem>>
        %dma_start3A_276 = arith.constant 0 : i32
        %dma_start3A_277 = tpu.memref_slice %arg24[%mul3A_270, %dma_start3A_276] : memref<10000x128xf32, #tpu.memory_space<vmem_shared>> -> memref<80x128xf32, #tpu.memory_space<vmem_shared>>
        %dma_start3A_278 = arith.constant 0 : i32
        %dma_start3A_279 = arith.constant 0 : i32
        %dma_start3A_280 = tpu.memref_slice %arg15[%dma_start3A_278, %dma_start3A_279] : memref<128x128xf32, #tpu.memory_space<vmem>> -> memref<80x128xf32, #tpu.memory_space<vmem>>
        %dma_start3A_281 = arith.constant 0 : i32
        %dma_start3A_282 = tpu.memref_slice %arg24[%mul3A_270, %dma_start3A_281] : memref<10000x128xf32, #tpu.memory_space<vmem_shared>> -> memref<80x128xf32, #tpu.memory_space<vmem_shared>>
        tpu.enqueue_dma source(%dma_start3A_282 : memref<80x128xf32, #tpu.memory_space<vmem_shared>>) target(%dma_start3A_280 : memref<80x128xf32, #tpu.memory_space<vmem>>) target_semaphore(%run_scoped3A_272 : memref<!tpu.dma_semaphore, #tpu.memory_space<semaphore_mem>>)
        %dma_wait3A_283 = arith.constant 0 : i32
        %dma_wait3A_284 = arith.constant 0 : i32
        %dma_wait3A_285 = tpu.memref_slice %arg15[%dma_wait3A_283, %dma_wait3A_284] : memref<128x128xf32, #tpu.memory_space<vmem>> -> memref<80x128xf32, #tpu.memory_space<vmem>>
        %dma_wait3A_286 = arith.constant 0 : i32
        %dma_wait3A_287 = tpu.memref_slice %arg24[%mul3A_270, %dma_wait3A_286] : memref<10000x128xf32, #tpu.memory_space<vmem_shared>> -> memref<80x128xf32, #tpu.memory_space<vmem_shared>>
        %dma_wait3A_288 = arith.constant 0 : i32
        %dma_wait3A_289 = arith.constant 0 : i32
        %dma_wait3A_290 = tpu.memref_slice %arg15[%dma_wait3A_288, %dma_wait3A_289] : memref<128x128xf32, #tpu.memory_space<vmem>> -> memref<80x128xf32, #tpu.memory_space<vmem>>
        %dma_wait3A_291 = arith.constant 0 : i32
        %dma_wait3A_292 = tpu.memref_slice %arg24[%mul3A_270, %dma_wait3A_291] : memref<10000x128xf32, #tpu.memory_space<vmem_shared>> -> memref<80x128xf32, #tpu.memory_space<vmem_shared>>
        tpu.wait_dma2 semaphore(%run_scoped3A_272 : memref<!tpu.dma_semaphore, #tpu.memory_space<semaphore_mem>>) src(%dma_wait3A_292 : memref<80x128xf32, #tpu.memory_space<vmem_shared>>) dst(%dma_wait3A_290 : memref<80x128xf32, #tpu.memory_space<vmem>>)
        tpu.yield
      }) : () -> ()
      "tpu.region"() ({
        %run_scoped3A_272 = tpu.sem_alloc : memref<!tpu.dma_semaphore, #tpu.memory_space<semaphore_mem>>
        %dma_start3A_273 = arith.constant 0 : i32
        %dma_start3A_274 = arith.constant 0 : i32
        %dma_start3A_275 = tpu.memref_slice %arg15[%dma_start3A_273, %dma_start3A_274] : memref<128x128xf32, #tpu.memory_space<vmem>> -> memref<80x128xf32, #tpu.memory_space<vmem>>
        %dma_start3A_276 = arith.constant 0 : i32
        %dma_start3A_277 = arith.constant 0 : i32
        %dma_start3A_278 = tpu.memref_slice %arg6[%arg0, %dma_start3A_276, %dma_start3A_277] : memref<2x10000x128xf32, #tpu.memory_space<hbm>> -> memref<1x10000x128xf32, #tpu.memory_space<hbm>>
        %dma_start3A_279 = tpu.memref_squeeze %dma_start3A_278 : memref<1x10000x128xf32, #tpu.memory_space<hbm>> -> memref<10000x128xf32, #tpu.memory_space<hbm>>
        %dma_start3A_280 = arith.constant 0 : i32
        %dma_start3A_281 = tpu.memref_slice %dma_start3A_279[%mul3A_270, %dma_start3A_280] : memref<10000x128xf32, #tpu.memory_space<hbm>> -> memref<80x128xf32, #tpu.memory_space<hbm>>
        %dma_start3A_282 = arith.constant 0 : i32
        %dma_start3A_283 = arith.constant 0 : i32
        %dma_start3A_284 = tpu.memref_slice %arg6[%arg0, %dma_start3A_282, %dma_start3A_283] : memref<2x10000x128xf32, #tpu.memory_space<hbm>> -> memref<1x10000x128xf32, #tpu.memory_space<hbm>>
        %dma_start3A_285 = tpu.memref_squeeze %dma_start3A_284 : memref<1x10000x128xf32, #tpu.memory_space<hbm>> -> memref<10000x128xf32, #tpu.memory_space<hbm>>
        %dma_start3A_286 = arith.constant 0 : i32
        %dma_start3A_287 = tpu.memref_slice %dma_start3A_285[%mul3A_270, %dma_start3A_286] : memref<10000x128xf32, #tpu.memory_space<hbm>> -> memref<80x128xf32, #tpu.memory_space<hbm>>
        %dma_start3A_288 = arith.constant 0 : i32
        %dma_start3A_289 = arith.constant 0 : i32
        %dma_start3A_290 = tpu.memref_slice %arg15[%dma_start3A_288, %dma_start3A_289] : memref<128x128xf32, #tpu.memory_space<vmem>> -> memref<80x128xf32, #tpu.memory_space<vmem>>
        tpu.enqueue_dma source(%dma_start3A_290 : memref<80x128xf32, #tpu.memory_space<vmem>>) target(%dma_start3A_287 : memref<80x128xf32, #tpu.memory_space<hbm>>) target_semaphore(%run_scoped3A_272 : memref<!tpu.dma_semaphore, #tpu.memory_space<semaphore_mem>>)
        %dma_wait3A_291 = arith.constant 0 : i32
        %dma_wait3A_292 = arith.constant 0 : i32
        %dma_wait3A_293 = tpu.memref_slice %arg15[%dma_wait3A_291, %dma_wait3A_292] : memref<128x128xf32, #tpu.memory_space<vmem>> -> memref<80x128xf32, #tpu.memory_space<vmem>>
        %dma_wait3A_294 = arith.constant 0 : i32
        %dma_wait3A_295 = arith.constant 0 : i32
        %dma_wait3A_296 = tpu.memref_slice %arg6[%arg0, %dma_wait3A_294, %dma_wait3A_295] : memref<2x10000x128xf32, #tpu.memory_space<hbm>> -> memref<1x10000x128xf32, #tpu.memory_space<hbm>>
        %dma_wait3A_297 = tpu.memref_squeeze %dma_wait3A_296 : memref<1x10000x128xf32, #tpu.memory_space<hbm>> -> memref<10000x128xf32, #tpu.memory_space<hbm>>
        %dma_wait3A_298 = arith.constant 0 : i32
        %dma_wait3A_299 = tpu.memref_slice %dma_wait3A_297[%mul3A_270, %dma_wait3A_298] : memref<10000x128xf32, #tpu.memory_space<hbm>> -> memref<80x128xf32, #tpu.memory_space<hbm>>
        %dma_wait3A_300 = arith.constant 0 : i32
        %dma_wait3A_301 = arith.constant 0 : i32
        %dma_wait3A_302 = tpu.memref_slice %arg6[%arg0, %dma_wait3A_300, %dma_wait3A_301] : memref<2x10000x128xf32, #tpu.memory_space<hbm>> -> memref<1x10000x128xf32, #tpu.memory_space<hbm>>
        %dma_wait3A_303 = tpu.memref_squeeze %dma_wait3A_302 : memref<1x10000x128xf32, #tpu.memory_space<hbm>> -> memref<10000x128xf32, #tpu.memory_space<hbm>>
        %dma_wait3A_304 = arith.constant 0 : i32
        %dma_wait3A_305 = tpu.memref_slice %dma_wait3A_303[%mul3A_270, %dma_wait3A_304] : memref<10000x128xf32, #tpu.memory_space<hbm>> -> memref<80x128xf32, #tpu.memory_space<hbm>>
        %dma_wait3A_306 = arith.constant 0 : i32
        %dma_wait3A_307 = arith.constant 0 : i32
        %dma_wait3A_308 = tpu.memref_slice %arg15[%dma_wait3A_306, %dma_wait3A_307] : memref<128x128xf32, #tpu.memory_space<vmem>> -> memref<80x128xf32, #tpu.memory_space<vmem>>
        tpu.wait_dma2 semaphore(%run_scoped3A_272 : memref<!tpu.dma_semaphore, #tpu.memory_space<semaphore_mem>>) src(%dma_wait3A_308 : memref<80x128xf32, #tpu.memory_space<vmem>>) dst(%dma_wait3A_305 : memref<80x128xf32, #tpu.memory_space<hbm>>)
        tpu.yield
      }) : () -> ()
      %while3A_271 = arith.constant 0 : i32
      scf.yield %while3A_271 : i32
    }
    return
  }
}

#map = affine_map<(d0, d1) -> (0, 0)>
#map1 = affine_map<(d0, d1) -> (0, 0, 0, 0)>
#map2 = affine_map<(d0, d1) -> (0, 0, 0)>
module attributes {stable_mosaic.version = 14 : i64} {
  func.func @spmm(%arg0: i32, %arg1: i32, %arg2: memref<10000x32xi32, #tpu.memory_space<hbm>>, %arg3: memref<32x80x1x128xi32, #tpu.memory_space<hbm>>, %arg4: memref<32x80x1x128xi32, #tpu.memory_space<hbm>>, %arg5: memref<32x10240xf32, #tpu.memory_space<hbm>>, %arg6: memref<2x10000x64xf32, #tpu.memory_space<hbm>>, %arg7: memref<1x128xi32, #tpu.memory_space<vmem>>, %arg8: memref<1x128xi32, #tpu.memory_space<vmem>>, %arg9: memref<1x128xi32, #tpu.memory_space<vmem>>, %arg10: memref<1x128xi32, #tpu.memory_space<vmem>>, %arg11: memref<128xf32, #tpu.memory_space<vmem>>, %arg12: memref<128xf32, #tpu.memory_space<vmem>>, %arg13: memref<128x32xi32, #tpu.memory_space<vmem>>, %arg14: memref<128x32xi32, #tpu.memory_space<vmem>>, %arg15: memref<128x64xf32, #tpu.memory_space<vmem>>, %arg16: memref<!tpu.dma_semaphore, #tpu.memory_space<semaphore_mem>>, %arg17: memref<!tpu.dma_semaphore, #tpu.memory_space<semaphore_mem>>, %arg18: memref<!tpu.dma_semaphore, #tpu.memory_space<semaphore_mem>>, %arg19: memref<!tpu.dma_semaphore, #tpu.memory_space<semaphore_mem>>, %arg20: memref<!tpu.dma_semaphore, #tpu.memory_space<semaphore_mem>>, %arg21: memref<!tpu.dma_semaphore, #tpu.memory_space<semaphore_mem>>, %arg22: memref<!tpu.dma_semaphore, #tpu.memory_space<semaphore_mem>>, %arg23: memref<!tpu.dma_semaphore, #tpu.memory_space<semaphore_mem>>, %arg24: memref<10000x64xf32, #tpu.memory_space<vmem_shared>>) attributes {dimension_semantics = [#tpu.dimension_semantics<core_parallel>, #tpu.dimension_semantics<subcore_parallel>], iteration_bounds = array<i64: 2, 16>, scalar_prefetch = 0 : i64, scratch_operands = 18 : i64, tpu.core_type = #tpu.core_type<sc_vector_subcore>, window_params = [{transform_indices = #map}, {transform_indices = #map1}, {transform_indices = #map1}, {transform_indices = #map}, {transform_indices = #map2}]} {
    %mul3A = arith.constant 2 : i32
    %mul3A_0 = arith.muli %arg1, %mul3A : i32
    %add3A = arith.addi %mul3A_0, %arg0 : i32
    %lt3A = arith.constant 13 : i32
    %lt3A_1 = arith.cmpi slt, %arg1, %lt3A : i32
    %jit3A = arith.constant 8 : i32
    %jit3A_2 = arith.constant 7 : i32
    %select_n3A = arith.select %lt3A_1, %jit3A, %jit3A_2 : i32
    %scan3A = arith.constant 0 : i32
    %scan3A_3 = arith.constant 0 : i32
    %scan3A_4 = arith.constant 80 : i32
    %scan3A_5 = arith.addi %scan3A_3, %scan3A_4 : i32
    %scan3A_6 = arith.constant 1 : i32
    %scan3A_7 = scf.for %scan3A_264 = %scan3A_3 to %scan3A_5 step %scan3A_6 iter_args(%scan3A_265 = %scan3A) -> (i32)  : i32 {
      %broadcast_in_dim3A = arith.constant 0.000000e+00 : f32
      %broadcast_in_dim3A_266 = vector.broadcast %broadcast_in_dim3A : f32 to vector<16xf32>
      %swap3A = arith.index_cast %scan3A_264 : i32 to index
      %swap3A_267 = arith.constant 0 : index
      %swap3A_268 = tpu.vector_load %arg15[%swap3A, %swap3A_267] {strides = array<i32>} : memref<128x64xf32, #tpu.memory_space<vmem>>, vector<16xf32>,
      tpu.vector_store %arg15[%swap3A, %swap3A_267], %broadcast_in_dim3A_266 {strides = array<i32>} : memref<128x64xf32, #tpu.memory_space<vmem>>, vector<16xf32>,
      %broadcast_in_dim3A_269 = arith.constant 0.000000e+00 : f32
      %broadcast_in_dim3A_270 = vector.broadcast %broadcast_in_dim3A_269 : f32 to vector<16xf32>
      %swap3A_271 = arith.index_cast %scan3A_264 : i32 to index
      %swap3A_272 = arith.constant 16 : index
      %swap3A_273 = tpu.vector_load %arg15[%swap3A_271, %swap3A_272] {strides = array<i32>} : memref<128x64xf32, #tpu.memory_space<vmem>>, vector<16xf32>,
      tpu.vector_store %arg15[%swap3A_271, %swap3A_272], %broadcast_in_dim3A_270 {strides = array<i32>} : memref<128x64xf32, #tpu.memory_space<vmem>>, vector<16xf32>,
      %broadcast_in_dim3A_274 = arith.constant 0.000000e+00 : f32
      %broadcast_in_dim3A_275 = vector.broadcast %broadcast_in_dim3A_274 : f32 to vector<16xf32>
      %swap3A_276 = arith.index_cast %scan3A_264 : i32 to index
      %swap3A_277 = arith.constant 32 : index
      %swap3A_278 = tpu.vector_load %arg15[%swap3A_276, %swap3A_277] {strides = array<i32>} : memref<128x64xf32, #tpu.memory_space<vmem>>, vector<16xf32>,
      tpu.vector_store %arg15[%swap3A_276, %swap3A_277], %broadcast_in_dim3A_275 {strides = array<i32>} : memref<128x64xf32, #tpu.memory_space<vmem>>, vector<16xf32>,
      %broadcast_in_dim3A_279 = arith.constant 0.000000e+00 : f32
      %broadcast_in_dim3A_280 = vector.broadcast %broadcast_in_dim3A_279 : f32 to vector<16xf32>
      %swap3A_281 = arith.index_cast %scan3A_264 : i32 to index
      %swap3A_282 = arith.constant 48 : index
      %swap3A_283 = tpu.vector_load %arg15[%swap3A_281, %swap3A_282] {strides = array<i32>} : memref<128x64xf32, #tpu.memory_space<vmem>>, vector<16xf32>,
      tpu.vector_store %arg15[%swap3A_281, %swap3A_282], %broadcast_in_dim3A_280 {strides = array<i32>} : memref<128x64xf32, #tpu.memory_space<vmem>>, vector<16xf32>,
      %scan3A_284 = arith.constant 0 : i32
      scf.yield %scan3A_284 : i32
    }
    %scan3A_8 = arith.constant 80 : i32
    %while3A = arith.constant 0 : i32
    %while3A_9 = arith.constant 0 : i32
    %while3A_10 = arith.subi %select_n3A, %while3A : i32
    %while3A_11 = arith.addi %while3A, %while3A_10 : i32
    %while3A_12 = arith.constant 1 : i32
    %while3A_13 = arith.divsi %while3A_10, %while3A_12 : i32
    %while3A_14 = arith.muli %while3A_13, %while3A_12 : i32
    %while3A_15 = arith.addi %while3A, %while3A_14 : i32
    %while3A_16 = arith.constant 1 : i32
    %while3A_17 = scf.for %while3A_264 = %while3A to %while3A_15 step %while3A_16 iter_args(%while3A_265 = %while3A_9) -> (i32)  : i32 {
      %mul3A_266 = arith.constant 16 : i32
      %mul3A_267 = arith.muli %while3A_264, %mul3A_266 : i32
      %add3A_268 = arith.addi %arg1, %mul3A_267 : i32
      %mul3A_269 = arith.constant 80 : i32
      %mul3A_270 = arith.muli %add3A_268, %mul3A_269 : i32
      "tpu.region"() ({
        %run_scoped3A_272 = tpu.sem_alloc : memref<!tpu.dma_semaphore, #tpu.memory_space<semaphore_mem>>
        %dma_start3A_273 = arith.constant 0 : i32
        %dma_start3A_274 = arith.constant 0 : i32
        %dma_start3A_275 = tpu.memref_slice %arg15[%dma_start3A_273, %dma_start3A_274] : memref<128x64xf32, #tpu.memory_space<vmem>> -> memref<80x64xf32, #tpu.memory_space<vmem>>
        %dma_start3A_276 = arith.constant 0 : i32
        %dma_start3A_277 = tpu.memref_slice %arg24[%mul3A_270, %dma_start3A_276] : memref<10000x64xf32, #tpu.memory_space<vmem_shared>> -> memref<80x64xf32, #tpu.memory_space<vmem_shared>>
        %dma_start3A_278 = arith.constant 0 : i32
        %dma_start3A_279 = tpu.memref_slice %arg24[%mul3A_270, %dma_start3A_278] : memref<10000x64xf32, #tpu.memory_space<vmem_shared>> -> memref<80x64xf32, #tpu.memory_space<vmem_shared>>
        %dma_start3A_280 = arith.constant 0 : i32
        %dma_start3A_281 = arith.constant 0 : i32
        %dma_start3A_282 = tpu.memref_slice %arg15[%dma_start3A_280, %dma_start3A_281] : memref<128x64xf32, #tpu.memory_space<vmem>> -> memref<80x64xf32, #tpu.memory_space<vmem>>
        tpu.enqueue_dma source(%dma_start3A_282 : memref<80x64xf32, #tpu.memory_space<vmem>>) target(%dma_start3A_279 : memref<80x64xf32, #tpu.memory_space<vmem_shared>>) target_semaphore(%run_scoped3A_272 : memref<!tpu.dma_semaphore, #tpu.memory_space<semaphore_mem>>)
        %dma_wait3A_283 = arith.constant 0 : i32
        %dma_wait3A_284 = arith.constant 0 : i32
        %dma_wait3A_285 = tpu.memref_slice %arg15[%dma_wait3A_283, %dma_wait3A_284] : memref<128x64xf32, #tpu.memory_space<vmem>> -> memref<80x64xf32, #tpu.memory_space<vmem>>
        %dma_wait3A_286 = arith.constant 0 : i32
        %dma_wait3A_287 = tpu.memref_slice %arg24[%mul3A_270, %dma_wait3A_286] : memref<10000x64xf32, #tpu.memory_space<vmem_shared>> -> memref<80x64xf32, #tpu.memory_space<vmem_shared>>
        %dma_wait3A_288 = arith.constant 0 : i32
        %dma_wait3A_289 = tpu.memref_slice %arg24[%mul3A_270, %dma_wait3A_288] : memref<10000x64xf32, #tpu.memory_space<vmem_shared>> -> memref<80x64xf32, #tpu.memory_space<vmem_shared>>
        %dma_wait3A_290 = arith.constant 0 : i32
        %dma_wait3A_291 = arith.constant 0 : i32
        %dma_wait3A_292 = tpu.memref_slice %arg15[%dma_wait3A_290, %dma_wait3A_291] : memref<128x64xf32, #tpu.memory_space<vmem>> -> memref<80x64xf32, #tpu.memory_space<vmem>>
        tpu.wait_dma2 semaphore(%run_scoped3A_272 : memref<!tpu.dma_semaphore, #tpu.memory_space<semaphore_mem>>) src(%dma_wait3A_292 : memref<80x64xf32, #tpu.memory_space<vmem>>) dst(%dma_wait3A_289 : memref<80x64xf32, #tpu.memory_space<vmem_shared>>)
        tpu.yield
      }) : () -> ()
      %while3A_271 = arith.constant 0 : i32
      scf.yield %while3A_271 : i32
    }
    %while3A_18 = arith.constant 1 : i32
    %while3A_19 = scf.for %while3A_264 = %while3A_15 to %while3A_11 step %while3A_18 iter_args(%while3A_265 = %while3A_17) -> (i32)  : i32 {
      %mul3A_266 = arith.constant 16 : i32
      %mul3A_267 = arith.muli %while3A_264, %mul3A_266 : i32
      %add3A_268 = arith.addi %arg1, %mul3A_267 : i32
      %mul3A_269 = arith.constant 80 : i32
      %mul3A_270 = arith.muli %add3A_268, %mul3A_269 : i32
      "tpu.region"() ({
        %run_scoped3A_272 = tpu.sem_alloc : memref<!tpu.dma_semaphore, #tpu.memory_space<semaphore_mem>>
        %dma_start3A_273 = arith.constant 0 : i32
        %dma_start3A_274 = arith.constant 0 : i32
        %dma_start3A_275 = tpu.memref_slice %arg15[%dma_start3A_273, %dma_start3A_274] : memref<128x64xf32, #tpu.memory_space<vmem>> -> memref<80x64xf32, #tpu.memory_space<vmem>>
        %dma_start3A_276 = arith.constant 0 : i32
        %dma_start3A_277 = tpu.memref_slice %arg24[%mul3A_270, %dma_start3A_276] : memref<10000x64xf32, #tpu.memory_space<vmem_shared>> -> memref<80x64xf32, #tpu.memory_space<vmem_shared>>
        %dma_start3A_278 = arith.constant 0 : i32
        %dma_start3A_279 = tpu.memref_slice %arg24[%mul3A_270, %dma_start3A_278] : memref<10000x64xf32, #tpu.memory_space<vmem_shared>> -> memref<80x64xf32, #tpu.memory_space<vmem_shared>>
        %dma_start3A_280 = arith.constant 0 : i32
        %dma_start3A_281 = arith.constant 0 : i32
        %dma_start3A_282 = tpu.memref_slice %arg15[%dma_start3A_280, %dma_start3A_281] : memref<128x64xf32, #tpu.memory_space<vmem>> -> memref<80x64xf32, #tpu.memory_space<vmem>>
        tpu.enqueue_dma source(%dma_start3A_282 : memref<80x64xf32, #tpu.memory_space<vmem>>) target(%dma_start3A_279 : memref<80x64xf32, #tpu.memory_space<vmem_shared>>) target_semaphore(%run_scoped3A_272 : memref<!tpu.dma_semaphore, #tpu.memory_space<semaphore_mem>>)
        %dma_wait3A_283 = arith.constant 0 : i32
        %dma_wait3A_284 = arith.constant 0 : i32
        %dma_wait3A_285 = tpu.memref_slice %arg15[%dma_wait3A_283, %dma_wait3A_284] : memref<128x64xf32, #tpu.memory_space<vmem>> -> memref<80x64xf32, #tpu.memory_space<vmem>>
        %dma_wait3A_286 = arith.constant 0 : i32
        %dma_wait3A_287 = tpu.memref_slice %arg24[%mul3A_270, %dma_wait3A_286] : memref<10000x64xf32, #tpu.memory_space<vmem_shared>> -> memref<80x64xf32, #tpu.memory_space<vmem_shared>>
        %dma_wait3A_288 = arith.constant 0 : i32
        %dma_wait3A_289 = tpu.memref_slice %arg24[%mul3A_270, %dma_wait3A_288] : memref<10000x64xf32, #tpu.memory_space<vmem_shared>> -> memref<80x64xf32, #tpu.memory_space<vmem_shared>>
        %dma_wait3A_290 = arith.constant 0 : i32
        %dma_wait3A_291 = arith.constant 0 : i32
        %dma_wait3A_292 = tpu.memref_slice %arg15[%dma_wait3A_290, %dma_wait3A_291] : memref<128x64xf32, #tpu.memory_space<vmem>> -> memref<80x64xf32, #tpu.memory_space<vmem>>
        tpu.wait_dma2 semaphore(%run_scoped3A_272 : memref<!tpu.dma_semaphore, #tpu.memory_space<semaphore_mem>>) src(%dma_wait3A_292 : memref<80x64xf32, #tpu.memory_space<vmem>>) dst(%dma_wait3A_289 : memref<80x64xf32, #tpu.memory_space<vmem_shared>>)
        tpu.yield
      }) : () -> ()
      %while3A_271 = arith.constant 0 : i32
      scf.yield %while3A_271 : i32
    }
    %barrier3A = arith.constant 0 : index
    tpu.barrier barrier_id(%barrier3A)
    %dma_start3A = arith.constant 0 : i32
    %dma_start3A_20 = arith.constant 0 : i32
    %dma_start3A_21 = arith.constant 0 : i32
    %dma_start3A_22 = arith.constant 0 : i32
    %dma_start3A_23 = tpu.memref_slice %arg3[%add3A, %dma_start3A_20, %dma_start3A_21, %dma_start3A_22] : memref<32x80x1x128xi32, #tpu.memory_space<hbm>> -> memref<1x80x1x128xi32, #tpu.memory_space<hbm>>
    %dma_start3A_24 = tpu.memref_squeeze %dma_start3A_23 : memref<1x80x1x128xi32, #tpu.memory_space<hbm>> -> memref<80x1x128xi32, #tpu.memory_space<hbm>>
    %dma_start3A_25 = arith.constant 0 : i32
    %dma_start3A_26 = arith.constant 0 : i32
    %dma_start3A_27 = tpu.memref_slice %dma_start3A_24[%dma_start3A, %dma_start3A_25, %dma_start3A_26] : memref<80x1x128xi32, #tpu.memory_space<hbm>> -> memref<1x1x128xi32, #tpu.memory_space<hbm>>
    %dma_start3A_28 = tpu.memref_squeeze %dma_start3A_27 : memref<1x1x128xi32, #tpu.memory_space<hbm>> -> memref<1x128xi32, #tpu.memory_space<hbm>>
    %dma_start3A_29 = arith.constant 0 : i32
    %dma_start3A_30 = arith.constant 0 : i32
    %dma_start3A_31 = arith.constant 0 : i32
    %dma_start3A_32 = tpu.memref_slice %arg3[%add3A, %dma_start3A_29, %dma_start3A_30, %dma_start3A_31] : memref<32x80x1x128xi32, #tpu.memory_space<hbm>> -> memref<1x80x1x128xi32, #tpu.memory_space<hbm>>
    %dma_start3A_33 = tpu.memref_squeeze %dma_start3A_32 : memref<1x80x1x128xi32, #tpu.memory_space<hbm>> -> memref<80x1x128xi32, #tpu.memory_space<hbm>>
    %dma_start3A_34 = arith.constant 0 : i32
    %dma_start3A_35 = arith.constant 0 : i32
    %dma_start3A_36 = tpu.memref_slice %dma_start3A_33[%dma_start3A, %dma_start3A_34, %dma_start3A_35] : memref<80x1x128xi32, #tpu.memory_space<hbm>> -> memref<1x1x128xi32, #tpu.memory_space<hbm>>
    %dma_start3A_37 = tpu.memref_squeeze %dma_start3A_36 : memref<1x1x128xi32, #tpu.memory_space<hbm>> -> memref<1x128xi32, #tpu.memory_space<hbm>>
    tpu.enqueue_dma source(%dma_start3A_37 : memref<1x128xi32, #tpu.memory_space<hbm>>) target(%arg7 : memref<1x128xi32, #tpu.memory_space<vmem>>) target_semaphore(%arg16 : memref<!tpu.dma_semaphore, #tpu.memory_space<semaphore_mem>>)
    %dma_start3A_38 = arith.constant 0 : i32
    %dma_start3A_39 = arith.constant 0 : i32
    %dma_start3A_40 = arith.constant 0 : i32
    %dma_start3A_41 = arith.constant 0 : i32
    %dma_start3A_42 = tpu.memref_slice %arg4[%add3A, %dma_start3A_39, %dma_start3A_40, %dma_start3A_41] : memref<32x80x1x128xi32, #tpu.memory_space<hbm>> -> memref<1x80x1x128xi32, #tpu.memory_space<hbm>>
    %dma_start3A_43 = tpu.memref_squeeze %dma_start3A_42 : memref<1x80x1x128xi32, #tpu.memory_space<hbm>> -> memref<80x1x128xi32, #tpu.memory_space<hbm>>
    %dma_start3A_44 = arith.constant 0 : i32
    %dma_start3A_45 = arith.constant 0 : i32
    %dma_start3A_46 = tpu.memref_slice %dma_start3A_43[%dma_start3A_38, %dma_start3A_44, %dma_start3A_45] : memref<80x1x128xi32, #tpu.memory_space<hbm>> -> memref<1x1x128xi32, #tpu.memory_space<hbm>>
    %dma_start3A_47 = tpu.memref_squeeze %dma_start3A_46 : memref<1x1x128xi32, #tpu.memory_space<hbm>> -> memref<1x128xi32, #tpu.memory_space<hbm>>
    %dma_start3A_48 = arith.constant 0 : i32
    %dma_start3A_49 = arith.constant 0 : i32
    %dma_start3A_50 = arith.constant 0 : i32
    %dma_start3A_51 = tpu.memref_slice %arg4[%add3A, %dma_start3A_48, %dma_start3A_49, %dma_start3A_50] : memref<32x80x1x128xi32, #tpu.memory_space<hbm>> -> memref<1x80x1x128xi32, #tpu.memory_space<hbm>>
    %dma_start3A_52 = tpu.memref_squeeze %dma_start3A_51 : memref<1x80x1x128xi32, #tpu.memory_space<hbm>> -> memref<80x1x128xi32, #tpu.memory_space<hbm>>
    %dma_start3A_53 = arith.constant 0 : i32
    %dma_start3A_54 = arith.constant 0 : i32
    %dma_start3A_55 = tpu.memref_slice %dma_start3A_52[%dma_start3A_38, %dma_start3A_53, %dma_start3A_54] : memref<80x1x128xi32, #tpu.memory_space<hbm>> -> memref<1x1x128xi32, #tpu.memory_space<hbm>>
    %dma_start3A_56 = tpu.memref_squeeze %dma_start3A_55 : memref<1x1x128xi32, #tpu.memory_space<hbm>> -> memref<1x128xi32, #tpu.memory_space<hbm>>
    tpu.enqueue_dma source(%dma_start3A_56 : memref<1x128xi32, #tpu.memory_space<hbm>>) target(%arg9 : memref<1x128xi32, #tpu.memory_space<vmem>>) target_semaphore(%arg18 : memref<!tpu.dma_semaphore, #tpu.memory_space<semaphore_mem>>)
    %dma_start3A_57 = arith.constant 0 : i32
    %dma_start3A_58 = tpu.memref_slice %arg5[%add3A, %dma_start3A_57] : memref<32x10240xf32, #tpu.memory_space<hbm>> -> memref<1x10240xf32, #tpu.memory_space<hbm>>
    %dma_start3A_59 = tpu.memref_squeeze %dma_start3A_58 : memref<1x10240xf32, #tpu.memory_space<hbm>> -> memref<10240xf32, #tpu.memory_space<hbm>>
    %dma_start3A_60 = arith.constant 0 : i32
    %dma_start3A_61 = tpu.memref_slice %dma_start3A_59[%dma_start3A_60] : memref<10240xf32, #tpu.memory_space<hbm>> -> memref<128xf32, #tpu.memory_space<hbm>>
    %dma_start3A_62 = arith.constant 0 : i32
    %dma_start3A_63 = tpu.memref_slice %arg5[%add3A, %dma_start3A_62] : memref<32x10240xf32, #tpu.memory_space<hbm>> -> memref<1x10240xf32, #tpu.memory_space<hbm>>
    %dma_start3A_64 = tpu.memref_squeeze %dma_start3A_63 : memref<1x10240xf32, #tpu.memory_space<hbm>> -> memref<10240xf32, #tpu.memory_space<hbm>>
    %dma_start3A_65 = arith.constant 0 : i32
    %dma_start3A_66 = tpu.memref_slice %dma_start3A_64[%dma_start3A_65] : memref<10240xf32, #tpu.memory_space<hbm>> -> memref<128xf32, #tpu.memory_space<hbm>>
    tpu.enqueue_dma source(%dma_start3A_66 : memref<128xf32, #tpu.memory_space<hbm>>) target(%arg11 : memref<128xf32, #tpu.memory_space<vmem>>) target_semaphore(%arg20 : memref<!tpu.dma_semaphore, #tpu.memory_space<semaphore_mem>>)
    %dma_wait3A = arith.constant 0 : i32
    %dma_wait3A_67 = arith.constant 0 : i32
    %dma_wait3A_68 = arith.constant 0 : i32
    %dma_wait3A_69 = arith.constant 0 : i32
    %dma_wait3A_70 = tpu.memref_slice %arg3[%add3A, %dma_wait3A_67, %dma_wait3A_68, %dma_wait3A_69] : memref<32x80x1x128xi32, #tpu.memory_space<hbm>> -> memref<1x80x1x128xi32, #tpu.memory_space<hbm>>
    %dma_wait3A_71 = tpu.memref_squeeze %dma_wait3A_70 : memref<1x80x1x128xi32, #tpu.memory_space<hbm>> -> memref<80x1x128xi32, #tpu.memory_space<hbm>>
    %dma_wait3A_72 = arith.constant 0 : i32
    %dma_wait3A_73 = arith.constant 0 : i32
    %dma_wait3A_74 = tpu.memref_slice %dma_wait3A_71[%dma_wait3A, %dma_wait3A_72, %dma_wait3A_73] : memref<80x1x128xi32, #tpu.memory_space<hbm>> -> memref<1x1x128xi32, #tpu.memory_space<hbm>>
    %dma_wait3A_75 = tpu.memref_squeeze %dma_wait3A_74 : memref<1x1x128xi32, #tpu.memory_space<hbm>> -> memref<1x128xi32, #tpu.memory_space<hbm>>
    %dma_wait3A_76 = arith.constant 0 : i32
    %dma_wait3A_77 = arith.constant 0 : i32
    %dma_wait3A_78 = arith.constant 0 : i32
    %dma_wait3A_79 = tpu.memref_slice %arg3[%add3A, %dma_wait3A_76, %dma_wait3A_77, %dma_wait3A_78] : memref<32x80x1x128xi32, #tpu.memory_space<hbm>> -> memref<1x80x1x128xi32, #tpu.memory_space<hbm>>
    %dma_wait3A_80 = tpu.memref_squeeze %dma_wait3A_79 : memref<1x80x1x128xi32, #tpu.memory_space<hbm>> -> memref<80x1x128xi32, #tpu.memory_space<hbm>>
    %dma_wait3A_81 = arith.constant 0 : i32
    %dma_wait3A_82 = arith.constant 0 : i32
    %dma_wait3A_83 = tpu.memref_slice %dma_wait3A_80[%dma_wait3A, %dma_wait3A_81, %dma_wait3A_82] : memref<80x1x128xi32, #tpu.memory_space<hbm>> -> memref<1x1x128xi32, #tpu.memory_space<hbm>>
    %dma_wait3A_84 = tpu.memref_squeeze %dma_wait3A_83 : memref<1x1x128xi32, #tpu.memory_space<hbm>> -> memref<1x128xi32, #tpu.memory_space<hbm>>
    tpu.wait_dma2 semaphore(%arg16 : memref<!tpu.dma_semaphore, #tpu.memory_space<semaphore_mem>>) src(%dma_wait3A_84 : memref<1x128xi32, #tpu.memory_space<hbm>>) dst(%arg7 : memref<1x128xi32, #tpu.memory_space<vmem>>)
    %dma_wait3A_85 = arith.constant 0 : i32
    %dma_wait3A_86 = arith.constant 0 : i32
    %dma_wait3A_87 = arith.constant 0 : i32
    %dma_wait3A_88 = arith.constant 0 : i32
    %dma_wait3A_89 = tpu.memref_slice %arg4[%add3A, %dma_wait3A_86, %dma_wait3A_87, %dma_wait3A_88] : memref<32x80x1x128xi32, #tpu.memory_space<hbm>> -> memref<1x80x1x128xi32, #tpu.memory_space<hbm>>
    %dma_wait3A_90 = tpu.memref_squeeze %dma_wait3A_89 : memref<1x80x1x128xi32, #tpu.memory_space<hbm>> -> memref<80x1x128xi32, #tpu.memory_space<hbm>>
    %dma_wait3A_91 = arith.constant 0 : i32
    %dma_wait3A_92 = arith.constant 0 : i32
    %dma_wait3A_93 = tpu.memref_slice %dma_wait3A_90[%dma_wait3A_85, %dma_wait3A_91, %dma_wait3A_92] : memref<80x1x128xi32, #tpu.memory_space<hbm>> -> memref<1x1x128xi32, #tpu.memory_space<hbm>>
    %dma_wait3A_94 = tpu.memref_squeeze %dma_wait3A_93 : memref<1x1x128xi32, #tpu.memory_space<hbm>> -> memref<1x128xi32, #tpu.memory_space<hbm>>
    %dma_wait3A_95 = arith.constant 0 : i32
    %dma_wait3A_96 = arith.constant 0 : i32
    %dma_wait3A_97 = arith.constant 0 : i32
    %dma_wait3A_98 = tpu.memref_slice %arg4[%add3A, %dma_wait3A_95, %dma_wait3A_96, %dma_wait3A_97] : memref<32x80x1x128xi32, #tpu.memory_space<hbm>> -> memref<1x80x1x128xi32, #tpu.memory_space<hbm>>
    %dma_wait3A_99 = tpu.memref_squeeze %dma_wait3A_98 : memref<1x80x1x128xi32, #tpu.memory_space<hbm>> -> memref<80x1x128xi32, #tpu.memory_space<hbm>>
    %dma_wait3A_100 = arith.constant 0 : i32
    %dma_wait3A_101 = arith.constant 0 : i32
    %dma_wait3A_102 = tpu.memref_slice %dma_wait3A_99[%dma_wait3A_85, %dma_wait3A_100, %dma_wait3A_101] : memref<80x1x128xi32, #tpu.memory_space<hbm>> -> memref<1x1x128xi32, #tpu.memory_space<hbm>>
    %dma_wait3A_103 = tpu.memref_squeeze %dma_wait3A_102 : memref<1x1x128xi32, #tpu.memory_space<hbm>> -> memref<1x128xi32, #tpu.memory_space<hbm>>
    tpu.wait_dma2 semaphore(%arg18 : memref<!tpu.dma_semaphore, #tpu.memory_space<semaphore_mem>>) src(%dma_wait3A_103 : memref<1x128xi32, #tpu.memory_space<hbm>>) dst(%arg9 : memref<1x128xi32, #tpu.memory_space<vmem>>)
    %dma_wait3A_104 = arith.constant 0 : i32
    %dma_wait3A_105 = tpu.memref_slice %arg5[%add3A, %dma_wait3A_104] : memref<32x10240xf32, #tpu.memory_space<hbm>> -> memref<1x10240xf32, #tpu.memory_space<hbm>>
    %dma_wait3A_106 = tpu.memref_squeeze %dma_wait3A_105 : memref<1x10240xf32, #tpu.memory_space<hbm>> -> memref<10240xf32, #tpu.memory_space<hbm>>
    %dma_wait3A_107 = arith.constant 0 : i32
    %dma_wait3A_108 = tpu.memref_slice %dma_wait3A_106[%dma_wait3A_107] : memref<10240xf32, #tpu.memory_space<hbm>> -> memref<128xf32, #tpu.memory_space<hbm>>
    %dma_wait3A_109 = arith.constant 0 : i32
    %dma_wait3A_110 = tpu.memref_slice %arg5[%add3A, %dma_wait3A_109] : memref<32x10240xf32, #tpu.memory_space<hbm>> -> memref<1x10240xf32, #tpu.memory_space<hbm>>
    %dma_wait3A_111 = tpu.memref_squeeze %dma_wait3A_110 : memref<1x10240xf32, #tpu.memory_space<hbm>> -> memref<10240xf32, #tpu.memory_space<hbm>>
    %dma_wait3A_112 = arith.constant 0 : i32
    %dma_wait3A_113 = tpu.memref_slice %dma_wait3A_111[%dma_wait3A_112] : memref<10240xf32, #tpu.memory_space<hbm>> -> memref<128xf32, #tpu.memory_space<hbm>>
    tpu.wait_dma2 semaphore(%arg20 : memref<!tpu.dma_semaphore, #tpu.memory_space<semaphore_mem>>) src(%dma_wait3A_113 : memref<128xf32, #tpu.memory_space<hbm>>) dst(%arg11 : memref<128xf32, #tpu.memory_space<vmem>>)
    %dma_start3A_114 = arith.constant 1 : i32
    %dma_start3A_115 = arith.constant 0 : i32
    %dma_start3A_116 = arith.constant 0 : i32
    %dma_start3A_117 = arith.constant 0 : i32
    %dma_start3A_118 = tpu.memref_slice %arg3[%add3A, %dma_start3A_115, %dma_start3A_116, %dma_start3A_117] : memref<32x80x1x128xi32, #tpu.memory_space<hbm>> -> memref<1x80x1x128xi32, #tpu.memory_space<hbm>>
    %dma_start3A_119 = tpu.memref_squeeze %dma_start3A_118 : memref<1x80x1x128xi32, #tpu.memory_space<hbm>> -> memref<80x1x128xi32, #tpu.memory_space<hbm>>
    %dma_start3A_120 = arith.constant 0 : i32
    %dma_start3A_121 = arith.constant 0 : i32
    %dma_start3A_122 = tpu.memref_slice %dma_start3A_119[%dma_start3A_114, %dma_start3A_120, %dma_start3A_121] : memref<80x1x128xi32, #tpu.memory_space<hbm>> -> memref<1x1x128xi32, #tpu.memory_space<hbm>>
    %dma_start3A_123 = tpu.memref_squeeze %dma_start3A_122 : memref<1x1x128xi32, #tpu.memory_space<hbm>> -> memref<1x128xi32, #tpu.memory_space<hbm>>
    %dma_start3A_124 = arith.constant 0 : i32
    %dma_start3A_125 = arith.constant 0 : i32
    %dma_start3A_126 = arith.constant 0 : i32
    %dma_start3A_127 = tpu.memref_slice %arg3[%add3A, %dma_start3A_124, %dma_start3A_125, %dma_start3A_126] : memref<32x80x1x128xi32, #tpu.memory_space<hbm>> -> memref<1x80x1x128xi32, #tpu.memory_space<hbm>>
    %dma_start3A_128 = tpu.memref_squeeze %dma_start3A_127 : memref<1x80x1x128xi32, #tpu.memory_space<hbm>> -> memref<80x1x128xi32, #tpu.memory_space<hbm>>
    %dma_start3A_129 = arith.constant 0 : i32
    %dma_start3A_130 = arith.constant 0 : i32
    %dma_start3A_131 = tpu.memref_slice %dma_start3A_128[%dma_start3A_114, %dma_start3A_129, %dma_start3A_130] : memref<80x1x128xi32, #tpu.memory_space<hbm>> -> memref<1x1x128xi32, #tpu.memory_space<hbm>>
    %dma_start3A_132 = tpu.memref_squeeze %dma_start3A_131 : memref<1x1x128xi32, #tpu.memory_space<hbm>> -> memref<1x128xi32, #tpu.memory_space<hbm>>
    tpu.enqueue_dma source(%dma_start3A_132 : memref<1x128xi32, #tpu.memory_space<hbm>>) target(%arg8 : memref<1x128xi32, #tpu.memory_space<vmem>>) target_semaphore(%arg17 : memref<!tpu.dma_semaphore, #tpu.memory_space<semaphore_mem>>)
    %dma_start3A_133 = arith.constant 1 : i32
    %dma_start3A_134 = arith.constant 0 : i32
    %dma_start3A_135 = arith.constant 0 : i32
    %dma_start3A_136 = arith.constant 0 : i32
    %dma_start3A_137 = tpu.memref_slice %arg4[%add3A, %dma_start3A_134, %dma_start3A_135, %dma_start3A_136] : memref<32x80x1x128xi32, #tpu.memory_space<hbm>> -> memref<1x80x1x128xi32, #tpu.memory_space<hbm>>
    %dma_start3A_138 = tpu.memref_squeeze %dma_start3A_137 : memref<1x80x1x128xi32, #tpu.memory_space<hbm>> -> memref<80x1x128xi32, #tpu.memory_space<hbm>>
    %dma_start3A_139 = arith.constant 0 : i32
    %dma_start3A_140 = arith.constant 0 : i32
    %dma_start3A_141 = tpu.memref_slice %dma_start3A_138[%dma_start3A_133, %dma_start3A_139, %dma_start3A_140] : memref<80x1x128xi32, #tpu.memory_space<hbm>> -> memref<1x1x128xi32, #tpu.memory_space<hbm>>
    %dma_start3A_142 = tpu.memref_squeeze %dma_start3A_141 : memref<1x1x128xi32, #tpu.memory_space<hbm>> -> memref<1x128xi32, #tpu.memory_space<hbm>>
    %dma_start3A_143 = arith.constant 0 : i32
    %dma_start3A_144 = arith.constant 0 : i32
    %dma_start3A_145 = arith.constant 0 : i32
    %dma_start3A_146 = tpu.memref_slice %arg4[%add3A, %dma_start3A_143, %dma_start3A_144, %dma_start3A_145] : memref<32x80x1x128xi32, #tpu.memory_space<hbm>> -> memref<1x80x1x128xi32, #tpu.memory_space<hbm>>
    %dma_start3A_147 = tpu.memref_squeeze %dma_start3A_146 : memref<1x80x1x128xi32, #tpu.memory_space<hbm>> -> memref<80x1x128xi32, #tpu.memory_space<hbm>>
    %dma_start3A_148 = arith.constant 0 : i32
    %dma_start3A_149 = arith.constant 0 : i32
    %dma_start3A_150 = tpu.memref_slice %dma_start3A_147[%dma_start3A_133, %dma_start3A_148, %dma_start3A_149] : memref<80x1x128xi32, #tpu.memory_space<hbm>> -> memref<1x1x128xi32, #tpu.memory_space<hbm>>
    %dma_start3A_151 = tpu.memref_squeeze %dma_start3A_150 : memref<1x1x128xi32, #tpu.memory_space<hbm>> -> memref<1x128xi32, #tpu.memory_space<hbm>>
    tpu.enqueue_dma source(%dma_start3A_151 : memref<1x128xi32, #tpu.memory_space<hbm>>) target(%arg10 : memref<1x128xi32, #tpu.memory_space<vmem>>) target_semaphore(%arg19 : memref<!tpu.dma_semaphore, #tpu.memory_space<semaphore_mem>>)
    %dma_start3A_152 = arith.constant 0 : i32
    %dma_start3A_153 = tpu.memref_slice %arg5[%add3A, %dma_start3A_152] : memref<32x10240xf32, #tpu.memory_space<hbm>> -> memref<1x10240xf32, #tpu.memory_space<hbm>>
    %dma_start3A_154 = tpu.memref_squeeze %dma_start3A_153 : memref<1x10240xf32, #tpu.memory_space<hbm>> -> memref<10240xf32, #tpu.memory_space<hbm>>
    %dma_start3A_155 = arith.constant 128 : i32
    %dma_start3A_156 = tpu.memref_slice %dma_start3A_154[%dma_start3A_155] : memref<10240xf32, #tpu.memory_space<hbm>> -> memref<128xf32, #tpu.memory_space<hbm>>
    %dma_start3A_157 = arith.constant 0 : i32
    %dma_start3A_158 = tpu.memref_slice %arg5[%add3A, %dma_start3A_157] : memref<32x10240xf32, #tpu.memory_space<hbm>> -> memref<1x10240xf32, #tpu.memory_space<hbm>>
    %dma_start3A_159 = tpu.memref_squeeze %dma_start3A_158 : memref<1x10240xf32, #tpu.memory_space<hbm>> -> memref<10240xf32, #tpu.memory_space<hbm>>
    %dma_start3A_160 = arith.constant 128 : i32
    %dma_start3A_161 = tpu.memref_slice %dma_start3A_159[%dma_start3A_160] : memref<10240xf32, #tpu.memory_space<hbm>> -> memref<128xf32, #tpu.memory_space<hbm>>
    tpu.enqueue_dma source(%dma_start3A_161 : memref<128xf32, #tpu.memory_space<hbm>>) target(%arg12 : memref<128xf32, #tpu.memory_space<vmem>>) target_semaphore(%arg21 : memref<!tpu.dma_semaphore, #tpu.memory_space<semaphore_mem>>)
    %dma_start3A_162 = arith.constant 0 : i32
    %dma_start3A_163 = arith.constant 0 : i32
    %dma_start3A_164 = tpu.memref_slice %arg7[%dma_start3A_162, %dma_start3A_163] : memref<1x128xi32, #tpu.memory_space<vmem>> -> memref<1x128xi32, #tpu.memory_space<vmem>>
    %dma_start3A_165 = tpu.memref_squeeze %dma_start3A_164 : memref<1x128xi32, #tpu.memory_space<vmem>> -> memref<128xi32, #tpu.memory_space<vmem>>
    %dma_start3A_166 = arith.constant 0 : i32
    %dma_start3A_167 = arith.constant 0 : i32
    %dma_start3A_168 = tpu.memref_slice %arg2[%dma_start3A_166, %dma_start3A_167] : memref<10000x32xi32, #tpu.memory_space<hbm>> -> memref<10000x32xi32, #tpu.memory_space<hbm>>
    tpu.enqueue_indirect_dma source(%dma_start3A_168 : memref<10000x32xi32, #tpu.memory_space<hbm>>) target(%arg13 : memref<128x32xi32, #tpu.memory_space<vmem>>) offsets(%dma_start3A_165 : memref<128xi32, #tpu.memory_space<vmem>>) semaphore(%arg22 : memref<!tpu.dma_semaphore, #tpu.memory_space<semaphore_mem>>)
    %scan3A_169 = arith.constant 0 : i32
    %scan3A_170 = arith.constant 0 : i32
    %scan3A_171 = arith.constant 39 : i32
    %scan3A_172 = arith.addi %scan3A_170, %scan3A_171 : i32
    %scan3A_173 = arith.constant 1 : i32
    %scan3A_174 = scf.for %scan3A_264 = %scan3A_170 to %scan3A_172 step %scan3A_173 iter_args(%scan3A_265 = %scan3A_169) -> (i32)  : i32 {
      %mul3A_266 = arith.constant 2 : i32
      %mul3A_267 = arith.muli %mul3A_266, %scan3A_264 : i32
      %add3A_268 = arith.constant 0 : i32
      %add3A_269 = arith.addi %mul3A_267, %add3A_268 : i32
      %add3A_270 = arith.constant 1 : i32
      %add3A_271 = arith.addi %add3A_269, %add3A_270 : i32
      %dma_wait3A_272 = arith.constant 0 : i32
      %dma_wait3A_273 = arith.constant 0 : i32
      %dma_wait3A_274 = arith.constant 0 : i32
      %dma_wait3A_275 = tpu.memref_slice %arg3[%add3A, %dma_wait3A_272, %dma_wait3A_273, %dma_wait3A_274] : memref<32x80x1x128xi32, #tpu.memory_space<hbm>> -> memref<1x80x1x128xi32, #tpu.memory_space<hbm>>
      %dma_wait3A_276 = tpu.memref_squeeze %dma_wait3A_275 : memref<1x80x1x128xi32, #tpu.memory_space<hbm>> -> memref<80x1x128xi32, #tpu.memory_space<hbm>>
      %dma_wait3A_277 = arith.constant 0 : i32
      %dma_wait3A_278 = arith.constant 0 : i32
      %dma_wait3A_279 = tpu.memref_slice %dma_wait3A_276[%add3A_271, %dma_wait3A_277, %dma_wait3A_278] : memref<80x1x128xi32, #tpu.memory_space<hbm>> -> memref<1x1x128xi32, #tpu.memory_space<hbm>>
      %dma_wait3A_280 = tpu.memref_squeeze %dma_wait3A_279 : memref<1x1x128xi32, #tpu.memory_space<hbm>> -> memref<1x128xi32, #tpu.memory_space<hbm>>
      %dma_wait3A_281 = arith.constant 0 : i32
      %dma_wait3A_282 = arith.constant 0 : i32
      %dma_wait3A_283 = arith.constant 0 : i32
      %dma_wait3A_284 = tpu.memref_slice %arg3[%add3A, %dma_wait3A_281, %dma_wait3A_282, %dma_wait3A_283] : memref<32x80x1x128xi32, #tpu.memory_space<hbm>> -> memref<1x80x1x128xi32, #tpu.memory_space<hbm>>
      %dma_wait3A_285 = tpu.memref_squeeze %dma_wait3A_284 : memref<1x80x1x128xi32, #tpu.memory_space<hbm>> -> memref<80x1x128xi32, #tpu.memory_space<hbm>>
      %dma_wait3A_286 = arith.constant 0 : i32
      %dma_wait3A_287 = arith.constant 0 : i32
      %dma_wait3A_288 = tpu.memref_slice %dma_wait3A_285[%add3A_271, %dma_wait3A_286, %dma_wait3A_287] : memref<80x1x128xi32, #tpu.memory_space<hbm>> -> memref<1x1x128xi32, #tpu.memory_space<hbm>>
      %dma_wait3A_289 = tpu.memref_squeeze %dma_wait3A_288 : memref<1x1x128xi32, #tpu.memory_space<hbm>> -> memref<1x128xi32, #tpu.memory_space<hbm>>
      tpu.wait_dma2 semaphore(%arg17 : memref<!tpu.dma_semaphore, #tpu.memory_space<semaphore_mem>>) src(%dma_wait3A_289 : memref<1x128xi32, #tpu.memory_space<hbm>>) dst(%arg8 : memref<1x128xi32, #tpu.memory_space<vmem>>)
      %dma_wait3A_290 = arith.constant 0 : i32
      %dma_wait3A_291 = arith.constant 0 : i32
      %dma_wait3A_292 = arith.constant 0 : i32
      %dma_wait3A_293 = tpu.memref_slice %arg4[%add3A, %dma_wait3A_290, %dma_wait3A_291, %dma_wait3A_292] : memref<32x80x1x128xi32, #tpu.memory_space<hbm>> -> memref<1x80x1x128xi32, #tpu.memory_space<hbm>>
      %dma_wait3A_294 = tpu.memref_squeeze %dma_wait3A_293 : memref<1x80x1x128xi32, #tpu.memory_space<hbm>> -> memref<80x1x128xi32, #tpu.memory_space<hbm>>
      %dma_wait3A_295 = arith.constant 0 : i32
      %dma_wait3A_296 = arith.constant 0 : i32
      %dma_wait3A_297 = tpu.memref_slice %dma_wait3A_294[%add3A_271, %dma_wait3A_295, %dma_wait3A_296] : memref<80x1x128xi32, #tpu.memory_space<hbm>> -> memref<1x1x128xi32, #tpu.memory_space<hbm>>
      %dma_wait3A_298 = tpu.memref_squeeze %dma_wait3A_297 : memref<1x1x128xi32, #tpu.memory_space<hbm>> -> memref<1x128xi32, #tpu.memory_space<hbm>>
      %dma_wait3A_299 = arith.constant 0 : i32
      %dma_wait3A_300 = arith.constant 0 : i32
      %dma_wait3A_301 = arith.constant 0 : i32
      %dma_wait3A_302 = tpu.memref_slice %arg4[%add3A, %dma_wait3A_299, %dma_wait3A_300, %dma_wait3A_301] : memref<32x80x1x128xi32, #tpu.memory_space<hbm>> -> memref<1x80x1x128xi32, #tpu.memory_space<hbm>>
      %dma_wait3A_303 = tpu.memref_squeeze %dma_wait3A_302 : memref<1x80x1x128xi32, #tpu.memory_space<hbm>> -> memref<80x1x128xi32, #tpu.memory_space<hbm>>
      %dma_wait3A_304 = arith.constant 0 : i32
      %dma_wait3A_305 = arith.constant 0 : i32
      %dma_wait3A_306 = tpu.memref_slice %dma_wait3A_303[%add3A_271, %dma_wait3A_304, %dma_wait3A_305] : memref<80x1x128xi32, #tpu.memory_space<hbm>> -> memref<1x1x128xi32, #tpu.memory_space<hbm>>
      %dma_wait3A_307 = tpu.memref_squeeze %dma_wait3A_306 : memref<1x1x128xi32, #tpu.memory_space<hbm>> -> memref<1x128xi32, #tpu.memory_space<hbm>>
      tpu.wait_dma2 semaphore(%arg19 : memref<!tpu.dma_semaphore, #tpu.memory_space<semaphore_mem>>) src(%dma_wait3A_307 : memref<1x128xi32, #tpu.memory_space<hbm>>) dst(%arg10 : memref<1x128xi32, #tpu.memory_space<vmem>>)
      %mul3A_308 = arith.constant 128 : i32
      %mul3A_309 = arith.muli %add3A_271, %mul3A_308 : i32
      %dma_wait3A_310 = arith.constant 0 : i32
      %dma_wait3A_311 = tpu.memref_slice %arg5[%add3A, %dma_wait3A_310] : memref<32x10240xf32, #tpu.memory_space<hbm>> -> memref<1x10240xf32, #tpu.memory_space<hbm>>
      %dma_wait3A_312 = tpu.memref_squeeze %dma_wait3A_311 : memref<1x10240xf32, #tpu.memory_space<hbm>> -> memref<10240xf32, #tpu.memory_space<hbm>>
      %dma_wait3A_313 = tpu.memref_slice %dma_wait3A_312[%mul3A_309] : memref<10240xf32, #tpu.memory_space<hbm>> -> memref<128xf32, #tpu.memory_space<hbm>>
      %dma_wait3A_314 = arith.constant 0 : i32
      %dma_wait3A_315 = tpu.memref_slice %arg5[%add3A, %dma_wait3A_314] : memref<32x10240xf32, #tpu.memory_space<hbm>> -> memref<1x10240xf32, #tpu.memory_space<hbm>>
      %dma_wait3A_316 = tpu.memref_squeeze %dma_wait3A_315 : memref<1x10240xf32, #tpu.memory_space<hbm>> -> memref<10240xf32, #tpu.memory_space<hbm>>
      %dma_wait3A_317 = tpu.memref_slice %dma_wait3A_316[%mul3A_309] : memref<10240xf32, #tpu.memory_space<hbm>> -> memref<128xf32, #tpu.memory_space<hbm>>
      tpu.wait_dma2 semaphore(%arg21 : memref<!tpu.dma_semaphore, #tpu.memory_space<semaphore_mem>>) src(%dma_wait3A_317 : memref<128xf32, #tpu.memory_space<hbm>>) dst(%arg12 : memref<128xf32, #tpu.memory_space<vmem>>)
      %dma_start3A_318 = arith.constant 0 : i32
      %dma_start3A_319 = arith.constant 0 : i32
      %dma_start3A_320 = tpu.memref_slice %arg8[%dma_start3A_318, %dma_start3A_319] : memref<1x128xi32, #tpu.memory_space<vmem>> -> memref<1x128xi32, #tpu.memory_space<vmem>>
      %dma_start3A_321 = tpu.memref_squeeze %dma_start3A_320 : memref<1x128xi32, #tpu.memory_space<vmem>> -> memref<128xi32, #tpu.memory_space<vmem>>
      %dma_start3A_322 = arith.constant 0 : i32
      %dma_start3A_323 = arith.constant 0 : i32
      %dma_start3A_324 = tpu.memref_slice %arg2[%dma_start3A_322, %dma_start3A_323] : memref<10000x32xi32, #tpu.memory_space<hbm>> -> memref<10000x32xi32, #tpu.memory_space<hbm>>
      tpu.enqueue_indirect_dma source(%dma_start3A_324 : memref<10000x32xi32, #tpu.memory_space<hbm>>) target(%arg14 : memref<128x32xi32, #tpu.memory_space<vmem>>) offsets(%dma_start3A_321 : memref<128xi32, #tpu.memory_space<vmem>>) semaphore(%arg23 : memref<!tpu.dma_semaphore, #tpu.memory_space<semaphore_mem>>)
      %dma_wait3A_325 = arith.constant 0 : i32
      %dma_wait3A_326 = arith.constant 0 : i32
      %dma_wait3A_327 = tpu.memref_slice %arg7[%dma_wait3A_325, %dma_wait3A_326] : memref<1x128xi32, #tpu.memory_space<vmem>> -> memref<1x128xi32, #tpu.memory_space<vmem>>
      %dma_wait3A_328 = tpu.memref_squeeze %dma_wait3A_327 : memref<1x128xi32, #tpu.memory_space<vmem>> -> memref<128xi32, #tpu.memory_space<vmem>>
      %dma_wait3A_329 = arith.constant 0 : i32
      %dma_wait3A_330 = arith.constant 0 : i32
      %dma_wait3A_331 = tpu.memref_slice %arg2[%dma_wait3A_329, %dma_wait3A_330] : memref<10000x32xi32, #tpu.memory_space<hbm>> -> memref<10000x32xi32, #tpu.memory_space<hbm>>
      tpu.wait_indirect_dma semaphore(%arg22 : memref<!tpu.dma_semaphore, #tpu.memory_space<semaphore_mem>>) src(%dma_wait3A_331 : memref<10000x32xi32, #tpu.memory_space<hbm>>) dst(%arg13 : memref<128x32xi32, #tpu.memory_space<vmem>>)
      %parallel_loop3A_332 = arith.constant 0 : i32
      %parallel_loop3A_333 = arith.constant 128 : i32
      %parallel_loop3A_334 = arith.constant 1 : i32
      scf.for %parallel_loop3A_503 = %parallel_loop3A_332 to %parallel_loop3A_333 step %parallel_loop3A_334  : i32 {
        %parallel_loop3A_504 = vector.broadcast %parallel_loop3A_503 : i32 to vector<16xi32>
        %parallel_loop3A_505 = tpu.vector_load_idx %arg11[%parallel_loop3A_504] : memref<128xf32, #tpu.memory_space<vmem>>[vector<16xi32>], vector<16xf32>,
        %parallel_loop3A_506 = arith.index_cast %parallel_loop3A_503 : i32 to index
        %parallel_loop3A_507 = arith.constant 0 : index
        %parallel_loop3A_508 = tpu.vector_load %arg13[%parallel_loop3A_506, %parallel_loop3A_507] {strides = array<i32>} : memref<128x32xi32, #tpu.memory_space<vmem>>, vector<16xi32>,
        %parallel_loop3A_509 = arith.constant 16 : i32
        %parallel_loop3A_510 = vector.broadcast %parallel_loop3A_509 : i32 to vector<16xi32>
        %parallel_loop3A_511 = arith.shli %parallel_loop3A_508, %parallel_loop3A_510 : vector<16xi32>
        %parallel_loop3A_512 = vector.bitcast %parallel_loop3A_511 : vector<16xi32> to vector<16xf32>
        %parallel_loop3A_513 = arith.constant -65536 : i32
        %parallel_loop3A_514 = vector.broadcast %parallel_loop3A_513 : i32 to vector<16xi32>
        %parallel_loop3A_515 = arith.andi %parallel_loop3A_508, %parallel_loop3A_514 : vector<16xi32>
        %parallel_loop3A_516 = vector.bitcast %parallel_loop3A_515 : vector<16xi32> to vector<16xf32>
        %parallel_loop3A_517 = arith.mulf %parallel_loop3A_512, %parallel_loop3A_505 : vector<16xf32>
        %parallel_loop3A_518 = arith.index_cast %parallel_loop3A_503 : i32 to index
        %parallel_loop3A_519 = arith.constant 0 : index
        %parallel_loop3A_520 = tpu.vector_load %arg15[%parallel_loop3A_518, %parallel_loop3A_519] {strides = array<i32>} : memref<128x64xf32, #tpu.memory_space<vmem>>, vector<16xf32>,
        tpu.vector_store %arg15[%parallel_loop3A_518, %parallel_loop3A_519], %parallel_loop3A_517 {strides = array<i32>} : memref<128x64xf32, #tpu.memory_space<vmem>>, vector<16xf32>,
        %parallel_loop3A_521 = arith.mulf %parallel_loop3A_516, %parallel_loop3A_505 : vector<16xf32>
        %parallel_loop3A_522 = arith.index_cast %parallel_loop3A_503 : i32 to index
        %parallel_loop3A_523 = arith.constant 16 : index
        %parallel_loop3A_524 = tpu.vector_load %arg15[%parallel_loop3A_522, %parallel_loop3A_523] {strides = array<i32>} : memref<128x64xf32, #tpu.memory_space<vmem>>, vector<16xf32>,
        tpu.vector_store %arg15[%parallel_loop3A_522, %parallel_loop3A_523], %parallel_loop3A_521 {strides = array<i32>} : memref<128x64xf32, #tpu.memory_space<vmem>>, vector<16xf32>,
        %parallel_loop3A_525 = arith.index_cast %parallel_loop3A_503 : i32 to index
        %parallel_loop3A_526 = arith.constant 16 : index
        %parallel_loop3A_527 = tpu.vector_load %arg13[%parallel_loop3A_525, %parallel_loop3A_526] {strides = array<i32>} : memref<128x32xi32, #tpu.memory_space<vmem>>, vector<16xi32>,
        %parallel_loop3A_528 = arith.constant 16 : i32
        %parallel_loop3A_529 = vector.broadcast %parallel_loop3A_528 : i32 to vector<16xi32>
        %parallel_loop3A_530 = arith.shli %parallel_loop3A_527, %parallel_loop3A_529 : vector<16xi32>
        %parallel_loop3A_531 = vector.bitcast %parallel_loop3A_530 : vector<16xi32> to vector<16xf32>
        %parallel_loop3A_532 = arith.constant -65536 : i32
        %parallel_loop3A_533 = vector.broadcast %parallel_loop3A_532 : i32 to vector<16xi32>
        %parallel_loop3A_534 = arith.andi %parallel_loop3A_527, %parallel_loop3A_533 : vector<16xi32>
        %parallel_loop3A_535 = vector.bitcast %parallel_loop3A_534 : vector<16xi32> to vector<16xf32>
        %parallel_loop3A_536 = arith.mulf %parallel_loop3A_531, %parallel_loop3A_505 : vector<16xf32>
        %parallel_loop3A_537 = arith.index_cast %parallel_loop3A_503 : i32 to index
        %parallel_loop3A_538 = arith.constant 32 : index
        %parallel_loop3A_539 = tpu.vector_load %arg15[%parallel_loop3A_537, %parallel_loop3A_538] {strides = array<i32>} : memref<128x64xf32, #tpu.memory_space<vmem>>, vector<16xf32>,
        tpu.vector_store %arg15[%parallel_loop3A_537, %parallel_loop3A_538], %parallel_loop3A_536 {strides = array<i32>} : memref<128x64xf32, #tpu.memory_space<vmem>>, vector<16xf32>,
        %parallel_loop3A_540 = arith.mulf %parallel_loop3A_535, %parallel_loop3A_505 : vector<16xf32>
        %parallel_loop3A_541 = arith.index_cast %parallel_loop3A_503 : i32 to index
        %parallel_loop3A_542 = arith.constant 48 : index
        %parallel_loop3A_543 = tpu.vector_load %arg15[%parallel_loop3A_541, %parallel_loop3A_542] {strides = array<i32>} : memref<128x64xf32, #tpu.memory_space<vmem>>, vector<16xf32>,
        tpu.vector_store %arg15[%parallel_loop3A_541, %parallel_loop3A_542], %parallel_loop3A_540 {strides = array<i32>} : memref<128x64xf32, #tpu.memory_space<vmem>>, vector<16xf32>,
      } {sc.loop_unroll_factor = 4 : i64, sc.parallel_access}
      %run_scoped3A_335 = arith.constant 0 : i32
      "tpu.region"() ({
        %run_scoped3A_503 = tpu.sem_alloc : memref<!tpu.dma_semaphore, #tpu.memory_space<semaphore_mem>>
        %dma_start3A_504 = arith.constant 0 : i32
        %dma_start3A_505 = tpu.memref_slice %arg9[%run_scoped3A_335, %dma_start3A_504] : memref<1x128xi32, #tpu.memory_space<vmem>> -> memref<1x128xi32, #tpu.memory_space<vmem>>
        %dma_start3A_506 = tpu.memref_squeeze %dma_start3A_505 : memref<1x128xi32, #tpu.memory_space<vmem>> -> memref<128xi32, #tpu.memory_space<vmem>>
        %dma_start3A_507 = arith.constant 0 : i32
        %dma_start3A_508 = arith.constant 0 : i32
        %dma_start3A_509 = tpu.memref_slice %arg24[%dma_start3A_507, %dma_start3A_508] : memref<10000x64xf32, #tpu.memory_space<vmem_shared>> -> memref<10000x64xf32, #tpu.memory_space<vmem_shared>>
        tpu.enqueue_indirect_dma source(%arg15 : memref<128x64xf32, #tpu.memory_space<vmem>>) target(%dma_start3A_509 : memref<10000x64xf32, #tpu.memory_space<vmem_shared>>) offsets(%dma_start3A_506 : memref<128xi32, #tpu.memory_space<vmem>>) semaphore(%run_scoped3A_503 : memref<!tpu.dma_semaphore, #tpu.memory_space<semaphore_mem>>) {add = true}
        %dma_wait3A_510 = arith.constant 0 : i32
        %dma_wait3A_511 = tpu.memref_slice %arg9[%run_scoped3A_335, %dma_wait3A_510] : memref<1x128xi32, #tpu.memory_space<vmem>> -> memref<1x128xi32, #tpu.memory_space<vmem>>
        %dma_wait3A_512 = tpu.memref_squeeze %dma_wait3A_511 : memref<1x128xi32, #tpu.memory_space<vmem>> -> memref<128xi32, #tpu.memory_space<vmem>>
        %dma_wait3A_513 = arith.constant 0 : i32
        %dma_wait3A_514 = arith.constant 0 : i32
        %dma_wait3A_515 = tpu.memref_slice %arg24[%dma_wait3A_513, %dma_wait3A_514] : memref<10000x64xf32, #tpu.memory_space<vmem_shared>> -> memref<10000x64xf32, #tpu.memory_space<vmem_shared>>
        tpu.wait_indirect_dma semaphore(%run_scoped3A_503 : memref<!tpu.dma_semaphore, #tpu.memory_space<semaphore_mem>>) src(%arg15 : memref<128x64xf32, #tpu.memory_space<vmem>>) dst(%dma_wait3A_515 : memref<10000x64xf32, #tpu.memory_space<vmem_shared>>)
        tpu.yield
      }) : () -> ()
      %add3A_336 = arith.constant 2 : i32
      %add3A_337 = arith.addi %add3A_269, %add3A_336 : i32
      %dma_start3A_338 = arith.constant 0 : i32
      %dma_start3A_339 = arith.constant 0 : i32
      %dma_start3A_340 = arith.constant 0 : i32
      %dma_start3A_341 = tpu.memref_slice %arg3[%add3A, %dma_start3A_338, %dma_start3A_339, %dma_start3A_340] : memref<32x80x1x128xi32, #tpu.memory_space<hbm>> -> memref<1x80x1x128xi32, #tpu.memory_space<hbm>>
      %dma_start3A_342 = tpu.memref_squeeze %dma_start3A_341 : memref<1x80x1x128xi32, #tpu.memory_space<hbm>> -> memref<80x1x128xi32, #tpu.memory_space<hbm>>
      %dma_start3A_343 = arith.constant 0 : i32
      %dma_start3A_344 = arith.constant 0 : i32
      %dma_start3A_345 = tpu.memref_slice %dma_start3A_342[%add3A_337, %dma_start3A_343, %dma_start3A_344] : memref<80x1x128xi32, #tpu.memory_space<hbm>> -> memref<1x1x128xi32, #tpu.memory_space<hbm>>
      %dma_start3A_346 = tpu.memref_squeeze %dma_start3A_345 : memref<1x1x128xi32, #tpu.memory_space<hbm>> -> memref<1x128xi32, #tpu.memory_space<hbm>>
      %dma_start3A_347 = arith.constant 0 : i32
      %dma_start3A_348 = arith.constant 0 : i32
      %dma_start3A_349 = arith.constant 0 : i32
      %dma_start3A_350 = tpu.memref_slice %arg3[%add3A, %dma_start3A_347, %dma_start3A_348, %dma_start3A_349] : memref<32x80x1x128xi32, #tpu.memory_space<hbm>> -> memref<1x80x1x128xi32, #tpu.memory_space<hbm>>
      %dma_start3A_351 = tpu.memref_squeeze %dma_start3A_350 : memref<1x80x1x128xi32, #tpu.memory_space<hbm>> -> memref<80x1x128xi32, #tpu.memory_space<hbm>>
      %dma_start3A_352 = arith.constant 0 : i32
      %dma_start3A_353 = arith.constant 0 : i32
      %dma_start3A_354 = tpu.memref_slice %dma_start3A_351[%add3A_337, %dma_start3A_352, %dma_start3A_353] : memref<80x1x128xi32, #tpu.memory_space<hbm>> -> memref<1x1x128xi32, #tpu.memory_space<hbm>>
      %dma_start3A_355 = tpu.memref_squeeze %dma_start3A_354 : memref<1x1x128xi32, #tpu.memory_space<hbm>> -> memref<1x128xi32, #tpu.memory_space<hbm>>
      tpu.enqueue_dma source(%dma_start3A_355 : memref<1x128xi32, #tpu.memory_space<hbm>>) target(%arg7 : memref<1x128xi32, #tpu.memory_space<vmem>>) target_semaphore(%arg16 : memref<!tpu.dma_semaphore, #tpu.memory_space<semaphore_mem>>)
      %dma_start3A_356 = arith.constant 0 : i32
      %dma_start3A_357 = arith.constant 0 : i32
      %dma_start3A_358 = arith.constant 0 : i32
      %dma_start3A_359 = tpu.memref_slice %arg4[%add3A, %dma_start3A_356, %dma_start3A_357, %dma_start3A_358] : memref<32x80x1x128xi32, #tpu.memory_space<hbm>> -> memref<1x80x1x128xi32, #tpu.memory_space<hbm>>
      %dma_start3A_360 = tpu.memref_squeeze %dma_start3A_359 : memref<1x80x1x128xi32, #tpu.memory_space<hbm>> -> memref<80x1x128xi32, #tpu.memory_space<hbm>>
      %dma_start3A_361 = arith.constant 0 : i32
      %dma_start3A_362 = arith.constant 0 : i32
      %dma_start3A_363 = tpu.memref_slice %dma_start3A_360[%add3A_337, %dma_start3A_361, %dma_start3A_362] : memref<80x1x128xi32, #tpu.memory_space<hbm>> -> memref<1x1x128xi32, #tpu.memory_space<hbm>>
      %dma_start3A_364 = tpu.memref_squeeze %dma_start3A_363 : memref<1x1x128xi32, #tpu.memory_space<hbm>> -> memref<1x128xi32, #tpu.memory_space<hbm>>
      %dma_start3A_365 = arith.constant 0 : i32
      %dma_start3A_366 = arith.constant 0 : i32
      %dma_start3A_367 = arith.constant 0 : i32
      %dma_start3A_368 = tpu.memref_slice %arg4[%add3A, %dma_start3A_365, %dma_start3A_366, %dma_start3A_367] : memref<32x80x1x128xi32, #tpu.memory_space<hbm>> -> memref<1x80x1x128xi32, #tpu.memory_space<hbm>>
      %dma_start3A_369 = tpu.memref_squeeze %dma_start3A_368 : memref<1x80x1x128xi32, #tpu.memory_space<hbm>> -> memref<80x1x128xi32, #tpu.memory_space<hbm>>
      %dma_start3A_370 = arith.constant 0 : i32
      %dma_start3A_371 = arith.constant 0 : i32
      %dma_start3A_372 = tpu.memref_slice %dma_start3A_369[%add3A_337, %dma_start3A_370, %dma_start3A_371] : memref<80x1x128xi32, #tpu.memory_space<hbm>> -> memref<1x1x128xi32, #tpu.memory_space<hbm>>
      %dma_start3A_373 = tpu.memref_squeeze %dma_start3A_372 : memref<1x1x128xi32, #tpu.memory_space<hbm>> -> memref<1x128xi32, #tpu.memory_space<hbm>>
      tpu.enqueue_dma source(%dma_start3A_373 : memref<1x128xi32, #tpu.memory_space<hbm>>) target(%arg9 : memref<1x128xi32, #tpu.memory_space<vmem>>) target_semaphore(%arg18 : memref<!tpu.dma_semaphore, #tpu.memory_space<semaphore_mem>>)
      %mul3A_374 = arith.constant 128 : i32
      %mul3A_375 = arith.muli %add3A_337, %mul3A_374 : i32
      %dma_start3A_376 = arith.constant 0 : i32
      %dma_start3A_377 = tpu.memref_slice %arg5[%add3A, %dma_start3A_376] : memref<32x10240xf32, #tpu.memory_space<hbm>> -> memref<1x10240xf32, #tpu.memory_space<hbm>>
      %dma_start3A_378 = tpu.memref_squeeze %dma_start3A_377 : memref<1x10240xf32, #tpu.memory_space<hbm>> -> memref<10240xf32, #tpu.memory_space<hbm>>
      %dma_start3A_379 = tpu.memref_slice %dma_start3A_378[%mul3A_375] : memref<10240xf32, #tpu.memory_space<hbm>> -> memref<128xf32, #tpu.memory_space<hbm>>
      %dma_start3A_380 = arith.constant 0 : i32
      %dma_start3A_381 = tpu.memref_slice %arg5[%add3A, %dma_start3A_380] : memref<32x10240xf32, #tpu.memory_space<hbm>> -> memref<1x10240xf32, #tpu.memory_space<hbm>>
      %dma_start3A_382 = tpu.memref_squeeze %dma_start3A_381 : memref<1x10240xf32, #tpu.memory_space<hbm>> -> memref<10240xf32, #tpu.memory_space<hbm>>
      %dma_start3A_383 = tpu.memref_slice %dma_start3A_382[%mul3A_375] : memref<10240xf32, #tpu.memory_space<hbm>> -> memref<128xf32, #tpu.memory_space<hbm>>
      tpu.enqueue_dma source(%dma_start3A_383 : memref<128xf32, #tpu.memory_space<hbm>>) target(%arg11 : memref<128xf32, #tpu.memory_space<vmem>>) target_semaphore(%arg20 : memref<!tpu.dma_semaphore, #tpu.memory_space<semaphore_mem>>)
      %mul3A_384 = arith.constant 2 : i32
      %mul3A_385 = arith.muli %mul3A_384, %scan3A_264 : i32
      %add3A_386 = arith.constant 1 : i32
      %add3A_387 = arith.addi %mul3A_385, %add3A_386 : i32
      %add3A_388 = arith.constant 1 : i32
      %add3A_389 = arith.addi %add3A_387, %add3A_388 : i32
      %dma_wait3A_390 = arith.constant 0 : i32
      %dma_wait3A_391 = arith.constant 0 : i32
      %dma_wait3A_392 = arith.constant 0 : i32
      %dma_wait3A_393 = tpu.memref_slice %arg3[%add3A, %dma_wait3A_390, %dma_wait3A_391, %dma_wait3A_392] : memref<32x80x1x128xi32, #tpu.memory_space<hbm>> -> memref<1x80x1x128xi32, #tpu.memory_space<hbm>>
      %dma_wait3A_394 = tpu.memref_squeeze %dma_wait3A_393 : memref<1x80x1x128xi32, #tpu.memory_space<hbm>> -> memref<80x1x128xi32, #tpu.memory_space<hbm>>
      %dma_wait3A_395 = arith.constant 0 : i32
      %dma_wait3A_396 = arith.constant 0 : i32
      %dma_wait3A_397 = tpu.memref_slice %dma_wait3A_394[%add3A_389, %dma_wait3A_395, %dma_wait3A_396] : memref<80x1x128xi32, #tpu.memory_space<hbm>> -> memref<1x1x128xi32, #tpu.memory_space<hbm>>
      %dma_wait3A_398 = tpu.memref_squeeze %dma_wait3A_397 : memref<1x1x128xi32, #tpu.memory_space<hbm>> -> memref<1x128xi32, #tpu.memory_space<hbm>>
      %dma_wait3A_399 = arith.constant 0 : i32
      %dma_wait3A_400 = arith.constant 0 : i32
      %dma_wait3A_401 = arith.constant 0 : i32
      %dma_wait3A_402 = tpu.memref_slice %arg3[%add3A, %dma_wait3A_399, %dma_wait3A_400, %dma_wait3A_401] : memref<32x80x1x128xi32, #tpu.memory_space<hbm>> -> memref<1x80x1x128xi32, #tpu.memory_space<hbm>>
      %dma_wait3A_403 = tpu.memref_squeeze %dma_wait3A_402 : memref<1x80x1x128xi32, #tpu.memory_space<hbm>> -> memref<80x1x128xi32, #tpu.memory_space<hbm>>
      %dma_wait3A_404 = arith.constant 0 : i32
      %dma_wait3A_405 = arith.constant 0 : i32
      %dma_wait3A_406 = tpu.memref_slice %dma_wait3A_403[%add3A_389, %dma_wait3A_404, %dma_wait3A_405] : memref<80x1x128xi32, #tpu.memory_space<hbm>> -> memref<1x1x128xi32, #tpu.memory_space<hbm>>
      %dma_wait3A_407 = tpu.memref_squeeze %dma_wait3A_406 : memref<1x1x128xi32, #tpu.memory_space<hbm>> -> memref<1x128xi32, #tpu.memory_space<hbm>>
      tpu.wait_dma2 semaphore(%arg16 : memref<!tpu.dma_semaphore, #tpu.memory_space<semaphore_mem>>) src(%dma_wait3A_407 : memref<1x128xi32, #tpu.memory_space<hbm>>) dst(%arg7 : memref<1x128xi32, #tpu.memory_space<vmem>>)
      %dma_wait3A_408 = arith.constant 0 : i32
      %dma_wait3A_409 = arith.constant 0 : i32
      %dma_wait3A_410 = arith.constant 0 : i32
      %dma_wait3A_411 = tpu.memref_slice %arg4[%add3A, %dma_wait3A_408, %dma_wait3A_409, %dma_wait3A_410] : memref<32x80x1x128xi32, #tpu.memory_space<hbm>> -> memref<1x80x1x128xi32, #tpu.memory_space<hbm>>
      %dma_wait3A_412 = tpu.memref_squeeze %dma_wait3A_411 : memref<1x80x1x128xi32, #tpu.memory_space<hbm>> -> memref<80x1x128xi32, #tpu.memory_space<hbm>>
      %dma_wait3A_413 = arith.constant 0 : i32
      %dma_wait3A_414 = arith.constant 0 : i32
      %dma_wait3A_415 = tpu.memref_slice %dma_wait3A_412[%add3A_389, %dma_wait3A_413, %dma_wait3A_414] : memref<80x1x128xi32, #tpu.memory_space<hbm>> -> memref<1x1x128xi32, #tpu.memory_space<hbm>>
      %dma_wait3A_416 = tpu.memref_squeeze %dma_wait3A_415 : memref<1x1x128xi32, #tpu.memory_space<hbm>> -> memref<1x128xi32, #tpu.memory_space<hbm>>
      %dma_wait3A_417 = arith.constant 0 : i32
      %dma_wait3A_418 = arith.constant 0 : i32
      %dma_wait3A_419 = arith.constant 0 : i32
      %dma_wait3A_420 = tpu.memref_slice %arg4[%add3A, %dma_wait3A_417, %dma_wait3A_418, %dma_wait3A_419] : memref<32x80x1x128xi32, #tpu.memory_space<hbm>> -> memref<1x80x1x128xi32, #tpu.memory_space<hbm>>
      %dma_wait3A_421 = tpu.memref_squeeze %dma_wait3A_420 : memref<1x80x1x128xi32, #tpu.memory_space<hbm>> -> memref<80x1x128xi32, #tpu.memory_space<hbm>>
      %dma_wait3A_422 = arith.constant 0 : i32
      %dma_wait3A_423 = arith.constant 0 : i32
      %dma_wait3A_424 = tpu.memref_slice %dma_wait3A_421[%add3A_389, %dma_wait3A_422, %dma_wait3A_423] : memref<80x1x128xi32, #tpu.memory_space<hbm>> -> memref<1x1x128xi32, #tpu.memory_space<hbm>>
      %dma_wait3A_425 = tpu.memref_squeeze %dma_wait3A_424 : memref<1x1x128xi32, #tpu.memory_space<hbm>> -> memref<1x128xi32, #tpu.memory_space<hbm>>
      tpu.wait_dma2 semaphore(%arg18 : memref<!tpu.dma_semaphore, #tpu.memory_space<semaphore_mem>>) src(%dma_wait3A_425 : memref<1x128xi32, #tpu.memory_space<hbm>>) dst(%arg9 : memref<1x128xi32, #tpu.memory_space<vmem>>)
      %mul3A_426 = arith.constant 128 : i32
      %mul3A_427 = arith.muli %add3A_389, %mul3A_426 : i32
      %dma_wait3A_428 = arith.constant 0 : i32
      %dma_wait3A_429 = tpu.memref_slice %arg5[%add3A, %dma_wait3A_428] : memref<32x10240xf32, #tpu.memory_space<hbm>> -> memref<1x10240xf32, #tpu.memory_space<hbm>>
      %dma_wait3A_430 = tpu.memref_squeeze %dma_wait3A_429 : memref<1x10240xf32, #tpu.memory_space<hbm>> -> memref<10240xf32, #tpu.memory_space<hbm>>
      %dma_wait3A_431 = tpu.memref_slice %dma_wait3A_430[%mul3A_427] : memref<10240xf32, #tpu.memory_space<hbm>> -> memref<128xf32, #tpu.memory_space<hbm>>
      %dma_wait3A_432 = arith.constant 0 : i32
      %dma_wait3A_433 = tpu.memref_slice %arg5[%add3A, %dma_wait3A_432] : memref<32x10240xf32, #tpu.memory_space<hbm>> -> memref<1x10240xf32, #tpu.memory_space<hbm>>
      %dma_wait3A_434 = tpu.memref_squeeze %dma_wait3A_433 : memref<1x10240xf32, #tpu.memory_space<hbm>> -> memref<10240xf32, #tpu.memory_space<hbm>>
      %dma_wait3A_435 = tpu.memref_slice %dma_wait3A_434[%mul3A_427] : memref<10240xf32, #tpu.memory_space<hbm>> -> memref<128xf32, #tpu.memory_space<hbm>>
      tpu.wait_dma2 semaphore(%arg20 : memref<!tpu.dma_semaphore, #tpu.memory_space<semaphore_mem>>) src(%dma_wait3A_435 : memref<128xf32, #tpu.memory_space<hbm>>) dst(%arg11 : memref<128xf32, #tpu.memory_space<vmem>>)
      %dma_start3A_436 = arith.constant 0 : i32
      %dma_start3A_437 = arith.constant 0 : i32
      %dma_start3A_438 = tpu.memref_slice %arg7[%dma_start3A_436, %dma_start3A_437] : memref<1x128xi32, #tpu.memory_space<vmem>> -> memref<1x128xi32, #tpu.memory_space<vmem>>
      %dma_start3A_439 = tpu.memref_squeeze %dma_start3A_438 : memref<1x128xi32, #tpu.memory_space<vmem>> -> memref<128xi32, #tpu.memory_space<vmem>>
      %dma_start3A_440 = arith.constant 0 : i32
      %dma_start3A_441 = arith.constant 0 : i32
      %dma_start3A_442 = tpu.memref_slice %arg2[%dma_start3A_440, %dma_start3A_441] : memref<10000x32xi32, #tpu.memory_space<hbm>> -> memref<10000x32xi32, #tpu.memory_space<hbm>>
      tpu.enqueue_indirect_dma source(%dma_start3A_442 : memref<10000x32xi32, #tpu.memory_space<hbm>>) target(%arg13 : memref<128x32xi32, #tpu.memory_space<vmem>>) offsets(%dma_start3A_439 : memref<128xi32, #tpu.memory_space<vmem>>) semaphore(%arg22 : memref<!tpu.dma_semaphore, #tpu.memory_space<semaphore_mem>>)
      %dma_wait3A_443 = arith.constant 0 : i32
      %dma_wait3A_444 = arith.constant 0 : i32
      %dma_wait3A_445 = tpu.memref_slice %arg8[%dma_wait3A_443, %dma_wait3A_444] : memref<1x128xi32, #tpu.memory_space<vmem>> -> memref<1x128xi32, #tpu.memory_space<vmem>>
      %dma_wait3A_446 = tpu.memref_squeeze %dma_wait3A_445 : memref<1x128xi32, #tpu.memory_space<vmem>> -> memref<128xi32, #tpu.memory_space<vmem>>
      %dma_wait3A_447 = arith.constant 0 : i32
      %dma_wait3A_448 = arith.constant 0 : i32
      %dma_wait3A_449 = tpu.memref_slice %arg2[%dma_wait3A_447, %dma_wait3A_448] : memref<10000x32xi32, #tpu.memory_space<hbm>> -> memref<10000x32xi32, #tpu.memory_space<hbm>>
      tpu.wait_indirect_dma semaphore(%arg23 : memref<!tpu.dma_semaphore, #tpu.memory_space<semaphore_mem>>) src(%dma_wait3A_449 : memref<10000x32xi32, #tpu.memory_space<hbm>>) dst(%arg14 : memref<128x32xi32, #tpu.memory_space<vmem>>)
      %parallel_loop3A_450 = arith.constant 0 : i32
      %parallel_loop3A_451 = arith.constant 128 : i32
      %parallel_loop3A_452 = arith.constant 1 : i32
      scf.for %parallel_loop3A_503 = %parallel_loop3A_450 to %parallel_loop3A_451 step %parallel_loop3A_452  : i32 {
        %parallel_loop3A_504 = vector.broadcast %parallel_loop3A_503 : i32 to vector<16xi32>
        %parallel_loop3A_505 = tpu.vector_load_idx %arg12[%parallel_loop3A_504] : memref<128xf32, #tpu.memory_space<vmem>>[vector<16xi32>], vector<16xf32>,
        %parallel_loop3A_506 = arith.index_cast %parallel_loop3A_503 : i32 to index
        %parallel_loop3A_507 = arith.constant 0 : index
        %parallel_loop3A_508 = tpu.vector_load %arg14[%parallel_loop3A_506, %parallel_loop3A_507] {strides = array<i32>} : memref<128x32xi32, #tpu.memory_space<vmem>>, vector<16xi32>,
        %parallel_loop3A_509 = arith.constant 16 : i32
        %parallel_loop3A_510 = vector.broadcast %parallel_loop3A_509 : i32 to vector<16xi32>
        %parallel_loop3A_511 = arith.shli %parallel_loop3A_508, %parallel_loop3A_510 : vector<16xi32>
        %parallel_loop3A_512 = vector.bitcast %parallel_loop3A_511 : vector<16xi32> to vector<16xf32>
        %parallel_loop3A_513 = arith.constant -65536 : i32
        %parallel_loop3A_514 = vector.broadcast %parallel_loop3A_513 : i32 to vector<16xi32>
        %parallel_loop3A_515 = arith.andi %parallel_loop3A_508, %parallel_loop3A_514 : vector<16xi32>
        %parallel_loop3A_516 = vector.bitcast %parallel_loop3A_515 : vector<16xi32> to vector<16xf32>
        %parallel_loop3A_517 = arith.mulf %parallel_loop3A_512, %parallel_loop3A_505 : vector<16xf32>
        %parallel_loop3A_518 = arith.index_cast %parallel_loop3A_503 : i32 to index
        %parallel_loop3A_519 = arith.constant 0 : index
        %parallel_loop3A_520 = tpu.vector_load %arg15[%parallel_loop3A_518, %parallel_loop3A_519] {strides = array<i32>} : memref<128x64xf32, #tpu.memory_space<vmem>>, vector<16xf32>,
        tpu.vector_store %arg15[%parallel_loop3A_518, %parallel_loop3A_519], %parallel_loop3A_517 {strides = array<i32>} : memref<128x64xf32, #tpu.memory_space<vmem>>, vector<16xf32>,
        %parallel_loop3A_521 = arith.mulf %parallel_loop3A_516, %parallel_loop3A_505 : vector<16xf32>
        %parallel_loop3A_522 = arith.index_cast %parallel_loop3A_503 : i32 to index
        %parallel_loop3A_523 = arith.constant 16 : index
        %parallel_loop3A_524 = tpu.vector_load %arg15[%parallel_loop3A_522, %parallel_loop3A_523] {strides = array<i32>} : memref<128x64xf32, #tpu.memory_space<vmem>>, vector<16xf32>,
        tpu.vector_store %arg15[%parallel_loop3A_522, %parallel_loop3A_523], %parallel_loop3A_521 {strides = array<i32>} : memref<128x64xf32, #tpu.memory_space<vmem>>, vector<16xf32>,
        %parallel_loop3A_525 = arith.index_cast %parallel_loop3A_503 : i32 to index
        %parallel_loop3A_526 = arith.constant 16 : index
        %parallel_loop3A_527 = tpu.vector_load %arg14[%parallel_loop3A_525, %parallel_loop3A_526] {strides = array<i32>} : memref<128x32xi32, #tpu.memory_space<vmem>>, vector<16xi32>,
        %parallel_loop3A_528 = arith.constant 16 : i32
        %parallel_loop3A_529 = vector.broadcast %parallel_loop3A_528 : i32 to vector<16xi32>
        %parallel_loop3A_530 = arith.shli %parallel_loop3A_527, %parallel_loop3A_529 : vector<16xi32>
        %parallel_loop3A_531 = vector.bitcast %parallel_loop3A_530 : vector<16xi32> to vector<16xf32>
        %parallel_loop3A_532 = arith.constant -65536 : i32
        %parallel_loop3A_533 = vector.broadcast %parallel_loop3A_532 : i32 to vector<16xi32>
        %parallel_loop3A_534 = arith.andi %parallel_loop3A_527, %parallel_loop3A_533 : vector<16xi32>
        %parallel_loop3A_535 = vector.bitcast %parallel_loop3A_534 : vector<16xi32> to vector<16xf32>
        %parallel_loop3A_536 = arith.mulf %parallel_loop3A_531, %parallel_loop3A_505 : vector<16xf32>
        %parallel_loop3A_537 = arith.index_cast %parallel_loop3A_503 : i32 to index
        %parallel_loop3A_538 = arith.constant 32 : index
        %parallel_loop3A_539 = tpu.vector_load %arg15[%parallel_loop3A_537, %parallel_loop3A_538] {strides = array<i32>} : memref<128x64xf32, #tpu.memory_space<vmem>>, vector<16xf32>,
        tpu.vector_store %arg15[%parallel_loop3A_537, %parallel_loop3A_538], %parallel_loop3A_536 {strides = array<i32>} : memref<128x64xf32, #tpu.memory_space<vmem>>, vector<16xf32>,
        %parallel_loop3A_540 = arith.mulf %parallel_loop3A_535, %parallel_loop3A_505 : vector<16xf32>
        %parallel_loop3A_541 = arith.index_cast %parallel_loop3A_503 : i32 to index
        %parallel_loop3A_542 = arith.constant 48 : index
        %parallel_loop3A_543 = tpu.vector_load %arg15[%parallel_loop3A_541, %parallel_loop3A_542] {strides = array<i32>} : memref<128x64xf32, #tpu.memory_space<vmem>>, vector<16xf32>,
        tpu.vector_store %arg15[%parallel_loop3A_541, %parallel_loop3A_542], %parallel_loop3A_540 {strides = array<i32>} : memref<128x64xf32, #tpu.memory_space<vmem>>, vector<16xf32>,
      } {sc.loop_unroll_factor = 4 : i64, sc.parallel_access}
      %run_scoped3A_453 = arith.constant 0 : i32
      "tpu.region"() ({
        %run_scoped3A_503 = tpu.sem_alloc : memref<!tpu.dma_semaphore, #tpu.memory_space<semaphore_mem>>
        %dma_start3A_504 = arith.constant 0 : i32
        %dma_start3A_505 = tpu.memref_slice %arg10[%run_scoped3A_453, %dma_start3A_504] : memref<1x128xi32, #tpu.memory_space<vmem>> -> memref<1x128xi32, #tpu.memory_space<vmem>>
        %dma_start3A_506 = tpu.memref_squeeze %dma_start3A_505 : memref<1x128xi32, #tpu.memory_space<vmem>> -> memref<128xi32, #tpu.memory_space<vmem>>
        %dma_start3A_507 = arith.constant 0 : i32
        %dma_start3A_508 = arith.constant 0 : i32
        %dma_start3A_509 = tpu.memref_slice %arg24[%dma_start3A_507, %dma_start3A_508] : memref<10000x64xf32, #tpu.memory_space<vmem_shared>> -> memref<10000x64xf32, #tpu.memory_space<vmem_shared>>
        tpu.enqueue_indirect_dma source(%arg15 : memref<128x64xf32, #tpu.memory_space<vmem>>) target(%dma_start3A_509 : memref<10000x64xf32, #tpu.memory_space<vmem_shared>>) offsets(%dma_start3A_506 : memref<128xi32, #tpu.memory_space<vmem>>) semaphore(%run_scoped3A_503 : memref<!tpu.dma_semaphore, #tpu.memory_space<semaphore_mem>>) {add = true}
        %dma_wait3A_510 = arith.constant 0 : i32
        %dma_wait3A_511 = tpu.memref_slice %arg10[%run_scoped3A_453, %dma_wait3A_510] : memref<1x128xi32, #tpu.memory_space<vmem>> -> memref<1x128xi32, #tpu.memory_space<vmem>>
        %dma_wait3A_512 = tpu.memref_squeeze %dma_wait3A_511 : memref<1x128xi32, #tpu.memory_space<vmem>> -> memref<128xi32, #tpu.memory_space<vmem>>
        %dma_wait3A_513 = arith.constant 0 : i32
        %dma_wait3A_514 = arith.constant 0 : i32
        %dma_wait3A_515 = tpu.memref_slice %arg24[%dma_wait3A_513, %dma_wait3A_514] : memref<10000x64xf32, #tpu.memory_space<vmem_shared>> -> memref<10000x64xf32, #tpu.memory_space<vmem_shared>>
        tpu.wait_indirect_dma semaphore(%run_scoped3A_503 : memref<!tpu.dma_semaphore, #tpu.memory_space<semaphore_mem>>) src(%arg15 : memref<128x64xf32, #tpu.memory_space<vmem>>) dst(%dma_wait3A_515 : memref<10000x64xf32, #tpu.memory_space<vmem_shared>>)
        tpu.yield
      }) : () -> ()
      %add3A_454 = arith.constant 2 : i32
      %add3A_455 = arith.addi %add3A_387, %add3A_454 : i32
      %dma_start3A_456 = arith.constant 0 : i32
      %dma_start3A_457 = arith.constant 0 : i32
      %dma_start3A_458 = arith.constant 0 : i32
      %dma_start3A_459 = tpu.memref_slice %arg3[%add3A, %dma_start3A_456, %dma_start3A_457, %dma_start3A_458] : memref<32x80x1x128xi32, #tpu.memory_space<hbm>> -> memref<1x80x1x128xi32, #tpu.memory_space<hbm>>
      %dma_start3A_460 = tpu.memref_squeeze %dma_start3A_459 : memref<1x80x1x128xi32, #tpu.memory_space<hbm>> -> memref<80x1x128xi32, #tpu.memory_space<hbm>>
      %dma_start3A_461 = arith.constant 0 : i32
      %dma_start3A_462 = arith.constant 0 : i32
      %dma_start3A_463 = tpu.memref_slice %dma_start3A_460[%add3A_455, %dma_start3A_461, %dma_start3A_462] : memref<80x1x128xi32, #tpu.memory_space<hbm>> -> memref<1x1x128xi32, #tpu.memory_space<hbm>>
      %dma_start3A_464 = tpu.memref_squeeze %dma_start3A_463 : memref<1x1x128xi32, #tpu.memory_space<hbm>> -> memref<1x128xi32, #tpu.memory_space<hbm>>
      %dma_start3A_465 = arith.constant 0 : i32
      %dma_start3A_466 = arith.constant 0 : i32
      %dma_start3A_467 = arith.constant 0 : i32
      %dma_start3A_468 = tpu.memref_slice %arg3[%add3A, %dma_start3A_465, %dma_start3A_466, %dma_start3A_467] : memref<32x80x1x128xi32, #tpu.memory_space<hbm>> -> memref<1x80x1x128xi32, #tpu.memory_space<hbm>>
      %dma_start3A_469 = tpu.memref_squeeze %dma_start3A_468 : memref<1x80x1x128xi32, #tpu.memory_space<hbm>> -> memref<80x1x128xi32, #tpu.memory_space<hbm>>
      %dma_start3A_470 = arith.constant 0 : i32
      %dma_start3A_471 = arith.constant 0 : i32
      %dma_start3A_472 = tpu.memref_slice %dma_start3A_469[%add3A_455, %dma_start3A_470, %dma_start3A_471] : memref<80x1x128xi32, #tpu.memory_space<hbm>> -> memref<1x1x128xi32, #tpu.memory_space<hbm>>
      %dma_start3A_473 = tpu.memref_squeeze %dma_start3A_472 : memref<1x1x128xi32, #tpu.memory_space<hbm>> -> memref<1x128xi32, #tpu.memory_space<hbm>>
      tpu.enqueue_dma source(%dma_start3A_473 : memref<1x128xi32, #tpu.memory_space<hbm>>) target(%arg8 : memref<1x128xi32, #tpu.memory_space<vmem>>) target_semaphore(%arg17 : memref<!tpu.dma_semaphore, #tpu.memory_space<semaphore_mem>>)
      %dma_start3A_474 = arith.constant 0 : i32
      %dma_start3A_475 = arith.constant 0 : i32
      %dma_start3A_476 = arith.constant 0 : i32
      %dma_start3A_477 = tpu.memref_slice %arg4[%add3A, %dma_start3A_474, %dma_start3A_475, %dma_start3A_476] : memref<32x80x1x128xi32, #tpu.memory_space<hbm>> -> memref<1x80x1x128xi32, #tpu.memory_space<hbm>>
      %dma_start3A_478 = tpu.memref_squeeze %dma_start3A_477 : memref<1x80x1x128xi32, #tpu.memory_space<hbm>> -> memref<80x1x128xi32, #tpu.memory_space<hbm>>
      %dma_start3A_479 = arith.constant 0 : i32
      %dma_start3A_480 = arith.constant 0 : i32
      %dma_start3A_481 = tpu.memref_slice %dma_start3A_478[%add3A_455, %dma_start3A_479, %dma_start3A_480] : memref<80x1x128xi32, #tpu.memory_space<hbm>> -> memref<1x1x128xi32, #tpu.memory_space<hbm>>
      %dma_start3A_482 = tpu.memref_squeeze %dma_start3A_481 : memref<1x1x128xi32, #tpu.memory_space<hbm>> -> memref<1x128xi32, #tpu.memory_space<hbm>>
      %dma_start3A_483 = arith.constant 0 : i32
      %dma_start3A_484 = arith.constant 0 : i32
      %dma_start3A_485 = arith.constant 0 : i32
      %dma_start3A_486 = tpu.memref_slice %arg4[%add3A, %dma_start3A_483, %dma_start3A_484, %dma_start3A_485] : memref<32x80x1x128xi32, #tpu.memory_space<hbm>> -> memref<1x80x1x128xi32, #tpu.memory_space<hbm>>
      %dma_start3A_487 = tpu.memref_squeeze %dma_start3A_486 : memref<1x80x1x128xi32, #tpu.memory_space<hbm>> -> memref<80x1x128xi32, #tpu.memory_space<hbm>>
      %dma_start3A_488 = arith.constant 0 : i32
      %dma_start3A_489 = arith.constant 0 : i32
      %dma_start3A_490 = tpu.memref_slice %dma_start3A_487[%add3A_455, %dma_start3A_488, %dma_start3A_489] : memref<80x1x128xi32, #tpu.memory_space<hbm>> -> memref<1x1x128xi32, #tpu.memory_space<hbm>>
      %dma_start3A_491 = tpu.memref_squeeze %dma_start3A_490 : memref<1x1x128xi32, #tpu.memory_space<hbm>> -> memref<1x128xi32, #tpu.memory_space<hbm>>
      tpu.enqueue_dma source(%dma_start3A_491 : memref<1x128xi32, #tpu.memory_space<hbm>>) target(%arg10 : memref<1x128xi32, #tpu.memory_space<vmem>>) target_semaphore(%arg19 : memref<!tpu.dma_semaphore, #tpu.memory_space<semaphore_mem>>)
      %mul3A_492 = arith.constant 128 : i32
      %mul3A_493 = arith.muli %add3A_455, %mul3A_492 : i32
      %dma_start3A_494 = arith.constant 0 : i32
      %dma_start3A_495 = tpu.memref_slice %arg5[%add3A, %dma_start3A_494] : memref<32x10240xf32, #tpu.memory_space<hbm>> -> memref<1x10240xf32, #tpu.memory_space<hbm>>
      %dma_start3A_496 = tpu.memref_squeeze %dma_start3A_495 : memref<1x10240xf32, #tpu.memory_space<hbm>> -> memref<10240xf32, #tpu.memory_space<hbm>>
      %dma_start3A_497 = tpu.memref_slice %dma_start3A_496[%mul3A_493] : memref<10240xf32, #tpu.memory_space<hbm>> -> memref<128xf32, #tpu.memory_space<hbm>>
      %dma_start3A_498 = arith.constant 0 : i32
      %dma_start3A_499 = tpu.memref_slice %arg5[%add3A, %dma_start3A_498] : memref<32x10240xf32, #tpu.memory_space<hbm>> -> memref<1x10240xf32, #tpu.memory_space<hbm>>
      %dma_start3A_500 = tpu.memref_squeeze %dma_start3A_499 : memref<1x10240xf32, #tpu.memory_space<hbm>> -> memref<10240xf32, #tpu.memory_space<hbm>>
      %dma_start3A_501 = tpu.memref_slice %dma_start3A_500[%mul3A_493] : memref<10240xf32, #tpu.memory_space<hbm>> -> memref<128xf32, #tpu.memory_space<hbm>>
      tpu.enqueue_dma source(%dma_start3A_501 : memref<128xf32, #tpu.memory_space<hbm>>) target(%arg12 : memref<128xf32, #tpu.memory_space<vmem>>) target_semaphore(%arg21 : memref<!tpu.dma_semaphore, #tpu.memory_space<semaphore_mem>>)
      %scan3A_502 = arith.constant 0 : i32
      scf.yield %scan3A_502 : i32
    }
    %scan3A_175 = arith.constant 39 : i32
    %dma_wait3A_176 = arith.constant 79 : i32
    %dma_wait3A_177 = arith.constant 0 : i32
    %dma_wait3A_178 = arith.constant 0 : i32
    %dma_wait3A_179 = arith.constant 0 : i32
    %dma_wait3A_180 = tpu.memref_slice %arg3[%add3A, %dma_wait3A_177, %dma_wait3A_178, %dma_wait3A_179] : memref<32x80x1x128xi32, #tpu.memory_space<hbm>> -> memref<1x80x1x128xi32, #tpu.memory_space<hbm>>
    %dma_wait3A_181 = tpu.memref_squeeze %dma_wait3A_180 : memref<1x80x1x128xi32, #tpu.memory_space<hbm>> -> memref<80x1x128xi32, #tpu.memory_space<hbm>>
    %dma_wait3A_182 = arith.constant 0 : i32
    %dma_wait3A_183 = arith.constant 0 : i32
    %dma_wait3A_184 = tpu.memref_slice %dma_wait3A_181[%dma_wait3A_176, %dma_wait3A_182, %dma_wait3A_183] : memref<80x1x128xi32, #tpu.memory_space<hbm>> -> memref<1x1x128xi32, #tpu.memory_space<hbm>>
    %dma_wait3A_185 = tpu.memref_squeeze %dma_wait3A_184 : memref<1x1x128xi32, #tpu.memory_space<hbm>> -> memref<1x128xi32, #tpu.memory_space<hbm>>
    %dma_wait3A_186 = arith.constant 0 : i32
    %dma_wait3A_187 = arith.constant 0 : i32
    %dma_wait3A_188 = arith.constant 0 : i32
    %dma_wait3A_189 = tpu.memref_slice %arg3[%add3A, %dma_wait3A_186, %dma_wait3A_187, %dma_wait3A_188] : memref<32x80x1x128xi32, #tpu.memory_space<hbm>> -> memref<1x80x1x128xi32, #tpu.memory_space<hbm>>
    %dma_wait3A_190 = tpu.memref_squeeze %dma_wait3A_189 : memref<1x80x1x128xi32, #tpu.memory_space<hbm>> -> memref<80x1x128xi32, #tpu.memory_space<hbm>>
    %dma_wait3A_191 = arith.constant 0 : i32
    %dma_wait3A_192 = arith.constant 0 : i32
    %dma_wait3A_193 = tpu.memref_slice %dma_wait3A_190[%dma_wait3A_176, %dma_wait3A_191, %dma_wait3A_192] : memref<80x1x128xi32, #tpu.memory_space<hbm>> -> memref<1x1x128xi32, #tpu.memory_space<hbm>>
    %dma_wait3A_194 = tpu.memref_squeeze %dma_wait3A_193 : memref<1x1x128xi32, #tpu.memory_space<hbm>> -> memref<1x128xi32, #tpu.memory_space<hbm>>
    tpu.wait_dma2 semaphore(%arg17 : memref<!tpu.dma_semaphore, #tpu.memory_space<semaphore_mem>>) src(%dma_wait3A_194 : memref<1x128xi32, #tpu.memory_space<hbm>>) dst(%arg8 : memref<1x128xi32, #tpu.memory_space<vmem>>)
    %dma_wait3A_195 = arith.constant 79 : i32
    %dma_wait3A_196 = arith.constant 0 : i32
    %dma_wait3A_197 = arith.constant 0 : i32
    %dma_wait3A_198 = arith.constant 0 : i32
    %dma_wait3A_199 = tpu.memref_slice %arg4[%add3A, %dma_wait3A_196, %dma_wait3A_197, %dma_wait3A_198] : memref<32x80x1x128xi32, #tpu.memory_space<hbm>> -> memref<1x80x1x128xi32, #tpu.memory_space<hbm>>
    %dma_wait3A_200 = tpu.memref_squeeze %dma_wait3A_199 : memref<1x80x1x128xi32, #tpu.memory_space<hbm>> -> memref<80x1x128xi32, #tpu.memory_space<hbm>>
    %dma_wait3A_201 = arith.constant 0 : i32
    %dma_wait3A_202 = arith.constant 0 : i32
    %dma_wait3A_203 = tpu.memref_slice %dma_wait3A_200[%dma_wait3A_195, %dma_wait3A_201, %dma_wait3A_202] : memref<80x1x128xi32, #tpu.memory_space<hbm>> -> memref<1x1x128xi32, #tpu.memory_space<hbm>>
    %dma_wait3A_204 = tpu.memref_squeeze %dma_wait3A_203 : memref<1x1x128xi32, #tpu.memory_space<hbm>> -> memref<1x128xi32, #tpu.memory_space<hbm>>
    %dma_wait3A_205 = arith.constant 0 : i32
    %dma_wait3A_206 = arith.constant 0 : i32
    %dma_wait3A_207 = arith.constant 0 : i32
    %dma_wait3A_208 = tpu.memref_slice %arg4[%add3A, %dma_wait3A_205, %dma_wait3A_206, %dma_wait3A_207] : memref<32x80x1x128xi32, #tpu.memory_space<hbm>> -> memref<1x80x1x128xi32, #tpu.memory_space<hbm>>
    %dma_wait3A_209 = tpu.memref_squeeze %dma_wait3A_208 : memref<1x80x1x128xi32, #tpu.memory_space<hbm>> -> memref<80x1x128xi32, #tpu.memory_space<hbm>>
    %dma_wait3A_210 = arith.constant 0 : i32
    %dma_wait3A_211 = arith.constant 0 : i32
    %dma_wait3A_212 = tpu.memref_slice %dma_wait3A_209[%dma_wait3A_195, %dma_wait3A_210, %dma_wait3A_211] : memref<80x1x128xi32, #tpu.memory_space<hbm>> -> memref<1x1x128xi32, #tpu.memory_space<hbm>>
    %dma_wait3A_213 = tpu.memref_squeeze %dma_wait3A_212 : memref<1x1x128xi32, #tpu.memory_space<hbm>> -> memref<1x128xi32, #tpu.memory_space<hbm>>
    tpu.wait_dma2 semaphore(%arg19 : memref<!tpu.dma_semaphore, #tpu.memory_space<semaphore_mem>>) src(%dma_wait3A_213 : memref<1x128xi32, #tpu.memory_space<hbm>>) dst(%arg10 : memref<1x128xi32, #tpu.memory_space<vmem>>)
    %dma_wait3A_214 = arith.constant 0 : i32
    %dma_wait3A_215 = tpu.memref_slice %arg5[%add3A, %dma_wait3A_214] : memref<32x10240xf32, #tpu.memory_space<hbm>> -> memref<1x10240xf32, #tpu.memory_space<hbm>>
    %dma_wait3A_216 = tpu.memref_squeeze %dma_wait3A_215 : memref<1x10240xf32, #tpu.memory_space<hbm>> -> memref<10240xf32, #tpu.memory_space<hbm>>
    %dma_wait3A_217 = arith.constant 10112 : i32
    %dma_wait3A_218 = tpu.memref_slice %dma_wait3A_216[%dma_wait3A_217] : memref<10240xf32, #tpu.memory_space<hbm>> -> memref<128xf32, #tpu.memory_space<hbm>>
    %dma_wait3A_219 = arith.constant 0 : i32
    %dma_wait3A_220 = tpu.memref_slice %arg5[%add3A, %dma_wait3A_219] : memref<32x10240xf32, #tpu.memory_space<hbm>> -> memref<1x10240xf32, #tpu.memory_space<hbm>>
    %dma_wait3A_221 = tpu.memref_squeeze %dma_wait3A_220 : memref<1x10240xf32, #tpu.memory_space<hbm>> -> memref<10240xf32, #tpu.memory_space<hbm>>
    %dma_wait3A_222 = arith.constant 10112 : i32
    %dma_wait3A_223 = tpu.memref_slice %dma_wait3A_221[%dma_wait3A_222] : memref<10240xf32, #tpu.memory_space<hbm>> -> memref<128xf32, #tpu.memory_space<hbm>>
    tpu.wait_dma2 semaphore(%arg21 : memref<!tpu.dma_semaphore, #tpu.memory_space<semaphore_mem>>) src(%dma_wait3A_223 : memref<128xf32, #tpu.memory_space<hbm>>) dst(%arg12 : memref<128xf32, #tpu.memory_space<vmem>>)
    %dma_start3A_224 = arith.constant 0 : i32
    %dma_start3A_225 = arith.constant 0 : i32
    %dma_start3A_226 = tpu.memref_slice %arg8[%dma_start3A_224, %dma_start3A_225] : memref<1x128xi32, #tpu.memory_space<vmem>> -> memref<1x128xi32, #tpu.memory_space<vmem>>
    %dma_start3A_227 = tpu.memref_squeeze %dma_start3A_226 : memref<1x128xi32, #tpu.memory_space<vmem>> -> memref<128xi32, #tpu.memory_space<vmem>>
    %dma_start3A_228 = arith.constant 0 : i32
    %dma_start3A_229 = arith.constant 0 : i32
    %dma_start3A_230 = tpu.memref_slice %arg2[%dma_start3A_228, %dma_start3A_229] : memref<10000x32xi32, #tpu.memory_space<hbm>> -> memref<10000x32xi32, #tpu.memory_space<hbm>>
    tpu.enqueue_indirect_dma source(%dma_start3A_230 : memref<10000x32xi32, #tpu.memory_space<hbm>>) target(%arg14 : memref<128x32xi32, #tpu.memory_space<vmem>>) offsets(%dma_start3A_227 : memref<128xi32, #tpu.memory_space<vmem>>) semaphore(%arg23 : memref<!tpu.dma_semaphore, #tpu.memory_space<semaphore_mem>>)
    %dma_wait3A_231 = arith.constant 0 : i32
    %dma_wait3A_232 = arith.constant 0 : i32
    %dma_wait3A_233 = tpu.memref_slice %arg7[%dma_wait3A_231, %dma_wait3A_232] : memref<1x128xi32, #tpu.memory_space<vmem>> -> memref<1x128xi32, #tpu.memory_space<vmem>>
    %dma_wait3A_234 = tpu.memref_squeeze %dma_wait3A_233 : memref<1x128xi32, #tpu.memory_space<vmem>> -> memref<128xi32, #tpu.memory_space<vmem>>
    %dma_wait3A_235 = arith.constant 0 : i32
    %dma_wait3A_236 = arith.constant 0 : i32
    %dma_wait3A_237 = tpu.memref_slice %arg2[%dma_wait3A_235, %dma_wait3A_236] : memref<10000x32xi32, #tpu.memory_space<hbm>> -> memref<10000x32xi32, #tpu.memory_space<hbm>>
    tpu.wait_indirect_dma semaphore(%arg22 : memref<!tpu.dma_semaphore, #tpu.memory_space<semaphore_mem>>) src(%dma_wait3A_237 : memref<10000x32xi32, #tpu.memory_space<hbm>>) dst(%arg13 : memref<128x32xi32, #tpu.memory_space<vmem>>)
    %parallel_loop3A = arith.constant 0 : i32
    %parallel_loop3A_238 = arith.constant 128 : i32
    %parallel_loop3A_239 = arith.constant 1 : i32
    scf.for %parallel_loop3A_264 = %parallel_loop3A to %parallel_loop3A_238 step %parallel_loop3A_239  : i32 {
      %parallel_loop3A_265 = vector.broadcast %parallel_loop3A_264 : i32 to vector<16xi32>
      %parallel_loop3A_266 = tpu.vector_load_idx %arg11[%parallel_loop3A_265] : memref<128xf32, #tpu.memory_space<vmem>>[vector<16xi32>], vector<16xf32>,
      %parallel_loop3A_267 = arith.index_cast %parallel_loop3A_264 : i32 to index
      %parallel_loop3A_268 = arith.constant 0 : index
      %parallel_loop3A_269 = tpu.vector_load %arg13[%parallel_loop3A_267, %parallel_loop3A_268] {strides = array<i32>} : memref<128x32xi32, #tpu.memory_space<vmem>>, vector<16xi32>,
      %parallel_loop3A_270 = arith.constant 16 : i32
      %parallel_loop3A_271 = vector.broadcast %parallel_loop3A_270 : i32 to vector<16xi32>
      %parallel_loop3A_272 = arith.shli %parallel_loop3A_269, %parallel_loop3A_271 : vector<16xi32>
      %parallel_loop3A_273 = vector.bitcast %parallel_loop3A_272 : vector<16xi32> to vector<16xf32>
      %parallel_loop3A_274 = arith.constant -65536 : i32
      %parallel_loop3A_275 = vector.broadcast %parallel_loop3A_274 : i32 to vector<16xi32>
      %parallel_loop3A_276 = arith.andi %parallel_loop3A_269, %parallel_loop3A_275 : vector<16xi32>
      %parallel_loop3A_277 = vector.bitcast %parallel_loop3A_276 : vector<16xi32> to vector<16xf32>
      %parallel_loop3A_278 = arith.mulf %parallel_loop3A_273, %parallel_loop3A_266 : vector<16xf32>
      %parallel_loop3A_279 = arith.index_cast %parallel_loop3A_264 : i32 to index
      %parallel_loop3A_280 = arith.constant 0 : index
      %parallel_loop3A_281 = tpu.vector_load %arg15[%parallel_loop3A_279, %parallel_loop3A_280] {strides = array<i32>} : memref<128x64xf32, #tpu.memory_space<vmem>>, vector<16xf32>,
      tpu.vector_store %arg15[%parallel_loop3A_279, %parallel_loop3A_280], %parallel_loop3A_278 {strides = array<i32>} : memref<128x64xf32, #tpu.memory_space<vmem>>, vector<16xf32>,
      %parallel_loop3A_282 = arith.mulf %parallel_loop3A_277, %parallel_loop3A_266 : vector<16xf32>
      %parallel_loop3A_283 = arith.index_cast %parallel_loop3A_264 : i32 to index
      %parallel_loop3A_284 = arith.constant 16 : index
      %parallel_loop3A_285 = tpu.vector_load %arg15[%parallel_loop3A_283, %parallel_loop3A_284] {strides = array<i32>} : memref<128x64xf32, #tpu.memory_space<vmem>>, vector<16xf32>,
      tpu.vector_store %arg15[%parallel_loop3A_283, %parallel_loop3A_284], %parallel_loop3A_282 {strides = array<i32>} : memref<128x64xf32, #tpu.memory_space<vmem>>, vector<16xf32>,
      %parallel_loop3A_286 = arith.index_cast %parallel_loop3A_264 : i32 to index
      %parallel_loop3A_287 = arith.constant 16 : index
      %parallel_loop3A_288 = tpu.vector_load %arg13[%parallel_loop3A_286, %parallel_loop3A_287] {strides = array<i32>} : memref<128x32xi32, #tpu.memory_space<vmem>>, vector<16xi32>,
      %parallel_loop3A_289 = arith.constant 16 : i32
      %parallel_loop3A_290 = vector.broadcast %parallel_loop3A_289 : i32 to vector<16xi32>
      %parallel_loop3A_291 = arith.shli %parallel_loop3A_288, %parallel_loop3A_290 : vector<16xi32>
      %parallel_loop3A_292 = vector.bitcast %parallel_loop3A_291 : vector<16xi32> to vector<16xf32>
      %parallel_loop3A_293 = arith.constant -65536 : i32
      %parallel_loop3A_294 = vector.broadcast %parallel_loop3A_293 : i32 to vector<16xi32>
      %parallel_loop3A_295 = arith.andi %parallel_loop3A_288, %parallel_loop3A_294 : vector<16xi32>
      %parallel_loop3A_296 = vector.bitcast %parallel_loop3A_295 : vector<16xi32> to vector<16xf32>
      %parallel_loop3A_297 = arith.mulf %parallel_loop3A_292, %parallel_loop3A_266 : vector<16xf32>
      %parallel_loop3A_298 = arith.index_cast %parallel_loop3A_264 : i32 to index
      %parallel_loop3A_299 = arith.constant 32 : index
      %parallel_loop3A_300 = tpu.vector_load %arg15[%parallel_loop3A_298, %parallel_loop3A_299] {strides = array<i32>} : memref<128x64xf32, #tpu.memory_space<vmem>>, vector<16xf32>,
      tpu.vector_store %arg15[%parallel_loop3A_298, %parallel_loop3A_299], %parallel_loop3A_297 {strides = array<i32>} : memref<128x64xf32, #tpu.memory_space<vmem>>, vector<16xf32>,
      %parallel_loop3A_301 = arith.mulf %parallel_loop3A_296, %parallel_loop3A_266 : vector<16xf32>
      %parallel_loop3A_302 = arith.index_cast %parallel_loop3A_264 : i32 to index
      %parallel_loop3A_303 = arith.constant 48 : index
      %parallel_loop3A_304 = tpu.vector_load %arg15[%parallel_loop3A_302, %parallel_loop3A_303] {strides = array<i32>} : memref<128x64xf32, #tpu.memory_space<vmem>>, vector<16xf32>,
      tpu.vector_store %arg15[%parallel_loop3A_302, %parallel_loop3A_303], %parallel_loop3A_301 {strides = array<i32>} : memref<128x64xf32, #tpu.memory_space<vmem>>, vector<16xf32>,
    } {sc.loop_unroll_factor = 4 : i64, sc.parallel_access}
    %run_scoped3A = arith.constant 0 : i32
    "tpu.region"() ({
      %run_scoped3A_264 = tpu.sem_alloc : memref<!tpu.dma_semaphore, #tpu.memory_space<semaphore_mem>>
      %dma_start3A_265 = arith.constant 0 : i32
      %dma_start3A_266 = tpu.memref_slice %arg9[%run_scoped3A, %dma_start3A_265] : memref<1x128xi32, #tpu.memory_space<vmem>> -> memref<1x128xi32, #tpu.memory_space<vmem>>
      %dma_start3A_267 = tpu.memref_squeeze %dma_start3A_266 : memref<1x128xi32, #tpu.memory_space<vmem>> -> memref<128xi32, #tpu.memory_space<vmem>>
      %dma_start3A_268 = arith.constant 0 : i32
      %dma_start3A_269 = arith.constant 0 : i32
      %dma_start3A_270 = tpu.memref_slice %arg24[%dma_start3A_268, %dma_start3A_269] : memref<10000x64xf32, #tpu.memory_space<vmem_shared>> -> memref<10000x64xf32, #tpu.memory_space<vmem_shared>>
      tpu.enqueue_indirect_dma source(%arg15 : memref<128x64xf32, #tpu.memory_space<vmem>>) target(%dma_start3A_270 : memref<10000x64xf32, #tpu.memory_space<vmem_shared>>) offsets(%dma_start3A_267 : memref<128xi32, #tpu.memory_space<vmem>>) semaphore(%run_scoped3A_264 : memref<!tpu.dma_semaphore, #tpu.memory_space<semaphore_mem>>) {add = true}
      %dma_wait3A_271 = arith.constant 0 : i32
      %dma_wait3A_272 = tpu.memref_slice %arg9[%run_scoped3A, %dma_wait3A_271] : memref<1x128xi32, #tpu.memory_space<vmem>> -> memref<1x128xi32, #tpu.memory_space<vmem>>
      %dma_wait3A_273 = tpu.memref_squeeze %dma_wait3A_272 : memref<1x128xi32, #tpu.memory_space<vmem>> -> memref<128xi32, #tpu.memory_space<vmem>>
      %dma_wait3A_274 = arith.constant 0 : i32
      %dma_wait3A_275 = arith.constant 0 : i32
      %dma_wait3A_276 = tpu.memref_slice %arg24[%dma_wait3A_274, %dma_wait3A_275] : memref<10000x64xf32, #tpu.memory_space<vmem_shared>> -> memref<10000x64xf32, #tpu.memory_space<vmem_shared>>
      tpu.wait_indirect_dma semaphore(%run_scoped3A_264 : memref<!tpu.dma_semaphore, #tpu.memory_space<semaphore_mem>>) src(%arg15 : memref<128x64xf32, #tpu.memory_space<vmem>>) dst(%dma_wait3A_276 : memref<10000x64xf32, #tpu.memory_space<vmem_shared>>)
      tpu.yield
    }) : () -> ()
    %dma_wait3A_240 = arith.constant 0 : i32
    %dma_wait3A_241 = arith.constant 0 : i32
    %dma_wait3A_242 = tpu.memref_slice %arg8[%dma_wait3A_240, %dma_wait3A_241] : memref<1x128xi32, #tpu.memory_space<vmem>> -> memref<1x128xi32, #tpu.memory_space<vmem>>
    %dma_wait3A_243 = tpu.memref_squeeze %dma_wait3A_242 : memref<1x128xi32, #tpu.memory_space<vmem>> -> memref<128xi32, #tpu.memory_space<vmem>>
    %dma_wait3A_244 = arith.constant 0 : i32
    %dma_wait3A_245 = arith.constant 0 : i32
    %dma_wait3A_246 = tpu.memref_slice %arg2[%dma_wait3A_244, %dma_wait3A_245] : memref<10000x32xi32, #tpu.memory_space<hbm>> -> memref<10000x32xi32, #tpu.memory_space<hbm>>
    tpu.wait_indirect_dma semaphore(%arg23 : memref<!tpu.dma_semaphore, #tpu.memory_space<semaphore_mem>>) src(%dma_wait3A_246 : memref<10000x32xi32, #tpu.memory_space<hbm>>) dst(%arg14 : memref<128x32xi32, #tpu.memory_space<vmem>>)
    %parallel_loop3A_247 = arith.constant 0 : i32
    %parallel_loop3A_248 = arith.constant 128 : i32
    %parallel_loop3A_249 = arith.constant 1 : i32
    scf.for %parallel_loop3A_264 = %parallel_loop3A_247 to %parallel_loop3A_248 step %parallel_loop3A_249  : i32 {
      %parallel_loop3A_265 = vector.broadcast %parallel_loop3A_264 : i32 to vector<16xi32>
      %parallel_loop3A_266 = tpu.vector_load_idx %arg12[%parallel_loop3A_265] : memref<128xf32, #tpu.memory_space<vmem>>[vector<16xi32>], vector<16xf32>,
      %parallel_loop3A_267 = arith.index_cast %parallel_loop3A_264 : i32 to index
      %parallel_loop3A_268 = arith.constant 0 : index
      %parallel_loop3A_269 = tpu.vector_load %arg14[%parallel_loop3A_267, %parallel_loop3A_268] {strides = array<i32>} : memref<128x32xi32, #tpu.memory_space<vmem>>, vector<16xi32>,
      %parallel_loop3A_270 = arith.constant 16 : i32
      %parallel_loop3A_271 = vector.broadcast %parallel_loop3A_270 : i32 to vector<16xi32>
      %parallel_loop3A_272 = arith.shli %parallel_loop3A_269, %parallel_loop3A_271 : vector<16xi32>
      %parallel_loop3A_273 = vector.bitcast %parallel_loop3A_272 : vector<16xi32> to vector<16xf32>
      %parallel_loop3A_274 = arith.constant -65536 : i32
      %parallel_loop3A_275 = vector.broadcast %parallel_loop3A_274 : i32 to vector<16xi32>
      %parallel_loop3A_276 = arith.andi %parallel_loop3A_269, %parallel_loop3A_275 : vector<16xi32>
      %parallel_loop3A_277 = vector.bitcast %parallel_loop3A_276 : vector<16xi32> to vector<16xf32>
      %parallel_loop3A_278 = arith.mulf %parallel_loop3A_273, %parallel_loop3A_266 : vector<16xf32>
      %parallel_loop3A_279 = arith.index_cast %parallel_loop3A_264 : i32 to index
      %parallel_loop3A_280 = arith.constant 0 : index
      %parallel_loop3A_281 = tpu.vector_load %arg15[%parallel_loop3A_279, %parallel_loop3A_280] {strides = array<i32>} : memref<128x64xf32, #tpu.memory_space<vmem>>, vector<16xf32>,
      tpu.vector_store %arg15[%parallel_loop3A_279, %parallel_loop3A_280], %parallel_loop3A_278 {strides = array<i32>} : memref<128x64xf32, #tpu.memory_space<vmem>>, vector<16xf32>,
      %parallel_loop3A_282 = arith.mulf %parallel_loop3A_277, %parallel_loop3A_266 : vector<16xf32>
      %parallel_loop3A_283 = arith.index_cast %parallel_loop3A_264 : i32 to index
      %parallel_loop3A_284 = arith.constant 16 : index
      %parallel_loop3A_285 = tpu.vector_load %arg15[%parallel_loop3A_283, %parallel_loop3A_284] {strides = array<i32>} : memref<128x64xf32, #tpu.memory_space<vmem>>, vector<16xf32>,
      tpu.vector_store %arg15[%parallel_loop3A_283, %parallel_loop3A_284], %parallel_loop3A_282 {strides = array<i32>} : memref<128x64xf32, #tpu.memory_space<vmem>>, vector<16xf32>,
      %parallel_loop3A_286 = arith.index_cast %parallel_loop3A_264 : i32 to index
      %parallel_loop3A_287 = arith.constant 16 : index
      %parallel_loop3A_288 = tpu.vector_load %arg14[%parallel_loop3A_286, %parallel_loop3A_287] {strides = array<i32>} : memref<128x32xi32, #tpu.memory_space<vmem>>, vector<16xi32>,
      %parallel_loop3A_289 = arith.constant 16 : i32
      %parallel_loop3A_290 = vector.broadcast %parallel_loop3A_289 : i32 to vector<16xi32>
      %parallel_loop3A_291 = arith.shli %parallel_loop3A_288, %parallel_loop3A_290 : vector<16xi32>
      %parallel_loop3A_292 = vector.bitcast %parallel_loop3A_291 : vector<16xi32> to vector<16xf32>
      %parallel_loop3A_293 = arith.constant -65536 : i32
      %parallel_loop3A_294 = vector.broadcast %parallel_loop3A_293 : i32 to vector<16xi32>
      %parallel_loop3A_295 = arith.andi %parallel_loop3A_288, %parallel_loop3A_294 : vector<16xi32>
      %parallel_loop3A_296 = vector.bitcast %parallel_loop3A_295 : vector<16xi32> to vector<16xf32>
      %parallel_loop3A_297 = arith.mulf %parallel_loop3A_292, %parallel_loop3A_266 : vector<16xf32>
      %parallel_loop3A_298 = arith.index_cast %parallel_loop3A_264 : i32 to index
      %parallel_loop3A_299 = arith.constant 32 : index
      %parallel_loop3A_300 = tpu.vector_load %arg15[%parallel_loop3A_298, %parallel_loop3A_299] {strides = array<i32>} : memref<128x64xf32, #tpu.memory_space<vmem>>, vector<16xf32>,
      tpu.vector_store %arg15[%parallel_loop3A_298, %parallel_loop3A_299], %parallel_loop3A_297 {strides = array<i32>} : memref<128x64xf32, #tpu.memory_space<vmem>>, vector<16xf32>,
      %parallel_loop3A_301 = arith.mulf %parallel_loop3A_296, %parallel_loop3A_266 : vector<16xf32>
      %parallel_loop3A_302 = arith.index_cast %parallel_loop3A_264 : i32 to index
      %parallel_loop3A_303 = arith.constant 48 : index
      %parallel_loop3A_304 = tpu.vector_load %arg15[%parallel_loop3A_302, %parallel_loop3A_303] {strides = array<i32>} : memref<128x64xf32, #tpu.memory_space<vmem>>, vector<16xf32>,
      tpu.vector_store %arg15[%parallel_loop3A_302, %parallel_loop3A_303], %parallel_loop3A_301 {strides = array<i32>} : memref<128x64xf32, #tpu.memory_space<vmem>>, vector<16xf32>,
    } {sc.loop_unroll_factor = 4 : i64, sc.parallel_access}
    %run_scoped3A_250 = arith.constant 0 : i32
    "tpu.region"() ({
      %run_scoped3A_264 = tpu.sem_alloc : memref<!tpu.dma_semaphore, #tpu.memory_space<semaphore_mem>>
      %dma_start3A_265 = arith.constant 0 : i32
      %dma_start3A_266 = tpu.memref_slice %arg10[%run_scoped3A_250, %dma_start3A_265] : memref<1x128xi32, #tpu.memory_space<vmem>> -> memref<1x128xi32, #tpu.memory_space<vmem>>
      %dma_start3A_267 = tpu.memref_squeeze %dma_start3A_266 : memref<1x128xi32, #tpu.memory_space<vmem>> -> memref<128xi32, #tpu.memory_space<vmem>>
      %dma_start3A_268 = arith.constant 0 : i32
      %dma_start3A_269 = arith.constant 0 : i32
      %dma_start3A_270 = tpu.memref_slice %arg24[%dma_start3A_268, %dma_start3A_269] : memref<10000x64xf32, #tpu.memory_space<vmem_shared>> -> memref<10000x64xf32, #tpu.memory_space<vmem_shared>>
      tpu.enqueue_indirect_dma source(%arg15 : memref<128x64xf32, #tpu.memory_space<vmem>>) target(%dma_start3A_270 : memref<10000x64xf32, #tpu.memory_space<vmem_shared>>) offsets(%dma_start3A_267 : memref<128xi32, #tpu.memory_space<vmem>>) semaphore(%run_scoped3A_264 : memref<!tpu.dma_semaphore, #tpu.memory_space<semaphore_mem>>) {add = true}
      %dma_wait3A_271 = arith.constant 0 : i32
      %dma_wait3A_272 = tpu.memref_slice %arg10[%run_scoped3A_250, %dma_wait3A_271] : memref<1x128xi32, #tpu.memory_space<vmem>> -> memref<1x128xi32, #tpu.memory_space<vmem>>
      %dma_wait3A_273 = tpu.memref_squeeze %dma_wait3A_272 : memref<1x128xi32, #tpu.memory_space<vmem>> -> memref<128xi32, #tpu.memory_space<vmem>>
      %dma_wait3A_274 = arith.constant 0 : i32
      %dma_wait3A_275 = arith.constant 0 : i32
      %dma_wait3A_276 = tpu.memref_slice %arg24[%dma_wait3A_274, %dma_wait3A_275] : memref<10000x64xf32, #tpu.memory_space<vmem_shared>> -> memref<10000x64xf32, #tpu.memory_space<vmem_shared>>
      tpu.wait_indirect_dma semaphore(%run_scoped3A_264 : memref<!tpu.dma_semaphore, #tpu.memory_space<semaphore_mem>>) src(%arg15 : memref<128x64xf32, #tpu.memory_space<vmem>>) dst(%dma_wait3A_276 : memref<10000x64xf32, #tpu.memory_space<vmem_shared>>)
      tpu.yield
    }) : () -> ()
    %barrier3A_251 = arith.constant 0 : index
    tpu.barrier barrier_id(%barrier3A_251)
    %while3A_252 = arith.constant 0 : i32
    %while3A_253 = arith.constant 0 : i32
    %while3A_254 = arith.subi %select_n3A, %while3A_252 : i32
    %while3A_255 = arith.addi %while3A_252, %while3A_254 : i32
    %while3A_256 = arith.constant 1 : i32
    %while3A_257 = arith.divsi %while3A_254, %while3A_256 : i32
    %while3A_258 = arith.muli %while3A_257, %while3A_256 : i32
    %while3A_259 = arith.addi %while3A_252, %while3A_258 : i32
    %while3A_260 = arith.constant 1 : i32
    %while3A_261 = scf.for %while3A_264 = %while3A_252 to %while3A_259 step %while3A_260 iter_args(%while3A_265 = %while3A_253) -> (i32)  : i32 {
      %mul3A_266 = arith.constant 16 : i32
      %mul3A_267 = arith.muli %while3A_264, %mul3A_266 : i32
      %add3A_268 = arith.addi %arg1, %mul3A_267 : i32
      %mul3A_269 = arith.constant 80 : i32
      %mul3A_270 = arith.muli %add3A_268, %mul3A_269 : i32
      "tpu.region"() ({
        %run_scoped3A_272 = tpu.sem_alloc : memref<!tpu.dma_semaphore, #tpu.memory_space<semaphore_mem>>
        %dma_start3A_273 = arith.constant 0 : i32
        %dma_start3A_274 = arith.constant 0 : i32
        %dma_start3A_275 = tpu.memref_slice %arg15[%dma_start3A_273, %dma_start3A_274] : memref<128x64xf32, #tpu.memory_space<vmem>> -> memref<80x64xf32, #tpu.memory_space<vmem>>
        %dma_start3A_276 = arith.constant 0 : i32
        %dma_start3A_277 = tpu.memref_slice %arg24[%mul3A_270, %dma_start3A_276] : memref<10000x64xf32, #tpu.memory_space<vmem_shared>> -> memref<80x64xf32, #tpu.memory_space<vmem_shared>>
        %dma_start3A_278 = arith.constant 0 : i32
        %dma_start3A_279 = arith.constant 0 : i32
        %dma_start3A_280 = tpu.memref_slice %arg15[%dma_start3A_278, %dma_start3A_279] : memref<128x64xf32, #tpu.memory_space<vmem>> -> memref<80x64xf32, #tpu.memory_space<vmem>>
        %dma_start3A_281 = arith.constant 0 : i32
        %dma_start3A_282 = tpu.memref_slice %arg24[%mul3A_270, %dma_start3A_281] : memref<10000x64xf32, #tpu.memory_space<vmem_shared>> -> memref<80x64xf32, #tpu.memory_space<vmem_shared>>
        tpu.enqueue_dma source(%dma_start3A_282 : memref<80x64xf32, #tpu.memory_space<vmem_shared>>) target(%dma_start3A_280 : memref<80x64xf32, #tpu.memory_space<vmem>>) target_semaphore(%run_scoped3A_272 : memref<!tpu.dma_semaphore, #tpu.memory_space<semaphore_mem>>)
        %dma_wait3A_283 = arith.constant 0 : i32
        %dma_wait3A_284 = arith.constant 0 : i32
        %dma_wait3A_285 = tpu.memref_slice %arg15[%dma_wait3A_283, %dma_wait3A_284] : memref<128x64xf32, #tpu.memory_space<vmem>> -> memref<80x64xf32, #tpu.memory_space<vmem>>
        %dma_wait3A_286 = arith.constant 0 : i32
        %dma_wait3A_287 = tpu.memref_slice %arg24[%mul3A_270, %dma_wait3A_286] : memref<10000x64xf32, #tpu.memory_space<vmem_shared>> -> memref<80x64xf32, #tpu.memory_space<vmem_shared>>
        %dma_wait3A_288 = arith.constant 0 : i32
        %dma_wait3A_289 = arith.constant 0 : i32
        %dma_wait3A_290 = tpu.memref_slice %arg15[%dma_wait3A_288, %dma_wait3A_289] : memref<128x64xf32, #tpu.memory_space<vmem>> -> memref<80x64xf32, #tpu.memory_space<vmem>>
        %dma_wait3A_291 = arith.constant 0 : i32
        %dma_wait3A_292 = tpu.memref_slice %arg24[%mul3A_270, %dma_wait3A_291] : memref<10000x64xf32, #tpu.memory_space<vmem_shared>> -> memref<80x64xf32, #tpu.memory_space<vmem_shared>>
        tpu.wait_dma2 semaphore(%run_scoped3A_272 : memref<!tpu.dma_semaphore, #tpu.memory_space<semaphore_mem>>) src(%dma_wait3A_292 : memref<80x64xf32, #tpu.memory_space<vmem_shared>>) dst(%dma_wait3A_290 : memref<80x64xf32, #tpu.memory_space<vmem>>)
        tpu.yield
      }) : () -> ()
      "tpu.region"() ({
        %run_scoped3A_272 = tpu.sem_alloc : memref<!tpu.dma_semaphore, #tpu.memory_space<semaphore_mem>>
        %dma_start3A_273 = arith.constant 0 : i32
        %dma_start3A_274 = arith.constant 0 : i32
        %dma_start3A_275 = tpu.memref_slice %arg15[%dma_start3A_273, %dma_start3A_274] : memref<128x64xf32, #tpu.memory_space<vmem>> -> memref<80x64xf32, #tpu.memory_space<vmem>>
        %dma_start3A_276 = arith.constant 0 : i32
        %dma_start3A_277 = arith.constant 0 : i32
        %dma_start3A_278 = tpu.memref_slice %arg6[%arg0, %dma_start3A_276, %dma_start3A_277] : memref<2x10000x64xf32, #tpu.memory_space<hbm>> -> memref<1x10000x64xf32, #tpu.memory_space<hbm>>
        %dma_start3A_279 = tpu.memref_squeeze %dma_start3A_278 : memref<1x10000x64xf32, #tpu.memory_space<hbm>> -> memref<10000x64xf32, #tpu.memory_space<hbm>>
        %dma_start3A_280 = arith.constant 0 : i32
        %dma_start3A_281 = tpu.memref_slice %dma_start3A_279[%mul3A_270, %dma_start3A_280] : memref<10000x64xf32, #tpu.memory_space<hbm>> -> memref<80x64xf32, #tpu.memory_space<hbm>>
        %dma_start3A_282 = arith.constant 0 : i32
        %dma_start3A_283 = arith.constant 0 : i32
        %dma_start3A_284 = tpu.memref_slice %arg6[%arg0, %dma_start3A_282, %dma_start3A_283] : memref<2x10000x64xf32, #tpu.memory_space<hbm>> -> memref<1x10000x64xf32, #tpu.memory_space<hbm>>
        %dma_start3A_285 = tpu.memref_squeeze %dma_start3A_284 : memref<1x10000x64xf32, #tpu.memory_space<hbm>> -> memref<10000x64xf32, #tpu.memory_space<hbm>>
        %dma_start3A_286 = arith.constant 0 : i32
        %dma_start3A_287 = tpu.memref_slice %dma_start3A_285[%mul3A_270, %dma_start3A_286] : memref<10000x64xf32, #tpu.memory_space<hbm>> -> memref<80x64xf32, #tpu.memory_space<hbm>>
        %dma_start3A_288 = arith.constant 0 : i32
        %dma_start3A_289 = arith.constant 0 : i32
        %dma_start3A_290 = tpu.memref_slice %arg15[%dma_start3A_288, %dma_start3A_289] : memref<128x64xf32, #tpu.memory_space<vmem>> -> memref<80x64xf32, #tpu.memory_space<vmem>>
        tpu.enqueue_dma source(%dma_start3A_290 : memref<80x64xf32, #tpu.memory_space<vmem>>) target(%dma_start3A_287 : memref<80x64xf32, #tpu.memory_space<hbm>>) target_semaphore(%run_scoped3A_272 : memref<!tpu.dma_semaphore, #tpu.memory_space<semaphore_mem>>)
        %dma_wait3A_291 = arith.constant 0 : i32
        %dma_wait3A_292 = arith.constant 0 : i32
        %dma_wait3A_293 = tpu.memref_slice %arg15[%dma_wait3A_291, %dma_wait3A_292] : memref<128x64xf32, #tpu.memory_space<vmem>> -> memref<80x64xf32, #tpu.memory_space<vmem>>
        %dma_wait3A_294 = arith.constant 0 : i32
        %dma_wait3A_295 = arith.constant 0 : i32
        %dma_wait3A_296 = tpu.memref_slice %arg6[%arg0, %dma_wait3A_294, %dma_wait3A_295] : memref<2x10000x64xf32, #tpu.memory_space<hbm>> -> memref<1x10000x64xf32, #tpu.memory_space<hbm>>
        %dma_wait3A_297 = tpu.memref_squeeze %dma_wait3A_296 : memref<1x10000x64xf32, #tpu.memory_space<hbm>> -> memref<10000x64xf32, #tpu.memory_space<hbm>>
        %dma_wait3A_298 = arith.constant 0 : i32
        %dma_wait3A_299 = tpu.memref_slice %dma_wait3A_297[%mul3A_270, %dma_wait3A_298] : memref<10000x64xf32, #tpu.memory_space<hbm>> -> memref<80x64xf32, #tpu.memory_space<hbm>>
        %dma_wait3A_300 = arith.constant 0 : i32
        %dma_wait3A_301 = arith.constant 0 : i32
        %dma_wait3A_302 = tpu.memref_slice %arg6[%arg0, %dma_wait3A_300, %dma_wait3A_301] : memref<2x10000x64xf32, #tpu.memory_space<hbm>> -> memref<1x10000x64xf32, #tpu.memory_space<hbm>>
        %dma_wait3A_303 = tpu.memref_squeeze %dma_wait3A_302 : memref<1x10000x64xf32, #tpu.memory_space<hbm>> -> memref<10000x64xf32, #tpu.memory_space<hbm>>
        %dma_wait3A_304 = arith.constant 0 : i32
        %dma_wait3A_305 = tpu.memref_slice %dma_wait3A_303[%mul3A_270, %dma_wait3A_304] : memref<10000x64xf32, #tpu.memory_space<hbm>> -> memref<80x64xf32, #tpu.memory_space<hbm>>
        %dma_wait3A_306 = arith.constant 0 : i32
        %dma_wait3A_307 = arith.constant 0 : i32
        %dma_wait3A_308 = tpu.memref_slice %arg15[%dma_wait3A_306, %dma_wait3A_307] : memref<128x64xf32, #tpu.memory_space<vmem>> -> memref<80x64xf32, #tpu.memory_space<vmem>>
        tpu.wait_dma2 semaphore(%run_scoped3A_272 : memref<!tpu.dma_semaphore, #tpu.memory_space<semaphore_mem>>) src(%dma_wait3A_308 : memref<80x64xf32, #tpu.memory_space<vmem>>) dst(%dma_wait3A_305 : memref<80x64xf32, #tpu.memory_space<hbm>>)
        tpu.yield
      }) : () -> ()
      %while3A_271 = arith.constant 0 : i32
      scf.yield %while3A_271 : i32
    }
    %while3A_262 = arith.constant 1 : i32
    %while3A_263 = scf.for %while3A_264 = %while3A_259 to %while3A_255 step %while3A_262 iter_args(%while3A_265 = %while3A_261) -> (i32)  : i32 {
      %mul3A_266 = arith.constant 16 : i32
      %mul3A_267 = arith.muli %while3A_264, %mul3A_266 : i32
      %add3A_268 = arith.addi %arg1, %mul3A_267 : i32
      %mul3A_269 = arith.constant 80 : i32
      %mul3A_270 = arith.muli %add3A_268, %mul3A_269 : i32
      "tpu.region"() ({
        %run_scoped3A_272 = tpu.sem_alloc : memref<!tpu.dma_semaphore, #tpu.memory_space<semaphore_mem>>
        %dma_start3A_273 = arith.constant 0 : i32
        %dma_start3A_274 = arith.constant 0 : i32
        %dma_start3A_275 = tpu.memref_slice %arg15[%dma_start3A_273, %dma_start3A_274] : memref<128x64xf32, #tpu.memory_space<vmem>> -> memref<80x64xf32, #tpu.memory_space<vmem>>
        %dma_start3A_276 = arith.constant 0 : i32
        %dma_start3A_277 = tpu.memref_slice %arg24[%mul3A_270, %dma_start3A_276] : memref<10000x64xf32, #tpu.memory_space<vmem_shared>> -> memref<80x64xf32, #tpu.memory_space<vmem_shared>>
        %dma_start3A_278 = arith.constant 0 : i32
        %dma_start3A_279 = arith.constant 0 : i32
        %dma_start3A_280 = tpu.memref_slice %arg15[%dma_start3A_278, %dma_start3A_279] : memref<128x64xf32, #tpu.memory_space<vmem>> -> memref<80x64xf32, #tpu.memory_space<vmem>>
        %dma_start3A_281 = arith.constant 0 : i32
        %dma_start3A_282 = tpu.memref_slice %arg24[%mul3A_270, %dma_start3A_281] : memref<10000x64xf32, #tpu.memory_space<vmem_shared>> -> memref<80x64xf32, #tpu.memory_space<vmem_shared>>
        tpu.enqueue_dma source(%dma_start3A_282 : memref<80x64xf32, #tpu.memory_space<vmem_shared>>) target(%dma_start3A_280 : memref<80x64xf32, #tpu.memory_space<vmem>>) target_semaphore(%run_scoped3A_272 : memref<!tpu.dma_semaphore, #tpu.memory_space<semaphore_mem>>)
        %dma_wait3A_283 = arith.constant 0 : i32
        %dma_wait3A_284 = arith.constant 0 : i32
        %dma_wait3A_285 = tpu.memref_slice %arg15[%dma_wait3A_283, %dma_wait3A_284] : memref<128x64xf32, #tpu.memory_space<vmem>> -> memref<80x64xf32, #tpu.memory_space<vmem>>
        %dma_wait3A_286 = arith.constant 0 : i32
        %dma_wait3A_287 = tpu.memref_slice %arg24[%mul3A_270, %dma_wait3A_286] : memref<10000x64xf32, #tpu.memory_space<vmem_shared>> -> memref<80x64xf32, #tpu.memory_space<vmem_shared>>
        %dma_wait3A_288 = arith.constant 0 : i32
        %dma_wait3A_289 = arith.constant 0 : i32
        %dma_wait3A_290 = tpu.memref_slice %arg15[%dma_wait3A_288, %dma_wait3A_289] : memref<128x64xf32, #tpu.memory_space<vmem>> -> memref<80x64xf32, #tpu.memory_space<vmem>>
        %dma_wait3A_291 = arith.constant 0 : i32
        %dma_wait3A_292 = tpu.memref_slice %arg24[%mul3A_270, %dma_wait3A_291] : memref<10000x64xf32, #tpu.memory_space<vmem_shared>> -> memref<80x64xf32, #tpu.memory_space<vmem_shared>>
        tpu.wait_dma2 semaphore(%run_scoped3A_272 : memref<!tpu.dma_semaphore, #tpu.memory_space<semaphore_mem>>) src(%dma_wait3A_292 : memref<80x64xf32, #tpu.memory_space<vmem_shared>>) dst(%dma_wait3A_290 : memref<80x64xf32, #tpu.memory_space<vmem>>)
        tpu.yield
      }) : () -> ()
      "tpu.region"() ({
        %run_scoped3A_272 = tpu.sem_alloc : memref<!tpu.dma_semaphore, #tpu.memory_space<semaphore_mem>>
        %dma_start3A_273 = arith.constant 0 : i32
        %dma_start3A_274 = arith.constant 0 : i32
        %dma_start3A_275 = tpu.memref_slice %arg15[%dma_start3A_273, %dma_start3A_274] : memref<128x64xf32, #tpu.memory_space<vmem>> -> memref<80x64xf32, #tpu.memory_space<vmem>>
        %dma_start3A_276 = arith.constant 0 : i32
        %dma_start3A_277 = arith.constant 0 : i32
        %dma_start3A_278 = tpu.memref_slice %arg6[%arg0, %dma_start3A_276, %dma_start3A_277] : memref<2x10000x64xf32, #tpu.memory_space<hbm>> -> memref<1x10000x64xf32, #tpu.memory_space<hbm>>
        %dma_start3A_279 = tpu.memref_squeeze %dma_start3A_278 : memref<1x10000x64xf32, #tpu.memory_space<hbm>> -> memref<10000x64xf32, #tpu.memory_space<hbm>>
        %dma_start3A_280 = arith.constant 0 : i32
        %dma_start3A_281 = tpu.memref_slice %dma_start3A_279[%mul3A_270, %dma_start3A_280] : memref<10000x64xf32, #tpu.memory_space<hbm>> -> memref<80x64xf32, #tpu.memory_space<hbm>>
        %dma_start3A_282 = arith.constant 0 : i32
        %dma_start3A_283 = arith.constant 0 : i32
        %dma_start3A_284 = tpu.memref_slice %arg6[%arg0, %dma_start3A_282, %dma_start3A_283] : memref<2x10000x64xf32, #tpu.memory_space<hbm>> -> memref<1x10000x64xf32, #tpu.memory_space<hbm>>
        %dma_start3A_285 = tpu.memref_squeeze %dma_start3A_284 : memref<1x10000x64xf32, #tpu.memory_space<hbm>> -> memref<10000x64xf32, #tpu.memory_space<hbm>>
        %dma_start3A_286 = arith.constant 0 : i32
        %dma_start3A_287 = tpu.memref_slice %dma_start3A_285[%mul3A_270, %dma_start3A_286] : memref<10000x64xf32, #tpu.memory_space<hbm>> -> memref<80x64xf32, #tpu.memory_space<hbm>>
        %dma_start3A_288 = arith.constant 0 : i32
        %dma_start3A_289 = arith.constant 0 : i32
        %dma_start3A_290 = tpu.memref_slice %arg15[%dma_start3A_288, %dma_start3A_289] : memref<128x64xf32, #tpu.memory_space<vmem>> -> memref<80x64xf32, #tpu.memory_space<vmem>>
        tpu.enqueue_dma source(%dma_start3A_290 : memref<80x64xf32, #tpu.memory_space<vmem>>) target(%dma_start3A_287 : memref<80x64xf32, #tpu.memory_space<hbm>>) target_semaphore(%run_scoped3A_272 : memref<!tpu.dma_semaphore, #tpu.memory_space<semaphore_mem>>)
        %dma_wait3A_291 = arith.constant 0 : i32
        %dma_wait3A_292 = arith.constant 0 : i32
        %dma_wait3A_293 = tpu.memref_slice %arg15[%dma_wait3A_291, %dma_wait3A_292] : memref<128x64xf32, #tpu.memory_space<vmem>> -> memref<80x64xf32, #tpu.memory_space<vmem>>
        %dma_wait3A_294 = arith.constant 0 : i32
        %dma_wait3A_295 = arith.constant 0 : i32
        %dma_wait3A_296 = tpu.memref_slice %arg6[%arg0, %dma_wait3A_294, %dma_wait3A_295] : memref<2x10000x64xf32, #tpu.memory_space<hbm>> -> memref<1x10000x64xf32, #tpu.memory_space<hbm>>
        %dma_wait3A_297 = tpu.memref_squeeze %dma_wait3A_296 : memref<1x10000x64xf32, #tpu.memory_space<hbm>> -> memref<10000x64xf32, #tpu.memory_space<hbm>>
        %dma_wait3A_298 = arith.constant 0 : i32
        %dma_wait3A_299 = tpu.memref_slice %dma_wait3A_297[%mul3A_270, %dma_wait3A_298] : memref<10000x64xf32, #tpu.memory_space<hbm>> -> memref<80x64xf32, #tpu.memory_space<hbm>>
        %dma_wait3A_300 = arith.constant 0 : i32
        %dma_wait3A_301 = arith.constant 0 : i32
        %dma_wait3A_302 = tpu.memref_slice %arg6[%arg0, %dma_wait3A_300, %dma_wait3A_301] : memref<2x10000x64xf32, #tpu.memory_space<hbm>> -> memref<1x10000x64xf32, #tpu.memory_space<hbm>>
        %dma_wait3A_303 = tpu.memref_squeeze %dma_wait3A_302 : memref<1x10000x64xf32, #tpu.memory_space<hbm>> -> memref<10000x64xf32, #tpu.memory_space<hbm>>
        %dma_wait3A_304 = arith.constant 0 : i32
        %dma_wait3A_305 = tpu.memref_slice %dma_wait3A_303[%mul3A_270, %dma_wait3A_304] : memref<10000x64xf32, #tpu.memory_space<hbm>> -> memref<80x64xf32, #tpu.memory_space<hbm>>
        %dma_wait3A_306 = arith.constant 0 : i32
        %dma_wait3A_307 = arith.constant 0 : i32
        %dma_wait3A_308 = tpu.memref_slice %arg15[%dma_wait3A_306, %dma_wait3A_307] : memref<128x64xf32, #tpu.memory_space<vmem>> -> memref<80x64xf32, #tpu.memory_space<vmem>>
        tpu.wait_dma2 semaphore(%run_scoped3A_272 : memref<!tpu.dma_semaphore, #tpu.memory_space<semaphore_mem>>) src(%dma_wait3A_308 : memref<80x64xf32, #tpu.memory_space<vmem>>) dst(%dma_wait3A_305 : memref<80x64xf32, #tpu.memory_space<hbm>>)
        tpu.yield
      }) : () -> ()
      %while3A_271 = arith.constant 0 : i32
      scf.yield %while3A_271 : i32
    }
    return
  }
}

module attributes {stable_mosaic.version = 14 : i64} {
  func.func @_mm1_body(%arg0: i32, %arg1: memref<1000x128xf32, #tpu.memory_space<vmem>>, %arg2: memref<128x128xf32, #tpu.memory_space<vmem>>, %arg3: memref<1000x64xi32, #tpu.memory_space<vmem>>) attributes {dimension_semantics = [#tpu.dimension_semantics<arbitrary>], iteration_bounds = array<i64: 10>, scalar_prefetch = 0 : i64, scratch_operands = 0 : i64, tpu.core_type = #tpu.core_type<tc>, window_params = [{transform_indices = @transform_0, window_bounds = array<i64: 1000, 128>}, {pipeline_mode = #tpu.pipeline_mode<synchronous>, transform_indices = @transform_1, window_bounds = array<i64: 128, 128>}, {transform_indices = @transform_2, window_bounds = array<i64: 1000, 64>}]} {
    %get3A = arith.constant 0 : index
    %get3A_0 = arith.constant 0 : index
    %get3A_1 = vector.load %arg1[%get3A, %get3A_0] : memref<1000x128xf32, #tpu.memory_space<vmem>>, vector<1000x128xf32>
    %get3A_2 = arith.constant 0 : index
    %get3A_3 = arith.constant 0 : index
    %get3A_4 = vector.load %arg2[%get3A_2, %get3A_3] : memref<128x128xf32, #tpu.memory_space<vmem>>, vector<128x128xf32>
    %dot_general3A = arith.constant dense<0.000000e+00> : vector<1000x128xf32>
    %dot_general3A_5 = tpu.matmul %get3A_1, %get3A_4, %dot_general3A {dimension_numbers = #tpu.dot_dimension_numbers<[1], [0], [0], [1], [0, 0, 1, 1], [], []>, transpose_lhs_hint = false} : vector<1000x128xf32>, vector<128x128xf32>, vector<1000x128xf32> -> vector<1000x128xf32>
    %bitcast_convert_type3A = tpu.bitcast %dot_general3A_5 : vector<1000x128xf32> -> vector<1000x128xi32>
    %add3A = arith.constant 32768 : i32
    %add3A_6 = vector.broadcast %add3A : i32 to vector<1000x128xi32>
    %add3A_7 = arith.addi %bitcast_convert_type3A, %add3A_6 : vector<1000x128xi32>
    %slice3A = vector.extract_strided_slice %add3A_7 {offsets = [0, 0], sizes = [1000, 64], strides = [1, 1]} : vector<1000x128xi32> to vector<1000x64xi32>
    %shift_right_logical3A = arith.constant 16 : i32
    %shift_right_logical3A_8 = vector.broadcast %shift_right_logical3A : i32 to vector<1000x64xi32>
    %shift_right_logical3A_9 = arith.shrui %slice3A, %shift_right_logical3A_8 : vector<1000x64xi32>
    %slice3A_10 = vector.extract_strided_slice %add3A_7 {offsets = [0, 64], sizes = [1000, 64], strides = [1, 1]} : vector<1000x128xi32> to vector<1000x64xi32>
    %and3A = arith.constant -65536 : i32
    %and3A_11 = vector.broadcast %and3A : i32 to vector<1000x64xi32>
    %and3A_12 = arith.andi %slice3A_10, %and3A_11 : vector<1000x64xi32>
    %or3A = arith.ori %shift_right_logical3A_9, %and3A_12 : vector<1000x64xi32>
    %bitcast_convert_type3A_13 = tpu.bitcast %or3A : vector<1000x64xi32> -> vector<1000x64xi32>
    %swap3A = arith.constant 0 : index
    %swap3A_14 = arith.constant 0 : index
    %swap3A_15 = vector.load %arg3[%swap3A, %swap3A_14] : memref<1000x64xi32, #tpu.memory_space<vmem>>, vector<1000x64xi32>
    tpu.vector_store %arg3[%swap3A, %swap3A_14], %bitcast_convert_type3A_13 {strides = array<i32>} : memref<1000x64xi32, #tpu.memory_space<vmem>>, vector<1000x64xi32>,
    return
  }
  func.func @transform_0(%arg0: i32) -> (i32, i32) {
    %c0_i32 = arith.constant 0 : i32
    %c0_i32_0 = arith.constant 0 : i32
    return %arg0, %c0_i32 : i32, i32
  }
  func.func @transform_1(%arg0: i32) -> (i32, i32) {
    %c0_i32 = arith.constant 0 : i32
    %c0_i32_0 = arith.constant 0 : i32
    %c0_i32_1 = arith.constant 0 : i32
    return %c0_i32, %c0_i32_0 : i32, i32
  }
  func.func @transform_2(%arg0: i32) -> (i32, i32) {
    %c0_i32 = arith.constant 0 : i32
    %c0_i32_0 = arith.constant 0 : i32
    return %arg0, %c0_i32 : i32, i32
  }
}

module attributes {stable_mosaic.version = 14 : i64} {
  func.func @_combine_body(%arg0: i32, %arg1: memref<1000x128xf32, #tpu.memory_space<vmem>>, %arg2: memref<1000x128xf32, #tpu.memory_space<vmem>>, %arg3: memref<1x128xf32, #tpu.memory_space<vmem>>, %arg4: memref<128x64xf32, #tpu.memory_space<vmem>>, %arg5: memref<1000x32xi32, #tpu.memory_space<vmem>>) attributes {dimension_semantics = [#tpu.dimension_semantics<arbitrary>], iteration_bounds = array<i64: 10>, scalar_prefetch = 0 : i64, scratch_operands = 0 : i64, tpu.core_type = #tpu.core_type<tc>, window_params = [{transform_indices = @transform_0, window_bounds = array<i64: 1000, 128>}, {transform_indices = @transform_1, window_bounds = array<i64: 1000, 128>}, {pipeline_mode = #tpu.pipeline_mode<synchronous>, transform_indices = @transform_2, window_bounds = array<i64: 1, 128>}, {pipeline_mode = #tpu.pipeline_mode<synchronous>, transform_indices = @transform_3, window_bounds = array<i64: 128, 64>}, {transform_indices = @transform_4, window_bounds = array<i64: 1000, 32>}]} {
    %get3A = arith.constant 0 : index
    %get3A_0 = arith.constant 0 : index
    %get3A_1 = vector.load %arg1[%get3A, %get3A_0] : memref<1000x128xf32, #tpu.memory_space<vmem>>, vector<1000x128xf32>
    %get3A_2 = arith.constant 0 : index
    %get3A_3 = arith.constant 0 : index
    %get3A_4 = vector.load %arg2[%get3A_2, %get3A_3] : memref<1000x128xf32, #tpu.memory_space<vmem>>, vector<1000x128xf32>
    %add3A = arith.addf %get3A_1, %get3A_4 : vector<1000x128xf32>
    %get3A_5 = arith.constant 0 : index
    %get3A_6 = arith.constant 0 : index
    %get3A_7 = vector.load %arg3[%get3A_5, %get3A_6] : memref<1x128xf32, #tpu.memory_space<vmem>>, vector<1x128xf32>
    %add3A_8 = vector.broadcast %get3A_7 : vector<1x128xf32> to vector<1000x128xf32>
    %add3A_9 = arith.addf %add3A, %add3A_8 : vector<1000x128xf32>
    %max3A = arith.constant 0.000000e+00 : f32
    %max3A_10 = vector.broadcast %max3A : f32 to vector<1000x128xf32>
    %max3A_11 = arith.maximumf %add3A_9, %max3A_10 : vector<1000x128xf32>
    %get3A_12 = arith.constant 0 : index
    %get3A_13 = arith.constant 0 : index
    %get3A_14 = vector.load %arg4[%get3A_12, %get3A_13] : memref<128x64xf32, #tpu.memory_space<vmem>>, vector<128x64xf32>
    %dot_general3A = arith.constant dense<0.000000e+00> : vector<1000x64xf32>
    %dot_general3A_15 = tpu.matmul %max3A_11, %get3A_14, %dot_general3A {dimension_numbers = #tpu.dot_dimension_numbers<[1], [0], [0], [1], [0, 0, 1, 1], [], []>, transpose_lhs_hint = false} : vector<1000x128xf32>, vector<128x64xf32>, vector<1000x64xf32> -> vector<1000x64xf32>
    %bitcast_convert_type3A = tpu.bitcast %dot_general3A_15 : vector<1000x64xf32> -> vector<1000x64xi32>
    %add3A_16 = arith.constant 32768 : i32
    %add3A_17 = vector.broadcast %add3A_16 : i32 to vector<1000x64xi32>
    %add3A_18 = arith.addi %bitcast_convert_type3A, %add3A_17 : vector<1000x64xi32>
    %slice3A = vector.extract_strided_slice %add3A_18 {offsets = [0, 0], sizes = [1000, 32], strides = [1, 1]} : vector<1000x64xi32> to vector<1000x32xi32>
    %shift_right_logical3A = arith.constant 16 : i32
    %shift_right_logical3A_19 = vector.broadcast %shift_right_logical3A : i32 to vector<1000x32xi32>
    %shift_right_logical3A_20 = arith.shrui %slice3A, %shift_right_logical3A_19 : vector<1000x32xi32>
    %slice3A_21 = vector.extract_strided_slice %add3A_18 {offsets = [0, 32], sizes = [1000, 32], strides = [1, 1]} : vector<1000x64xi32> to vector<1000x32xi32>
    %and3A = arith.constant -65536 : i32
    %and3A_22 = vector.broadcast %and3A : i32 to vector<1000x32xi32>
    %and3A_23 = arith.andi %slice3A_21, %and3A_22 : vector<1000x32xi32>
    %or3A = arith.ori %shift_right_logical3A_20, %and3A_23 : vector<1000x32xi32>
    %bitcast_convert_type3A_24 = tpu.bitcast %or3A : vector<1000x32xi32> -> vector<1000x32xi32>
    %swap3A = arith.constant 0 : index
    %swap3A_25 = arith.constant 0 : index
    %swap3A_26 = vector.load %arg5[%swap3A, %swap3A_25] : memref<1000x32xi32, #tpu.memory_space<vmem>>, vector<1000x32xi32>
    tpu.vector_store %arg5[%swap3A, %swap3A_25], %bitcast_convert_type3A_24 {strides = array<i32>} : memref<1000x32xi32, #tpu.memory_space<vmem>>, vector<1000x32xi32>,
    return
  }
  func.func @transform_0(%arg0: i32) -> (i32, i32) {
    %c0_i32 = arith.constant 0 : i32
    %c0_i32_0 = arith.constant 0 : i32
    return %arg0, %c0_i32 : i32, i32
  }
  func.func @transform_1(%arg0: i32) -> (i32, i32) {
    %c0_i32 = arith.constant 0 : i32
    %c0_i32_0 = arith.constant 0 : i32
    return %arg0, %c0_i32 : i32, i32
  }
  func.func @transform_2(%arg0: i32) -> (i32, i32) {
    %c0_i32 = arith.constant 0 : i32
    %c0_i32_0 = arith.constant 0 : i32
    %c0_i32_1 = arith.constant 0 : i32
    return %c0_i32, %c0_i32_0 : i32, i32
  }
  func.func @transform_3(%arg0: i32) -> (i32, i32) {
    %c0_i32 = arith.constant 0 : i32
    %c0_i32_0 = arith.constant 0 : i32
    %c0_i32_1 = arith.constant 0 : i32
    return %c0_i32, %c0_i32_0 : i32, i32
  }
  func.func @transform_4(%arg0: i32) -> (i32, i32) {
    %c0_i32 = arith.constant 0 : i32
    %c0_i32_0 = arith.constant 0 : i32
    return %arg0, %c0_i32 : i32, i32
  }
}

module attributes {stable_mosaic.version = 14 : i64} {
  func.func @_final_body(%arg0: i32, %arg1: memref<1000x64xf32, #tpu.memory_space<vmem>>, %arg2: memref<1000x64xf32, #tpu.memory_space<vmem>>, %arg3: memref<1x40xf32, #tpu.memory_space<vmem>>, %arg4: memref<1000x40xf32, #tpu.memory_space<vmem>>) attributes {dimension_semantics = [#tpu.dimension_semantics<arbitrary>], iteration_bounds = array<i64: 10>, scalar_prefetch = 0 : i64, scratch_operands = 0 : i64, tpu.core_type = #tpu.core_type<tc>, window_params = [{transform_indices = @transform_0, window_bounds = array<i64: 1000, 64>}, {transform_indices = @transform_1, window_bounds = array<i64: 1000, 64>}, {pipeline_mode = #tpu.pipeline_mode<synchronous>, transform_indices = @transform_2, window_bounds = array<i64: 1, 40>}, {transform_indices = @transform_3, window_bounds = array<i64: 1000, 40>}]} {
    %get3A = arith.constant 0 : index
    %get3A_0 = arith.constant 0 : index
    %get3A_1 = vector.load %arg1[%get3A, %get3A_0] : memref<1000x64xf32, #tpu.memory_space<vmem>>, vector<1000x64xf32>
    %get3A_2 = arith.constant 0 : index
    %get3A_3 = arith.constant 0 : index
    %get3A_4 = vector.load %arg2[%get3A_2, %get3A_3] : memref<1000x64xf32, #tpu.memory_space<vmem>>, vector<1000x64xf32>
    %add3A = arith.addf %get3A_1, %get3A_4 : vector<1000x64xf32>
    %slice3A = vector.extract_strided_slice %add3A {offsets = [0, 0], sizes = [1000, 40], strides = [1, 1]} : vector<1000x64xf32> to vector<1000x40xf32>
    %get3A_5 = arith.constant 0 : index
    %get3A_6 = arith.constant 0 : index
    %get3A_7 = vector.load %arg3[%get3A_5, %get3A_6] : memref<1x40xf32, #tpu.memory_space<vmem>>, vector<1x40xf32>
    %add3A_8 = vector.broadcast %get3A_7 : vector<1x40xf32> to vector<1000x40xf32>
    %add3A_9 = arith.addf %slice3A, %add3A_8 : vector<1000x40xf32>
    %reduce_max3A = arith.constant dense<0xFF800000> : vector<1000xf32>
    %reduce_max3A_10 = vector.multi_reduction <maximumf>, %add3A_9, %reduce_max3A [1] : vector<1000x40xf32> to vector<1000xf32>
    %broadcast_in_dim3A = vector.shape_cast %reduce_max3A_10 : vector<1000xf32> to vector<1000x1xf32>
    %sub3A = vector.broadcast %broadcast_in_dim3A : vector<1000x1xf32> to vector<1000x40xf32>
    %sub3A_11 = arith.subf %add3A_9, %sub3A : vector<1000x40xf32>
    %exp3A = math.exp %sub3A_11 : vector<1000x40xf32>
    %reduce_sum3A = arith.constant dense<0.000000e+00> : vector<1000xf32>
    %reduce_sum3A_12 = vector.multi_reduction <add>, %exp3A, %reduce_sum3A [1] : vector<1000x40xf32> to vector<1000xf32>
    %broadcast_in_dim3A_13 = vector.shape_cast %reduce_sum3A_12 : vector<1000xf32> to vector<1000x1xf32>
    %div3A = vector.broadcast %broadcast_in_dim3A_13 : vector<1000x1xf32> to vector<1000x40xf32>
    %div3A_14 = arith.divf %exp3A, %div3A : vector<1000x40xf32>
    %swap3A = arith.constant 0 : index
    %swap3A_15 = arith.constant 0 : index
    %swap3A_16 = vector.load %arg4[%swap3A, %swap3A_15] : memref<1000x40xf32, #tpu.memory_space<vmem>>, vector<1000x40xf32>
    tpu.vector_store %arg4[%swap3A, %swap3A_15], %div3A_14 {strides = array<i32>} : memref<1000x40xf32, #tpu.memory_space<vmem>>, vector<1000x40xf32>,
    return
  }
  func.func @transform_0(%arg0: i32) -> (i32, i32) {
    %c0_i32 = arith.constant 0 : i32
    %c0_i32_0 = arith.constant 0 : i32
    return %arg0, %c0_i32 : i32, i32
  }
  func.func @transform_1(%arg0: i32) -> (i32, i32) {
    %c0_i32 = arith.constant 0 : i32
    %c0_i32_0 = arith.constant 0 : i32
    return %arg0, %c0_i32 : i32, i32
  }
  func.func @transform_2(%arg0: i32) -> (i32, i32) {
    %c0_i32 = arith.constant 0 : i32
    %c0_i32_0 = arith.constant 0 : i32
    %c0_i32_1 = arith.constant 0 : i32
    return %c0_i32, %c0_i32_0 : i32, i32
  }
  func.func @transform_3(%arg0: i32) -> (i32, i32) {
    %c0_i32 = arith.constant 0 : i32
    %c0_i32_0 = arith.constant 0 : i32
    return %arg0, %c0_i32 : i32, i32
  }
}

</mosaic_0001>

<sc_bundles>
// kernel: kernel.10.cloned.1.call-start
scs
__scs_entry_jumppad:
0x0: {  	(pc) =	sbr.rel $0x88, $3  }
0x1: {  	(tag) =	ssettag $0x0;
	lr =	simm.s32 $0x1  }
0x2: {  	[smem:$0x3F9A] =	sst lr;
	_ =	strace $0xD0000000  }
0x3: {  	_ = 	snop  }
0x4: {  	_ = 	snop  }
0x5: {  	_ = 	snop  }
0x6: {  	_ = 	snop  }
0x7: {  	_ = 	snop  }
__scs_overlays_trampoline_lowered:
0x8: {  	[smem:$0x3FA9] =	sst s0  }
0x9: {  	[smem:$0x3FAA] =	sst s1  }
0xa: {  	[smem:$0x3FAB] =	sst s2  }
0xb: {  	[smem:$0x3FAC] =	sst s3  }
0xc: {  	[smem:$0x3FAD] =	sst s4  }
0xd: {  	[smem:$0x3FAE] =	sst s5  }
0xe: {  	[smem:$0x3FAF] =	sst s6  }
0xf: {  	[smem:$0x3FB0] =	sst s7  }
0x10: {  	[smem:$0x3FB1] =	sst s8  }
0x11: {  	[smem:$0x3FB2] =	sst s9;
	s0 =	simm.s32 @!p0 $0x0  }
0x12: {  	s1 =	sld [smem:$0x3F98];
	s0 =	simm.s32 @p0 $0x1  }
0x13: {  	[smem:$0x3FB3] =	sst s0;
	s0 =	simm.s32 @!p1 $0x0  }
0x14: {  	s2 =	sld [smem:$0x3F97];
	s0 =	simm.s32 @p1 $0x1  }
0x15: {  	[smem:$0x3FB4] =	sst s0;
	s0 =	simm.s32 @!p2 $0x0  }
0x16: {  	s3 =	sld [smem:$0x3FDB];
	s0 =	simm.s32 @p2 $0x1  }
0x17: {  	s4 =	simm.s32 $0x1BF5;
	[smem:$0x3FB6] =	sst s0  }
0x18: {  	s0 =	sld [smem:$0x3F99];
	_ =	swait.ge [sflag:s4], $0x0  }
0x19: {  	s7 =	sld [smem:$0x3F9A]  }
0x1a: {  	s8 =	sadd.s32 $0xFFFFE003, lr  }
0x1b: {  	s9 =	sadd.s32 $0xFFFFFEF7, lr;
	s5 =	simm.s32 $0xFFFFFFFF;
	p2 =	slt.u32 s8, $0xFFFFF086  }
0x1c: {  	p1 =	slt.u32 s9, $0xF7A;
	s5 =	simm.s32 @!p2 $0x0  }
0x1d: {  	s5 =	simm.s32 @p1 $0x1;
	p0 =	seq.s32 s7, s2  }
0x1e: {  	s7 =	smul.u32 @!p0 $0xF7A, s2;
	p2 =	seq.s32 @!p0 s5, $0x0  }
0x1f: {  	s9 =	smul.u32 $0xF7A, s1;
	s8 =	simm.s32 @!p0 $0x1BF5;
	p2 =	por !p2, p0  }
0x20: {  	[sflag:s8] =	ssyncset.s32 @!p0 $0xFFFFF086;
	s6 =	sadd.s32 @!p0 s3, s7;
	s7 =	simm.s32 @!p0 $0x108  }
0x21: {  	s3 =	sadd.s32 s3, s9;
	s6 =	sadd.s32 @!p0 $0x88, s6;
	s7 =	simm.s32 @p2 $0x1082  }
0x22: {  	[simem:s7], [sflag:s8] =	dma.local @!p0 [hbm:s6], $0xF7A  }
0x23: {  	s9 =	sor.u32 $0xD0000000, s2;
	s6 =	simm.s32 $0x108;
	_ =	swait.ge @!p0 [sflag:s8], $0x0  }
0x24: {  	s3 =	sadd.s32 $0x88, s3;
	s6 =	simm.s32 @!p1 $0x1082;
	[sflag:s4] =	ssyncset.s32 $0xFFFFF086  }
0x25: {  	[simem:s6], [sflag:s4] =	dma.local [hbm:s3], $0xF7A  }
0x26: {  	[smem:$0x3F9A] =	sst s1;
	(tag) =	ssettag s2;
	_ =	strace s9  }
0x27: {  	s1 =	sld [smem:$0x3FAA]  }
0x28: {  	s2 =	sld [smem:$0x3FAB]  }
0x29: {  	s4 =	sld [smem:$0x3FAD]  }
0x2a: {  	p0 =	seq.s32 s5, $0x0;
	s5 =	sld [smem:$0x3FAE]  }
0x2b: {  	s6 =	sld [smem:$0x3FAF]  }
0x2c: {  	s7 =	sld [smem:$0x3FB0]  }
0x2d: {  	s3 =	simm.s32 $0x108;
	s8 =	sld [smem:$0x3FB1]  }
0x2e: {  	s3 =	simm.s32 @!p0 $0x1082;
	s9 =	sld [smem:$0x3FB2]  }
0x2f: {  	lr =	sadd.s32 s0, s3;
	s0 =	sld [smem:$0x3FA9]  }
0x30: {  	s3 =	sld [smem:$0x3FAC]  }
0x31: {  	[smem:$0x3FB5] =	sst s10  }
0x32: {  	s10 =	sld [smem:$0x3FB3];
	_ =	sdelay $0x3  }
0x33: {  	p0 =	seq.s32 s10, $0x1;
	s10 =	sld [smem:$0x3FB5];
	_ =	sdelay $0x3  }
0x34: {  	[smem:$0x3FB5] =	sst s10  }
0x35: {  	s10 =	sld [smem:$0x3FB4];
	_ =	sdelay $0x3  }
0x36: {  	p1 =	seq.s32 s10, $0x1;
	s10 =	sld [smem:$0x3FB5];
	_ =	sdelay $0x3  }
0x37: {  	[smem:$0x3FB5] =	sst s10  }
0x38: {  	s10 =	sld [smem:$0x3FB6]  }
0x39: {  	_ = 	snop;
	(pc) =	sbr.ind lr, $3  }
0x3a: {  	_ = 	snop  }
0x3b: {  	_ = 	snop  }
0x3c: {  	p2 =	seq.s32 s10, $0x1;
	s10 =	sld [smem:$0x3FB5]  }
0x3d: {  	_ =	shalt  }
0x3e: {  	_ =	shalt  }
0x3f: {  	_ =	shalt  }
0x40: {  	_ =	shalt  }
0x41: {  	_ =	shalt  }
0x42: {  	_ =	shalt  }
0x43: {  	_ =	shalt  }
0x44: {  	_ =	shalt  }
0x45: {  	_ =	shalt  }
0x46: {  	_ =	shalt  }
0x47: {  	_ =	shalt  }
0x48: {  	_ =	shalt  }
0x49: {  	_ =	shalt  }
0x4a: {  	_ =	shalt  }
0x4b: {  	_ =	shalt  }
0x4c: {  	_ =	shalt  }
0x4d: {  	_ =	shalt  }
0x4e: {  	_ =	shalt  }
0x4f: {  	_ =	shalt  }
0x50: {  	_ =	shalt  }
0x51: {  	_ =	shalt  }
0x52: {  	_ =	shalt  }
0x53: {  	_ =	shalt  }
0x54: {  	_ =	shalt  }
0x55: {  	_ =	shalt  }
0x56: {  	_ =	shalt  }
0x57: {  	_ =	shalt  }
0x58: {  	_ =	shalt  }
0x59: {  	_ =	shalt  }
0x5a: {  	_ =	shalt  }
0x5b: {  	_ =	shalt  }
0x5c: {  	_ =	shalt  }
0x5d: {  	_ =	shalt  }
0x5e: {  	_ =	shalt  }
0x5f: {  	_ =	shalt  }
0x60: {  	_ =	shalt  }
0x61: {  	_ =	shalt  }
0x62: {  	_ =	shalt  }
0x63: {  	_ =	shalt  }
0x64: {  	_ =	shalt  }
0x65: {  	_ =	shalt  }
0x66: {  	_ =	shalt  }
0x67: {  	_ =	shalt  }
0x68: {  	_ =	shalt  }
0x69: {  	_ =	shalt  }
0x6a: {  	_ =	shalt  }
0x6b: {  	_ =	shalt  }
0x6c: {  	_ =	shalt  }
0x6d: {  	_ =	shalt  }
0x6e: {  	_ =	shalt  }
0x6f: {  	_ =	shalt  }
0x70: {  	_ =	shalt  }
0x71: {  	_ =	shalt  }
0x72: {  	_ =	shalt  }
0x73: {  	_ =	shalt  }
0x74: {  	_ =	shalt  }
0x75: {  	_ =	shalt  }
0x76: {  	_ =	shalt  }
0x77: {  	_ =	shalt  }
0x78: {  	_ =	shalt  }
0x79: {  	_ =	shalt  }
0x7a: {  	_ =	shalt  }
0x7b: {  	_ =	shalt  }
0x7c: {  	_ =	shalt  }
0x7d: {  	_ =	shalt  }
0x7e: {  	_ =	shalt  }
0x7f: {  	_ =	shalt  }
0x80: {  	_ =	shalt  }
0x81: {  	_ =	shalt  }
0x82: {  	_ =	shalt  }
0x83: {  	_ =	shalt  }
0x84: {  	_ =	shalt  }
0x85: {  	_ =	shalt  }
0x86: {  	_ =	shalt  }
0x87: {  	_ =	shalt  }
.Lfunc_end0:
.L_simem_size_0:
called_computation.1_lowered:
.L_overlay_start_0:
0x88: {  	s2 =	sld [smem:$0x3FD9]  }
0x89: {  	s3 =	sld [smem:$0x3FFE];
	_ =	sdelay $0x1  }
0x8a: {  	s1 =	srdreg.scid  }
0x8b: {  	s0 =	sand.u32 $0x1, s1  }
0x8c: {  	s17 =	sshll.u32 s0, $0xA;
	s2 =	sadd.s32 s3, s2  }
0x8d: {  	s2 =	sadd.s32 s2, s17  }
0x8e: {  	[smem:$0x3FC1] =	sst s2  }
0x8f: {  	_ = 	snop  }
0x90: {  	s2 =	sld [smem:$0x3FD0];
	(tm) =	ssettm $0x1  }
0x91: {  	s18 =	sld [smem:$0x3FFB];
	_ =	sdelay $0x3  }
0x92: {  	_ =	strace s18  }
0x93: {  	s3 =	sld [smem:$0x3FFC];
	_ =	sdelay $0x3  }
0x94: {  	_ =	strace s3  }
0x95: {  	s3 =	sld [smem:$0x3FFD];
	_ =	sdelay $0x3  }
0x96: {  	_ =	strace s3  }
0x97: {  	_ =	strace $0x8FFFFFFF  }
0x98: {  	s19 =	sld [smem:$0x3FDB];
	_ =	sdelay $0x1  }
0x99: {  	s4 =	simm.s32 $_scs_section_size  }
0x9a: {  	s5 =	simm.s32 $_size__tile_overlayer_lowered;
	s6 =	simm.s32 $_tile_overlayer_lowered  }
0x9b: {  	s22 =	simm.s32 $0x1BFF;
	s21 =	sshll.u32 s6, $0x1;
	s3 =	sadd.s32 s4, s19  }
0x9c: {  	s7 =	simm.s32 $0x0;
	s20 =	sshll.u32 s5, $0x1;
	s5 =	sadd.s32 s21, s3  }
0x9d: {  	[timem:s7], [sflag:s22] =	dma.local [hbm:s5], s20  }
0x9e: {  	_ =	swait.ge [sflag:s22], s20  }
0x9f: {  	s4 =	ssub.s32 $0x0, s20;
	[sflag:s22] =	ssyncset.done $0x0  }
0xa0: {  	[sflag:s22] =	ssyncadd.s32 s4;
	_ =	sdelay $0x1  }
0xa1: {  	s23 =	simm.s32 $0x1B8B  }
0xa2: {  	_ =	swait.ge [sflag:s23], $0x1  }
0xa3: {  	[sflag:s23] =	ssyncset.done $0x0  }
0xa4: {  	s25 =	simm.s32 $0x1B8E;
	s24 =	sld [smem:$0x3FFE];
	[sflag:s23] =	ssyncadd.s32 $0xFFFFFFFF  }
0xa5: {  	s26 =	simm.s32 $execute0_lowered;
	[smem:$0x3FD2] =	sst s25  }
0xa6: {  	s5 =	sshll.u32 s26, $0x1;
	_ =	strace $0x80000049;
	[dreg:$0x1] =	wrdreg $0xFFFFFFFF  }
0xa7: {  	s28 =	simm.s32 $_size_execute0_lowered;
	s3 =	sadd.s32 s3, s5;
	[dreg:$0x0] =	wrdreg $0x0  }
0xa8: {  	s5 =	sshll.u32 s28, $0x1;
	[dreg:$0x2] =	wrdreg s3  }
0xa9: {  	[dreg:$0x3] =	wrdreg s5  }
0xaa: {  	[dreg:$0x4] =	wrdreg $0xC0  }
0xab: {  	_ =	task [dreg:s7], $0x5FFFF  }
0xac: {  	[dreg:$0x1] =	wrdreg $0xFFFFFFFF  }
0xad: {  	[dreg:$0x0] =	wrdreg $0x60  }
0xae: {  	[dreg:$0x2] =	wrdreg s24  }
0xaf: {  	[dreg:$0x3] =	wrdreg s2  }
0xb0: {  	[dreg:$0x4] =	wrdreg $0x43000  }
0xb1: {  	[dreg:$0x5] =	wrdreg $0x9  }
0xb2: {  	_ =	task.clear_ibuf [dreg:s7], $0x6FFFF;
	_ =	strace $0x90000049  }
0xb3: {  	s29 =	simm.s32 $0x9;
	_ =	strace $0x8000004B  }
0xb4: {  	_ =	swait.ge [sflag:s29], $0x1  }
0xb5: {  	[sflag:s29] =	ssyncadd.s32 $0xFFFFFFFF  }
0xb6: {  	_ =	strace $0x9000004B  }
0xb7: {  	_ =	sfence  }
0xb8: {  	s30 =	sld [smem:$0x0];
	_ =	sdelay $0x2  }
0xb9: {  	s31 =	sshll.u32 s1, $0xD;
	s1 =	sshrl.u32 s1, $0x2  }
0xba: {  	s3 =	sand.u32 $0x4000, s31;
	s1 =	sadd.s32 s1, s30  }
0xbb: {  	s0 =	sor.u32 s3, s0;
	s1 =	sshll.u32 s1, $0x11  }
0xbc: {  	s0 =	sor.u32 s1, s0  }
0xbd: {  	s0 =	sadd.s32 $0x8F2B, s0  }
0xbe: {  	[sflag:s0] =	ssyncadd.remote.s32 $0x1  }
0xbf: {  	_ =	sfence.sel $0xFFFF  }
0xc0: {  	[dreg:$0x0] =	wrdreg $0xFFFFFFFF;
	(pc) =	sbr.abs _section_cstart, $3  }
0xc1: {  	[dreg:$0x1] =	wrdreg $0xFFFFFFFF  }
0xc2: {  	_ =	task.clear_ibuf [dreg:s7], $0x2FFFF;
	_ =	strace $0x9FFFFFFF  }
0xc3: {  	(tm) =	ssettm $0x7FFFFFFF  }
tec
execute0_lowered:
.L_overlay_start_1:
0x0: {  	(tag) =	ssettag $0x1  }
0x1: {  	s0 =	rddreg [dreg:$0x0]  }
0x2: {  	s1 =	srdreg.scid;
	s2 =	rddreg [dreg:$0x1]  }
0x3: {  	s11 =	stileid.u32;
	s12 =	rddreg [dreg:$0x2];
	s13 =	simm.s32 $0x8  }
0x4: {  	s14 =	simm.s32 $0x2300;
	s15 =	simm.s32 $0x9;
	s22 =	simm.s32 $0x100  }
0x5: {  	s17 =	simm.s32 $0x200;
	s18 =	simm.s32 $0x1;
	s19 =	simm.s32 $0x3  }
0x6: {  	s20 =	simm.s32 $0x5;
	s21 =	simm.s32 $0x80;
	s24 =	simm.s32 $0x180  }
0x7: {  	s23 =	simm.s32 $0x280;
	s25 =	simm.s32 $0x2;
	s28 =	simm.s32 $0x6  }
0x8: {  	s30 =	simm.s32 $0x7;
	s1 =	sand.u32 $0x1, s1;
	s10 =	smul.u32 $0x5000, s11  }
0x9: {  	s3 =	sshll.u32 s11, $0x1;
	p0 =	slt.u32 s11, $0xD;
	s31 =	smul.u32 $0x1400, s11  }
0xa: {  	s4 =	sor.u32 s1, s3;
	s3 =	simm.s32 $0x0;
	s6 =	smul.u32 $0x13880, s1  }
0xb: {  	s1 =	ssub.s32 $0x2, s1;
	s13 =	simm.s32 @!p0 $0x7;
	s5 =	smul.u32 $0x500, s4  }
0xc: {  	[smem:$0x7FF] =	sst s3;
	s4 =	sadd.s32 $0xBE00, s0;
	s7 =	sshrl.u32 s1, $0x1  }
0xd: {  	s26 =	sshrl.u32 s10, $0x2;
	_ =	strace $0x8000004A;
	s1 =	ssub.s32 s1, s7  }
0xe: {  	s12 =	sadd.s32 s26, s12;
	[dreg:$0x7] =	wrdreg s31;
	s26 =	simm.s32 $0x4  }
0xf: {  	[dreg:$0x4] =	wrdreg s13;
	s9 =	sadd.s32 s5, s0;
	s0 =	sadd.s32 s6, s0  }
0x10: {  	s6 =	simm.s32 $0x8;
	s8 =	sadd.s32 s2, s5;
	s29 =	smax.u32 s1, $0x1  }
0x11: {  	s1 =	simm.s32 $0x0;
	[dreg:$0x6] =	wrdreg s12;
	s7 =	sadd.s32 $0x1E00, s9  }
0x12: {  	v0 =	vimm.f32 $0.0e+00;
	s9 =	sadd.s32 $0x1F800, s9;
	s10 =	sadd.s32 $0x29800, s0;
	[dreg:$0x5] =	wrdreg s29  }
.LBB2_1:
0x13: {  	[dreg:$0x8] =	wrdreg s1;
	s1 =	simm.s32 $0x100;
	s0 =	simm.s32 $0x0  }
.LBB2_2:
0x14: {  	p0 =	sne.s32 s1, $0x4F00;
	[tilespmem:s0+$0x2330] =	vst v0;
	s2 =	smov.u32 s1;
	s1 =	sadd.s32 $0x100, s1  }
.Ltmp0:
0x15: {  	[tilespmem:s0+$0x2320] =	vst v0;
	(pc) =	sbr.rel @p0 .LBB2_2-.Ltmp0, $3  }
0x16: {  	[tilespmem:s0+$0x2300] =	vst v0  }
0x17: {  	[tilespmem:s0+$0x2310] =	vst v0;
	_ =	sdelay $0x1  }
0x18: {  	s0 =	sshra.s32 s2, $0x2  }
0x19: {  	[tilespmem:s0+$0x2330] =	vst v0  }
0x1a: {  	[tilespmem:s0+$0x2320] =	vst v0;
	p0 =	sne.s32 s13, $0x1  }
.Ltmp1:
0x1b: {  	[tilespmem:s0+$0x2300] =	vst v0;
	(pc) =	sbr.rel @!p0 .LBB2_5-.Ltmp1, $4  }
0x1c: {  	[tilespmem:s0+$0x2310] =	vst v0  }
0x1d: {  	[spmem:s12] =	stream.linear.scatter [tilespmem:s14], [sflag:$0x9], $0x1400, $0x38;
	[tilespmem:$0xDF40] =	vst v63  }
0x1e: {  	_ =	swait.ge [sflag:s15], $0x1400  }
0x1f: {  	s0 =	sadd.s32 $0xFFFFFFFF, s13;
	s1 =	smov.u32 s12;
	[sflag:s15] =	ssyncset.done $0x0  }
.LBB2_4:
0x20: {  	p1 =	sne.s32 s0, $0x1;
	[sflag:s15] =	ssyncadd.s32 $0xFFFFEC00;
	s1 =	sadd.s32 $0x14000, s1  }
.Ltmp2:
0x21: {  	s0 =	sadd.s32 $0xFFFFFFFF, s0;
	(pc) =	sbr.rel @p1 .LBB2_4-.Ltmp2, $4  }
0x22: {  	_ = 	snop  }
0x23: {  	[spmem:s1] =	stream.linear.scatter [tilespmem:s14], [sflag:$0x9], $0x1400, $0x38;
	[tilespmem:$0xDF40] =	vst v63  }
0x24: {  	_ =	swait.ge [sflag:s15], $0x1400  }
0x25: {  	[sflag:s15] =	ssyncset.done $0x0  }
.LBB2_5:
0x26: {  	[sflag:s15] =	ssyncadd.s32 $0xFFFFEC00  }
0x27: {  	s1 =	simm.s32 $0x0;
	[bflag:$0x0] =	sbarrier.arrive $0xFFFF  }
0x28: {  	[tilespmem:s1], [sflag:$0x1] =	stream.linear.gather [hbm4b:s7+s1], $0x80, $0x38;
	[tilespmem:$0xDF40] =	vst v63  }
0x29: {  	_ = 	snop  }
0x2a: {  	[tilespmem:s22], [sflag:$0x3] =	stream.linear.gather [hbm4b:s8+s1], $0x80, $0x38;
	[tilespmem:$0xDF40] =	vst v63  }
0x2b: {  	_ = 	snop  }
0x2c: {  	[tilespmem:s17], [sflag:$0x5] =	stream.linear.gather [hbm4b:s9+s1], $0x80, $0x38;
	[tilespmem:$0xDF40] =	vst v63  }
0x2d: {  	_ =	swait.ge [sflag:s18], $0x80  }
0x2e: {  	[sflag:s18] =	ssyncset.done $0x0  }
0x2f: {  	[sflag:s18] =	ssyncadd.s32 $0xFFFFFF80  }
0x30: {  	_ =	swait.ge [sflag:s19], $0x80  }
0x31: {  	[sflag:s19] =	ssyncset.done $0x0  }
0x32: {  	[sflag:s19] =	ssyncadd.s32 $0xFFFFFF80  }
0x33: {  	_ =	swait.ge [sflag:s20], $0x80  }
0x34: {  	[sflag:s20] =	ssyncset.done $0x0  }
0x35: {  	s0 =	sadd.s32 $0x10, s7;
	[sflag:s20] =	ssyncadd.s32 $0xFFFFFF80  }
0x36: {  	[tilespmem:s21], [sflag:$0x2] =	stream.linear.gather [hbm4b:s0+s1], $0x80, $0x38;
	[tilespmem:$0xDF40] =	vst v63  }
0x37: {  	s22 =	sadd.s32 $0x10, s8  }
0x38: {  	[tilespmem:s24], [sflag:$0x4] =	stream.linear.gather [hbm4b:s22+s1], $0x80, $0x38;
	[tilespmem:$0xDF40] =	vst v63  }
0x39: {  	s29 =	sadd.s32 $0x10, s9  }
0x3a: {  	[tilespmem:s23], [sflag:$0x6] =	stream.linear.gather [hbm4b:s29+s1], $0x80, $0x38;
	[tilespmem:$0xDF40] =	vst v63  }
0x3b: {  	s31 =	simm.s32 $0x300;
	s0 =	simm.s32 $0x0  }
0x3c: {  	[tilespmem:s31], [sflag:$0x7] =	stream.indirect.gather [hbm4b:s4+s21], $0x20, s1, s21, $0xb8;
	[tilespmem:$0xDF40] =	vst v63  }
.LBB2_6:
0x3d: {  	_ =	swait.ge [sflag:s25], $0x80  }
0x3e: {  	[sflag:s25] =	ssyncset.done $0x0  }
0x3f: {  	[sflag:s25] =	ssyncadd.s32 $0xFFFFFF80  }
0x40: {  	_ =	swait.ge [sflag:s26], $0x80  }
0x41: {  	[sflag:s26] =	ssyncset.done $0x0  }
0x42: {  	s2 =	simm.s32 $0x2;
	[sflag:s26] =	ssyncadd.s32 $0xFFFFFF80  }
0x43: {  	v1 =	vmov s2;
	_ =	swait.ge [sflag:s28], $0x80  }
0x44: {  	s11 =	simm.s32 $0x1;
	v1 =	vand.u32 $0xFFFFFFFE, v1;
	[sflag:s28] =	ssyncset.done $0x0  }
0x45: {  	s12 =	simm.s32 $0x1300;
	v2 =	vmov s11;
	v1 =	vbroadcast v1, $0x0;
	[sflag:s28] =	ssyncadd.s32 $0xFFFFFF80  }
0x46: {  	v2 =	vand.u32 $0xFFFFFFFD, v2;
	[tilespmem:s12], [sflag:$0x8] =	stream.indirect.gather [hbm4b:s4+s21], $0x20, s21, s21, $0xb8;
	[tilespmem:$0xDF40] =	vst v63  }
0x47: {  	v2 =	vbroadcast v2, $0x0;
	_ =	swait.ge [sflag:s30], $0x1000  }
0x48: {  	[sflag:s30] =	ssyncset.done $0x0  }
0x49: {  	s2 =	simm.s32 $0x340;
	[sflag:s30] =	ssyncadd.s32 $0xFFFFF000  }
0x4a: {  	v3 =	vmov s1;
	v4 =	vld [tilespmem:s2+$0x0]  }
0x4b: {  	v3 =	vand.u32 $0xFFFFFFFC, v3;
	s11 =	simm.s32 $0x3;
	v5 =	vld.idx.msk [tilespmem:v1+s17+$0x0], $0xffff  }
0x4c: {  	v3 =	vbroadcast v3, $0x0;
	v6 =	vmov s11;
	v1 =	vld [tilespmem:s2+$0xFFFFFFE0]  }
0x4d: {  	v2 =	vld.idx.msk [tilespmem:v2+s17+$0x0], $0xffff  }
0x4e: {  	s5 =	simm.s32 $0x4;
	s13 =	simm.s32 $0x6  }
0x4f: {  	v7 =	vmov s5;
	v10 =	vmov s13;
	v9 =	vld [tilespmem:s2+$0xFFFFFFC0];
	v8 =	vshll.u32 v4, $0x10  }
0x50: {  	v7 =	vand.u32 $0xFFFFFFFC, v7;
	v12 =	vld [tilespmem:s2+$0x20];
	v4 =	vand.u32 $0xFFFF0000, v4;
	v8 =	vmul.f32 v8, v5  }
0x51: {  	s11 =	simm.s32 $0x2380;
	v6 =	vld.idx.msk [tilespmem:v6+s17+$0x0], $0xffff;
	v11 =	vshll.u32 v1, $0x10;
	v1 =	vand.u32 $0xFFFF0000, v1;
	v4 =	vmul.f32 v4, v5  }
0x52: {  	s16 =	simm.s32 $0x5;
	v10 =	vand.u32 $0xFFFFFFFE, v10;
	v7 =	vbroadcast v7, $0x0;
	v3 =	vld.idx.msk [tilespmem:v3+s17+$0x0], $0xffff;
	v1 =	vmul.f32 v1, v2;
	[tilespmem:s11+$0x0] =	vst v8  }
0x53: {  	v10 =	vbroadcast v10, $0x0;
	v8 =	vmul.f32 v11, v2;
	v11 =	vmov s16;
	[tilespmem:s11+$0x10] =	vst v4  }
0x54: {  	[tilespmem:s11+$0xFFFFFFD0] =	vst v1;
	v4 =	vand.u32 $0xFFFFFFFD, v11;
	v11 =	vld [tilespmem:s2+$0x10]  }
0x55: {  	v13 =	vshll.u32 v12, $0x10;
	[tilespmem:s11+$0xFFFFFFC0] =	vst v8;
	v4 =	vbroadcast v4, $0x0  }
0x56: {  	s5 =	simm.s32 $0x3C0;
	v13 =	vmul.f32 v13, v6;
	v1 =	vand.u32 $0xFFFF0000, v9;
	v8 =	vshll.u32 v9, $0x10;
	v9 =	vld [tilespmem:s2+$0xFFFFFFF0]  }
0x57: {  	v15 =	vld [tilespmem:s5+$0x0];
	v8 =	vmul.f32 v8, v3  }
0x58: {  	v12 =	vand.u32 $0xFFFF0000, v12;
	[tilespmem:s11+$0x40] =	vst v13;
	v14 =	vmul.f32 v1, v3;
	v1 =	vld.idx.msk [tilespmem:v7+s17+$0x0], $0xffff  }
0x59: {  	s12 =	simm.s32 $0x7;
	v7 =	vmul.f32 v12, v6;
	[tilespmem:s11+$0xFFFFFF80] =	vst v8;
	v8 =	vld.idx.msk [tilespmem:v10+s17+$0x0], $0xffff;
	v10 =	vshll.u32 v11, $0x10;
	v11 =	vand.u32 $0xFFFF0000, v11  }
0x5a: {  	v12 =	vld [tilespmem:s5+$0xFFFFFFE0];
	[tilespmem:s11+$0xFFFFFF90] =	vst v14;
	v10 =	vmul.f32 v10, v5;
	v5 =	vmul.f32 v11, v5;
	v11 =	vmov s12  }
0x5b: {  	s13 =	simm.s32 $0x8;
	[tilespmem:s11+$0x50] =	vst v7;
	v13 =	vld.idx.msk [tilespmem:v4+s17+$0x0], $0xffff;
	v7 =	vshll.u32 v9, $0x10  }
0x5c: {  	v14 =	vld [tilespmem:s5+$0xFFFFFFC0];
	v4 =	vmov s13;
	v9 =	vand.u32 $0xFFFF0000, v9;
	[tilespmem:s11+$0x30] =	vst v5;
	v7 =	vmul.f32 v7, v2  }
0x5d: {  	v16 =	vshll.u32 v15, $0x10;
	v9 =	vmul.f32 v9, v2;
	[tilespmem:s11+$0x20] =	vst v10;
	v4 =	vand.u32 $0xFFFFFFFC, v4  }
0x5e: {  	s24 =	simm.s32 $0xA;
	v17 =	vld [tilespmem:s5+$0x20];
	v2 =	vand.u32 $0xFFFF0000, v15;
	v10 =	vmul.f32 v16, v8;
	v16 =	vbroadcast v4, $0x0;
	[tilespmem:s11+$0xFFFFFFE0] =	vst v7  }
0x5f: {  	s13 =	simm.s32 $0x2480;
	v4 =	vshll.u32 v12, $0x10;
	v7 =	vmul.f32 v2, v8;
	[tilespmem:s11+$0xFFFFFFF0] =	vst v9;
	v2 =	vld.idx.msk [tilespmem:v11+s17+$0x0], $0xffff;
	v11 =	vmov s24  }
0x60: {  	v15 =	vld [tilespmem:s2+$0xFFFFFFD0];
	v12 =	vand.u32 $0xFFFF0000, v12;
	[tilespmem:s13+$0x0] =	vst v10;
	v11 =	vand.u32 $0xFFFFFFFE, v11;
	v4 =	vmul.f32 v4, v13  }
0x61: {  	v10 =	vld [tilespmem:s2+$0x30];
	[tilespmem:s13+$0x10] =	vst v7;
	v7 =	vshll.u32 v14, $0x10;
	v9 =	vbroadcast v11, $0x0;
	v11 =	vmul.f32 v12, v13  }
0x62: {  	s22 =	simm.s32 $0x9;
	v14 =	vand.u32 $0xFFFF0000, v14;
	v12 =	vld [tilespmem:s5+$0x10];
	v7 =	vmul.f32 v7, v1;
	[tilespmem:s13+$0xFFFFFFC0] =	vst v4  }
0x63: {  	v5 =	vmov s22;
	v14 =	vmul.f32 v14, v1;
	v4 =	vshll.u32 v17, $0x10;
	[tilespmem:s13+$0xFFFFFFD0] =	vst v11  }
0x64: {  	v5 =	vand.u32 $0xFFFFFFFD, v5;
	v17 =	vand.u32 $0xFFFF0000, v17;
	[tilespmem:s13+$0xFFFFFF80] =	vst v7;
	v4 =	vmul.f32 v4, v2  }
0x65: {  	s31 =	simm.s32 $0x440;
	v5 =	vbroadcast v5, $0x0;
	v11 =	vshll.u32 v15, $0x10;
	[tilespmem:s13+$0xFFFFFF90] =	vst v14;
	v18 =	vld [tilespmem:s5+$0xFFFFFFF0];
	v7 =	vmul.f32 v17, v2  }
0x66: {  	v21 =	vld [tilespmem:s31+$0xFFFFFFE0];
	v15 =	vand.u32 $0xFFFF0000, v15;
	v17 =	vshll.u32 v10, $0x10;
	v11 =	vmul.f32 v11, v3;
	[tilespmem:s13+$0x40] =	vst v4  }
0x67: {  	v14 =	vmul.f32 v15, v3;
	v3 =	vand.u32 $0xFFFF0000, v10;
	v15 =	vld [tilespmem:s31+$0x0];
	v10 =	vand.u32 $0xFFFF0000, v12;
	[tilespmem:s13+$0x50] =	vst v7  }
0x68: {  	v19 =	vmul.f32 v17, v6;
	v12 =	vshll.u32 v12, $0x10;
	[tilespmem:s11+$0xFFFFFFA0] =	vst v11;
	v4 =	vld.idx.msk [tilespmem:v9+s17+$0x0], $0xffff;
	v9 =	vmul.f32 v10, v8  }
0x69: {  	s12 =	simm.s32 $0xB;
	s24 =	simm.s32 $0xC;
	v17 =	vld [tilespmem:s31+$0xFFFFFFC0];
	v7 =	vmul.f32 v3, v6;
	[tilespmem:s11+$0xFFFFFFB0] =	vst v14;
	v3 =	vmul.f32 v12, v8  }
0x6a: {  	s16 =	simm.s32 $0xD;
	v20 =	vmov s12;
	v6 =	vmov s24;
	v12 =	vld [tilespmem:s31+$0x20];
	v8 =	vshll.u32 v18, $0x10;
	[tilespmem:s13+$0x30] =	vst v9  }
0x6b: {  	s22 =	simm.s32 $0xE;
	v10 =	vmov s16;
	v9 =	vand.u32 $0xFFFF0000, v18;
	[tilespmem:s13+$0x20] =	vst v3;
	v3 =	vld.idx.msk [tilespmem:v16+s17+$0x0], $0xffff;
	v11 =	vmul.f32 v8, v13  }
0x6c: {  	[tilespmem:s11+$0x60] =	vst v19;
	v19 =	vmov s22;
	v9 =	vmul.f32 v9, v13;
	v8 =	vand.u32 $0xFFFFFFFC, v6;
	v6 =	vld.idx.msk [tilespmem:v5+s17+$0x0], $0xffff  }
0x6d: {  	v13 =	vand.u32 $0xFFFFFFFD, v10;
	v5 =	vshll.u32 v15, $0x10;
	v15 =	vand.u32 $0xFFFF0000, v15;
	[tilespmem:s13+$0xFFFFFFE0] =	vst v11;
	v11 =	vld [tilespmem:s5+$0xFFFFFFD0]  }
0x6e: {  	v14 =	vand.u32 $0xFFFF0000, v17;
	v10 =	vbroadcast v8, $0x0;
	v22 =	vmul.f32 v5, v4;
	[tilespmem:s13+$0xFFFFFFF0] =	vst v9;
	v9 =	vld [tilespmem:s5+$0x30]  }
0x6f: {  	v8 =	vbroadcast v13, $0x0;
	v13 =	vshll.u32 v17, $0x10;
	v17 =	vmul.f32 v15, v4;
	s5 =	simm.s32 $0x2580;
	v5 =	vld.idx.msk [tilespmem:v20+s17+$0x0], $0xffff  }
0x70: {  	s29 =	simm.s32 $0x10;
	s12 =	simm.s32 $0x440;
	v16 =	vshll.u32 v21, $0x10;
	v18 =	vand.u32 $0xFFFF0000, v21;
	v15 =	vshll.u32 v12, $0x10;
	[tilespmem:s5+$0x0] =	vst v22  }
.LBB2_7:
0x71: {  	p1 =	slt.u32 s29, $0x7C;
	v19 =	vand.u32 $0xFFFFFFFE, v19;
	v16 =	vmul.f32 v16, v6;
	[tilespmem:s5+$0x10] =	vst v17;
	v12 =	vand.u32 $0xFFFF0000, v12  }
0x72: {  	v18 =	vmul.f32 v18, v6;
	v20 =	vshll.u32 v11, $0x10;
	v17 =	vbroadcast v19, $0x0;
	v19 =	vld [tilespmem:s31+$0x10];
	[tilespmem:s11+$0x70] =	vst v7;
	s11 =	smov.u32 s13;
	s13 =	smov.u32 s5  }
0x73: {  	v11 =	vand.u32 $0xFFFF0000, v11;
	v7 =	vmul.f32 v13, v3;
	v13 =	vmul.f32 v14, v3;
	[tilespmem:s5+$0xFFFFFFC0] =	vst v16  }
0x74: {  	v14 =	vmul.f32 v15, v5;
	v12 =	vmul.f32 v12, v5;
	v15 =	vshll.u32 v9, $0x10;
	v10 =	vld.idx.msk [tilespmem:v10+s17+$0x0], $0xffff;
	[tilespmem:s5+$0xFFFFFFD0] =	vst v18  }
0x75: {  	v18 =	vmul.f32 v20, v1;
	v20 =	vmul.f32 v11, v1;
	v1 =	vmovc v3;
	[tilespmem:s5+$0xFFFFFF80] =	vst v7;
	v16 =	vld [tilespmem:s31+$0xFFFFFFF0];
	v7 =	vand.u32 $0xFFFF0000, v9  }
0x76: {  	v15 =	vmul.f32 v15, v2;
	s31 =	sadd.s32 $0x80, s31;
	v8 =	vld.idx.msk [tilespmem:v8+s17+$0x0], $0xffff;
	[tilespmem:s5+$0xFFFFFF90] =	vst v13;
	v7 =	vmul.f32 v7, v2;
	v2 =	vmov v5  }
0x77: {  	v5 =	vld [tilespmem:s31+$0x0];
	v3 =	vshll.u32 v19, $0x10;
	v9 =	vand.u32 $0xFFFF0000, v19;
	[tilespmem:s5+$0x40] =	vst v14  }
0x78: {  	s2 =	sadd.s32 $0x3, s24;
	s24 =	smov.u32 s29;
	v11 =	vmul.f32 v3, v4;
	v19 =	vmul.f32 v9, v4;
	v4 =	vld.idx.msk [tilespmem:v17+s17+$0x0], $0xffff;
	[tilespmem:s5+$0x50] =	vst v12  }
0x79: {  	v17 =	vmov s2;
	v14 =	vld [tilespmem:s31+$0xFFFFFFC0];
	[tilespmem:s11+$0xFFFFFFA0] =	vst v18  }
0x7a: {  	v9 =	vmov s29;
	s2 =	sadd.s32 $0x1, s29;
	v18 =	vld [tilespmem:s31+$0xFFFFFFE0];
	v13 =	vshll.u32 v16, $0x10;
	v16 =	vand.u32 $0xFFFF0000, v16;
	[tilespmem:s5+$0x30] =	vst v19;
	v3 =	vmovc v10  }
0x7b: {  	v10 =	vmov s2;
	v12 =	vld [tilespmem:s31+$0x20];
	v13 =	vmul.f32 v13, v6;
	v16 =	vmul.f32 v16, v6;
	[tilespmem:s5+$0x20] =	vst v11  }
.Ltmp3:
0x7c: {  	v9 =	vand.u32 $0xFFFFFFFC, v9;
	v19 =	vand.u32 $0xFFFFFFFD, v10;
	v6 =	vmov v8;
	v11 =	vld [tilespmem:s12+$0xFFFFFFD0];
	[tilespmem:s11+$0xFFFFFFB0] =	vst v20;
	(pc) =	sbr.rel @p1 .LBB2_7-.Ltmp3, $4  }
0x7d: {  	v10 =	vbroadcast v9, $0x0;
	v8 =	vbroadcast v19, $0x0;
	v19 =	vshll.u32 v5, $0x10;
	[tilespmem:s5+$0xFFFFFFE0] =	vst v13;
	v9 =	vld [tilespmem:s12+$0x30];
	s12 =	smov.u32 s31  }
0x7e: {  	v20 =	vand.u32 $0xFFFF0000, v5;
	v21 =	vmul.f32 v19, v4;
	v13 =	vshll.u32 v14, $0x10;
	v5 =	vld.idx.msk [tilespmem:v17+s17+$0x0], $0xffff;
	[tilespmem:s5+$0xFFFFFFF0] =	vst v16  }
0x7f: {  	s2 =	sadd.s32 $0x2, s29;
	v14 =	vand.u32 $0xFFFF0000, v14;
	v17 =	vmul.f32 v20, v4;
	s5 =	sadd.s32 $0x100, s5;
	v16 =	vshll.u32 v18, $0x10;
	[tilespmem:s11+$0x60] =	vst v15  }
0x80: {  	s29 =	sadd.s32 $0x4, s29;
	v19 =	vmov s2;
	v18 =	vand.u32 $0xFFFF0000, v18;
	[tilespmem:s5+$0x0] =	vst v21;
	v15 =	vshll.u32 v12, $0x10  }
0x81: {  	v16 =	vmul.f32 v16, v6;
	[tilespmem:s5+$0x10] =	vst v17  }
0x82: {  	v17 =	vand.u32 $0xFFFFFFFE, v19;
	v18 =	vmul.f32 v18, v6;
	[tilespmem:s11+$0x70] =	vst v7  }
0x83: {  	v13 =	vmul.f32 v13, v3;
	v19 =	vld [tilespmem:s31+$0x10];
	v7 =	vbroadcast v17, $0x0;
	[tilespmem:s5+$0xFFFFFFC0] =	vst v16  }
0x84: {  	v14 =	vmul.f32 v14, v3;
	[tilespmem:s5+$0xFFFFFFD0] =	vst v18  }
0x85: {  	v12 =	vand.u32 $0xFFFF0000, v12;
	v15 =	vmul.f32 v15, v5;
	[tilespmem:s5+$0xFFFFFF80] =	vst v13;
	v13 =	vld [tilespmem:s31+$0xFFFFFFF0]  }
0x86: {  	v16 =	vshll.u32 v11, $0x10;
	v12 =	vmul.f32 v12, v5;
	[tilespmem:s5+$0xFFFFFF90] =	vst v14  }
0x87: {  	s2 =	sadd.s32 $0x80, s31;
	v11 =	vand.u32 $0xFFFF0000, v11;
	v14 =	vmul.f32 v16, v1;
	[tilespmem:s5+$0x40] =	vst v15  }
0x88: {  	v1 =	vmul.f32 v11, v1;
	v15 =	vld [tilespmem:s2+$0x0];
	[tilespmem:s5+$0x50] =	vst v12;
	v16 =	vand.u32 $0xFFFF0000, v19  }
0x89: {  	[tilespmem:s13+$0xFFFFFFA0] =	vst v14;
	v17 =	vshll.u32 v19, $0x10;
	v16 =	vmul.f32 v16, v4;
	v7 =	vld.idx.msk [tilespmem:v7+s17+$0x0], $0xffff  }
0x8a: {  	s22 =	sadd.s32 $0x3, s24;
	[tilespmem:s13+$0xFFFFFFB0] =	vst v1;
	v4 =	vmul.f32 v17, v4;
	v11 =	vshll.u32 v13, $0x10  }
0x8b: {  	v12 =	vmov s22;
	v14 =	vld [tilespmem:s2+$0xFFFFFFE0];
	v13 =	vand.u32 $0xFFFF0000, v13;
	[tilespmem:s5+$0x30] =	vst v16;
	v11 =	vmul.f32 v11, v6  }
0x8c: {  	v8 =	vld.idx.msk [tilespmem:v8+s17+$0x0], $0xffff;
	[tilespmem:s5+$0x20] =	vst v4;
	v4 =	vshll.u32 v9, $0x10;
	v6 =	vmul.f32 v13, v6  }
0x8d: {  	v13 =	vshll.u32 v15, $0x10;
	v1 =	vmul.f32 v4, v2;
	v4 =	vld [tilespmem:s2+$0xFFFFFFC0];
	[tilespmem:s5+$0xFFFFFFE0] =	vst v11  }
0x8e: {  	v10 =	vld.idx.msk [tilespmem:v10+s17+$0x0], $0xffff;
	v11 =	vand.u32 $0xFFFF0000, v15;
	[tilespmem:s5+$0xFFFFFFF0] =	vst v6;
	v13 =	vmul.f32 v13, v7  }
0x8f: {  	s24 =	sadd.s32 $0x100, s5;
	v6 =	vand.u32 $0xFFFF0000, v9;
	v9 =	vld [tilespmem:s2+$0x20];
	v11 =	vmul.f32 v11, v7;
	[tilespmem:s13+$0x60] =	vst v1  }
0x90: {  	v1 =	vmul.f32 v6, v2;
	v2 =	vld.idx.msk [tilespmem:v12+s17+$0x0], $0xffff;
	v6 =	vshll.u32 v14, $0x10;
	[tilespmem:s24+$0x0] =	vst v13  }
0x91: {  	v12 =	vld [tilespmem:s12+$0xFFFFFFD0];
	v6 =	vmul.f32 v6, v8;
	v13 =	vand.u32 $0xFFFF0000, v14;
	[tilespmem:s24+$0x10] =	vst v11  }
0x92: {  	[tilespmem:s13+$0x70] =	vst v1;
	v11 =	vshll.u32 v4, $0x10;
	v13 =	vmul.f32 v13, v8  }
0x93: {  	v14 =	vld [tilespmem:s2+$0x10];
	v1 =	vand.u32 $0xFFFF0000, v4;
	[tilespmem:s24+$0xFFFFFFC0] =	vst v6;
	v4 =	vmul.f32 v11, v10  }
0x94: {  	v6 =	vshll.u32 v9, $0x10;
	v1 =	vmul.f32 v1, v10;
	v9 =	vand.u32 $0xFFFF0000, v9;
	[tilespmem:s24+$0xFFFFFFD0] =	vst v13  }
0x95: {  	v9 =	vmul.f32 v9, v2;
	[tilespmem:s24+$0xFFFFFF80] =	vst v4;
	v4 =	vld [tilespmem:s2+$0xFFFFFFF0]  }
0x96: {  	v6 =	vmul.f32 v6, v2;
	v11 =	vshll.u32 v12, $0x10;
	[tilespmem:s24+$0xFFFFFF90] =	vst v1  }
0x97: {  	v1 =	vld [tilespmem:s12+$0x30];
	v11 =	vmul.f32 v11, v3;
	[tilespmem:s24+$0x50] =	vst v9;
	v9 =	vand.u32 $0xFFFF0000, v12  }
0x98: {  	[tilespmem:s24+$0x40] =	vst v6;
	v13 =	vand.u32 $0xFFFF0000, v14;
	v6 =	vshll.u32 v14, $0x10;
	v3 =	vmul.f32 v9, v3  }
0x99: {  	[tilespmem:s5+$0xFFFFFFA0] =	vst v11;
	v13 =	vmul.f32 v13, v7;
	v6 =	vmul.f32 v6, v7;
	v7 =	vld [tilespmem:s2+$0xFFFFFFD0]  }
0x9a: {  	[tilespmem:s5+$0xFFFFFFB0] =	vst v3;
	v9 =	vshll.u32 v4, $0x10  }
0x9b: {  	v4 =	vand.u32 $0xFFFF0000, v4;
	[tilespmem:s24+$0x20] =	vst v6;
	v6 =	vld [tilespmem:s2+$0x30];
	v9 =	vmul.f32 v9, v8  }
0x9c: {  	[tilespmem:s24+$0x30] =	vst v13;
	v11 =	vshll.u32 v1, $0x10;
	v4 =	vmul.f32 v4, v8  }
0x9d: {  	v1 =	vand.u32 $0xFFFF0000, v1;
	v3 =	vmul.f32 v11, v5;
	[tilespmem:s24+$0xFFFFFFE0] =	vst v9  }
0x9e: {  	v1 =	vmul.f32 v1, v5;
	[tilespmem:s24+$0xFFFFFFF0] =	vst v4;
	v4 =	vshll.u32 v7, $0x10  }
0x9f: {  	[tilespmem:s5+$0x60] =	vst v3;
	v3 =	vand.u32 $0xFFFF0000, v7;
	v4 =	vmul.f32 v4, v10  }
0xa0: {  	[tilespmem:s5+$0x70] =	vst v1;
	v3 =	vmul.f32 v3, v10;
	v1 =	vshll.u32 v6, $0x10  }
0xa1: {  	v5 =	vand.u32 $0xFFFF0000, v6;
	v1 =	vmul.f32 v1, v2;
	[tilespmem:s24+$0xFFFFFFA0] =	vst v4  }
0xa2: {  	v2 =	vmul.f32 v5, v2;
	[tilespmem:s24+$0xFFFFFFB0] =	vst v3  }
0xa3: {  	[tilespmem:s24+$0x60] =	vst v1  }
0xa4: {  	s16 =	sshll.u32 s0, $0x8;
	s22 =	rddreg [dreg:$0x2];
	s13 =	simm.s32 $0x100;
	[tilespmem:s24+$0x70] =	vst v2  }
0xa5: {  	[spmem:s22] =	stream.indirect.scatter.add.f32 [tilespmem:s14], [sflag:$0x9], $0x40, s13, s21, $0xb8;
	[tilespmem:$0xDF40] =	vst v63  }
0xa6: {  	s11 =	sshrl.u32 s16, $0x3;
	_ =	swait.ge [sflag:s15], $0x2000  }
0xa7: {  	s2 =	sadd.s32 $0x20, s11;
	[sflag:s15] =	ssyncset.done $0x0  }
0xa8: {  	s12 =	simm.s32 $0x0;
	s24 =	sadd.s32 s7, s2;
	[sflag:s15] =	ssyncadd.s32 $0xFFFFE000  }
0xa9: {  	[tilespmem:s12], [sflag:$0x1] =	stream.linear.gather [hbm4b:s24+s12], $0x80, $0x38;
	[tilespmem:$0xDF40] =	vst v63  }
0xaa: {  	s16 =	sadd.s32 s8, s2  }
0xab: {  	[tilespmem:s13], [sflag:$0x3] =	stream.linear.gather [hbm4b:s16+s12], $0x80, $0x38;
	[tilespmem:$0xDF40] =	vst v63  }
0xac: {  	s2 =	sadd.s32 s9, s2  }
0xad: {  	[tilespmem:s17], [sflag:$0x5] =	stream.linear.gather [hbm4b:s2+s12], $0x80, $0x38;
	[tilespmem:$0xDF40] =	vst v63  }
0xae: {  	_ =	swait.ge [sflag:s18], $0x80  }
0xaf: {  	[sflag:s18] =	ssyncset.done $0x0  }
0xb0: {  	[sflag:s18] =	ssyncadd.s32 $0xFFFFFF80  }
0xb1: {  	_ =	swait.ge [sflag:s19], $0x80  }
0xb2: {  	[sflag:s19] =	ssyncset.done $0x0  }
0xb3: {  	s24 =	simm.s32 $0x2;
	[sflag:s19] =	ssyncadd.s32 $0xFFFFFF80  }
0xb4: {  	v1 =	vmov s24;
	_ =	swait.ge [sflag:s20], $0x80  }
0xb5: {  	s5 =	simm.s32 $0x1;
	v1 =	vand.u32 $0xFFFFFFFE, v1;
	[sflag:s20] =	ssyncset.done $0x0  }
0xb6: {  	v2 =	vmov s5;
	s13 =	simm.s32 $0x300;
	v1 =	vbroadcast v1, $0x0;
	[sflag:s20] =	ssyncadd.s32 $0xFFFFFF80  }
0xb7: {  	v2 =	vand.u32 $0xFFFFFFFD, v2;
	[tilespmem:s13], [sflag:$0x7] =	stream.indirect.gather [hbm4b:s4+s21], $0x20, s12, s21, $0xb8;
	[tilespmem:$0xDF40] =	vst v63  }
0xb8: {  	v2 =	vbroadcast v2, $0x0;
	_ =	swait.ge [sflag:s6], $0x1000  }
0xb9: {  	[sflag:s6] =	ssyncset.done $0x0  }
0xba: {  	s2 =	simm.s32 $0x1340;
	[sflag:s6] =	ssyncadd.s32 $0xFFFFF000  }
0xbb: {  	v3 =	vmov s12;
	v4 =	vld [tilespmem:s2+$0x0]  }
0xbc: {  	v3 =	vand.u32 $0xFFFFFFFC, v3;
	s24 =	simm.s32 $0x3;
	v5 =	vld.idx.msk [tilespmem:v1+s23+$0x0], $0xffff  }
0xbd: {  	v3 =	vbroadcast v3, $0x0;
	v6 =	vmov s24;
	v1 =	vld [tilespmem:s2+$0xFFFFFFE0]  }
0xbe: {  	s16 =	simm.s32 $0x4;
	v2 =	vld.idx.msk [tilespmem:v2+s23+$0x0], $0xffff  }
0xbf: {  	v7 =	vmov s16  }
0xc0: {  	v7 =	vand.u32 $0xFFFFFFFC, v7;
	s13 =	simm.s32 $0x6;
	v9 =	vld [tilespmem:s2+$0xFFFFFFC0];
	v8 =	vshll.u32 v4, $0x10  }
0xc1: {  	v10 =	vmov s13;
	v12 =	vld [tilespmem:s2+$0x20];
	v4 =	vand.u32 $0xFFFF0000, v4;
	v8 =	vmul.f32 v8, v5  }
0xc2: {  	s13 =	simm.s32 $0x2380;
	v6 =	vld.idx.msk [tilespmem:v6+s23+$0x0], $0xffff;
	v11 =	vshll.u32 v1, $0x10;
	v1 =	vand.u32 $0xFFFF0000, v1;
	v4 =	vmul.f32 v4, v5  }
0xc3: {  	s16 =	simm.s32 $0x5;
	v7 =	vbroadcast v7, $0x0;
	v10 =	vand.u32 $0xFFFFFFFE, v10;
	v3 =	vld.idx.msk [tilespmem:v3+s23+$0x0], $0xffff;
	v1 =	vmul.f32 v1, v2;
	[tilespmem:s13+$0x0] =	vst v8  }
0xc4: {  	v10 =	vbroadcast v10, $0x0;
	v8 =	vmul.f32 v11, v2;
	v11 =	vmov s16;
	[tilespmem:s13+$0x10] =	vst v4  }
0xc5: {  	[tilespmem:s13+$0xFFFFFFD0] =	vst v1;
	v4 =	vand.u32 $0xFFFFFFFD, v11;
	v11 =	vld [tilespmem:s2+$0x10]  }
0xc6: {  	v13 =	vshll.u32 v12, $0x10;
	[tilespmem:s13+$0xFFFFFFC0] =	vst v8;
	v4 =	vbroadcast v4, $0x0  }
0xc7: {  	s12 =	simm.s32 $0x13C0;
	v13 =	vmul.f32 v13, v6;
	v1 =	vand.u32 $0xFFFF0000, v9;
	v8 =	vshll.u32 v9, $0x10;
	v9 =	vld [tilespmem:s2+$0xFFFFFFF0]  }
0xc8: {  	v15 =	vld [tilespmem:s12+$0x0];
	v8 =	vmul.f32 v8, v3  }
0xc9: {  	v12 =	vand.u32 $0xFFFF0000, v12;
	[tilespmem:s13+$0x40] =	vst v13;
	v14 =	vmul.f32 v1, v3;
	v1 =	vld.idx.msk [tilespmem:v7+s23+$0x0], $0xffff  }
0xca: {  	s24 =	simm.s32 $0x7;
	v7 =	vmul.f32 v12, v6;
	[tilespmem:s13+$0xFFFFFF80] =	vst v8;
	v8 =	vld.idx.msk [tilespmem:v10+s23+$0x0], $0xffff;
	v10 =	vshll.u32 v11, $0x10;
	v11 =	vand.u32 $0xFFFF0000, v11  }
0xcb: {  	v12 =	vld [tilespmem:s12+$0xFFFFFFE0];
	[tilespmem:s13+$0xFFFFFF90] =	vst v14;
	v10 =	vmul.f32 v10, v5;
	v5 =	vmul.f32 v11, v5;
	v11 =	vmov s24  }
0xcc: {  	s16 =	simm.s32 $0x8;
	[tilespmem:s13+$0x50] =	vst v7;
	v13 =	vld.idx.msk [tilespmem:v4+s23+$0x0], $0xffff;
	v7 =	vshll.u32 v9, $0x10  }
0xcd: {  	v14 =	vld [tilespmem:s12+$0xFFFFFFC0];
	v4 =	vmov s16;
	v9 =	vand.u32 $0xFFFF0000, v9;
	[tilespmem:s13+$0x30] =	vst v5;
	v7 =	vmul.f32 v7, v2  }
0xce: {  	v16 =	vshll.u32 v15, $0x10;
	v9 =	vmul.f32 v9, v2;
	[tilespmem:s13+$0x20] =	vst v10;
	v4 =	vand.u32 $0xFFFFFFFC, v4  }
0xcf: {  	v17 =	vld [tilespmem:s12+$0x20];
	s16 =	simm.s32 $0xA;
	v2 =	vand.u32 $0xFFFF0000, v15;
	v10 =	vmul.f32 v16, v8;
	v16 =	vbroadcast v4, $0x0;
	[tilespmem:s13+$0xFFFFFFE0] =	vst v7  }
0xd0: {  	s5 =	simm.s32 $0x2480;
	v4 =	vshll.u32 v12, $0x10;
	v7 =	vmul.f32 v2, v8;
	[tilespmem:s13+$0xFFFFFFF0] =	vst v9;
	v2 =	vld.idx.msk [tilespmem:v11+s23+$0x0], $0xffff;
	v11 =	vmov s16  }
0xd1: {  	v15 =	vld [tilespmem:s2+$0xFFFFFFD0];
	v12 =	vand.u32 $0xFFFF0000, v12;
	[tilespmem:s5+$0x0] =	vst v10;
	v11 =	vand.u32 $0xFFFFFFFE, v11;
	v4 =	vmul.f32 v4, v13  }
0xd2: {  	v10 =	vld [tilespmem:s2+$0x30];
	[tilespmem:s5+$0x10] =	vst v7;
	v7 =	vshll.u32 v14, $0x10;
	v9 =	vbroadcast v11, $0x0;
	v11 =	vmul.f32 v12, v13  }
0xd3: {  	s24 =	simm.s32 $0x9;
	v14 =	vand.u32 $0xFFFF0000, v14;
	v12 =	vld [tilespmem:s12+$0x10];
	v7 =	vmul.f32 v7, v1;
	[tilespmem:s5+$0xFFFFFFC0] =	vst v4  }
0xd4: {  	v5 =	vmov s24;
	v14 =	vmul.f32 v14, v1;
	v4 =	vshll.u32 v17, $0x10;
	[tilespmem:s5+$0xFFFFFFD0] =	vst v11  }
0xd5: {  	v5 =	vand.u32 $0xFFFFFFFD, v5;
	v17 =	vand.u32 $0xFFFF0000, v17;
	[tilespmem:s5+$0xFFFFFF80] =	vst v7;
	v4 =	vmul.f32 v4, v2  }
0xd6: {  	s24 =	simm.s32 $0x1440;
	v5 =	vbroadcast v5, $0x0;
	v11 =	vshll.u32 v15, $0x10;
	[tilespmem:s5+$0xFFFFFF90] =	vst v14;
	v18 =	vld [tilespmem:s12+$0xFFFFFFF0];
	v7 =	vmul.f32 v17, v2  }
0xd7: {  	v21 =	vld [tilespmem:s24+$0xFFFFFFE0];
	v15 =	vand.u32 $0xFFFF0000, v15;
	v17 =	vshll.u32 v10, $0x10;
	v11 =	vmul.f32 v11, v3;
	[tilespmem:s5+$0x40] =	vst v4  }
0xd8: {  	v14 =	vmul.f32 v15, v3;
	v3 =	vand.u32 $0xFFFF0000, v10;
	v15 =	vld [tilespmem:s24+$0x0];
	v10 =	vand.u32 $0xFFFF0000, v12;
	[tilespmem:s5+$0x50] =	vst v7  }
0xd9: {  	v19 =	vmul.f32 v17, v6;
	v12 =	vshll.u32 v12, $0x10;
	[tilespmem:s13+$0xFFFFFFA0] =	vst v11;
	v4 =	vld.idx.msk [tilespmem:v9+s23+$0x0], $0xffff;
	v9 =	vmul.f32 v10, v8  }
0xda: {  	s29 =	simm.s32 $0xC;
	s16 =	simm.s32 $0xB;
	v17 =	vld [tilespmem:s24+$0xFFFFFFC0];
	v7 =	vmul.f32 v3, v6;
	[tilespmem:s13+$0xFFFFFFB0] =	vst v14;
	v3 =	vmul.f32 v12, v8  }
0xdb: {  	v20 =	vmov s16;
	s16 =	simm.s32 $0xD;
	v6 =	vmov s29;
	v12 =	vld [tilespmem:s24+$0x20];
	v8 =	vshll.u32 v18, $0x10;
	[tilespmem:s5+$0x30] =	vst v9  }
0xdc: {  	v10 =	vmov s16;
	s16 =	simm.s32 $0xE;
	v9 =	vand.u32 $0xFFFF0000, v18;
	[tilespmem:s5+$0x20] =	vst v3;
	v3 =	vld.idx.msk [tilespmem:v16+s23+$0x0], $0xffff;
	v11 =	vmul.f32 v8, v13  }
0xdd: {  	[tilespmem:s13+$0x60] =	vst v19;
	v19 =	vmov s16;
	v9 =	vmul.f32 v9, v13;
	v8 =	vand.u32 $0xFFFFFFFC, v6;
	v6 =	vld.idx.msk [tilespmem:v5+s23+$0x0], $0xffff  }
0xde: {  	v13 =	vand.u32 $0xFFFFFFFD, v10;
	v5 =	vshll.u32 v15, $0x10;
	v15 =	vand.u32 $0xFFFF0000, v15;
	[tilespmem:s5+$0xFFFFFFE0] =	vst v11;
	v11 =	vld [tilespmem:s12+$0xFFFFFFD0]  }
0xdf: {  	v14 =	vand.u32 $0xFFFF0000, v17;
	v10 =	vbroadcast v8, $0x0;
	v22 =	vmul.f32 v5, v4;
	[tilespmem:s5+$0xFFFFFFF0] =	vst v9;
	v9 =	vld [tilespmem:s12+$0x30]  }
0xe0: {  	v8 =	vbroadcast v13, $0x0;
	v13 =	vshll.u32 v17, $0x10;
	v17 =	vmul.f32 v15, v4;
	s12 =	simm.s32 $0x2580;
	v5 =	vld.idx.msk [tilespmem:v20+s23+$0x0], $0xffff  }
0xe1: {  	s31 =	simm.s32 $0x1440;
	s22 =	simm.s32 $0x100;
	s2 =	simm.s32 $0x10;
	v16 =	vshll.u32 v21, $0x10;
	v18 =	vand.u32 $0xFFFF0000, v21;
	v15 =	vshll.u32 v12, $0x10;
	[tilespmem:s12+$0x0] =	vst v22  }
.LBB2_9:
0xe2: {  	p1 =	slt.u32 s2, $0x7C;
	v19 =	vand.u32 $0xFFFFFFFE, v19;
	v16 =	vmul.f32 v16, v6;
	[tilespmem:s12+$0x10] =	vst v17;
	v12 =	vand.u32 $0xFFFF0000, v12  }
0xe3: {  	v18 =	vmul.f32 v18, v6;
	v20 =	vshll.u32 v11, $0x10;
	v17 =	vbroadcast v19, $0x0;
	v19 =	vld [tilespmem:s24+$0x10];
	[tilespmem:s13+$0x70] =	vst v7;
	s13 =	smov.u32 s5;
	s5 =	smov.u32 s12  }
0xe4: {  	v11 =	vand.u32 $0xFFFF0000, v11;
	v7 =	vmul.f32 v13, v3;
	v13 =	vmul.f32 v14, v3;
	[tilespmem:s12+$0xFFFFFFC0] =	vst v16  }
0xe5: {  	v14 =	vmul.f32 v15, v5;
	v12 =	vmul.f32 v12, v5;
	v15 =	vshll.u32 v9, $0x10;
	v10 =	vld.idx.msk [tilespmem:v10+s23+$0x0], $0xffff;
	[tilespmem:s12+$0xFFFFFFD0] =	vst v18  }
0xe6: {  	v18 =	vmul.f32 v20, v1;
	v20 =	vmul.f32 v11, v1;
	v1 =	vmovc v3;
	[tilespmem:s12+$0xFFFFFF80] =	vst v7;
	v16 =	vld [tilespmem:s24+$0xFFFFFFF0];
	v7 =	vand.u32 $0xFFFF0000, v9  }
0xe7: {  	v15 =	vmul.f32 v15, v2;
	s24 =	sadd.s32 $0x80, s24;
	v8 =	vld.idx.msk [tilespmem:v8+s23+$0x0], $0xffff;
	[tilespmem:s12+$0xFFFFFF90] =	vst v13;
	v7 =	vmul.f32 v7, v2;
	v2 =	vmov v5  }
0xe8: {  	v5 =	vld [tilespmem:s24+$0x0];
	v3 =	vshll.u32 v19, $0x10;
	v9 =	vand.u32 $0xFFFF0000, v19;
	[tilespmem:s12+$0x40] =	vst v14  }
0xe9: {  	s16 =	sadd.s32 $0x3, s29;
	s29 =	smov.u32 s2;
	v11 =	vmul.f32 v3, v4;
	v19 =	vmul.f32 v9, v4;
	v4 =	vld.idx.msk [tilespmem:v17+s23+$0x0], $0xffff;
	[tilespmem:s12+$0x50] =	vst v12  }
0xea: {  	v17 =	vmov s16;
	v14 =	vld [tilespmem:s24+$0xFFFFFFC0];
	[tilespmem:s13+$0xFFFFFFA0] =	vst v18  }
0xeb: {  	v9 =	vmov s2;
	s16 =	sadd.s32 $0x1, s2;
	v18 =	vld [tilespmem:s24+$0xFFFFFFE0];
	v13 =	vshll.u32 v16, $0x10;
	v16 =	vand.u32 $0xFFFF0000, v16;
	[tilespmem:s12+$0x30] =	vst v19;
	v3 =	vmovc v10  }
0xec: {  	v10 =	vmov s16;
	v12 =	vld [tilespmem:s24+$0x20];
	v13 =	vmul.f32 v13, v6;
	v16 =	vmul.f32 v16, v6;
	[tilespmem:s12+$0x20] =	vst v11  }
.Ltmp4:
0xed: {  	v9 =	vand.u32 $0xFFFFFFFC, v9;
	v19 =	vand.u32 $0xFFFFFFFD, v10;
	v6 =	vmov v8;
	v11 =	vld [tilespmem:s31+$0xFFFFFFD0];
	[tilespmem:s13+$0xFFFFFFB0] =	vst v20;
	(pc) =	sbr.rel @p1 .LBB2_9-.Ltmp4, $4  }
0xee: {  	v10 =	vbroadcast v9, $0x0;
	v8 =	vbroadcast v19, $0x0;
	v19 =	vshll.u32 v5, $0x10;
	[tilespmem:s12+$0xFFFFFFE0] =	vst v13;
	v9 =	vld [tilespmem:s31+$0x30];
	s31 =	smov.u32 s24  }
0xef: {  	v20 =	vand.u32 $0xFFFF0000, v5;
	v21 =	vmul.f32 v19, v4;
	v13 =	vshll.u32 v14, $0x10;
	v5 =	vld.idx.msk [tilespmem:v17+s23+$0x0], $0xffff;
	[tilespmem:s12+$0xFFFFFFF0] =	vst v16  }
0xf0: {  	s16 =	sadd.s32 $0x2, s2;
	v14 =	vand.u32 $0xFFFF0000, v14;
	v17 =	vmul.f32 v20, v4;
	s12 =	sadd.s32 $0x100, s12;
	v16 =	vshll.u32 v18, $0x10;
	[tilespmem:s13+$0x60] =	vst v15  }
0xf1: {  	s2 =	sadd.s32 $0x4, s2;
	v19 =	vmov s16;
	v18 =	vand.u32 $0xFFFF0000, v18;
	[tilespmem:s12+$0x0] =	vst v21;
	v15 =	vshll.u32 v12, $0x10  }
0xf2: {  	v16 =	vmul.f32 v16, v6;
	[tilespmem:s12+$0x10] =	vst v17  }
0xf3: {  	v18 =	vmul.f32 v18, v6;
	[tilespmem:s13+$0x70] =	vst v7  }
0xf4: {  	v13 =	vmul.f32 v13, v3;
	[tilespmem:s12+$0xFFFFFFC0] =	vst v16  }
0xf5: {  	v14 =	vmul.f32 v14, v3;
	v29 =	vshll.u32 v11, $0x10;
	[tilespmem:s12+$0xFFFFFFD0] =	vst v18  }
0xf6: {  	v34 =	vand.u32 $0xFFFF0000, v11;
	v26 =	vld [tilespmem:s24+$0x10];
	v30 =	vmul.f32 v29, v1;
	[tilespmem:s12+$0xFFFFFF80] =	vst v13  }
0xf7: {  	v25 =	vand.u32 $0xFFFFFFFE, v19;
	s2 =	sadd.s32 $0x80, s24;
	v1 =	vmul.f32 v34, v1;
	[tilespmem:s12+$0xFFFFFF90] =	vst v14  }
0xf8: {  	v27 =	vbroadcast v25, $0x0;
	v39 =	vshll.u32 v9, $0x10;
	v41 =	vld [tilespmem:s2+$0xFFFFFFC0];
	v15 =	vmul.f32 v15, v5;
	[tilespmem:s5+$0xFFFFFFA0] =	vst v30  }
0xf9: {  	v12 =	vand.u32 $0xFFFF0000, v12;
	v10 =	vld.idx.msk [tilespmem:v10+s23+$0x0], $0xffff;
	[tilespmem:s5+$0xFFFFFFB0] =	vst v1;
	v1 =	vmul.f32 v39, v2  }
0xfa: {  	v44 =	vand.u32 $0xFFFF0000, v9;
	v12 =	vmul.f32 v12, v5;
	v28 =	vld [tilespmem:s24+$0xFFFFFFF0];
	[tilespmem:s12+$0x40] =	vst v15  }
0xfb: {  	v8 =	vld.idx.msk [tilespmem:v8+s23+$0x0], $0xffff;
	s24 =	sadd.s32 $0x3, s29;
	[tilespmem:s5+$0x60] =	vst v1;
	v1 =	vmul.f32 v44, v2;
	v31 =	vand.u32 $0xFFFF0000, v26  }
0xfc: {  	v38 =	vld [tilespmem:s2+$0xFFFFFFE0];
	[tilespmem:s12+$0x50] =	vst v12;
	v37 =	vmov s24;
	v33 =	vshll.u32 v26, $0x10;
	v16 =	vmul.f32 v31, v4  }
0xfd: {  	v32 =	vld [tilespmem:s2+$0x0];
	v49 =	vshll.u32 v41, $0x10;
	v35 =	vmul.f32 v33, v4;
	[tilespmem:s5+$0x70] =	vst v1  }
0xfe: {  	v7 =	vld.idx.msk [tilespmem:v27+s23+$0x0], $0xffff;
	v1 =	vand.u32 $0xFFFF0000, v41;
	v51 =	vmul.f32 v49, v10;
	[tilespmem:s12+$0x30] =	vst v16  }
0xff: {  	v45 =	vld [tilespmem:s2+$0x20];
	s29 =	sadd.s32 $0x100, s12;
	v36 =	vshll.u32 v28, $0x10;
	v1 =	vmul.f32 v1, v10;
	[tilespmem:s12+$0x20] =	vst v35  }
0x100: {  	v47 =	vld [tilespmem:s31+$0xFFFFFFD0];
	v13 =	vand.u32 $0xFFFF0000, v28;
	v11 =	vmul.f32 v36, v6;
	[tilespmem:s29+$0xFFFFFF80] =	vst v51  }
0x101: {  	v46 =	vshll.u32 v38, $0x10;
	v40 =	vmul.f32 v13, v6;
	v2 =	vld.idx.msk [tilespmem:v37+s23+$0x0], $0xffff;
	[tilespmem:s29+$0xFFFFFF90] =	vst v1  }
0x102: {  	v42 =	vshll.u32 v32, $0x10;
	v6 =	vmul.f32 v46, v8;
	[tilespmem:s12+$0xFFFFFFE0] =	vst v11  }
0x103: {  	v43 =	vand.u32 $0xFFFF0000, v32;
	v1 =	vld [tilespmem:s31+$0x30];
	[tilespmem:s12+$0xFFFFFFF0] =	vst v40;
	v13 =	vmul.f32 v42, v7  }
0x104: {  	v48 =	vand.u32 $0xFFFF0000, v38;
	[tilespmem:s29+$0xFFFFFFC0] =	vst v6;
	v11 =	vmul.f32 v43, v7  }
0x105: {  	v52 =	vshll.u32 v45, $0x10;
	[tilespmem:s29+$0x0] =	vst v13;
	v13 =	vmul.f32 v48, v8  }
0x106: {  	v54 =	vshll.u32 v47, $0x10;
	v57 =	vand.u32 $0xFFFF0000, v47;
	v58 =	vld [tilespmem:s2+$0xFFFFFFD0];
	[tilespmem:s29+$0x10] =	vst v11;
	v6 =	vmul.f32 v52, v2  }
0x107: {  	v9 =	vand.u32 $0xFFFF0000, v45;
	v11 =	vmul.f32 v54, v3;
	v3 =	vmul.f32 v57, v3;
	v50 =	vld [tilespmem:s2+$0x10];
	[tilespmem:s29+$0xFFFFFFD0] =	vst v13  }
0x108: {  	v9 =	vmul.f32 v9, v2;
	v61 =	vshll.u32 v1, $0x10;
	[tilespmem:s29+$0x40] =	vst v6  }
0x109: {  	[tilespmem:s12+$0xFFFFFFB0] =	vst v3;
	v3 =	vmul.f32 v61, v5;
	v53 =	vld [tilespmem:s2+$0xFFFFFFF0]  }
0x10a: {  	v1 =	vand.u32 $0xFFFF0000, v1;
	[tilespmem:s29+$0x50] =	vst v9  }
0x10b: {  	v1 =	vmul.f32 v1, v5;
	v60 =	vld [tilespmem:s2+$0x30];
	[tilespmem:s12+$0x60] =	vst v3;
	v3 =	vand.u32 $0xFFFF0000, v58  }
0x10c: {  	[tilespmem:s12+$0xFFFFFFA0] =	vst v11;
	v3 =	vmul.f32 v3, v10;
	v55 =	vand.u32 $0xFFFF0000, v50  }
0x10d: {  	[tilespmem:s12+$0x70] =	vst v1;
	v56 =	vshll.u32 v50, $0x10;
	v13 =	vmul.f32 v55, v7  }
0x10e: {  	v6 =	vmul.f32 v56, v7;
	[tilespmem:s29+$0xFFFFFFB0] =	vst v3;
	v59 =	vshll.u32 v53, $0x10  }
0x10f: {  	v4 =	vand.u32 $0xFFFF0000, v53;
	[tilespmem:s29+$0x30] =	vst v13;
	v9 =	vmul.f32 v59, v8  }
0x110: {  	v1 =	vshll.u32 v60, $0x10;
	[tilespmem:s29+$0x20] =	vst v6;
	v4 =	vmul.f32 v4, v8  }
0x111: {  	v63 =	vand.u32 $0xFFFF0000, v60;
	v1 =	vmul.f32 v1, v2;
	[tilespmem:s29+$0xFFFFFFE0] =	vst v9  }
0x112: {  	v62 =	vshll.u32 v58, $0x10;
	v2 =	vmul.f32 v63, v2;
	[tilespmem:s29+$0xFFFFFFF0] =	vst v4  }
0x113: {  	v4 =	vmul.f32 v62, v10;
	[tilespmem:s29+$0x60] =	vst v1  }
0x114: {  	[tilespmem:s29+$0x70] =	vst v2  }
0x115: {  	s13 =	simm.s32 $0x180;
	s12 =	rddreg [dreg:$0x2];
	[tilespmem:s29+$0xFFFFFFA0] =	vst v4  }
0x116: {  	[spmem:s12] =	stream.indirect.scatter.add.f32 [tilespmem:s14], [sflag:$0x9], $0x40, s13, s21, $0xb8;
	[tilespmem:$0xDF40] =	vst v63  }
0x117: {  	_ =	swait.ge [sflag:s15], $0x2000  }
0x118: {  	s16 =	sadd.s32 $0x30, s11;
	s0 =	sadd.s32 $0x1, s0;
	[sflag:s15] =	ssyncset.done $0x0  }
0x119: {  	p1 =	sne.s32 s0, $0x27;
	s29 =	sadd.s32 s7, s16;
	[sflag:s15] =	ssyncadd.s32 $0xFFFFE000  }
0x11a: {  	[tilespmem:s21], [sflag:$0x2] =	stream.linear.gather [hbm4b:s29+s3], $0x80, $0x38;
	[tilespmem:$0xDF40] =	vst v63  }
.Ltmp5:
0x11b: {  	_ = 	snop;
	(pc) =	sbr.rel @p1 .LBB2_6-.Ltmp5, $4  }
0x11c: {  	s31 =	sadd.s32 s8, s16  }
0x11d: {  	[tilespmem:s13], [sflag:$0x4] =	stream.linear.gather [hbm4b:s31+s3], $0x80, $0x38;
	[tilespmem:$0xDF40] =	vst v63  }
0x11e: {  	s24 =	simm.s32 $0x180;
	s2 =	sadd.s32 s9, s16  }
0x11f: {  	[tilespmem:s23], [sflag:$0x6] =	stream.linear.gather [hbm4b:s2+s3], $0x80, $0x38;
	[tilespmem:$0xDF40] =	vst v63  }
0x120: {  	_ =	swait.ge [sflag:s25], $0x80  }
0x121: {  	[sflag:s25] =	ssyncset.done $0x0  }
0x122: {  	[sflag:s25] =	ssyncadd.s32 $0xFFFFFF80  }
0x123: {  	_ =	swait.ge [sflag:s26], $0x80  }
0x124: {  	[sflag:s26] =	ssyncset.done $0x0  }
0x125: {  	s0 =	simm.s32 $0x2;
	[sflag:s26] =	ssyncadd.s32 $0xFFFFFF80  }
0x126: {  	v1 =	vmov s0;
	_ =	swait.ge [sflag:s28], $0x80  }
0x127: {  	s5 =	simm.s32 $0x1;
	v1 =	vand.u32 $0xFFFFFFFE, v1;
	[sflag:s28] =	ssyncset.done $0x0  }
0x128: {  	s11 =	simm.s32 $0x1300;
	v2 =	vmov s5;
	v1 =	vbroadcast v1, $0x0;
	[sflag:s28] =	ssyncadd.s32 $0xFFFFFF80  }
0x129: {  	v2 =	vand.u32 $0xFFFFFFFD, v2;
	[tilespmem:s11], [sflag:$0x8] =	stream.indirect.gather [hbm4b:s4+s21], $0x20, s21, s21, $0xb8;
	[tilespmem:$0xDF40] =	vst v63  }
0x12a: {  	v2 =	vbroadcast v2, $0x0;
	_ =	swait.ge [sflag:s30], $0x1000  }
0x12b: {  	[sflag:s30] =	ssyncset.done $0x0  }
0x12c: {  	s12 =	simm.s32 $0x0;
	s2 =	simm.s32 $0x340;
	[sflag:s30] =	ssyncadd.s32 $0xFFFFF000  }
0x12d: {  	v3 =	vmov s12;
	v4 =	vld [tilespmem:s2+$0x0]  }
0x12e: {  	s1 =	simm.s32 $0x3;
	v3 =	vand.u32 $0xFFFFFFFC, v3;
	v5 =	vld.idx.msk [tilespmem:v1+s17+$0x0], $0xffff  }
0x12f: {  	v6 =	vmov s1;
	v3 =	vbroadcast v3, $0x0;
	v1 =	vld [tilespmem:s2+$0xFFFFFFE0]  }
0x130: {  	v2 =	vld.idx.msk [tilespmem:v2+s17+$0x0], $0xffff  }
0x131: {  	s13 =	simm.s32 $0x4;
	s16 =	simm.s32 $0x6  }
0x132: {  	v7 =	vmov s13;
	v10 =	vmov s16;
	v9 =	vld [tilespmem:s2+$0xFFFFFFC0];
	v8 =	vshll.u32 v4, $0x10  }
0x133: {  	v7 =	vand.u32 $0xFFFFFFFC, v7;
	v12 =	vld [tilespmem:s2+$0x20];
	v4 =	vand.u32 $0xFFFF0000, v4;
	v8 =	vmul.f32 v8, v5  }
0x134: {  	s0 =	simm.s32 $0x2380;
	v6 =	vld.idx.msk [tilespmem:v6+s17+$0x0], $0xffff;
	v11 =	vshll.u32 v1, $0x10;
	v1 =	vand.u32 $0xFFFF0000, v1;
	v4 =	vmul.f32 v4, v5  }
0x135: {  	s29 =	simm.s32 $0x5;
	v10 =	vand.u32 $0xFFFFFFFE, v10;
	v7 =	vbroadcast v7, $0x0;
	v3 =	vld.idx.msk [tilespmem:v3+s17+$0x0], $0xffff;
	v1 =	vmul.f32 v1, v2;
	[tilespmem:s0+$0x0] =	vst v8  }
0x136: {  	v10 =	vbroadcast v10, $0x0;
	v8 =	vmul.f32 v11, v2;
	v11 =	vmov s29;
	[tilespmem:s0+$0x10] =	vst v4  }
0x137: {  	[tilespmem:s0+$0xFFFFFFD0] =	vst v1;
	v4 =	vand.u32 $0xFFFFFFFD, v11;
	v11 =	vld [tilespmem:s2+$0x10]  }
0x138: {  	v13 =	vshll.u32 v12, $0x10;
	[tilespmem:s0+$0xFFFFFFC0] =	vst v8;
	v4 =	vbroadcast v4, $0x0  }
0x139: {  	s5 =	simm.s32 $0x3C0;
	v13 =	vmul.f32 v13, v6;
	v1 =	vand.u32 $0xFFFF0000, v9;
	v8 =	vshll.u32 v9, $0x10;
	v9 =	vld [tilespmem:s2+$0xFFFFFFF0]  }
0x13a: {  	v15 =	vld [tilespmem:s5+$0x0];
	v8 =	vmul.f32 v8, v3  }
0x13b: {  	v12 =	vand.u32 $0xFFFF0000, v12;
	[tilespmem:s0+$0x40] =	vst v13;
	v14 =	vmul.f32 v1, v3;
	v1 =	vld.idx.msk [tilespmem:v7+s17+$0x0], $0xffff  }
0x13c: {  	s31 =	simm.s32 $0x7;
	v7 =	vmul.f32 v12, v6;
	[tilespmem:s0+$0xFFFFFF80] =	vst v8;
	v8 =	vld.idx.msk [tilespmem:v10+s17+$0x0], $0xffff;
	v10 =	vshll.u32 v11, $0x10;
	v11 =	vand.u32 $0xFFFF0000, v11  }
0x13d: {  	v12 =	vld [tilespmem:s5+$0xFFFFFFE0];
	[tilespmem:s0+$0xFFFFFF90] =	vst v14;
	v10 =	vmul.f32 v10, v5;
	v5 =	vmul.f32 v11, v5;
	v11 =	vmov s31  }
0x13e: {  	s11 =	simm.s32 $0x8;
	[tilespmem:s0+$0x50] =	vst v7;
	v13 =	vld.idx.msk [tilespmem:v4+s17+$0x0], $0xffff;
	v7 =	vshll.u32 v9, $0x10  }
0x13f: {  	v14 =	vld [tilespmem:s5+$0xFFFFFFC0];
	v4 =	vmov s11;
	v9 =	vand.u32 $0xFFFF0000, v9;
	[tilespmem:s0+$0x30] =	vst v5;
	v7 =	vmul.f32 v7, v2  }
0x140: {  	v16 =	vshll.u32 v15, $0x10;
	v9 =	vmul.f32 v9, v2;
	[tilespmem:s0+$0x20] =	vst v10;
	v4 =	vand.u32 $0xFFFFFFFC, v4  }
0x141: {  	s13 =	simm.s32 $0xA;
	v17 =	vld [tilespmem:s5+$0x20];
	v2 =	vand.u32 $0xFFFF0000, v15;
	v10 =	vmul.f32 v16, v8;
	v16 =	vbroadcast v4, $0x0;
	[tilespmem:s0+$0xFFFFFFE0] =	vst v7  }
0x142: {  	s1 =	simm.s32 $0x2480;
	v4 =	vshll.u32 v12, $0x10;
	v7 =	vmul.f32 v2, v8;
	[tilespmem:s0+$0xFFFFFFF0] =	vst v9;
	v2 =	vld.idx.msk [tilespmem:v11+s17+$0x0], $0xffff;
	v11 =	vmov s13  }
0x143: {  	v15 =	vld [tilespmem:s2+$0xFFFFFFD0];
	v12 =	vand.u32 $0xFFFF0000, v12;
	[tilespmem:s1+$0x0] =	vst v10;
	v11 =	vand.u32 $0xFFFFFFFE, v11;
	v4 =	vmul.f32 v4, v13  }
0x144: {  	v10 =	vld [tilespmem:s2+$0x30];
	[tilespmem:s1+$0x10] =	vst v7;
	v7 =	vshll.u32 v14, $0x10;
	v9 =	vbroadcast v11, $0x0;
	v11 =	vmul.f32 v12, v13  }
0x145: {  	s12 =	simm.s32 $0x9;
	v14 =	vand.u32 $0xFFFF0000, v14;
	v12 =	vld [tilespmem:s5+$0x10];
	v7 =	vmul.f32 v7, v1;
	[tilespmem:s1+$0xFFFFFFC0] =	vst v4  }
0x146: {  	v5 =	vmov s12;
	v14 =	vmul.f32 v14, v1;
	v4 =	vshll.u32 v17, $0x10;
	[tilespmem:s1+$0xFFFFFFD0] =	vst v11  }
0x147: {  	v5 =	vand.u32 $0xFFFFFFFD, v5;
	v17 =	vand.u32 $0xFFFF0000, v17;
	[tilespmem:s1+$0xFFFFFF80] =	vst v7;
	v4 =	vmul.f32 v4, v2  }
0x148: {  	s12 =	simm.s32 $0x440;
	v5 =	vbroadcast v5, $0x0;
	v11 =	vshll.u32 v15, $0x10;
	[tilespmem:s1+$0xFFFFFF90] =	vst v14;
	v18 =	vld [tilespmem:s5+$0xFFFFFFF0];
	v7 =	vmul.f32 v17, v2  }
0x149: {  	v21 =	vld [tilespmem:s12+$0xFFFFFFE0];
	v15 =	vand.u32 $0xFFFF0000, v15;
	v17 =	vshll.u32 v10, $0x10;
	v11 =	vmul.f32 v11, v3;
	[tilespmem:s1+$0x40] =	vst v4  }
0x14a: {  	v14 =	vmul.f32 v15, v3;
	v3 =	vand.u32 $0xFFFF0000, v10;
	v15 =	vld [tilespmem:s12+$0x0];
	v10 =	vand.u32 $0xFFFF0000, v12;
	[tilespmem:s1+$0x50] =	vst v7  }
0x14b: {  	v19 =	vmul.f32 v17, v6;
	v12 =	vshll.u32 v12, $0x10;
	[tilespmem:s0+$0xFFFFFFA0] =	vst v11;
	v4 =	vld.idx.msk [tilespmem:v9+s17+$0x0], $0xffff;
	v9 =	vmul.f32 v10, v8  }
0x14c: {  	s16 =	simm.s32 $0xB;
	s13 =	simm.s32 $0xC;
	v17 =	vld [tilespmem:s12+$0xFFFFFFC0];
	v7 =	vmul.f32 v3, v6;
	[tilespmem:s0+$0xFFFFFFB0] =	vst v14;
	v3 =	vmul.f32 v12, v8  }
0x14d: {  	v20 =	vmov s16;
	s29 =	simm.s32 $0xD;
	v6 =	vmov s13;
	v12 =	vld [tilespmem:s12+$0x20];
	v8 =	vshll.u32 v18, $0x10;
	[tilespmem:s1+$0x30] =	vst v9  }
0x14e: {  	s31 =	simm.s32 $0xE;
	v10 =	vmov s29;
	v9 =	vand.u32 $0xFFFF0000, v18;
	[tilespmem:s1+$0x20] =	vst v3;
	v3 =	vld.idx.msk [tilespmem:v16+s17+$0x0], $0xffff;
	v11 =	vmul.f32 v8, v13  }
0x14f: {  	[tilespmem:s0+$0x60] =	vst v19;
	v19 =	vmov s31;
	v9 =	vmul.f32 v9, v13;
	v8 =	vand.u32 $0xFFFFFFFC, v6;
	v6 =	vld.idx.msk [tilespmem:v5+s17+$0x0], $0xffff  }
0x150: {  	v13 =	vand.u32 $0xFFFFFFFD, v10;
	v5 =	vshll.u32 v15, $0x10;
	v15 =	vand.u32 $0xFFFF0000, v15;
	[tilespmem:s1+$0xFFFFFFE0] =	vst v11;
	v11 =	vld [tilespmem:s5+$0xFFFFFFD0]  }
0x151: {  	v14 =	vand.u32 $0xFFFF0000, v17;
	v10 =	vbroadcast v8, $0x0;
	v22 =	vmul.f32 v5, v4;
	[tilespmem:s1+$0xFFFFFFF0] =	vst v9;
	v9 =	vld [tilespmem:s5+$0x30]  }
0x152: {  	v8 =	vbroadcast v13, $0x0;
	v13 =	vshll.u32 v17, $0x10;
	v17 =	vmul.f32 v15, v4;
	s5 =	simm.s32 $0x2580;
	v5 =	vld.idx.msk [tilespmem:v20+s17+$0x0], $0xffff  }
0x153: {  	s11 =	simm.s32 $0x440;
	s2 =	simm.s32 $0x10;
	v16 =	vshll.u32 v21, $0x10;
	v18 =	vand.u32 $0xFFFF0000, v21;
	v15 =	vshll.u32 v12, $0x10;
	[tilespmem:s5+$0x0] =	vst v22  }
.LBB2_12:
0x154: {  	p1 =	slt.u32 s2, $0x7C;
	v19 =	vand.u32 $0xFFFFFFFE, v19;
	v16 =	vmul.f32 v16, v6;
	[tilespmem:s5+$0x10] =	vst v17;
	v12 =	vand.u32 $0xFFFF0000, v12  }
0x155: {  	v18 =	vmul.f32 v18, v6;
	v20 =	vshll.u32 v11, $0x10;
	v17 =	vbroadcast v19, $0x0;
	v19 =	vld [tilespmem:s12+$0x10];
	[tilespmem:s0+$0x70] =	vst v7;
	s0 =	smov.u32 s1;
	s1 =	smov.u32 s5  }
0x156: {  	v11 =	vand.u32 $0xFFFF0000, v11;
	v7 =	vmul.f32 v13, v3;
	v13 =	vmul.f32 v14, v3;
	[tilespmem:s5+$0xFFFFFFC0] =	vst v16  }
0x157: {  	v14 =	vmul.f32 v15, v5;
	v12 =	vmul.f32 v12, v5;
	v15 =	vshll.u32 v9, $0x10;
	v10 =	vld.idx.msk [tilespmem:v10+s17+$0x0], $0xffff;
	[tilespmem:s5+$0xFFFFFFD0] =	vst v18  }
0x158: {  	v18 =	vmul.f32 v20, v1;
	v20 =	vmul.f32 v11, v1;
	v1 =	vmovc v3;
	[tilespmem:s5+$0xFFFFFF80] =	vst v7;
	v16 =	vld [tilespmem:s12+$0xFFFFFFF0];
	v7 =	vand.u32 $0xFFFF0000, v9  }
0x159: {  	v15 =	vmul.f32 v15, v2;
	s12 =	sadd.s32 $0x80, s12;
	v8 =	vld.idx.msk [tilespmem:v8+s17+$0x0], $0xffff;
	[tilespmem:s5+$0xFFFFFF90] =	vst v13;
	v7 =	vmul.f32 v7, v2;
	v2 =	vmov v5  }
0x15a: {  	v5 =	vld [tilespmem:s12+$0x0];
	v3 =	vshll.u32 v19, $0x10;
	v9 =	vand.u32 $0xFFFF0000, v19;
	[tilespmem:s5+$0x40] =	vst v14  }
0x15b: {  	s16 =	sadd.s32 $0x3, s13;
	s13 =	smov.u32 s2;
	v11 =	vmul.f32 v3, v4;
	v19 =	vmul.f32 v9, v4;
	v4 =	vld.idx.msk [tilespmem:v17+s17+$0x0], $0xffff;
	[tilespmem:s5+$0x50] =	vst v12  }
0x15c: {  	v17 =	vmov s16;
	v14 =	vld [tilespmem:s12+$0xFFFFFFC0];
	[tilespmem:s0+$0xFFFFFFA0] =	vst v18  }
0x15d: {  	v9 =	vmov s2;
	s16 =	sadd.s32 $0x1, s2;
	v18 =	vld [tilespmem:s12+$0xFFFFFFE0];
	v13 =	vshll.u32 v16, $0x10;
	v16 =	vand.u32 $0xFFFF0000, v16;
	[tilespmem:s5+$0x30] =	vst v19;
	v3 =	vmovc v10  }
0x15e: {  	v10 =	vmov s16;
	v12 =	vld [tilespmem:s12+$0x20];
	v13 =	vmul.f32 v13, v6;
	v16 =	vmul.f32 v16, v6;
	[tilespmem:s5+$0x20] =	vst v11  }
.Ltmp6:
0x15f: {  	v9 =	vand.u32 $0xFFFFFFFC, v9;
	v19 =	vand.u32 $0xFFFFFFFD, v10;
	v6 =	vmov v8;
	v11 =	vld [tilespmem:s11+$0xFFFFFFD0];
	[tilespmem:s0+$0xFFFFFFB0] =	vst v20;
	(pc) =	sbr.rel @p1 .LBB2_12-.Ltmp6, $4  }
0x160: {  	v10 =	vbroadcast v9, $0x0;
	v8 =	vbroadcast v19, $0x0;
	v19 =	vshll.u32 v5, $0x10;
	[tilespmem:s5+$0xFFFFFFE0] =	vst v13;
	v9 =	vld [tilespmem:s11+$0x30];
	s11 =	smov.u32 s12  }
0x161: {  	v20 =	vand.u32 $0xFFFF0000, v5;
	v21 =	vmul.f32 v19, v4;
	v13 =	vshll.u32 v14, $0x10;
	v5 =	vld.idx.msk [tilespmem:v17+s17+$0x0], $0xffff;
	[tilespmem:s5+$0xFFFFFFF0] =	vst v16  }
0x162: {  	s16 =	sadd.s32 $0x2, s2;
	v14 =	vand.u32 $0xFFFF0000, v14;
	v17 =	vmul.f32 v20, v4;
	s5 =	sadd.s32 $0x100, s5;
	v16 =	vshll.u32 v18, $0x10;
	[tilespmem:s0+$0x60] =	vst v15  }
0x163: {  	s2 =	sadd.s32 $0x4, s2;
	v19 =	vmov s16;
	v18 =	vand.u32 $0xFFFF0000, v18;
	[tilespmem:s5+$0x0] =	vst v21;
	v15 =	vshll.u32 v12, $0x10  }
0x164: {  	v16 =	vmul.f32 v16, v6;
	[tilespmem:s5+$0x10] =	vst v17  }
0x165: {  	v17 =	vand.u32 $0xFFFFFFFE, v19;
	v18 =	vmul.f32 v18, v6;
	[tilespmem:s0+$0x70] =	vst v7  }
0x166: {  	v13 =	vmul.f32 v13, v3;
	v19 =	vld [tilespmem:s12+$0x10];
	v7 =	vbroadcast v17, $0x0;
	[tilespmem:s5+$0xFFFFFFC0] =	vst v16  }
0x167: {  	v14 =	vmul.f32 v14, v3;
	[tilespmem:s5+$0xFFFFFFD0] =	vst v18  }
0x168: {  	v12 =	vand.u32 $0xFFFF0000, v12;
	v15 =	vmul.f32 v15, v5;
	[tilespmem:s5+$0xFFFFFF80] =	vst v13;
	v13 =	vld [tilespmem:s12+$0xFFFFFFF0]  }
0x169: {  	v16 =	vshll.u32 v11, $0x10;
	v12 =	vmul.f32 v12, v5;
	[tilespmem:s5+$0xFFFFFF90] =	vst v14  }
0x16a: {  	v11 =	vand.u32 $0xFFFF0000, v11;
	v14 =	vmul.f32 v16, v1;
	s12 =	sadd.s32 $0x80, s12;
	[tilespmem:s5+$0x40] =	vst v15  }
0x16b: {  	v1 =	vmul.f32 v11, v1;
	v15 =	vld [tilespmem:s12+$0x0];
	[tilespmem:s5+$0x50] =	vst v12;
	v16 =	vand.u32 $0xFFFF0000, v19  }
0x16c: {  	[tilespmem:s1+$0xFFFFFFA0] =	vst v14;
	v17 =	vshll.u32 v19, $0x10;
	v16 =	vmul.f32 v16, v4;
	v7 =	vld.idx.msk [tilespmem:v7+s17+$0x0], $0xffff  }
0x16d: {  	s2 =	sadd.s32 $0x3, s13;
	[tilespmem:s1+$0xFFFFFFB0] =	vst v1;
	v4 =	vmul.f32 v17, v4;
	v11 =	vshll.u32 v13, $0x10  }
0x16e: {  	v12 =	vmov s2;
	v14 =	vld [tilespmem:s12+$0xFFFFFFE0];
	v13 =	vand.u32 $0xFFFF0000, v13;
	[tilespmem:s5+$0x30] =	vst v16;
	v11 =	vmul.f32 v11, v6  }
0x16f: {  	v8 =	vld.idx.msk [tilespmem:v8+s17+$0x0], $0xffff;
	[tilespmem:s5+$0x20] =	vst v4;
	v4 =	vshll.u32 v9, $0x10;
	v6 =	vmul.f32 v13, v6  }
0x170: {  	v13 =	vshll.u32 v15, $0x10;
	v1 =	vmul.f32 v4, v2;
	v4 =	vld [tilespmem:s12+$0xFFFFFFC0];
	[tilespmem:s5+$0xFFFFFFE0] =	vst v11  }
0x171: {  	v10 =	vld.idx.msk [tilespmem:v10+s17+$0x0], $0xffff;
	v11 =	vand.u32 $0xFFFF0000, v15;
	[tilespmem:s5+$0xFFFFFFF0] =	vst v6;
	v13 =	vmul.f32 v13, v7  }
0x172: {  	s16 =	sadd.s32 $0x100, s5;
	v6 =	vand.u32 $0xFFFF0000, v9;
	v9 =	vld [tilespmem:s12+$0x20];
	v11 =	vmul.f32 v11, v7;
	[tilespmem:s1+$0x60] =	vst v1  }
0x173: {  	v1 =	vmul.f32 v6, v2;
	v2 =	vld.idx.msk [tilespmem:v12+s17+$0x0], $0xffff;
	v6 =	vshll.u32 v14, $0x10;
	[tilespmem:s16+$0x0] =	vst v13  }
0x174: {  	v12 =	vld [tilespmem:s11+$0xFFFFFFD0];
	v6 =	vmul.f32 v6, v8;
	v13 =	vand.u32 $0xFFFF0000, v14;
	[tilespmem:s16+$0x10] =	vst v11  }
0x175: {  	[tilespmem:s1+$0x70] =	vst v1;
	v11 =	vshll.u32 v4, $0x10;
	v13 =	vmul.f32 v13, v8  }
0x176: {  	v14 =	vld [tilespmem:s12+$0x10];
	v1 =	vand.u32 $0xFFFF0000, v4;
	[tilespmem:s16+$0xFFFFFFC0] =	vst v6;
	v4 =	vmul.f32 v11, v10  }
0x177: {  	v6 =	vshll.u32 v9, $0x10;
	v1 =	vmul.f32 v1, v10;
	v9 =	vand.u32 $0xFFFF0000, v9;
	[tilespmem:s16+$0xFFFFFFD0] =	vst v13  }
0x178: {  	v9 =	vmul.f32 v9, v2;
	[tilespmem:s16+$0xFFFFFF80] =	vst v4;
	v4 =	vld [tilespmem:s12+$0xFFFFFFF0]  }
0x179: {  	v6 =	vmul.f32 v6, v2;
	v11 =	vshll.u32 v12, $0x10;
	[tilespmem:s16+$0xFFFFFF90] =	vst v1  }
0x17a: {  	v1 =	vld [tilespmem:s11+$0x30];
	v11 =	vmul.f32 v11, v3;
	[tilespmem:s16+$0x50] =	vst v9;
	v9 =	vand.u32 $0xFFFF0000, v12  }
0x17b: {  	[tilespmem:s16+$0x40] =	vst v6;
	v13 =	vand.u32 $0xFFFF0000, v14;
	v6 =	vshll.u32 v14, $0x10;
	v3 =	vmul.f32 v9, v3  }
0x17c: {  	[tilespmem:s5+$0xFFFFFFA0] =	vst v11;
	v13 =	vmul.f32 v13, v7;
	v6 =	vmul.f32 v6, v7;
	v7 =	vld [tilespmem:s12+$0xFFFFFFD0]  }
0x17d: {  	[tilespmem:s5+$0xFFFFFFB0] =	vst v3;
	v9 =	vshll.u32 v4, $0x10  }
0x17e: {  	v4 =	vand.u32 $0xFFFF0000, v4;
	[tilespmem:s16+$0x20] =	vst v6;
	v6 =	vld [tilespmem:s12+$0x30];
	v9 =	vmul.f32 v9, v8  }
0x17f: {  	[tilespmem:s16+$0x30] =	vst v13;
	v11 =	vshll.u32 v1, $0x10;
	v4 =	vmul.f32 v4, v8  }
0x180: {  	v1 =	vand.u32 $0xFFFF0000, v1;
	v3 =	vmul.f32 v11, v5;
	[tilespmem:s16+$0xFFFFFFE0] =	vst v9  }
0x181: {  	v1 =	vmul.f32 v1, v5;
	[tilespmem:s16+$0xFFFFFFF0] =	vst v4;
	v4 =	vshll.u32 v7, $0x10  }
0x182: {  	[tilespmem:s5+$0x60] =	vst v3;
	v3 =	vand.u32 $0xFFFF0000, v7;
	v4 =	vmul.f32 v4, v10  }
0x183: {  	[tilespmem:s5+$0x70] =	vst v1;
	v3 =	vmul.f32 v3, v10;
	v1 =	vshll.u32 v6, $0x10  }
0x184: {  	v5 =	vand.u32 $0xFFFF0000, v6;
	v1 =	vmul.f32 v1, v2;
	[tilespmem:s16+$0xFFFFFFA0] =	vst v4  }
0x185: {  	v2 =	vmul.f32 v5, v2;
	[tilespmem:s16+$0xFFFFFFB0] =	vst v3  }
0x186: {  	[tilespmem:s16+$0x60] =	vst v1  }
0x187: {  	s29 =	simm.s32 $0x2;
	s31 =	rddreg [dreg:$0x2];
	[tilespmem:s16+$0x70] =	vst v2  }
0x188: {  	v1 =	vmov s29;
	[spmem:s31] =	stream.indirect.scatter.add.f32 [tilespmem:s14], [sflag:$0x9], $0x40, s22, s21, $0xb8;
	[tilespmem:$0xDF40] =	vst v63  }
0x189: {  	s2 =	simm.s32 $0x1;
	v1 =	vand.u32 $0xFFFFFFFE, v1;
	_ =	swait.ge [sflag:s15], $0x2000  }
0x18a: {  	v2 =	vmov s2;
	v1 =	vbroadcast v1, $0x0;
	[sflag:s15] =	ssyncset.done $0x0  }
0x18b: {  	v2 =	vand.u32 $0xFFFFFFFD, v2;
	[sflag:s15] =	ssyncadd.s32 $0xFFFFE000  }
0x18c: {  	v2 =	vbroadcast v2, $0x0;
	_ =	swait.ge [sflag:s6], $0x1000  }
0x18d: {  	[sflag:s6] =	ssyncset.done $0x0  }
0x18e: {  	s5 =	simm.s32 $0x0;
	s2 =	simm.s32 $0x1340;
	[sflag:s6] =	ssyncadd.s32 $0xFFFFF000  }
0x18f: {  	v3 =	vmov s5;
	v4 =	vld [tilespmem:s2+$0x0]  }
0x190: {  	s12 =	simm.s32 $0x3;
	v3 =	vand.u32 $0xFFFFFFFC, v3;
	v5 =	vld.idx.msk [tilespmem:v1+s23+$0x0], $0xffff  }
0x191: {  	v6 =	vmov s12;
	v3 =	vbroadcast v3, $0x0;
	v1 =	vld [tilespmem:s2+$0xFFFFFFE0]  }
0x192: {  	s11 =	simm.s32 $0x4;
	v2 =	vld.idx.msk [tilespmem:v2+s23+$0x0], $0xffff  }
0x193: {  	v7 =	vmov s11  }
0x194: {  	s13 =	simm.s32 $0x6;
	v7 =	vand.u32 $0xFFFFFFFC, v7;
	v9 =	vld [tilespmem:s2+$0xFFFFFFC0];
	v8 =	vshll.u32 v4, $0x10  }
0x195: {  	v10 =	vmov s13;
	v12 =	vld [tilespmem:s2+$0x20];
	v4 =	vand.u32 $0xFFFF0000, v4;
	v8 =	vmul.f32 v8, v5  }
0x196: {  	s0 =	simm.s32 $0x2380;
	v6 =	vld.idx.msk [tilespmem:v6+s23+$0x0], $0xffff;
	v11 =	vshll.u32 v1, $0x10;
	v1 =	vand.u32 $0xFFFF0000, v1;
	v4 =	vmul.f32 v4, v5  }
0x197: {  	v10 =	vand.u32 $0xFFFFFFFE, v10;
	v7 =	vbroadcast v7, $0x0;
	s16 =	simm.s32 $0x5;
	v3 =	vld.idx.msk [tilespmem:v3+s23+$0x0], $0xffff;
	v1 =	vmul.f32 v1, v2;
	[tilespmem:s0+$0x0] =	vst v8  }
0x198: {  	v10 =	vbroadcast v10, $0x0;
	v8 =	vmul.f32 v11, v2;
	v11 =	vmov s16;
	[tilespmem:s0+$0x10] =	vst v4  }
0x199: {  	[tilespmem:s0+$0xFFFFFFD0] =	vst v1;
	v4 =	vand.u32 $0xFFFFFFFD, v11;
	v11 =	vld [tilespmem:s2+$0x10]  }
0x19a: {  	v13 =	vshll.u32 v12, $0x10;
	[tilespmem:s0+$0xFFFFFFC0] =	vst v8;
	v4 =	vbroadcast v4, $0x0  }
0x19b: {  	s5 =	simm.s32 $0x13C0;
	v13 =	vmul.f32 v13, v6;
	v1 =	vand.u32 $0xFFFF0000, v9;
	v8 =	vshll.u32 v9, $0x10;
	v9 =	vld [tilespmem:s2+$0xFFFFFFF0]  }
0x19c: {  	v15 =	vld [tilespmem:s5+$0x0];
	v8 =	vmul.f32 v8, v3  }
0x19d: {  	v12 =	vand.u32 $0xFFFF0000, v12;
	[tilespmem:s0+$0x40] =	vst v13;
	v14 =	vmul.f32 v1, v3;
	v1 =	vld.idx.msk [tilespmem:v7+s23+$0x0], $0xffff  }
0x19e: {  	s29 =	simm.s32 $0x7;
	v7 =	vmul.f32 v12, v6;
	[tilespmem:s0+$0xFFFFFF80] =	vst v8;
	v8 =	vld.idx.msk [tilespmem:v10+s23+$0x0], $0xffff;
	v10 =	vshll.u32 v11, $0x10;
	v11 =	vand.u32 $0xFFFF0000, v11  }
0x19f: {  	v12 =	vld [tilespmem:s5+$0xFFFFFFE0];
	[tilespmem:s0+$0xFFFFFF90] =	vst v14;
	v10 =	vmul.f32 v10, v5;
	v5 =	vmul.f32 v11, v5;
	v11 =	vmov s29  }
0x1a0: {  	s31 =	simm.s32 $0x8;
	[tilespmem:s0+$0x50] =	vst v7;
	v13 =	vld.idx.msk [tilespmem:v4+s23+$0x0], $0xffff;
	v7 =	vshll.u32 v9, $0x10  }
0x1a1: {  	v14 =	vld [tilespmem:s5+$0xFFFFFFC0];
	v4 =	vmov s31;
	v9 =	vand.u32 $0xFFFF0000, v9;
	[tilespmem:s0+$0x30] =	vst v5;
	v7 =	vmul.f32 v7, v2  }
0x1a2: {  	v16 =	vshll.u32 v15, $0x10;
	v9 =	vmul.f32 v9, v2;
	[tilespmem:s0+$0x20] =	vst v10;
	v4 =	vand.u32 $0xFFFFFFFC, v4  }
0x1a3: {  	s13 =	simm.s32 $0xA;
	v17 =	vld [tilespmem:s5+$0x20];
	v2 =	vand.u32 $0xFFFF0000, v15;
	v10 =	vmul.f32 v16, v8;
	v16 =	vbroadcast v4, $0x0;
	[tilespmem:s0+$0xFFFFFFE0] =	vst v7  }
0x1a4: {  	s1 =	simm.s32 $0x2480;
	v4 =	vshll.u32 v12, $0x10;
	v7 =	vmul.f32 v2, v8;
	[tilespmem:s0+$0xFFFFFFF0] =	vst v9;
	v2 =	vld.idx.msk [tilespmem:v11+s23+$0x0], $0xffff;
	v11 =	vmov s13  }
0x1a5: {  	v15 =	vld [tilespmem:s2+$0xFFFFFFD0];
	v12 =	vand.u32 $0xFFFF0000, v12;
	[tilespmem:s1+$0x0] =	vst v10;
	v11 =	vand.u32 $0xFFFFFFFE, v11;
	v4 =	vmul.f32 v4, v13  }
0x1a6: {  	v10 =	vld [tilespmem:s2+$0x30];
	[tilespmem:s1+$0x10] =	vst v7;
	v7 =	vshll.u32 v14, $0x10;
	v9 =	vbroadcast v11, $0x0;
	v11 =	vmul.f32 v12, v13  }
0x1a7: {  	s12 =	simm.s32 $0x9;
	v14 =	vand.u32 $0xFFFF0000, v14;
	v12 =	vld [tilespmem:s5+$0x10];
	v7 =	vmul.f32 v7, v1;
	[tilespmem:s1+$0xFFFFFFC0] =	vst v4  }
0x1a8: {  	v5 =	vmov s12;
	v14 =	vmul.f32 v14, v1;
	v4 =	vshll.u32 v17, $0x10;
	[tilespmem:s1+$0xFFFFFFD0] =	vst v11  }
0x1a9: {  	v5 =	vand.u32 $0xFFFFFFFD, v5;
	v17 =	vand.u32 $0xFFFF0000, v17;
	[tilespmem:s1+$0xFFFFFF80] =	vst v7;
	v4 =	vmul.f32 v4, v2  }
0x1aa: {  	s12 =	simm.s32 $0x1440;
	v5 =	vbroadcast v5, $0x0;
	v11 =	vshll.u32 v15, $0x10;
	[tilespmem:s1+$0xFFFFFF90] =	vst v14;
	v18 =	vld [tilespmem:s5+$0xFFFFFFF0];
	v7 =	vmul.f32 v17, v2  }
0x1ab: {  	v21 =	vld [tilespmem:s12+$0xFFFFFFE0];
	v15 =	vand.u32 $0xFFFF0000, v15;
	v17 =	vshll.u32 v10, $0x10;
	v11 =	vmul.f32 v11, v3;
	[tilespmem:s1+$0x40] =	vst v4  }
0x1ac: {  	v14 =	vmul.f32 v15, v3;
	v3 =	vand.u32 $0xFFFF0000, v10;
	v15 =	vld [tilespmem:s12+$0x0];
	v10 =	vand.u32 $0xFFFF0000, v12;
	[tilespmem:s1+$0x50] =	vst v7  }
0x1ad: {  	v19 =	vmul.f32 v17, v6;
	v12 =	vshll.u32 v12, $0x10;
	[tilespmem:s0+$0xFFFFFFA0] =	vst v11;
	v4 =	vld.idx.msk [tilespmem:v9+s23+$0x0], $0xffff;
	v9 =	vmul.f32 v10, v8  }
0x1ae: {  	s16 =	simm.s32 $0xB;
	s13 =	simm.s32 $0xC;
	v17 =	vld [tilespmem:s12+$0xFFFFFFC0];
	v7 =	vmul.f32 v3, v6;
	[tilespmem:s0+$0xFFFFFFB0] =	vst v14;
	v3 =	vmul.f32 v12, v8  }
0x1af: {  	v20 =	vmov s16;
	s29 =	simm.s32 $0xD;
	v6 =	vmov s13;
	v12 =	vld [tilespmem:s12+$0x20];
	v8 =	vshll.u32 v18, $0x10;
	[tilespmem:s1+$0x30] =	vst v9  }
0x1b0: {  	s31 =	simm.s32 $0xE;
	v10 =	vmov s29;
	v9 =	vand.u32 $0xFFFF0000, v18;
	[tilespmem:s1+$0x20] =	vst v3;
	v3 =	vld.idx.msk [tilespmem:v16+s23+$0x0], $0xffff;
	v11 =	vmul.f32 v8, v13  }
0x1b1: {  	[tilespmem:s0+$0x60] =	vst v19;
	v19 =	vmov s31;
	v9 =	vmul.f32 v9, v13;
	v8 =	vand.u32 $0xFFFFFFFC, v6;
	v6 =	vld.idx.msk [tilespmem:v5+s23+$0x0], $0xffff  }
0x1b2: {  	v13 =	vand.u32 $0xFFFFFFFD, v10;
	v5 =	vshll.u32 v15, $0x10;
	v15 =	vand.u32 $0xFFFF0000, v15;
	[tilespmem:s1+$0xFFFFFFE0] =	vst v11;
	v11 =	vld [tilespmem:s5+$0xFFFFFFD0]  }
0x1b3: {  	v14 =	vand.u32 $0xFFFF0000, v17;
	v10 =	vbroadcast v8, $0x0;
	v22 =	vmul.f32 v5, v4;
	[tilespmem:s1+$0xFFFFFFF0] =	vst v9;
	v9 =	vld [tilespmem:s5+$0x30]  }
0x1b4: {  	v8 =	vbroadcast v13, $0x0;
	v13 =	vshll.u32 v17, $0x10;
	v17 =	vmul.f32 v15, v4;
	s5 =	simm.s32 $0x2580;
	v5 =	vld.idx.msk [tilespmem:v20+s23+$0x0], $0xffff  }
0x1b5: {  	s11 =	simm.s32 $0x1440;
	s2 =	simm.s32 $0x10;
	v16 =	vshll.u32 v21, $0x10;
	v18 =	vand.u32 $0xFFFF0000, v21;
	v15 =	vshll.u32 v12, $0x10;
	[tilespmem:s5+$0x0] =	vst v22  }
.LBB2_14:
0x1b6: {  	p1 =	slt.u32 s2, $0x7C;
	v19 =	vand.u32 $0xFFFFFFFE, v19;
	v16 =	vmul.f32 v16, v6;
	[tilespmem:s5+$0x10] =	vst v17;
	v12 =	vand.u32 $0xFFFF0000, v12  }
0x1b7: {  	v18 =	vmul.f32 v18, v6;
	v20 =	vshll.u32 v11, $0x10;
	v17 =	vbroadcast v19, $0x0;
	v19 =	vld [tilespmem:s12+$0x10];
	[tilespmem:s0+$0x70] =	vst v7;
	s0 =	smov.u32 s1;
	s1 =	smov.u32 s5  }
0x1b8: {  	v11 =	vand.u32 $0xFFFF0000, v11;
	v7 =	vmul.f32 v13, v3;
	v13 =	vmul.f32 v14, v3;
	[tilespmem:s5+$0xFFFFFFC0] =	vst v16  }
0x1b9: {  	v14 =	vmul.f32 v15, v5;
	v12 =	vmul.f32 v12, v5;
	v15 =	vshll.u32 v9, $0x10;
	v10 =	vld.idx.msk [tilespmem:v10+s23+$0x0], $0xffff;
	[tilespmem:s5+$0xFFFFFFD0] =	vst v18  }
0x1ba: {  	v18 =	vmul.f32 v20, v1;
	v20 =	vmul.f32 v11, v1;
	v1 =	vmovc v3;
	[tilespmem:s5+$0xFFFFFF80] =	vst v7;
	v16 =	vld [tilespmem:s12+$0xFFFFFFF0];
	v7 =	vand.u32 $0xFFFF0000, v9  }
0x1bb: {  	v15 =	vmul.f32 v15, v2;
	s12 =	sadd.s32 $0x80, s12;
	v8 =	vld.idx.msk [tilespmem:v8+s23+$0x0], $0xffff;
	[tilespmem:s5+$0xFFFFFF90] =	vst v13;
	v7 =	vmul.f32 v7, v2;
	v2 =	vmov v5  }
0x1bc: {  	v5 =	vld [tilespmem:s12+$0x0];
	v3 =	vshll.u32 v19, $0x10;
	v9 =	vand.u32 $0xFFFF0000, v19;
	[tilespmem:s5+$0x40] =	vst v14  }
0x1bd: {  	s16 =	sadd.s32 $0x3, s13;
	s13 =	smov.u32 s2;
	v11 =	vmul.f32 v3, v4;
	v19 =	vmul.f32 v9, v4;
	v4 =	vld.idx.msk [tilespmem:v17+s23+$0x0], $0xffff;
	[tilespmem:s5+$0x50] =	vst v12  }
0x1be: {  	v17 =	vmov s16;
	v14 =	vld [tilespmem:s12+$0xFFFFFFC0];
	[tilespmem:s0+$0xFFFFFFA0] =	vst v18  }
0x1bf: {  	v9 =	vmov s2;
	s16 =	sadd.s32 $0x1, s2;
	v18 =	vld [tilespmem:s12+$0xFFFFFFE0];
	v13 =	vshll.u32 v16, $0x10;
	v16 =	vand.u32 $0xFFFF0000, v16;
	[tilespmem:s5+$0x30] =	vst v19;
	v3 =	vmovc v10  }
0x1c0: {  	v10 =	vmov s16;
	v12 =	vld [tilespmem:s12+$0x20];
	v13 =	vmul.f32 v13, v6;
	v16 =	vmul.f32 v16, v6;
	[tilespmem:s5+$0x20] =	vst v11  }
.Ltmp7:
0x1c1: {  	v9 =	vand.u32 $0xFFFFFFFC, v9;
	v19 =	vand.u32 $0xFFFFFFFD, v10;
	v6 =	vmov v8;
	v11 =	vld [tilespmem:s11+$0xFFFFFFD0];
	[tilespmem:s0+$0xFFFFFFB0] =	vst v20;
	(pc) =	sbr.rel @p1 .LBB2_14-.Ltmp7, $4  }
0x1c2: {  	v10 =	vbroadcast v9, $0x0;
	v8 =	vbroadcast v19, $0x0;
	v19 =	vshll.u32 v5, $0x10;
	[tilespmem:s5+$0xFFFFFFE0] =	vst v13;
	v9 =	vld [tilespmem:s11+$0x30];
	s11 =	smov.u32 s12  }
0x1c3: {  	v20 =	vand.u32 $0xFFFF0000, v5;
	v21 =	vmul.f32 v19, v4;
	v13 =	vshll.u32 v14, $0x10;
	v5 =	vld.idx.msk [tilespmem:v17+s23+$0x0], $0xffff;
	[tilespmem:s5+$0xFFFFFFF0] =	vst v16  }
0x1c4: {  	s16 =	sadd.s32 $0x2, s2;
	v14 =	vand.u32 $0xFFFF0000, v14;
	v17 =	vmul.f32 v20, v4;
	s5 =	sadd.s32 $0x100, s5;
	v16 =	vshll.u32 v18, $0x10;
	[tilespmem:s0+$0x60] =	vst v15  }
0x1c5: {  	s2 =	sadd.s32 $0x4, s2;
	v19 =	vmov s16;
	v18 =	vand.u32 $0xFFFF0000, v18;
	[tilespmem:s5+$0x0] =	vst v21;
	v15 =	vshll.u32 v12, $0x10  }
0x1c6: {  	v16 =	vmul.f32 v16, v6;
	[tilespmem:s5+$0x10] =	vst v17  }
0x1c7: {  	v18 =	vmul.f32 v18, v6;
	[tilespmem:s0+$0x70] =	vst v7  }
0x1c8: {  	v13 =	vmul.f32 v13, v3;
	[tilespmem:s5+$0xFFFFFFC0] =	vst v16  }
0x1c9: {  	v14 =	vmul.f32 v14, v3;
	v29 =	vshll.u32 v11, $0x10;
	[tilespmem:s5+$0xFFFFFFD0] =	vst v18  }
0x1ca: {  	v25 =	vand.u32 $0xFFFFFFFE, v19;
	v34 =	vand.u32 $0xFFFF0000, v11;
	v26 =	vld [tilespmem:s12+$0x10];
	v30 =	vmul.f32 v29, v1;
	[tilespmem:s5+$0xFFFFFF80] =	vst v13  }
0x1cb: {  	v8 =	vld.idx.msk [tilespmem:v8+s23+$0x0], $0xffff;
	v27 =	vbroadcast v25, $0x0;
	v1 =	vmul.f32 v34, v1;
	[tilespmem:s5+$0xFFFFFF90] =	vst v14  }
0x1cc: {  	v39 =	vshll.u32 v9, $0x10;
	v15 =	vmul.f32 v15, v5;
	v28 =	vld [tilespmem:s12+$0xFFFFFFF0];
	[tilespmem:s1+$0xFFFFFFA0] =	vst v30  }
0x1cd: {  	v12 =	vand.u32 $0xFFFF0000, v12;
	v10 =	vld.idx.msk [tilespmem:v10+s23+$0x0], $0xffff;
	s12 =	sadd.s32 $0x80, s12;
	[tilespmem:s1+$0xFFFFFFB0] =	vst v1;
	v1 =	vmul.f32 v39, v2  }
0x1ce: {  	s2 =	sadd.s32 $0x3, s13;
	v44 =	vand.u32 $0xFFFF0000, v9;
	v12 =	vmul.f32 v12, v5;
	[tilespmem:s5+$0x40] =	vst v15;
	v38 =	vld [tilespmem:s12+$0xFFFFFFE0]  }
0x1cf: {  	v37 =	vmov s2;
	v41 =	vld [tilespmem:s12+$0xFFFFFFC0];
	[tilespmem:s1+$0x60] =	vst v1;
	v1 =	vmul.f32 v44, v2;
	v31 =	vand.u32 $0xFFFF0000, v26  }
0x1d0: {  	v32 =	vld [tilespmem:s12+$0x0];
	[tilespmem:s5+$0x50] =	vst v12;
	v33 =	vshll.u32 v26, $0x10;
	v16 =	vmul.f32 v31, v4  }
0x1d1: {  	v7 =	vld.idx.msk [tilespmem:v27+s23+$0x0], $0xffff;
	v35 =	vmul.f32 v33, v4;
	[tilespmem:s1+$0x70] =	vst v1;
	v36 =	vshll.u32 v28, $0x10  }
0x1d2: {  	v13 =	vand.u32 $0xFFFF0000, v28;
	[tilespmem:s5+$0x30] =	vst v16;
	v11 =	vmul.f32 v36, v6  }
0x1d3: {  	v45 =	vld [tilespmem:s12+$0x20];
	[tilespmem:s5+$0x20] =	vst v35;
	v40 =	vmul.f32 v13, v6;
	v46 =	vshll.u32 v38, $0x10  }
0x1d4: {  	v2 =	vld.idx.msk [tilespmem:v37+s23+$0x0], $0xffff;
	v1 =	vand.u32 $0xFFFF0000, v41;
	v6 =	vmul.f32 v46, v8;
	[tilespmem:s5+$0xFFFFFFE0] =	vst v11  }
0x1d5: {  	s16 =	sadd.s32 $0x100, s5;
	v42 =	vshll.u32 v32, $0x10;
	v1 =	vmul.f32 v1, v10;
	[tilespmem:s5+$0xFFFFFFF0] =	vst v40  }
0x1d6: {  	v47 =	vld [tilespmem:s11+$0xFFFFFFD0];
	v43 =	vand.u32 $0xFFFF0000, v32;
	v13 =	vmul.f32 v42, v7;
	[tilespmem:s16+$0xFFFFFFC0] =	vst v6  }
0x1d7: {  	v49 =	vshll.u32 v41, $0x10;
	v11 =	vmul.f32 v43, v7;
	[tilespmem:s16+$0xFFFFFF90] =	vst v1  }
0x1d8: {  	v9 =	vand.u32 $0xFFFF0000, v45;
	v51 =	vmul.f32 v49, v10;
	v1 =	vld [tilespmem:s11+$0x30];
	[tilespmem:s16+$0x0] =	vst v13  }
0x1d9: {  	v52 =	vshll.u32 v45, $0x10;
	v9 =	vmul.f32 v9, v2;
	[tilespmem:s16+$0x10] =	vst v11  }
0x1da: {  	v48 =	vand.u32 $0xFFFF0000, v38;
	v6 =	vmul.f32 v52, v2;
	[tilespmem:s16+$0xFFFFFF80] =	vst v51;
	v50 =	vld [tilespmem:s12+$0x10]  }
0x1db: {  	v54 =	vshll.u32 v47, $0x10;
	v57 =	vand.u32 $0xFFFF0000, v47;
	[tilespmem:s16+$0x50] =	vst v9;
	v13 =	vmul.f32 v48, v8  }
0x1dc: {  	v58 =	vld [tilespmem:s12+$0xFFFFFFD0];
	v11 =	vmul.f32 v54, v3;
	[tilespmem:s16+$0x40] =	vst v6;
	v3 =	vmul.f32 v57, v3  }
0x1dd: {  	v60 =	vld [tilespmem:s12+$0x30];
	[tilespmem:s16+$0xFFFFFFD0] =	vst v13;
	v61 =	vshll.u32 v1, $0x10  }
0x1de: {  	[tilespmem:s5+$0xFFFFFFB0] =	vst v3;
	v1 =	vand.u32 $0xFFFF0000, v1;
	v3 =	vmul.f32 v61, v5  }
0x1df: {  	[tilespmem:s5+$0xFFFFFFA0] =	vst v11;
	v53 =	vld [tilespmem:s12+$0xFFFFFFF0];
	v1 =	vmul.f32 v1, v5;
	v55 =	vand.u32 $0xFFFF0000, v50  }
0x1e0: {  	v56 =	vshll.u32 v50, $0x10;
	[tilespmem:s5+$0x60] =	vst v3;
	v13 =	vmul.f32 v55, v7  }
0x1e1: {  	v3 =	vand.u32 $0xFFFF0000, v58;
	[tilespmem:s5+$0x70] =	vst v1;
	v6 =	vmul.f32 v56, v7  }
0x1e2: {  	v1 =	vshll.u32 v60, $0x10;
	v3 =	vmul.f32 v3, v10;
	[tilespmem:s16+$0x30] =	vst v13  }
0x1e3: {  	v63 =	vand.u32 $0xFFFF0000, v60;
	v1 =	vmul.f32 v1, v2;
	[tilespmem:s16+$0x20] =	vst v6  }
0x1e4: {  	v2 =	vmul.f32 v63, v2;
	v4 =	vand.u32 $0xFFFF0000, v53;
	[tilespmem:s16+$0xFFFFFFB0] =	vst v3  }
0x1e5: {  	v59 =	vshll.u32 v53, $0x10;
	v4 =	vmul.f32 v4, v8;
	[tilespmem:s16+$0x60] =	vst v1  }
0x1e6: {  	v62 =	vshll.u32 v58, $0x10;
	v9 =	vmul.f32 v59, v8;
	[tilespmem:s16+$0x70] =	vst v2  }
0x1e7: {  	[tilespmem:s16+$0xFFFFFFF0] =	vst v4;
	v4 =	vmul.f32 v62, v10  }
0x1e8: {  	[tilespmem:s16+$0xFFFFFFE0] =	vst v9  }
0x1e9: {  	s29 =	rddreg [dreg:$0x2];
	[tilespmem:s16+$0xFFFFFFA0] =	vst v4  }
0x1ea: {  	[spmem:s29] =	stream.indirect.scatter.add.f32 [tilespmem:s14], [sflag:$0x9], $0x40, s24, s21, $0xb8;
	[tilespmem:$0xDF40] =	vst v63  }
0x1eb: {  	_ =	swait.ge [sflag:s15], $0x2000  }
0x1ec: {  	[sflag:s15] =	ssyncset.done $0x0  }
0x1ed: {  	[sflag:s15] =	ssyncadd.s32 $0xFFFFE000  }
0x1ee: {  	[bflag:$0x0] =	sbarrier.arrive $0xFFFF  }
0x1ef: {  	s12 =	rddreg [dreg:$0x6]  }
0x1f0: {  	[tilespmem:s14], [sflag:$0x9] =	stream.linear.gather [spmem:s12], $0x1400, $0x38;
	[tilespmem:$0xDF40] =	vst v63  }
0x1f1: {  	_ =	swait.ge [sflag:s15], $0x1400  }
0x1f2: {  	s1 =	rddreg [dreg:$0x7]  }
0x1f3: {  	[sflag:s15] =	ssyncset.done $0x0;
	s31 =	sshrl.u32 s1, $0x3  }
.Ltmp8:
0x1f4: {  	[sflag:s15] =	ssyncadd.s32 $0xFFFFEC00;
	s0 =	sadd.s32 s31, s10;
	(pc) =	sbr.rel @!p0 .LBB2_17-.Ltmp8, $4  }
0x1f5: {  	[hbm4b:s0+s3] =	stream.linear.scatter [tilespmem:s14], [sflag:$0x9], $0x1400, $0x38;
	[tilespmem:$0xDF40] =	vst v63  }
0x1f6: {  	_ =	swait.ge [sflag:s15], $0x1400  }
0x1f7: {  	s13 =	rddreg [dreg:$0x4]  }
0x1f8: {  	s2 =	smov.u32 s12;
	[sflag:s15] =	ssyncset.done $0x0;
	s0 =	sadd.s32 $0xFFFFFFFF, s13  }
.LBB2_16:
0x1f9: {  	[sflag:s15] =	ssyncadd.s32 $0xFFFFEC00;
	s1 =	sadd.s32 $0x14000, s1;
	s2 =	sadd.s32 $0x14000, s2  }
0x1fa: {  	[tilespmem:s14], [sflag:$0x9] =	stream.linear.gather [spmem:s2], $0x1400, $0x38;
	[tilespmem:$0xDF40] =	vst v63  }
0x1fb: {  	p0 =	sne.s32 s0, $0x1;
	s0 =	sadd.s32 $0xFFFFFFFF, s0;
	_ =	swait.ge [sflag:s15], $0x1400  }
.Ltmp9:
0x1fc: {  	s5 =	sshrl.u32 s1, $0x3;
	[sflag:s15] =	ssyncset.done $0x0;
	(pc) =	sbr.rel @p0 .LBB2_16-.Ltmp9, $4  }
0x1fd: {  	s5 =	sadd.s32 s5, s10;
	[sflag:s15] =	ssyncadd.s32 $0xFFFFEC00  }
0x1fe: {  	[hbm4b:s5+s3] =	stream.linear.scatter [tilespmem:s14], [sflag:$0x9], $0x1400, $0x38;
	[tilespmem:$0xDF40] =	vst v63  }
0x1ff: {  	_ =	swait.ge [sflag:s15], $0x1400  }
0x200: {  	[sflag:s15] =	ssyncset.done $0x0  }
.LBB2_17:
0x201: {  	s1 =	rddreg [dreg:$0x8]  }
0x202: {  	s0 =	rddreg [dreg:$0x5];
	s1 =	sadd.s32 $0x1, s1  }
0x203: {  	p0 =	sne.s32 s1, s0  }
.Ltmp10:
0x204: {  	_ = 	snop;
	(pc) =	sbr.rel @p0 .LBB2_1-.Ltmp10, $2  }
0x205: {  	_ =	sdelay $0x2  }
0x206: {  	[sflag:s15] =	ssyncadd.s32 $0xFFFFEC00  }
0x207: {  	_ =	sfence.sel $0x180000  }
0x208: {  	[bflag:$0x0] =	sbarrier.arrive $0xFFFF  }
0x209: {  	_ =	strace $0x9000004A  }
0x20a: {  	s0 =	stileid.u32;
	[bflag:$0x2] =	sbarrier.arrive $0xFFFF  }
0x20b: {  	p0 =	sne.s32 s0, $0x0;
	s0 =	rddreg [dreg:$0x3]  }
0x20c: {  	s0 =	sadd.s32 @!p0 $0x100000, s0  }
0x20d: {  	[sflag:s0] =	ssyncadd.tile.s32 @!p0 $0x1;
	_ =	shalt  }
.Lfunc_end2:
_tile_overlayer_lowered:
.L_overlay_start_2:
0x20e: {  	(tag) =	ssettag $0x2  }
0x20f: {  	s0 =	rddreg [dreg:$0x0];
	s2 =	stileid.u32  }
0x210: {  	s1 =	rddreg [dreg:$0x1];
	p0 =	sne.s32 s2, $0x0  }
0x211: {  	s3 =	rddreg [dreg:$0x2];
	[bflag:$0x3] =	sbarrier.arrive $0xFFFF;
	s2 =	simm.s32 @!p0 $0x1C09  }
0x212: {  	[timem:s3], [sflag:s2] =	dma.local @!p0 [hbm:s0], s1  }
0x213: {  	s0 =	simm.s32 @!p0 $0x9  }
0x214: {  	_ =	swait.ge @!p0 [sflag:s0], s1  }
0x215: {  	s1 =	ssub.s32 @!p0 $0x0, s1;
	[sflag:s0] =	ssyncset.done @!p0 $0x0  }
0x216: {  	[sflag:s0] =	ssyncadd.s32 @!p0 s1  }
0x217: {  	[bflag:$0x3] =	sbarrier.arrive $0xFFFF  }
0x218: {  	_ =	shalt  }

// kernel: kernel.7.cloned.1.call-start
scs
__scs_entry_jumppad:
0x0: {  	(pc) =	sbr.rel $0x88, $3  }
0x1: {  	(tag) =	ssettag $0x0;
	lr =	simm.s32 $0x1  }
0x2: {  	[smem:$0x3F9A] =	sst lr;
	_ =	strace $0xD0000000  }
0x3: {  	_ = 	snop  }
0x4: {  	_ = 	snop  }
0x5: {  	_ = 	snop  }
0x6: {  	_ = 	snop  }
0x7: {  	_ = 	snop  }
__scs_overlays_trampoline_lowered:
0x8: {  	[smem:$0x3FA9] =	sst s0  }
0x9: {  	[smem:$0x3FAA] =	sst s1  }
0xa: {  	[smem:$0x3FAB] =	sst s2  }
0xb: {  	[smem:$0x3FAC] =	sst s3  }
0xc: {  	[smem:$0x3FAD] =	sst s4  }
0xd: {  	[smem:$0x3FAE] =	sst s5  }
0xe: {  	[smem:$0x3FAF] =	sst s6  }
0xf: {  	[smem:$0x3FB0] =	sst s7  }
0x10: {  	[smem:$0x3FB1] =	sst s8  }
0x11: {  	[smem:$0x3FB2] =	sst s9;
	s0 =	simm.s32 @!p0 $0x0  }
0x12: {  	s1 =	sld [smem:$0x3F98];
	s0 =	simm.s32 @p0 $0x1  }
0x13: {  	[smem:$0x3FB3] =	sst s0;
	s0 =	simm.s32 @!p1 $0x0  }
0x14: {  	s2 =	sld [smem:$0x3F97];
	s0 =	simm.s32 @p1 $0x1  }
0x15: {  	[smem:$0x3FB4] =	sst s0;
	s0 =	simm.s32 @!p2 $0x0  }
0x16: {  	s3 =	sld [smem:$0x3FDB];
	s0 =	simm.s32 @p2 $0x1  }
0x17: {  	s4 =	simm.s32 $0x1BF5;
	[smem:$0x3FB6] =	sst s0  }
0x18: {  	s0 =	sld [smem:$0x3F99];
	_ =	swait.ge [sflag:s4], $0x0  }
0x19: {  	s7 =	sld [smem:$0x3F9A]  }
0x1a: {  	s8 =	sadd.s32 $0xFFFFE003, lr  }
0x1b: {  	s9 =	sadd.s32 $0xFFFFFEF7, lr;
	s5 =	simm.s32 $0xFFFFFFFF;
	p2 =	slt.u32 s8, $0xFFFFF086  }
0x1c: {  	p1 =	slt.u32 s9, $0xF7A;
	s5 =	simm.s32 @!p2 $0x0  }
0x1d: {  	s5 =	simm.s32 @p1 $0x1;
	p0 =	seq.s32 s7, s2  }
0x1e: {  	s7 =	smul.u32 @!p0 $0xF7A, s2;
	p2 =	seq.s32 @!p0 s5, $0x0  }
0x1f: {  	s9 =	smul.u32 $0xF7A, s1;
	s8 =	simm.s32 @!p0 $0x1BF5;
	p2 =	por !p2, p0  }
0x20: {  	[sflag:s8] =	ssyncset.s32 @!p0 $0xFFFFF086;
	s6 =	sadd.s32 @!p0 s3, s7;
	s7 =	simm.s32 @!p0 $0x108  }
0x21: {  	s3 =	sadd.s32 s3, s9;
	s6 =	sadd.s32 @!p0 $0x88, s6;
	s7 =	simm.s32 @p2 $0x1082  }
0x22: {  	[simem:s7], [sflag:s8] =	dma.local @!p0 [hbm:s6], $0xF7A  }
0x23: {  	s9 =	sor.u32 $0xD0000000, s2;
	s6 =	simm.s32 $0x108;
	_ =	swait.ge @!p0 [sflag:s8], $0x0  }
0x24: {  	s3 =	sadd.s32 $0x88, s3;
	s6 =	simm.s32 @!p1 $0x1082;
	[sflag:s4] =	ssyncset.s32 $0xFFFFF086  }
0x25: {  	[simem:s6], [sflag:s4] =	dma.local [hbm:s3], $0xF7A  }
0x26: {  	[smem:$0x3F9A] =	sst s1;
	(tag) =	ssettag s2;
	_ =	strace s9  }
0x27: {  	s1 =	sld [smem:$0x3FAA]  }
0x28: {  	s2 =	sld [smem:$0x3FAB]  }
0x29: {  	s4 =	sld [smem:$0x3FAD]  }
0x2a: {  	p0 =	seq.s32 s5, $0x0;
	s5 =	sld [smem:$0x3FAE]  }
0x2b: {  	s6 =	sld [smem:$0x3FAF]  }
0x2c: {  	s7 =	sld [smem:$0x3FB0]  }
0x2d: {  	s3 =	simm.s32 $0x108;
	s8 =	sld [smem:$0x3FB1]  }
0x2e: {  	s3 =	simm.s32 @!p0 $0x1082;
	s9 =	sld [smem:$0x3FB2]  }
0x2f: {  	lr =	sadd.s32 s0, s3;
	s0 =	sld [smem:$0x3FA9]  }
0x30: {  	s3 =	sld [smem:$0x3FAC]  }
0x31: {  	[smem:$0x3FB5] =	sst s10  }
0x32: {  	s10 =	sld [smem:$0x3FB3];
	_ =	sdelay $0x3  }
0x33: {  	p0 =	seq.s32 s10, $0x1;
	s10 =	sld [smem:$0x3FB5];
	_ =	sdelay $0x3  }
0x34: {  	[smem:$0x3FB5] =	sst s10  }
0x35: {  	s10 =	sld [smem:$0x3FB4];
	_ =	sdelay $0x3  }
0x36: {  	p1 =	seq.s32 s10, $0x1;
	s10 =	sld [smem:$0x3FB5];
	_ =	sdelay $0x3  }
0x37: {  	[smem:$0x3FB5] =	sst s10  }
0x38: {  	s10 =	sld [smem:$0x3FB6]  }
0x39: {  	_ = 	snop;
	(pc) =	sbr.ind lr, $3  }
0x3a: {  	_ = 	snop  }
0x3b: {  	_ = 	snop  }
0x3c: {  	p2 =	seq.s32 s10, $0x1;
	s10 =	sld [smem:$0x3FB5]  }
0x3d: {  	_ =	shalt  }
0x3e: {  	_ =	shalt  }
0x3f: {  	_ =	shalt  }
0x40: {  	_ =	shalt  }
0x41: {  	_ =	shalt  }
0x42: {  	_ =	shalt  }
0x43: {  	_ =	shalt  }
0x44: {  	_ =	shalt  }
0x45: {  	_ =	shalt  }
0x46: {  	_ =	shalt  }
0x47: {  	_ =	shalt  }
0x48: {  	_ =	shalt  }
0x49: {  	_ =	shalt  }
0x4a: {  	_ =	shalt  }
0x4b: {  	_ =	shalt  }
0x4c: {  	_ =	shalt  }
0x4d: {  	_ =	shalt  }
0x4e: {  	_ =	shalt  }
0x4f: {  	_ =	shalt  }
0x50: {  	_ =	shalt  }
0x51: {  	_ =	shalt  }
0x52: {  	_ =	shalt  }
0x53: {  	_ =	shalt  }
0x54: {  	_ =	shalt  }
0x55: {  	_ =	shalt  }
0x56: {  	_ =	shalt  }
0x57: {  	_ =	shalt  }
0x58: {  	_ =	shalt  }
0x59: {  	_ =	shalt  }
0x5a: {  	_ =	shalt  }
0x5b: {  	_ =	shalt  }
0x5c: {  	_ =	shalt  }
0x5d: {  	_ =	shalt  }
0x5e: {  	_ =	shalt  }
0x5f: {  	_ =	shalt  }
0x60: {  	_ =	shalt  }
0x61: {  	_ =	shalt  }
0x62: {  	_ =	shalt  }
0x63: {  	_ =	shalt  }
0x64: {  	_ =	shalt  }
0x65: {  	_ =	shalt  }
0x66: {  	_ =	shalt  }
0x67: {  	_ =	shalt  }
0x68: {  	_ =	shalt  }
0x69: {  	_ =	shalt  }
0x6a: {  	_ =	shalt  }
0x6b: {  	_ =	shalt  }
0x6c: {  	_ =	shalt  }
0x6d: {  	_ =	shalt  }
0x6e: {  	_ =	shalt  }
0x6f: {  	_ =	shalt  }
0x70: {  	_ =	shalt  }
0x71: {  	_ =	shalt  }
0x72: {  	_ =	shalt  }
0x73: {  	_ =	shalt  }
0x74: {  	_ =	shalt  }
0x75: {  	_ =	shalt  }
0x76: {  	_ =	shalt  }
0x77: {  	_ =	shalt  }
0x78: {  	_ =	shalt  }
0x79: {  	_ =	shalt  }
0x7a: {  	_ =	shalt  }
0x7b: {  	_ =	shalt  }
0x7c: {  	_ =	shalt  }
0x7d: {  	_ =	shalt  }
0x7e: {  	_ =	shalt  }
0x7f: {  	_ =	shalt  }
0x80: {  	_ =	shalt  }
0x81: {  	_ =	shalt  }
0x82: {  	_ =	shalt  }
0x83: {  	_ =	shalt  }
0x84: {  	_ =	shalt  }
0x85: {  	_ =	shalt  }
0x86: {  	_ =	shalt  }
0x87: {  	_ =	shalt  }
.Lfunc_end0:
.L_simem_size_0:
called_computation_lowered:
.L_overlay_start_0:
0x88: {  	s2 =	sld [smem:$0x3FD9]  }
0x89: {  	s3 =	sld [smem:$0x3FFE];
	_ =	sdelay $0x1  }
0x8a: {  	s1 =	srdreg.scid  }
0x8b: {  	s0 =	sand.u32 $0x1, s1  }
0x8c: {  	s17 =	sshll.u32 s0, $0xA;
	s2 =	sadd.s32 s3, s2  }
0x8d: {  	s2 =	sadd.s32 s2, s17  }
0x8e: {  	[smem:$0x3FC1] =	sst s2  }
0x8f: {  	_ = 	snop  }
0x90: {  	s2 =	sld [smem:$0x3FD0];
	(tm) =	ssettm $0x1  }
0x91: {  	s18 =	sld [smem:$0x3FFB];
	_ =	sdelay $0x3  }
0x92: {  	_ =	strace s18  }
0x93: {  	s3 =	sld [smem:$0x3FFC];
	_ =	sdelay $0x3  }
0x94: {  	_ =	strace s3  }
0x95: {  	s3 =	sld [smem:$0x3FFD];
	_ =	sdelay $0x3  }
0x96: {  	_ =	strace s3  }
0x97: {  	_ =	strace $0x8FFFFFFF  }
0x98: {  	s19 =	sld [smem:$0x3FDB];
	_ =	sdelay $0x1  }
0x99: {  	s4 =	simm.s32 $_scs_section_size  }
0x9a: {  	s5 =	simm.s32 $_size__tile_overlayer_lowered;
	s6 =	simm.s32 $_tile_overlayer_lowered  }
0x9b: {  	s22 =	simm.s32 $0x1BFF;
	s21 =	sshll.u32 s6, $0x1;
	s3 =	sadd.s32 s4, s19  }
0x9c: {  	s7 =	simm.s32 $0x0;
	s20 =	sshll.u32 s5, $0x1;
	s5 =	sadd.s32 s21, s3  }
0x9d: {  	[timem:s7], [sflag:s22] =	dma.local [hbm:s5], s20  }
0x9e: {  	_ =	swait.ge [sflag:s22], s20  }
0x9f: {  	s4 =	ssub.s32 $0x0, s20;
	[sflag:s22] =	ssyncset.done $0x0  }
0xa0: {  	[sflag:s22] =	ssyncadd.s32 s4;
	_ =	sdelay $0x1  }
0xa1: {  	s23 =	simm.s32 $0x1B8B  }
0xa2: {  	_ =	swait.ge [sflag:s23], $0x1  }
0xa3: {  	[sflag:s23] =	ssyncset.done $0x0  }
0xa4: {  	s25 =	simm.s32 $0x1B8E;
	s24 =	sld [smem:$0x3FFE];
	[sflag:s23] =	ssyncadd.s32 $0xFFFFFFFF  }
0xa5: {  	s26 =	simm.s32 $execute0_lowered;
	[smem:$0x3FD2] =	sst s25  }
0xa6: {  	s5 =	sshll.u32 s26, $0x1;
	_ =	strace $0x80000046;
	[dreg:$0x1] =	wrdreg $0xFFFFFFFF  }
0xa7: {  	s28 =	simm.s32 $_size_execute0_lowered;
	s3 =	sadd.s32 s3, s5;
	[dreg:$0x0] =	wrdreg $0x0  }
0xa8: {  	s5 =	sshll.u32 s28, $0x1;
	[dreg:$0x2] =	wrdreg s3  }
0xa9: {  	[dreg:$0x3] =	wrdreg s5  }
0xaa: {  	[dreg:$0x4] =	wrdreg $0xC0  }
0xab: {  	_ =	task [dreg:s7], $0x5FFFF  }
0xac: {  	[dreg:$0x1] =	wrdreg $0xFFFFFFFF  }
0xad: {  	[dreg:$0x0] =	wrdreg $0x60  }
0xae: {  	[dreg:$0x2] =	wrdreg s24  }
0xaf: {  	[dreg:$0x3] =	wrdreg s2  }
0xb0: {  	[dreg:$0x4] =	wrdreg $0x83000  }
0xb1: {  	[dreg:$0x5] =	wrdreg $0x9  }
0xb2: {  	_ =	task.clear_ibuf [dreg:s7], $0x6FFFF;
	_ =	strace $0x90000046  }
0xb3: {  	s29 =	simm.s32 $0x9;
	_ =	strace $0x80000048  }
0xb4: {  	_ =	swait.ge [sflag:s29], $0x1  }
0xb5: {  	[sflag:s29] =	ssyncadd.s32 $0xFFFFFFFF  }
0xb6: {  	_ =	strace $0x90000048  }
0xb7: {  	_ =	sfence  }
0xb8: {  	s30 =	sld [smem:$0x0];
	_ =	sdelay $0x2  }
0xb9: {  	s31 =	sshll.u32 s1, $0xD;
	s1 =	sshrl.u32 s1, $0x2  }
0xba: {  	s3 =	sand.u32 $0x4000, s31;
	s1 =	sadd.s32 s1, s30  }
0xbb: {  	s0 =	sor.u32 s3, s0;
	s1 =	sshll.u32 s1, $0x11  }
0xbc: {  	s0 =	sor.u32 s1, s0  }
0xbd: {  	s0 =	sadd.s32 $0x8F2B, s0  }
0xbe: {  	[sflag:s0] =	ssyncadd.remote.s32 $0x1  }
0xbf: {  	_ =	sfence.sel $0xFFFF  }
0xc0: {  	[dreg:$0x0] =	wrdreg $0xFFFFFFFF;
	(pc) =	sbr.abs _section_cstart, $3  }
0xc1: {  	[dreg:$0x1] =	wrdreg $0xFFFFFFFF  }
0xc2: {  	_ =	task.clear_ibuf [dreg:s7], $0x2FFFF;
	_ =	strace $0x9FFFFFFF  }
0xc3: {  	(tm) =	ssettm $0x7FFFFFFF  }
tec
execute0_lowered:
.L_overlay_start_1:
0x0: {  	(tag) =	ssettag $0x1  }
0x1: {  	s0 =	rddreg [dreg:$0x0];
	s1 =	srdreg.scid  }
0x2: {  	s2 =	stileid.u32;
	s5 =	rddreg [dreg:$0x1]  }
0x3: {  	s11 =	rddreg [dreg:$0x2];
	s12 =	simm.s32 $0x8;
	s14 =	simm.s32 $0x4300  }
0x4: {  	s15 =	simm.s32 $0x9;
	s22 =	simm.s32 $0x100;
	s17 =	simm.s32 $0x200  }
0x5: {  	s18 =	simm.s32 $0x1;
	s19 =	simm.s32 $0x3;
	s20 =	simm.s32 $0x5  }
0x6: {  	s21 =	simm.s32 $0x80;
	s24 =	simm.s32 $0x180;
	s23 =	simm.s32 $0x280  }
0x7: {  	s25 =	simm.s32 $0x2;
	s28 =	simm.s32 $0x6;
	s30 =	simm.s32 $0x7  }
0x8: {  	s1 =	sand.u32 $0x1, s1;
	s3 =	sshll.u32 s2, $0x1;
	s10 =	smul.u32 $0xA000, s2  }
0x9: {  	p0 =	slt.u32 s2, $0xD;
	s16 =	smov.u32 s11;
	s31 =	smul.u32 $0x2800, s2  }
0xa: {  	s4 =	sor.u32 s1, s3;
	s3 =	simm.s32 $0x0;
	s6 =	smul.u32 $0x27100, s1  }
0xb: {  	s1 =	ssub.s32 $0x2, s1;
	s12 =	simm.s32 @!p0 $0x7;
	s8 =	smul.u32 $0x500, s4  }
0xc: {  	[smem:$0x7FF] =	sst s3;
	s4 =	sadd.s32 $0xBE00, s0;
	s7 =	sshrl.u32 s1, $0x1  }
0xd: {  	s26 =	sshrl.u32 s10, $0x2;
	_ =	strace $0x80000047;
	s1 =	ssub.s32 s1, s7  }
0xe: {  	s11 =	sadd.s32 s26, s11;
	[dreg:$0x7] =	wrdreg s31;
	s26 =	simm.s32 $0x4  }
0xf: {  	[dreg:$0x4] =	wrdreg s12;
	s9 =	sadd.s32 s8, s0;
	s0 =	sadd.s32 s6, s0  }
0x10: {  	s6 =	simm.s32 $0x8;
	s8 =	sadd.s32 s5, s8;
	s29 =	smax.u32 s1, $0x1  }
0x11: {  	s1 =	simm.s32 $0x0;
	[dreg:$0x6] =	wrdreg s11;
	s7 =	sadd.s32 $0x1E00, s9  }
0x12: {  	v0 =	vimm.f32 $0.0e+00;
	s9 =	sadd.s32 $0x1F800, s9;
	s10 =	sadd.s32 $0x29800, s0;
	[dreg:$0x5] =	wrdreg s29  }
.LBB2_1:
0x13: {  	[dreg:$0x8] =	wrdreg s1;
	s0 =	simm.s32 $0x0;
	s1 =	simm.s32 $0x200  }
.LBB2_2:
0x14: {  	p0 =	sne.s32 s1, $0x9E00;
	[tilespmem:s0+$0x4370] =	vst v0  }
0x15: {  	[tilespmem:s0+$0x4300] =	vst v0  }
0x16: {  	[tilespmem:s0+$0x4310] =	vst v0  }
.Ltmp0:
0x17: {  	[tilespmem:s0+$0x4320] =	vst v0;
	(pc) =	sbr.rel @p0 .LBB2_2-.Ltmp0, $4  }
0x18: {  	[tilespmem:s0+$0x4330] =	vst v0  }
0x19: {  	[tilespmem:s0+$0x4340] =	vst v0  }
0x1a: {  	[tilespmem:s0+$0x4350] =	vst v0  }
0x1b: {  	[tilespmem:s0+$0x4360] =	vst v0;
	s0 =	sshra.s32 s1, $0x2;
	s1 =	sadd.s32 $0x200, s1  }
0x1c: {  	[tilespmem:s0+$0x4370] =	vst v0  }
0x1d: {  	[tilespmem:s0+$0x4300] =	vst v0  }
0x1e: {  	[tilespmem:s0+$0x4310] =	vst v0  }
0x1f: {  	[tilespmem:s0+$0x4320] =	vst v0  }
0x20: {  	[tilespmem:s0+$0x4330] =	vst v0  }
0x21: {  	[tilespmem:s0+$0x4340] =	vst v0;
	p0 =	sne.s32 s12, $0x1  }
.Ltmp1:
0x22: {  	[tilespmem:s0+$0x4350] =	vst v0;
	(pc) =	sbr.rel @!p0 .LBB2_5-.Ltmp1, $4  }
0x23: {  	[tilespmem:s0+$0x4360] =	vst v0  }
0x24: {  	[spmem:s11] =	stream.linear.scatter [tilespmem:s14], [sflag:$0x9], $0x2800, $0x38;
	[tilespmem:$0x1BB80] =	vst v63  }
0x25: {  	_ =	swait.ge [sflag:s15], $0x2800  }
0x26: {  	s0 =	sadd.s32 $0xFFFFFFFF, s12;
	s1 =	smov.u32 s11;
	[sflag:s15] =	ssyncset.done $0x0  }
.LBB2_4:
0x27: {  	p1 =	sne.s32 s0, $0x1;
	[sflag:s15] =	ssyncadd.s32 $0xFFFFD800;
	s1 =	sadd.s32 $0x28000, s1  }
.Ltmp2:
0x28: {  	s0 =	sadd.s32 $0xFFFFFFFF, s0;
	(pc) =	sbr.rel @p1 .LBB2_4-.Ltmp2, $4  }
0x29: {  	_ = 	snop  }
0x2a: {  	[spmem:s1] =	stream.linear.scatter [tilespmem:s14], [sflag:$0x9], $0x2800, $0x38;
	[tilespmem:$0x1BB80] =	vst v63  }
0x2b: {  	_ =	swait.ge [sflag:s15], $0x2800  }
0x2c: {  	[sflag:s15] =	ssyncset.done $0x0  }
.LBB2_5:
0x2d: {  	[sflag:s15] =	ssyncadd.s32 $0xFFFFD800  }
0x2e: {  	s1 =	simm.s32 $0x0;
	[bflag:$0x0] =	sbarrier.arrive $0xFFFF  }
0x2f: {  	[tilespmem:s1], [sflag:$0x1] =	stream.linear.gather [hbm4b:s7+s1], $0x80, $0x38;
	[tilespmem:$0x1BB80] =	vst v63  }
0x30: {  	_ = 	snop  }
0x31: {  	[tilespmem:s22], [sflag:$0x3] =	stream.linear.gather [hbm4b:s8+s1], $0x80, $0x38;
	[tilespmem:$0x1BB80] =	vst v63  }
0x32: {  	_ = 	snop  }
0x33: {  	[tilespmem:s17], [sflag:$0x5] =	stream.linear.gather [hbm4b:s9+s1], $0x80, $0x38;
	[tilespmem:$0x1BB80] =	vst v63  }
0x34: {  	_ =	swait.ge [sflag:s18], $0x80  }
0x35: {  	[sflag:s18] =	ssyncset.done $0x0  }
0x36: {  	[sflag:s18] =	ssyncadd.s32 $0xFFFFFF80  }
0x37: {  	_ =	swait.ge [sflag:s19], $0x80  }
0x38: {  	[sflag:s19] =	ssyncset.done $0x0  }
0x39: {  	[sflag:s19] =	ssyncadd.s32 $0xFFFFFF80  }
0x3a: {  	_ =	swait.ge [sflag:s20], $0x80  }
0x3b: {  	[sflag:s20] =	ssyncset.done $0x0  }
0x3c: {  	s0 =	sadd.s32 $0x10, s7;
	[sflag:s20] =	ssyncadd.s32 $0xFFFFFF80  }
0x3d: {  	[tilespmem:s21], [sflag:$0x2] =	stream.linear.gather [hbm4b:s0+s1], $0x80, $0x38;
	[tilespmem:$0x1BB80] =	vst v63  }
0x3e: {  	s22 =	sadd.s32 $0x10, s8  }
0x3f: {  	[tilespmem:s24], [sflag:$0x4] =	stream.linear.gather [hbm4b:s22+s1], $0x80, $0x38;
	[tilespmem:$0x1BB80] =	vst v63  }
0x40: {  	s29 =	sadd.s32 $0x10, s9  }
0x41: {  	[tilespmem:s23], [sflag:$0x6] =	stream.linear.gather [hbm4b:s29+s1], $0x80, $0x38;
	[tilespmem:$0x1BB80] =	vst v63  }
0x42: {  	s31 =	simm.s32 $0x300;
	s0 =	simm.s32 $0x0  }
0x43: {  	[tilespmem:s31], [sflag:$0x7] =	stream.indirect.gather [hbm4b:s4+s21], $0x40, s1, s21, $0xb8;
	[tilespmem:$0x1BB80] =	vst v63  }
.LBB2_6:
0x44: {  	_ =	swait.ge [sflag:s25], $0x80  }
0x45: {  	[sflag:s25] =	ssyncset.done $0x0  }
0x46: {  	[sflag:s25] =	ssyncadd.s32 $0xFFFFFF80  }
0x47: {  	_ =	swait.ge [sflag:s26], $0x80  }
0x48: {  	[sflag:s26] =	ssyncset.done $0x0  }
0x49: {  	s5 =	simm.s32 $0x2;
	[sflag:s26] =	ssyncadd.s32 $0xFFFFFF80  }
0x4a: {  	v1 =	vmov s5;
	_ =	swait.ge [sflag:s28], $0x80  }
0x4b: {  	v1 =	vand.u32 $0xFFFFFFFE, v1;
	[sflag:s28] =	ssyncset.done $0x0  }
0x4c: {  	s2 =	simm.s32 $0x2300;
	s22 =	simm.s32 $0x1;
	v1 =	vbroadcast v1, $0x0;
	[sflag:s28] =	ssyncadd.s32 $0xFFFFFF80  }
0x4d: {  	[tilespmem:s2], [sflag:$0x8] =	stream.indirect.gather [hbm4b:s4+s21], $0x40, s21, s21, $0xb8;
	[tilespmem:$0x1BB80] =	vst v63  }
0x4e: {  	v2 =	vmov s22;
	_ =	swait.ge [sflag:s30], $0x2000  }
0x4f: {  	v2 =	vand.u32 $0xFFFFFFFD, v2;
	[sflag:s30] =	ssyncset.done $0x0  }
0x50: {  	s13 =	simm.s32 $0x380;
	v3 =	vmov s1;
	v2 =	vbroadcast v2, $0x0;
	[sflag:s30] =	ssyncadd.s32 $0xFFFFE000  }
0x51: {  	v3 =	vand.u32 $0xFFFFFFFC, v3;
	v4 =	vld [tilespmem:s13+$0x0]  }
0x52: {  	v3 =	vbroadcast v3, $0x0;
	v8 =	vld.idx.msk [tilespmem:v1+s17+$0x0], $0xffff;
	_ =	sdelay $0x1  }
0x53: {  	s24 =	simm.s32 $0x3  }
0x54: {  	v1 =	vmov s24;
	v9 =	vld [tilespmem:s13+$0xFFFFFFC0]  }
0x55: {  	v7 =	vld.idx.msk [tilespmem:v2+s17+$0x0], $0xffff;
	v2 =	vshll.u32 v4, $0x10  }
0x56: {  	v10 =	vld [tilespmem:s13+$0xFFFFFF80];
	v4 =	vand.u32 $0xFFFF0000, v4;
	v2 =	vmul.f32 v2, v8  }
0x57: {  	s11 =	simm.s32 $0x4400;
	v6 =	vld.idx.msk [tilespmem:v3+s17+$0x0], $0xffff;
	v3 =	vmul.f32 v4, v8  }
0x58: {  	v4 =	vld [tilespmem:s13+$0x40];
	[tilespmem:s11+$0x0] =	vst v2  }
0x59: {  	v5 =	vld.idx.msk [tilespmem:v1+s17+$0x0], $0xffff;
	v1 =	vshll.u32 v9, $0x10;
	[tilespmem:s11+$0x10] =	vst v3  }
0x5a: {  	v1 =	vmul.f32 v1, v7;
	v2 =	vand.u32 $0xFFFF0000, v9;
	v3 =	vld [tilespmem:s13+$0x10]  }
0x5b: {  	v9 =	vshll.u32 v10, $0x10;
	v2 =	vmul.f32 v2, v7  }
0x5c: {  	v10 =	vand.u32 $0xFFFF0000, v10;
	[tilespmem:s11+$0xFFFFFF80] =	vst v1;
	v9 =	vmul.f32 v9, v6  }
0x5d: {  	v10 =	vmul.f32 v10, v6;
	v1 =	vshll.u32 v4, $0x10;
	[tilespmem:s11+$0xFFFFFF90] =	vst v2  }
0x5e: {  	v2 =	vand.u32 $0xFFFF0000, v4;
	[tilespmem:s11+$0xFFFFFF00] =	vst v9;
	v1 =	vmul.f32 v1, v5;
	v4 =	vld [tilespmem:s13+$0xFFFFFFD0]  }
0x5f: {  	[tilespmem:s11+$0xFFFFFF10] =	vst v10;
	v2 =	vmul.f32 v2, v5;
	v9 =	vshll.u32 v3, $0x10  }
0x60: {  	v10 =	vld [tilespmem:s13+$0xFFFFFF90];
	[tilespmem:s11+$0x80] =	vst v1;
	v1 =	vand.u32 $0xFFFF0000, v3;
	v3 =	vmul.f32 v9, v8  }
0x61: {  	[tilespmem:s11+$0x90] =	vst v2;
	v1 =	vmul.f32 v1, v8  }
0x62: {  	v2 =	vld [tilespmem:s13+$0x50];
	[tilespmem:s11+$0x20] =	vst v3  }
0x63: {  	v3 =	vshll.u32 v4, $0x10;
	[tilespmem:s11+$0x30] =	vst v1  }
0x64: {  	s12 =	simm.s32 $0x7;
	v1 =	vand.u32 $0xFFFF0000, v4;
	v3 =	vmul.f32 v3, v7;
	v4 =	vld [tilespmem:s13+$0x20]  }
0x65: {  	s29 =	simm.s32 $0x4;
	v12 =	vmov s12;
	v11 =	vshll.u32 v10, $0x10;
	v1 =	vmul.f32 v1, v7  }
0x66: {  	v9 =	vmov s29;
	v10 =	vand.u32 $0xFFFF0000, v10;
	v11 =	vmul.f32 v11, v6;
	[tilespmem:s11+$0xFFFFFFA0] =	vst v3  }
0x67: {  	s2 =	simm.s32 $0x6;
	v3 =	vand.u32 $0xFFFFFFFC, v9;
	v9 =	vmul.f32 v10, v6;
	[tilespmem:s11+$0xFFFFFFB0] =	vst v1;
	v1 =	vshll.u32 v2, $0x10  }
0x68: {  	v2 =	vand.u32 $0xFFFF0000, v2;
	[tilespmem:s11+$0xFFFFFF20] =	vst v11;
	v11 =	vmov s2;
	v10 =	vld [tilespmem:s13+$0xFFFFFFE0];
	v1 =	vmul.f32 v1, v5  }
0x69: {  	v2 =	vmul.f32 v2, v5;
	[tilespmem:s11+$0xFFFFFF30] =	vst v9;
	v9 =	vand.u32 $0xFFFFFFFE, v11;
	v11 =	vshll.u32 v4, $0x10  }
0x6a: {  	s12 =	simm.s32 $0x5;
	v13 =	vld [tilespmem:s13+$0xFFFFFFA0];
	[tilespmem:s11+$0xA0] =	vst v1;
	v9 =	vbroadcast v9, $0x0;
	v1 =	vand.u32 $0xFFFF0000, v4;
	v4 =	vmul.f32 v11, v8  }
0x6b: {  	v3 =	vbroadcast v3, $0x0;
	[tilespmem:s11+$0xB0] =	vst v2;
	v11 =	vmov s12;
	v2 =	vmul.f32 v1, v8  }
0x6c: {  	s5 =	simm.s32 $0x480;
	v1 =	vand.u32 $0xFFFFFFFD, v11;
	v11 =	vld [tilespmem:s13+$0x60];
	[tilespmem:s11+$0x40] =	vst v4  }
0x6d: {  	v15 =	vld [tilespmem:s5+$0x0];
	v14 =	vbroadcast v1, $0x0;
	v4 =	vshll.u32 v10, $0x10;
	[tilespmem:s11+$0x50] =	vst v2  }
0x6e: {  	v2 =	vand.u32 $0xFFFF0000, v10;
	v4 =	vmul.f32 v4, v7;
	v10 =	vld [tilespmem:s13+$0x30]  }
0x6f: {  	v1 =	vld.idx.msk [tilespmem:v12+s17+$0x0], $0xffff;
	v12 =	vmul.f32 v2, v7;
	v2 =	vshll.u32 v13, $0x10  }
0x70: {  	v13 =	vand.u32 $0xFFFF0000, v13;
	v16 =	vmul.f32 v2, v6;
	[tilespmem:s11+$0xFFFFFFC0] =	vst v4;
	v4 =	vld.idx.msk [tilespmem:v9+s17+$0x0], $0xffff  }
0x71: {  	v2 =	vld.idx.msk [tilespmem:v3+s17+$0x0], $0xffff;
	v9 =	vmul.f32 v13, v6;
	[tilespmem:s11+$0xFFFFFFD0] =	vst v12;
	v3 =	vshll.u32 v11, $0x10  }
0x72: {  	v13 =	vld [tilespmem:s5+$0xFFFFFFC0];
	v11 =	vand.u32 $0xFFFF0000, v11;
	[tilespmem:s11+$0xFFFFFF40] =	vst v16;
	v12 =	vmul.f32 v3, v5  }
0x73: {  	v11 =	vmul.f32 v11, v5;
	[tilespmem:s11+$0xFFFFFF50] =	vst v9;
	v3 =	vld.idx.msk [tilespmem:v14+s17+$0x0], $0xffff;
	v9 =	vand.u32 $0xFFFF0000, v10  }
0x74: {  	v14 =	vld [tilespmem:s5+$0xFFFFFF80];
	v10 =	vshll.u32 v10, $0x10;
	[tilespmem:s11+$0xC0] =	vst v12;
	v9 =	vmul.f32 v9, v8  }
0x75: {  	v16 =	vld [tilespmem:s5+$0x40];
	v12 =	vshll.u32 v15, $0x10;
	[tilespmem:s11+$0xD0] =	vst v11;
	v8 =	vmul.f32 v10, v8  }
0x76: {  	v11 =	vand.u32 $0xFFFF0000, v15;
	v15 =	vld [tilespmem:s13+$0xFFFFFFF0];
	v12 =	vmul.f32 v12, v4;
	[tilespmem:s11+$0x70] =	vst v9  }
0x77: {  	s12 =	simm.s32 $0x4600;
	v10 =	vld [tilespmem:s13+$0xFFFFFFB0];
	v9 =	vmul.f32 v11, v4;
	v11 =	vshll.u32 v13, $0x10;
	[tilespmem:s11+$0x60] =	vst v8  }
0x78: {  	v13 =	vand.u32 $0xFFFF0000, v13;
	[tilespmem:s12+$0x0] =	vst v12;
	v11 =	vmul.f32 v11, v3  }
0x79: {  	v12 =	vld [tilespmem:s13+$0x70];
	[tilespmem:s12+$0x10] =	vst v9;
	v9 =	vshll.u32 v14, $0x10;
	v8 =	vmul.f32 v13, v3;
	v14 =	vand.u32 $0xFFFF0000, v14  }
0x7a: {  	v17 =	vshll.u32 v16, $0x10;
	v13 =	vld [tilespmem:s5+$0x10];
	v9 =	vmul.f32 v9, v2;
	v14 =	vmul.f32 v14, v2;
	[tilespmem:s12+$0xFFFFFF80] =	vst v11  }
0x7b: {  	v11 =	vand.u32 $0xFFFF0000, v16;
	v16 =	vshll.u32 v15, $0x10;
	[tilespmem:s12+$0xFFFFFF90] =	vst v8;
	v8 =	vand.u32 $0xFFFF0000, v15  }
0x7c: {  	v15 =	vmul.f32 v17, v1;
	v11 =	vmul.f32 v11, v1;
	[tilespmem:s12+$0xFFFFFF00] =	vst v9;
	v17 =	vld [tilespmem:s5+$0xFFFFFFD0];
	v9 =	vshll.u32 v10, $0x10  }
0x7d: {  	v10 =	vand.u32 $0xFFFF0000, v10;
	[tilespmem:s12+$0xFFFFFF10] =	vst v14;
	v14 =	vmul.f32 v16, v7;
	v16 =	vmul.f32 v8, v7  }
0x7e: {  	v18 =	vshll.u32 v12, $0x10;
	v19 =	vld [tilespmem:s5+$0xFFFFFF90];
	[tilespmem:s12+$0x80] =	vst v15;
	v9 =	vmul.f32 v9, v6;
	v8 =	vmul.f32 v10, v6  }
0x7f: {  	s22 =	simm.s32 $0x8;
	[tilespmem:s12+$0x90] =	vst v11;
	v11 =	vand.u32 $0xFFFF0000, v12;
	v7 =	vshll.u32 v13, $0x10;
	v13 =	vand.u32 $0xFFFF0000, v13  }
0x80: {  	[tilespmem:s11+$0xFFFFFFE0] =	vst v14;
	v12 =	vld [tilespmem:s5+$0x50];
	v6 =	vmul.f32 v11, v5;
	v11 =	vmov s22;
	v15 =	vmul.f32 v7, v4  }
0x81: {  	[tilespmem:s11+$0xFFFFFFF0] =	vst v16;
	v10 =	vmul.f32 v13, v4;
	v7 =	vmul.f32 v18, v5;
	v5 =	vshll.u32 v17, $0x10  }
0x82: {  	v11 =	vand.u32 $0xFFFFFFFC, v11;
	v13 =	vand.u32 $0xFFFF0000, v17;
	[tilespmem:s12+$0x20] =	vst v15;
	v5 =	vmul.f32 v5, v3  }
0x83: {  	s24 =	simm.s32 $0xB;
	[tilespmem:s12+$0x30] =	vst v10;
	v10 =	vmul.f32 v13, v3;
	v13 =	vshll.u32 v19, $0x10;
	v14 =	vand.u32 $0xFFFF0000, v19  }
0x84: {  	v15 =	vmov s24;
	s24 =	simm.s32 $0x9;
	v17 =	vld [tilespmem:s5+$0x20];
	v13 =	vmul.f32 v13, v2;
	v16 =	vmul.f32 v14, v2;
	[tilespmem:s12+$0xFFFFFFA0] =	vst v5  }
0x85: {  	v5 =	vmov s24;
	[tilespmem:s12+$0xFFFFFFB0] =	vst v10;
	v14 =	vshll.u32 v12, $0x10;
	v10 =	vbroadcast v11, $0x0  }
0x86: {  	v11 =	vand.u32 $0xFFFF0000, v12;
	v12 =	vmul.f32 v14, v1;
	v5 =	vand.u32 $0xFFFFFFFD, v5  }
0x87: {  	s29 =	simm.s32 $0xA;
	[tilespmem:s12+$0xFFFFFF20] =	vst v13;
	v14 =	vld [tilespmem:s5+$0xFFFFFFE0];
	v18 =	vmul.f32 v11, v1;
	v11 =	vbroadcast v5, $0x0  }
0x88: {  	v13 =	vmov s29;
	[tilespmem:s12+$0xFFFFFF30] =	vst v16  }
0x89: {  	v5 =	vand.u32 $0xFFFFFFFE, v13;
	v13 =	vld [tilespmem:s5+$0xFFFFFFA0];
	[tilespmem:s12+$0xA0] =	vst v12;
	v19 =	vshll.u32 v17, $0x10  }
0x8a: {  	s31 =	simm.s32 $0x480;
	s13 =	simm.s32 $0x4600;
	s24 =	simm.s32 $0xC;
	v12 =	vbroadcast v5, $0x0;
	v5 =	vld.idx.msk [tilespmem:v15+s17+$0x0], $0xffff;
	[tilespmem:s12+$0xB0] =	vst v18;
	v16 =	vand.u32 $0xFFFF0000, v17;
	v15 =	vmul.f32 v19, v4  }
.LBB2_7:
0x8b: {  	p1 =	slt.u32 s24, $0x7C;
	v16 =	vmul.f32 v16, v4;
	v17 =	vld [tilespmem:s5+$0x60];
	[tilespmem:s11+$0xFFFFFF60] =	vst v9  }
0x8c: {  	v10 =	vld.idx.msk [tilespmem:v10+s17+$0x0], $0xffff;
	v9 =	vshll.u32 v14, $0x10;
	v14 =	vand.u32 $0xFFFF0000, v14;
	[tilespmem:s12+$0x40] =	vst v15  }
0x8d: {  	v11 =	vld.idx.msk [tilespmem:v11+s17+$0x0], $0xffff;
	v9 =	vmul.f32 v9, v3;
	v14 =	vmul.f32 v14, v3;
	[tilespmem:s12+$0x50] =	vst v16  }
0x8e: {  	s5 =	sadd.s32 $0x100, s5;
	v15 =	vshll.u32 v13, $0x10;
	v13 =	vand.u32 $0xFFFF0000, v13;
	v16 =	vld [tilespmem:s31+$0x30];
	[tilespmem:s11+$0xFFFFFF70] =	vst v8  }
0x8f: {  	v8 =	vld [tilespmem:s5+$0x0];
	v15 =	vmul.f32 v15, v2;
	v13 =	vmul.f32 v13, v2;
	[tilespmem:s12+$0xFFFFFFC0] =	vst v9  }
0x90: {  	v9 =	vld.idx.msk [tilespmem:v12+s17+$0x0], $0xffff;
	[tilespmem:s12+$0xFFFFFFD0] =	vst v14;
	v12 =	vshll.u32 v17, $0x10;
	v14 =	vand.u32 $0xFFFF0000, v17  }
0x91: {  	v17 =	vld [tilespmem:s5+$0xFFFFFF80];
	[tilespmem:s12+$0xFFFFFF40] =	vst v15;
	v12 =	vmul.f32 v12, v1;
	v14 =	vmul.f32 v14, v1  }
0x92: {  	v15 =	vld [tilespmem:s5+$0xFFFFFFC0];
	[tilespmem:s12+$0xFFFFFF50] =	vst v13  }
0x93: {  	v13 =	vld [tilespmem:s5+$0x40];
	v18 =	vshll.u32 v16, $0x10;
	v16 =	vand.u32 $0xFFFF0000, v16;
	[tilespmem:s12+$0xC0] =	vst v12  }
0x94: {  	v12 =	vld [tilespmem:s31+$0xFFFFFFF0];
	v18 =	vmul.f32 v18, v4;
	v20 =	vmul.f32 v16, v4;
	[tilespmem:s12+$0xD0] =	vst v14  }
0x95: {  	v14 =	vshll.u32 v8, $0x10;
	v16 =	vld [tilespmem:s31+$0xFFFFFFB0];
	[tilespmem:s11+$0xE0] =	vst v7  }
0x96: {  	v8 =	vand.u32 $0xFFFF0000, v8;
	v14 =	vmul.f32 v14, v9;
	v4 =	vmovc v9;
	v7 =	vshll.u32 v17, $0x10;
	[tilespmem:s12+$0x70] =	vst v20;
	v19 =	vld [tilespmem:s31+$0x70];
	s31 =	smov.u32 s5  }
0x97: {  	v9 =	vand.u32 $0xFFFF0000, v17;
	v8 =	vmul.f32 v8, v4;
	s12 =	sadd.s32 $0x200, s12;
	v17 =	vshll.u32 v15, $0x10;
	[tilespmem:s13+$0x60] =	vst v18  }
0x98: {  	v15 =	vand.u32 $0xFFFF0000, v15;
	[tilespmem:s12+$0x0] =	vst v14;
	v14 =	vshll.u32 v13, $0x10;
	v13 =	vand.u32 $0xFFFF0000, v13  }
0x99: {  	v17 =	vmul.f32 v17, v11;
	v15 =	vmul.f32 v15, v11;
	[tilespmem:s12+$0x10] =	vst v8;
	v8 =	vshll.u32 v12, $0x10  }
0x9a: {  	v7 =	vmul.f32 v7, v10;
	v9 =	vmul.f32 v9, v10;
	v12 =	vand.u32 $0xFFFF0000, v12;
	v18 =	vld [tilespmem:s5+$0x10];
	[tilespmem:s11+$0xF0] =	vst v6;
	s11 =	smov.u32 s13;
	s13 =	smov.u32 s12  }
0x9b: {  	v13 =	vmul.f32 v13, v5;
	v6 =	vmul.f32 v14, v5;
	v14 =	vshll.u32 v16, $0x10;
	[tilespmem:s12+$0xFFFFFF80] =	vst v17  }
0x9c: {  	v17 =	vand.u32 $0xFFFF0000, v19;
	[tilespmem:s12+$0xFFFFFF90] =	vst v15;
	v15 =	vand.u32 $0xFFFF0000, v16;
	v16 =	vshll.u32 v19, $0x10  }
0x9d: {  	v20 =	vmul.f32 v8, v3;
	v12 =	vmul.f32 v12, v3;
	v3 =	vmov v11;
	[tilespmem:s12+$0xFFFFFF00] =	vst v7;
	v19 =	vld [tilespmem:s5+$0xFFFFFFD0]  }
0x9e: {  	v8 =	vmul.f32 v15, v2;
	[tilespmem:s12+$0xFFFFFF10] =	vst v9;
	v9 =	vmul.f32 v14, v2;
	v2 =	vmov v10  }
0x9f: {  	v7 =	vmul.f32 v16, v1;
	v11 =	vld [tilespmem:s5+$0xFFFFFF90];
	v10 =	vshll.u32 v18, $0x10;
	[tilespmem:s12+$0x80] =	vst v6;
	v6 =	vmul.f32 v17, v1;
	v1 =	vmovc v5  }
0xa0: {  	s29 =	sadd.s32 $0x3, s24;
	v5 =	vand.u32 $0xFFFF0000, v18;
	v10 =	vmul.f32 v10, v4;
	[tilespmem:s12+$0x90] =	vst v13  }
0xa1: {  	v15 =	vmov s29;
	v13 =	vmov s24;
	v5 =	vmul.f32 v5, v4;
	v14 =	vld [tilespmem:s5+$0x50];
	[tilespmem:s11+$0xFFFFFFE0] =	vst v20  }
0xa2: {  	s29 =	sadd.s32 $0x1, s24;
	v13 =	vand.u32 $0xFFFFFFFC, v13;
	v16 =	vshll.u32 v19, $0x10;
	v17 =	vand.u32 $0xFFFF0000, v19;
	[tilespmem:s12+$0x20] =	vst v10  }
0xa3: {  	v18 =	vmov s29;
	v16 =	vmul.f32 v16, v3;
	v17 =	vmul.f32 v17, v3;
	[tilespmem:s12+$0x30] =	vst v5  }
0xa4: {  	v10 =	vbroadcast v13, $0x0;
	v5 =	vshll.u32 v11, $0x10;
	v11 =	vand.u32 $0xFFFF0000, v11;
	v19 =	vld [tilespmem:s5+$0x20];
	[tilespmem:s11+$0xFFFFFFF0] =	vst v12  }
0xa5: {  	v12 =	vand.u32 $0xFFFFFFFD, v18;
	v5 =	vmul.f32 v5, v2;
	v13 =	vmul.f32 v11, v2;
	[tilespmem:s12+$0xFFFFFFA0] =	vst v16  }
.Ltmp3:
0xa6: {  	v11 =	vbroadcast v12, $0x0;
	[tilespmem:s12+$0xFFFFFFB0] =	vst v17;
	v12 =	vshll.u32 v14, $0x10;
	v16 =	vand.u32 $0xFFFF0000, v14;
	(pc) =	sbr.rel @p1 .LBB2_7-.Ltmp3, $4  }
0xa7: {  	s29 =	sadd.s32 $0x2, s24;
	[tilespmem:s12+$0xFFFFFF20] =	vst v5;
	v14 =	vld [tilespmem:s5+$0xFFFFFFE0];
	v5 =	vmul.f32 v12, v1;
	v17 =	vmul.f32 v16, v1  }
0xa8: {  	v12 =	vmov s29;
	[tilespmem:s12+$0xFFFFFF30] =	vst v13  }
0xa9: {  	v12 =	vand.u32 $0xFFFFFFFE, v12;
	v13 =	vld [tilespmem:s5+$0xFFFFFFA0];
	v18 =	vshll.u32 v19, $0x10;
	[tilespmem:s12+$0xA0] =	vst v5  }
0xaa: {  	s24 =	sadd.s32 $0x4, s24;
	v12 =	vbroadcast v12, $0x0;
	v16 =	vand.u32 $0xFFFF0000, v19;
	v5 =	vld.idx.msk [tilespmem:v15+s17+$0x0], $0xffff;
	v15 =	vmul.f32 v18, v4;
	[tilespmem:s12+$0xB0] =	vst v17  }
0xab: {  	v16 =	vmul.f32 v16, v4;
	[tilespmem:s11+$0xFFFFFF60] =	vst v9  }
0xac: {  	v17 =	vld [tilespmem:s5+$0x60];
	[tilespmem:s12+$0x40] =	vst v15  }
0xad: {  	v9 =	vshll.u32 v14, $0x10;
	[tilespmem:s12+$0x50] =	vst v16  }
0xae: {  	[tilespmem:s11+$0xFFFFFF70] =	vst v8;
	v14 =	vand.u32 $0xFFFF0000, v14;
	v9 =	vmul.f32 v9, v3;
	v16 =	vld [tilespmem:s31+$0x30]  }
0xaf: {  	s24 =	sadd.s32 $0x100, s5;
	[tilespmem:s11+$0xE0] =	vst v7;
	v14 =	vmul.f32 v14, v3;
	v15 =	vshll.u32 v13, $0x10  }
0xb0: {  	v8 =	vand.u32 $0xFFFF0000, v13;
	v13 =	vmul.f32 v15, v2;
	[tilespmem:s12+$0xFFFFFFC0] =	vst v9;
	v9 =	vld [tilespmem:s24+$0x0]  }
0xb1: {  	v12 =	vld.idx.msk [tilespmem:v12+s17+$0x0], $0xffff;
	v8 =	vmul.f32 v8, v2;
	[tilespmem:s12+$0xFFFFFFD0] =	vst v14;
	v14 =	vshll.u32 v17, $0x10  }
0xb2: {  	v15 =	vand.u32 $0xFFFF0000, v17;
	[tilespmem:s12+$0xFFFFFF40] =	vst v13;
	v13 =	vmul.f32 v14, v1  }
0xb3: {  	v14 =	vmul.f32 v15, v1;
	[tilespmem:s12+$0xFFFFFF50] =	vst v8;
	v8 =	vld [tilespmem:s24+$0xFFFFFFC0];
	v15 =	vand.u32 $0xFFFF0000, v16  }
0xb4: {  	v11 =	vld.idx.msk [tilespmem:v11+s17+$0x0], $0xffff;
	[tilespmem:s12+$0xC0] =	vst v13;
	v13 =	vshll.u32 v16, $0x10;
	v15 =	vmul.f32 v15, v4  }
0xb5: {  	[tilespmem:s12+$0xD0] =	vst v14;
	v14 =	vld [tilespmem:s24+$0xFFFFFF80];
	v4 =	vmul.f32 v13, v4;
	v13 =	vshll.u32 v9, $0x10  }
0xb6: {  	v7 =	vld.idx.msk [tilespmem:v10+s17+$0x0], $0xffff;
	v9 =	vand.u32 $0xFFFF0000, v9;
	v10 =	vmul.f32 v13, v12;
	[tilespmem:s12+$0x70] =	vst v15  }
0xb7: {  	s2 =	sadd.s32 $0x200, s12;
	v13 =	vld [tilespmem:s24+$0x40];
	v9 =	vmul.f32 v9, v12;
	[tilespmem:s13+$0x60] =	vst v4  }
0xb8: {  	v4 =	vshll.u32 v8, $0x10;
	[tilespmem:s2+$0x0] =	vst v10  }
0xb9: {  	v10 =	vld [tilespmem:s31+$0xFFFFFFF0];
	v8 =	vand.u32 $0xFFFF0000, v8;
	[tilespmem:s2+$0x10] =	vst v9;
	v4 =	vmul.f32 v4, v11  }
0xba: {  	[tilespmem:s11+$0xF0] =	vst v6;
	v9 =	vshll.u32 v14, $0x10;
	v8 =	vmul.f32 v8, v11;
	v15 =	vld [tilespmem:s24+$0x10]  }
0xbb: {  	v6 =	vand.u32 $0xFFFF0000, v14;
	v9 =	vmul.f32 v9, v7;
	[tilespmem:s2+$0xFFFFFF80] =	vst v4  }
0xbc: {  	v6 =	vmul.f32 v6, v7;
	v4 =	vshll.u32 v13, $0x10;
	[tilespmem:s2+$0xFFFFFF90] =	vst v8  }
0xbd: {  	v8 =	vand.u32 $0xFFFF0000, v13;
	v4 =	vmul.f32 v4, v5;
	[tilespmem:s2+$0xFFFFFF00] =	vst v9;
	v9 =	vld [tilespmem:s24+$0xFFFFFFD0]  }
0xbe: {  	v8 =	vmul.f32 v8, v5;
	[tilespmem:s2+$0xFFFFFF10] =	vst v6;
	v13 =	vshll.u32 v10, $0x10  }
0xbf: {  	v6 =	vmul.f32 v13, v3;
	v13 =	vld [tilespmem:s24+$0xFFFFFF90];
	v14 =	vshll.u32 v15, $0x10;
	[tilespmem:s2+$0x80] =	vst v4  }
0xc0: {  	v4 =	vand.u32 $0xFFFF0000, v15;
	[tilespmem:s2+$0x90] =	vst v8;
	v14 =	vmul.f32 v14, v12  }
0xc1: {  	v8 =	vand.u32 $0xFFFF0000, v10;
	v4 =	vmul.f32 v4, v12;
	v10 =	vld [tilespmem:s24+$0x50];
	[tilespmem:s13+$0xFFFFFFE0] =	vst v6  }
0xc2: {  	v3 =	vmul.f32 v8, v3;
	v6 =	vshll.u32 v9, $0x10;
	[tilespmem:s2+$0x20] =	vst v14  }
0xc3: {  	v8 =	vld [tilespmem:s31+$0xFFFFFFB0];
	v9 =	vand.u32 $0xFFFF0000, v9;
	[tilespmem:s2+$0x30] =	vst v4;
	v6 =	vmul.f32 v6, v11  }
0xc4: {  	[tilespmem:s13+$0xFFFFFFF0] =	vst v3;
	v4 =	vmul.f32 v9, v11;
	v14 =	vld [tilespmem:s24+$0x20];
	v9 =	vshll.u32 v13, $0x10  }
0xc5: {  	v3 =	vand.u32 $0xFFFF0000, v13;
	v9 =	vmul.f32 v9, v7;
	[tilespmem:s2+$0xFFFFFFA0] =	vst v6  }
0xc6: {  	v3 =	vmul.f32 v3, v7;
	[tilespmem:s2+$0xFFFFFFB0] =	vst v4;
	v4 =	vshll.u32 v10, $0x10  }
0xc7: {  	v6 =	vand.u32 $0xFFFF0000, v10;
	v4 =	vmul.f32 v4, v5;
	[tilespmem:s2+$0xFFFFFF20] =	vst v9;
	v9 =	vld [tilespmem:s24+$0xFFFFFFE0]  }
0xc8: {  	v10 =	vshll.u32 v8, $0x10;
	v6 =	vmul.f32 v6, v5;
	[tilespmem:s2+$0xFFFFFF30] =	vst v3  }
0xc9: {  	v3 =	vmul.f32 v10, v2;
	v10 =	vld [tilespmem:s24+$0xFFFFFFA0];
	v13 =	vshll.u32 v14, $0x10;
	[tilespmem:s2+$0xA0] =	vst v4  }
0xca: {  	v4 =	vand.u32 $0xFFFF0000, v14;
	[tilespmem:s2+$0xB0] =	vst v6;
	v13 =	vmul.f32 v13, v12  }
0xcb: {  	v6 =	vand.u32 $0xFFFF0000, v8;
	v4 =	vmul.f32 v4, v12;
	v8 =	vld [tilespmem:s24+$0x60];
	[tilespmem:s13+$0xFFFFFF60] =	vst v3  }
0xcc: {  	v2 =	vmul.f32 v6, v2;
	[tilespmem:s2+$0x40] =	vst v13;
	v3 =	vshll.u32 v9, $0x10  }
0xcd: {  	v6 =	vld [tilespmem:s31+$0x70];
	[tilespmem:s2+$0x50] =	vst v4;
	v9 =	vand.u32 $0xFFFF0000, v9;
	v3 =	vmul.f32 v3, v11  }
0xce: {  	[tilespmem:s13+$0xFFFFFF70] =	vst v2;
	v13 =	vld [tilespmem:s24+$0x30];
	v4 =	vmul.f32 v9, v11;
	v9 =	vshll.u32 v10, $0x10  }
0xcf: {  	v2 =	vand.u32 $0xFFFF0000, v10;
	v9 =	vmul.f32 v9, v7;
	[tilespmem:s2+$0xFFFFFFC0] =	vst v3  }
0xd0: {  	v2 =	vmul.f32 v2, v7;
	[tilespmem:s2+$0xFFFFFFD0] =	vst v4;
	v3 =	vshll.u32 v8, $0x10  }
0xd1: {  	v4 =	vand.u32 $0xFFFF0000, v8;
	[tilespmem:s2+$0xFFFFFF40] =	vst v9;
	v3 =	vmul.f32 v3, v5;
	v8 =	vld [tilespmem:s24+$0xFFFFFFF0]  }
0xd2: {  	v9 =	vshll.u32 v6, $0x10;
	v4 =	vmul.f32 v4, v5;
	[tilespmem:s2+$0xFFFFFF50] =	vst v2  }
0xd3: {  	v2 =	vmul.f32 v9, v1;
	v9 =	vand.u32 $0xFFFF0000, v13;
	[tilespmem:s2+$0xC0] =	vst v3;
	v3 =	vld [tilespmem:s24+$0xFFFFFFB0]  }
0xd4: {  	v10 =	vshll.u32 v13, $0x10;
	v9 =	vmul.f32 v9, v12;
	[tilespmem:s2+$0xD0] =	vst v4  }
0xd5: {  	v4 =	vand.u32 $0xFFFF0000, v6;
	v6 =	vmul.f32 v10, v12;
	[tilespmem:s13+$0xE0] =	vst v2;
	v2 =	vld [tilespmem:s24+$0x70]  }
0xd6: {  	v1 =	vmul.f32 v4, v1;
	[tilespmem:s2+$0x70] =	vst v9;
	v4 =	vshll.u32 v8, $0x10  }
0xd7: {  	[tilespmem:s2+$0x60] =	vst v6;
	v6 =	vand.u32 $0xFFFF0000, v8;
	v4 =	vmul.f32 v4, v11  }
0xd8: {  	[tilespmem:s13+$0xF0] =	vst v1;
	v6 =	vmul.f32 v6, v11;
	v1 =	vshll.u32 v3, $0x10  }
0xd9: {  	v3 =	vand.u32 $0xFFFF0000, v3;
	v1 =	vmul.f32 v1, v7;
	[tilespmem:s2+$0xFFFFFFE0] =	vst v4  }
0xda: {  	v4 =	vshll.u32 v2, $0x10;
	v3 =	vmul.f32 v3, v7;
	[tilespmem:s2+$0xFFFFFFF0] =	vst v6  }
0xdb: {  	v2 =	vand.u32 $0xFFFF0000, v2;
	v4 =	vmul.f32 v4, v5;
	[tilespmem:s2+$0xFFFFFF60] =	vst v1  }
0xdc: {  	v1 =	vmul.f32 v2, v5;
	[tilespmem:s2+$0xFFFFFF70] =	vst v3  }
0xdd: {  	[tilespmem:s2+$0xE0] =	vst v4  }
0xde: {  	s13 =	sshll.u32 s0, $0x8;
	[tilespmem:s2+$0xF0] =	vst v1;
	s2 =	simm.s32 $0x100  }
0xdf: {  	[spmem:s16] =	stream.indirect.scatter.add.f32 [tilespmem:s14], [sflag:$0x9], $0x80, s2, s21, $0xb8;
	[tilespmem:$0x1BB80] =	vst v63  }
0xe0: {  	s11 =	sshrl.u32 s13, $0x3;
	_ =	swait.ge [sflag:s15], $0x4000  }
0xe1: {  	s5 =	sadd.s32 $0x20, s11;
	[sflag:s15] =	ssyncset.done $0x0  }
0xe2: {  	s13 =	simm.s32 $0x0;
	s22 =	sadd.s32 s7, s5;
	[sflag:s15] =	ssyncadd.s32 $0xFFFFC000  }
0xe3: {  	[tilespmem:s13], [sflag:$0x1] =	stream.linear.gather [hbm4b:s22+s13], $0x80, $0x38;
	[tilespmem:$0x1BB80] =	vst v63  }
0xe4: {  	s24 =	sadd.s32 s8, s5  }
0xe5: {  	[tilespmem:s2], [sflag:$0x3] =	stream.linear.gather [hbm4b:s24+s13], $0x80, $0x38;
	[tilespmem:$0x1BB80] =	vst v63  }
0xe6: {  	s5 =	sadd.s32 s9, s5  }
0xe7: {  	[tilespmem:s17], [sflag:$0x5] =	stream.linear.gather [hbm4b:s5+s13], $0x80, $0x38;
	[tilespmem:$0x1BB80] =	vst v63  }
0xe8: {  	_ =	swait.ge [sflag:s18], $0x80  }
0xe9: {  	[sflag:s18] =	ssyncset.done $0x0  }
0xea: {  	[sflag:s18] =	ssyncadd.s32 $0xFFFFFF80  }
0xeb: {  	_ =	swait.ge [sflag:s19], $0x80  }
0xec: {  	[sflag:s19] =	ssyncset.done $0x0  }
0xed: {  	s2 =	simm.s32 $0x2;
	[sflag:s19] =	ssyncadd.s32 $0xFFFFFF80  }
0xee: {  	v1 =	vmov s2;
	_ =	swait.ge [sflag:s20], $0x80  }
0xef: {  	v1 =	vand.u32 $0xFFFFFFFE, v1;
	[sflag:s20] =	ssyncset.done $0x0  }
0xf0: {  	s12 =	simm.s32 $0x1;
	s5 =	simm.s32 $0x300;
	v1 =	vbroadcast v1, $0x0;
	[sflag:s20] =	ssyncadd.s32 $0xFFFFFF80  }
0xf1: {  	[tilespmem:s5], [sflag:$0x7] =	stream.indirect.gather [hbm4b:s4+s21], $0x40, s13, s21, $0xb8;
	[tilespmem:$0x1BB80] =	vst v63  }
0xf2: {  	v2 =	vmov s12;
	_ =	swait.ge [sflag:s6], $0x2000  }
0xf3: {  	v2 =	vand.u32 $0xFFFFFFFD, v2;
	[sflag:s6] =	ssyncset.done $0x0  }
0xf4: {  	v3 =	vmov s13;
	v2 =	vbroadcast v2, $0x0;
	s5 =	simm.s32 $0x2380;
	[sflag:s6] =	ssyncadd.s32 $0xFFFFE000  }
0xf5: {  	v3 =	vand.u32 $0xFFFFFFFC, v3;
	v4 =	vld [tilespmem:s5+$0x0]  }
0xf6: {  	v3 =	vbroadcast v3, $0x0;
	v8 =	vld.idx.msk [tilespmem:v1+s23+$0x0], $0xffff;
	_ =	sdelay $0x1  }
0xf7: {  	s24 =	simm.s32 $0x3  }
0xf8: {  	v1 =	vmov s24;
	v9 =	vld [tilespmem:s5+$0xFFFFFFC0]  }
0xf9: {  	v7 =	vld.idx.msk [tilespmem:v2+s23+$0x0], $0xffff;
	v2 =	vshll.u32 v4, $0x10  }
0xfa: {  	v10 =	vld [tilespmem:s5+$0xFFFFFF80];
	v4 =	vand.u32 $0xFFFF0000, v4;
	v2 =	vmul.f32 v2, v8  }
0xfb: {  	s13 =	simm.s32 $0x4400;
	v6 =	vld.idx.msk [tilespmem:v3+s23+$0x0], $0xffff;
	v3 =	vmul.f32 v4, v8  }
0xfc: {  	v4 =	vld [tilespmem:s5+$0x40];
	[tilespmem:s13+$0x0] =	vst v2  }
0xfd: {  	v5 =	vld.idx.msk [tilespmem:v1+s23+$0x0], $0xffff;
	v1 =	vshll.u32 v9, $0x10;
	[tilespmem:s13+$0x10] =	vst v3  }
0xfe: {  	v1 =	vmul.f32 v1, v7;
	v2 =	vand.u32 $0xFFFF0000, v9;
	v3 =	vld [tilespmem:s5+$0x10]  }
0xff: {  	v9 =	vshll.u32 v10, $0x10;
	v2 =	vmul.f32 v2, v7  }
0x100: {  	v10 =	vand.u32 $0xFFFF0000, v10;
	[tilespmem:s13+$0xFFFFFF80] =	vst v1;
	v9 =	vmul.f32 v9, v6  }
0x101: {  	v10 =	vmul.f32 v10, v6;
	v1 =	vshll.u32 v4, $0x10;
	[tilespmem:s13+$0xFFFFFF90] =	vst v2  }
0x102: {  	v2 =	vand.u32 $0xFFFF0000, v4;
	[tilespmem:s13+$0xFFFFFF00] =	vst v9;
	v1 =	vmul.f32 v1, v5;
	v4 =	vld [tilespmem:s5+$0xFFFFFFD0]  }
0x103: {  	[tilespmem:s13+$0xFFFFFF10] =	vst v10;
	v2 =	vmul.f32 v2, v5;
	v9 =	vshll.u32 v3, $0x10  }
0x104: {  	v10 =	vld [tilespmem:s5+$0xFFFFFF90];
	[tilespmem:s13+$0x80] =	vst v1;
	v1 =	vand.u32 $0xFFFF0000, v3;
	v3 =	vmul.f32 v9, v8  }
0x105: {  	[tilespmem:s13+$0x90] =	vst v2;
	v1 =	vmul.f32 v1, v8  }
0x106: {  	v2 =	vld [tilespmem:s5+$0x50];
	[tilespmem:s13+$0x20] =	vst v3  }
0x107: {  	v3 =	vshll.u32 v4, $0x10;
	[tilespmem:s13+$0x30] =	vst v1  }
0x108: {  	s24 =	simm.s32 $0x7;
	v1 =	vand.u32 $0xFFFF0000, v4;
	v3 =	vmul.f32 v3, v7;
	v4 =	vld [tilespmem:s5+$0x20]  }
0x109: {  	s2 =	simm.s32 $0x4;
	v12 =	vmov s24;
	v11 =	vshll.u32 v10, $0x10;
	v1 =	vmul.f32 v1, v7  }
0x10a: {  	v9 =	vmov s2;
	v10 =	vand.u32 $0xFFFF0000, v10;
	v11 =	vmul.f32 v11, v6;
	[tilespmem:s13+$0xFFFFFFA0] =	vst v3  }
0x10b: {  	s24 =	simm.s32 $0x6;
	v3 =	vand.u32 $0xFFFFFFFC, v9;
	v9 =	vmul.f32 v10, v6;
	[tilespmem:s13+$0xFFFFFFB0] =	vst v1;
	v1 =	vshll.u32 v2, $0x10  }
0x10c: {  	v2 =	vand.u32 $0xFFFF0000, v2;
	[tilespmem:s13+$0xFFFFFF20] =	vst v11;
	v11 =	vmov s24;
	v10 =	vld [tilespmem:s5+$0xFFFFFFE0];
	v1 =	vmul.f32 v1, v5  }
0x10d: {  	v2 =	vmul.f32 v2, v5;
	[tilespmem:s13+$0xFFFFFF30] =	vst v9;
	v9 =	vand.u32 $0xFFFFFFFE, v11;
	v11 =	vshll.u32 v4, $0x10  }
0x10e: {  	s2 =	simm.s32 $0x5;
	v13 =	vld [tilespmem:s5+$0xFFFFFFA0];
	[tilespmem:s13+$0xA0] =	vst v1;
	v9 =	vbroadcast v9, $0x0;
	v1 =	vand.u32 $0xFFFF0000, v4;
	v4 =	vmul.f32 v11, v8  }
0x10f: {  	v3 =	vbroadcast v3, $0x0;
	[tilespmem:s13+$0xB0] =	vst v2;
	v11 =	vmov s2;
	v2 =	vmul.f32 v1, v8  }
0x110: {  	s12 =	simm.s32 $0x2480;
	v1 =	vand.u32 $0xFFFFFFFD, v11;
	v11 =	vld [tilespmem:s5+$0x60];
	[tilespmem:s13+$0x40] =	vst v4  }
0x111: {  	v15 =	vld [tilespmem:s12+$0x0];
	v14 =	vbroadcast v1, $0x0;
	v4 =	vshll.u32 v10, $0x10;
	[tilespmem:s13+$0x50] =	vst v2  }
0x112: {  	v2 =	vand.u32 $0xFFFF0000, v10;
	v4 =	vmul.f32 v4, v7;
	v10 =	vld [tilespmem:s5+$0x30]  }
0x113: {  	v1 =	vld.idx.msk [tilespmem:v12+s23+$0x0], $0xffff;
	v12 =	vmul.f32 v2, v7;
	v2 =	vshll.u32 v13, $0x10  }
0x114: {  	v13 =	vand.u32 $0xFFFF0000, v13;
	v16 =	vmul.f32 v2, v6;
	[tilespmem:s13+$0xFFFFFFC0] =	vst v4;
	v4 =	vld.idx.msk [tilespmem:v9+s23+$0x0], $0xffff  }
0x115: {  	v2 =	vld.idx.msk [tilespmem:v3+s23+$0x0], $0xffff;
	v9 =	vmul.f32 v13, v6;
	[tilespmem:s13+$0xFFFFFFD0] =	vst v12;
	v3 =	vshll.u32 v11, $0x10  }
0x116: {  	v13 =	vld [tilespmem:s12+$0xFFFFFFC0];
	v11 =	vand.u32 $0xFFFF0000, v11;
	[tilespmem:s13+$0xFFFFFF40] =	vst v16;
	v12 =	vmul.f32 v3, v5  }
0x117: {  	v11 =	vmul.f32 v11, v5;
	[tilespmem:s13+$0xFFFFFF50] =	vst v9;
	v3 =	vld.idx.msk [tilespmem:v14+s23+$0x0], $0xffff;
	v9 =	vand.u32 $0xFFFF0000, v10  }
0x118: {  	v14 =	vld [tilespmem:s12+$0xFFFFFF80];
	v10 =	vshll.u32 v10, $0x10;
	[tilespmem:s13+$0xC0] =	vst v12;
	v9 =	vmul.f32 v9, v8  }
0x119: {  	v16 =	vld [tilespmem:s12+$0x40];
	v12 =	vshll.u32 v15, $0x10;
	[tilespmem:s13+$0xD0] =	vst v11;
	v8 =	vmul.f32 v10, v8  }
0x11a: {  	v11 =	vand.u32 $0xFFFF0000, v15;
	v15 =	vld [tilespmem:s5+$0xFFFFFFF0];
	v12 =	vmul.f32 v12, v4;
	[tilespmem:s13+$0x70] =	vst v9  }
0x11b: {  	s31 =	simm.s32 $0x4600;
	v10 =	vld [tilespmem:s5+$0xFFFFFFB0];
	v9 =	vmul.f32 v11, v4;
	v11 =	vshll.u32 v13, $0x10;
	[tilespmem:s13+$0x60] =	vst v8  }
0x11c: {  	v13 =	vand.u32 $0xFFFF0000, v13;
	[tilespmem:s31+$0x0] =	vst v12;
	v11 =	vmul.f32 v11, v3  }
0x11d: {  	v12 =	vld [tilespmem:s5+$0x70];
	[tilespmem:s31+$0x10] =	vst v9;
	v9 =	vshll.u32 v14, $0x10;
	v8 =	vmul.f32 v13, v3;
	v14 =	vand.u32 $0xFFFF0000, v14  }
0x11e: {  	v17 =	vshll.u32 v16, $0x10;
	v13 =	vld [tilespmem:s12+$0x10];
	v9 =	vmul.f32 v9, v2;
	v14 =	vmul.f32 v14, v2;
	[tilespmem:s31+$0xFFFFFF80] =	vst v11  }
0x11f: {  	v11 =	vand.u32 $0xFFFF0000, v16;
	v16 =	vshll.u32 v15, $0x10;
	[tilespmem:s31+$0xFFFFFF90] =	vst v8;
	v8 =	vand.u32 $0xFFFF0000, v15  }
0x120: {  	v15 =	vmul.f32 v17, v1;
	v11 =	vmul.f32 v11, v1;
	[tilespmem:s31+$0xFFFFFF00] =	vst v9;
	v17 =	vld [tilespmem:s12+$0xFFFFFFD0];
	v9 =	vshll.u32 v10, $0x10  }
0x121: {  	v10 =	vand.u32 $0xFFFF0000, v10;
	[tilespmem:s31+$0xFFFFFF10] =	vst v14;
	v14 =	vmul.f32 v16, v7;
	v16 =	vmul.f32 v8, v7  }
0x122: {  	v18 =	vshll.u32 v12, $0x10;
	v19 =	vld [tilespmem:s12+$0xFFFFFF90];
	[tilespmem:s31+$0x80] =	vst v15;
	v9 =	vmul.f32 v9, v6;
	v8 =	vmul.f32 v10, v6  }
0x123: {  	s24 =	simm.s32 $0x8;
	[tilespmem:s31+$0x90] =	vst v11;
	v11 =	vand.u32 $0xFFFF0000, v12;
	v7 =	vshll.u32 v13, $0x10;
	v13 =	vand.u32 $0xFFFF0000, v13  }
0x124: {  	[tilespmem:s13+$0xFFFFFFE0] =	vst v14;
	v12 =	vld [tilespmem:s12+$0x50];
	v6 =	vmul.f32 v11, v5;
	v11 =	vmov s24;
	v15 =	vmul.f32 v7, v4  }
0x125: {  	[tilespmem:s13+$0xFFFFFFF0] =	vst v16;
	v10 =	vmul.f32 v13, v4;
	v7 =	vmul.f32 v18, v5;
	v5 =	vshll.u32 v17, $0x10  }
0x126: {  	v11 =	vand.u32 $0xFFFFFFFC, v11;
	v13 =	vand.u32 $0xFFFF0000, v17;
	[tilespmem:s31+$0x20] =	vst v15;
	v5 =	vmul.f32 v5, v3  }
0x127: {  	s2 =	simm.s32 $0xB;
	[tilespmem:s31+$0x30] =	vst v10;
	v10 =	vmul.f32 v13, v3;
	v13 =	vshll.u32 v19, $0x10;
	v14 =	vand.u32 $0xFFFF0000, v19  }
0x128: {  	v15 =	vmov s2;
	s2 =	simm.s32 $0x9;
	v17 =	vld [tilespmem:s12+$0x20];
	v13 =	vmul.f32 v13, v2;
	v16 =	vmul.f32 v14, v2;
	[tilespmem:s31+$0xFFFFFFA0] =	vst v5  }
0x129: {  	v5 =	vmov s2;
	[tilespmem:s31+$0xFFFFFFB0] =	vst v10;
	v14 =	vshll.u32 v12, $0x10;
	v10 =	vbroadcast v11, $0x0  }
0x12a: {  	v11 =	vand.u32 $0xFFFF0000, v12;
	v12 =	vmul.f32 v14, v1;
	v5 =	vand.u32 $0xFFFFFFFD, v5  }
0x12b: {  	s24 =	simm.s32 $0xA;
	[tilespmem:s31+$0xFFFFFF20] =	vst v13;
	v14 =	vld [tilespmem:s12+$0xFFFFFFE0];
	v18 =	vmul.f32 v11, v1;
	v11 =	vbroadcast v5, $0x0  }
0x12c: {  	v13 =	vmov s24;
	[tilespmem:s31+$0xFFFFFF30] =	vst v16  }
0x12d: {  	s29 =	simm.s32 $0xC;
	v5 =	vand.u32 $0xFFFFFFFE, v13;
	v13 =	vld [tilespmem:s12+$0xFFFFFFA0];
	[tilespmem:s31+$0xA0] =	vst v12;
	v19 =	vshll.u32 v17, $0x10  }
0x12e: {  	s22 =	simm.s32 $0x100;
	s5 =	simm.s32 $0x4600;
	s24 =	simm.s32 $0x2480;
	v12 =	vbroadcast v5, $0x0;
	v5 =	vld.idx.msk [tilespmem:v15+s23+$0x0], $0xffff;
	[tilespmem:s31+$0xB0] =	vst v18;
	v16 =	vand.u32 $0xFFFF0000, v17;
	v15 =	vmul.f32 v19, v4  }
.LBB2_9:
0x12f: {  	p1 =	slt.u32 s29, $0x7C;
	v16 =	vmul.f32 v16, v4;
	v17 =	vld [tilespmem:s12+$0x60];
	[tilespmem:s13+$0xFFFFFF60] =	vst v9  }
0x130: {  	v10 =	vld.idx.msk [tilespmem:v10+s23+$0x0], $0xffff;
	v9 =	vshll.u32 v14, $0x10;
	v14 =	vand.u32 $0xFFFF0000, v14;
	[tilespmem:s31+$0x40] =	vst v15  }
0x131: {  	v11 =	vld.idx.msk [tilespmem:v11+s23+$0x0], $0xffff;
	v9 =	vmul.f32 v9, v3;
	v14 =	vmul.f32 v14, v3;
	[tilespmem:s31+$0x50] =	vst v16  }
0x132: {  	s12 =	sadd.s32 $0x100, s12;
	v15 =	vshll.u32 v13, $0x10;
	v13 =	vand.u32 $0xFFFF0000, v13;
	v16 =	vld [tilespmem:s24+$0x30];
	[tilespmem:s13+$0xFFFFFF70] =	vst v8  }
0x133: {  	v8 =	vld [tilespmem:s12+$0x0];
	v15 =	vmul.f32 v15, v2;
	v13 =	vmul.f32 v13, v2;
	[tilespmem:s31+$0xFFFFFFC0] =	vst v9  }
0x134: {  	v9 =	vld.idx.msk [tilespmem:v12+s23+$0x0], $0xffff;
	[tilespmem:s31+$0xFFFFFFD0] =	vst v14;
	v12 =	vshll.u32 v17, $0x10;
	v14 =	vand.u32 $0xFFFF0000, v17  }
0x135: {  	v17 =	vld [tilespmem:s12+$0xFFFFFF80];
	[tilespmem:s31+$0xFFFFFF40] =	vst v15;
	v12 =	vmul.f32 v12, v1;
	v14 =	vmul.f32 v14, v1  }
0x136: {  	v15 =	vld [tilespmem:s12+$0xFFFFFFC0];
	[tilespmem:s31+$0xFFFFFF50] =	vst v13  }
0x137: {  	v13 =	vld [tilespmem:s12+$0x40];
	v18 =	vshll.u32 v16, $0x10;
	v16 =	vand.u32 $0xFFFF0000, v16;
	[tilespmem:s31+$0xC0] =	vst v12  }
0x138: {  	v12 =	vld [tilespmem:s24+$0xFFFFFFF0];
	v18 =	vmul.f32 v18, v4;
	v20 =	vmul.f32 v16, v4;
	[tilespmem:s31+$0xD0] =	vst v14  }
0x139: {  	v14 =	vshll.u32 v8, $0x10;
	v16 =	vld [tilespmem:s24+$0xFFFFFFB0];
	[tilespmem:s13+$0xE0] =	vst v7  }
0x13a: {  	v8 =	vand.u32 $0xFFFF0000, v8;
	v14 =	vmul.f32 v14, v9;
	v4 =	vmovc v9;
	v7 =	vshll.u32 v17, $0x10;
	[tilespmem:s31+$0x70] =	vst v20;
	v19 =	vld [tilespmem:s24+$0x70];
	s24 =	smov.u32 s12  }
0x13b: {  	v9 =	vand.u32 $0xFFFF0000, v17;
	v8 =	vmul.f32 v8, v4;
	s31 =	sadd.s32 $0x200, s31;
	v17 =	vshll.u32 v15, $0x10;
	[tilespmem:s5+$0x60] =	vst v18  }
0x13c: {  	v15 =	vand.u32 $0xFFFF0000, v15;
	[tilespmem:s31+$0x0] =	vst v14;
	v14 =	vshll.u32 v13, $0x10;
	v13 =	vand.u32 $0xFFFF0000, v13  }
0x13d: {  	v17 =	vmul.f32 v17, v11;
	v15 =	vmul.f32 v15, v11;
	[tilespmem:s31+$0x10] =	vst v8;
	v8 =	vshll.u32 v12, $0x10  }
0x13e: {  	v7 =	vmul.f32 v7, v10;
	v9 =	vmul.f32 v9, v10;
	v12 =	vand.u32 $0xFFFF0000, v12;
	v18 =	vld [tilespmem:s12+$0x10];
	[tilespmem:s13+$0xF0] =	vst v6;
	s13 =	smov.u32 s5;
	s5 =	smov.u32 s31  }
0x13f: {  	v13 =	vmul.f32 v13, v5;
	v6 =	vmul.f32 v14, v5;
	v14 =	vshll.u32 v16, $0x10;
	[tilespmem:s31+$0xFFFFFF80] =	vst v17  }
0x140: {  	v17 =	vand.u32 $0xFFFF0000, v19;
	[tilespmem:s31+$0xFFFFFF90] =	vst v15;
	v15 =	vand.u32 $0xFFFF0000, v16;
	v16 =	vshll.u32 v19, $0x10  }
0x141: {  	v20 =	vmul.f32 v8, v3;
	v12 =	vmul.f32 v12, v3;
	v3 =	vmov v11;
	[tilespmem:s31+$0xFFFFFF00] =	vst v7;
	v19 =	vld [tilespmem:s12+$0xFFFFFFD0]  }
0x142: {  	v8 =	vmul.f32 v15, v2;
	[tilespmem:s31+$0xFFFFFF10] =	vst v9;
	v9 =	vmul.f32 v14, v2;
	v2 =	vmov v10  }
0x143: {  	v7 =	vmul.f32 v16, v1;
	v11 =	vld [tilespmem:s12+$0xFFFFFF90];
	v10 =	vshll.u32 v18, $0x10;
	[tilespmem:s31+$0x80] =	vst v6;
	v6 =	vmul.f32 v17, v1;
	v1 =	vmovc v5  }
0x144: {  	s2 =	sadd.s32 $0x3, s29;
	v5 =	vand.u32 $0xFFFF0000, v18;
	v10 =	vmul.f32 v10, v4;
	[tilespmem:s31+$0x90] =	vst v13  }
0x145: {  	v15 =	vmov s2;
	v13 =	vmov s29;
	v5 =	vmul.f32 v5, v4;
	v14 =	vld [tilespmem:s12+$0x50];
	[tilespmem:s13+$0xFFFFFFE0] =	vst v20  }
0x146: {  	s2 =	sadd.s32 $0x1, s29;
	v13 =	vand.u32 $0xFFFFFFFC, v13;
	v16 =	vshll.u32 v19, $0x10;
	v17 =	vand.u32 $0xFFFF0000, v19;
	[tilespmem:s31+$0x20] =	vst v10  }
0x147: {  	v18 =	vmov s2;
	v16 =	vmul.f32 v16, v3;
	v17 =	vmul.f32 v17, v3;
	[tilespmem:s31+$0x30] =	vst v5  }
0x148: {  	v10 =	vbroadcast v13, $0x0;
	v5 =	vshll.u32 v11, $0x10;
	v11 =	vand.u32 $0xFFFF0000, v11;
	v19 =	vld [tilespmem:s12+$0x20];
	[tilespmem:s13+$0xFFFFFFF0] =	vst v12  }
0x149: {  	v12 =	vand.u32 $0xFFFFFFFD, v18;
	v5 =	vmul.f32 v5, v2;
	v13 =	vmul.f32 v11, v2;
	[tilespmem:s31+$0xFFFFFFA0] =	vst v16  }
.Ltmp4:
0x14a: {  	v11 =	vbroadcast v12, $0x0;
	[tilespmem:s31+$0xFFFFFFB0] =	vst v17;
	v12 =	vshll.u32 v14, $0x10;
	v16 =	vand.u32 $0xFFFF0000, v14;
	(pc) =	sbr.rel @p1 .LBB2_9-.Ltmp4, $4  }
0x14b: {  	s2 =	sadd.s32 $0x2, s29;
	[tilespmem:s31+$0xFFFFFF20] =	vst v5;
	v14 =	vld [tilespmem:s12+$0xFFFFFFE0];
	v5 =	vmul.f32 v12, v1;
	v17 =	vmul.f32 v16, v1  }
0x14c: {  	v12 =	vmov s2;
	[tilespmem:s31+$0xFFFFFF30] =	vst v13  }
0x14d: {  	v12 =	vand.u32 $0xFFFFFFFE, v12;
	v13 =	vld [tilespmem:s12+$0xFFFFFFA0];
	v18 =	vshll.u32 v19, $0x10;
	[tilespmem:s31+$0xA0] =	vst v5  }
0x14e: {  	s29 =	sadd.s32 $0x4, s29;
	v12 =	vbroadcast v12, $0x0;
	v16 =	vand.u32 $0xFFFF0000, v19;
	v5 =	vld.idx.msk [tilespmem:v15+s23+$0x0], $0xffff;
	v15 =	vmul.f32 v18, v4;
	[tilespmem:s31+$0xB0] =	vst v17  }
0x14f: {  	_ =	sdelay $0x1  }
0x150: {  	[tilespmem:s13+$0xFFFFFF60] =	vst v9  }
0x151: {  	v17 =	vld [tilespmem:s12+$0x60];
	[tilespmem:s13+$0xFFFFFF70] =	vst v8  }
0x152: {  	v11 =	vld.idx.msk [tilespmem:v11+s23+$0x0], $0xffff;
	[tilespmem:s13+$0xE0] =	vst v7  }
0x153: {  	v16 =	vmul.f32 v16, v4;
	s2 =	sadd.s32 $0x100, s12;
	v20 =	vld.idx.msk [tilespmem:v10+s23+$0x0], $0xffff;
	[tilespmem:s13+$0xF0] =	vst v6;
	v50 =	vshll.u32 v14, $0x10  }
0x154: {  	[tilespmem:s31+$0x40] =	vst v15;
	v51 =	vand.u32 $0xFFFF0000, v14;
	v55 =	vld [tilespmem:s2+$0x0];
	v9 =	vmul.f32 v50, v3  }
0x155: {  	v12 =	vld.idx.msk [tilespmem:v12+s23+$0x0], $0xffff;
	[tilespmem:s31+$0x50] =	vst v16;
	v14 =	vmul.f32 v51, v3;
	v52 =	vshll.u32 v13, $0x10  }
0x156: {  	v60 =	vld [tilespmem:s2+$0xFFFFFFC0];
	v53 =	vand.u32 $0xFFFF0000, v13;
	v54 =	vmul.f32 v52, v2;
	[tilespmem:s31+$0xFFFFFFC0] =	vst v9  }
0x157: {  	v63 =	vld [tilespmem:s2+$0xFFFFFF80];
	v8 =	vmul.f32 v53, v2;
	[tilespmem:s31+$0xFFFFFFD0] =	vst v14;
	v56 =	vshll.u32 v17, $0x10  }
0x158: {  	v16 =	vld [tilespmem:s24+$0x30];
	v57 =	vand.u32 $0xFFFF0000, v17;
	[tilespmem:s31+$0xFFFFFF40] =	vst v54;
	v58 =	vmul.f32 v56, v1  }
0x159: {  	v59 =	vmul.f32 v57, v1;
	[tilespmem:s31+$0xFFFFFF50] =	vst v8;
	v19 =	vshll.u32 v55, $0x10  }
0x15a: {  	v9 =	vand.u32 $0xFFFF0000, v55;
	v21 =	vmul.f32 v19, v12;
	[tilespmem:s31+$0xC0] =	vst v58  }
0x15b: {  	s29 =	sadd.s32 $0x200, s31;
	v22 =	vld [tilespmem:s2+$0x40];
	v8 =	vand.u32 $0xFFFF0000, v60;
	v9 =	vmul.f32 v9, v12;
	[tilespmem:s31+$0xD0] =	vst v59  }
0x15c: {  	v27 =	vand.u32 $0xFFFF0000, v63;
	v8 =	vmul.f32 v8, v11;
	[tilespmem:s29+$0x0] =	vst v21  }
0x15d: {  	v6 =	vmul.f32 v27, v20;
	v61 =	vand.u32 $0xFFFF0000, v16;
	[tilespmem:s29+$0x10] =	vst v9  }
0x15e: {  	v24 =	vld [tilespmem:s24+$0xFFFFFFF0];
	v23 =	vshll.u32 v60, $0x10;
	v62 =	vshll.u32 v16, $0x10;
	v15 =	vmul.f32 v61, v4;
	[tilespmem:s29+$0xFFFFFF90] =	vst v8  }
0x15f: {  	v25 =	vshll.u32 v63, $0x10;
	v18 =	vmul.f32 v62, v4;
	v4 =	vmul.f32 v23, v11;
	[tilespmem:s29+$0xFFFFFF10] =	vst v6  }
0x160: {  	v29 =	vand.u32 $0xFFFF0000, v22;
	v9 =	vmul.f32 v25, v20;
	v26 =	vld [tilespmem:s2+$0x10];
	[tilespmem:s31+$0x70] =	vst v15  }
0x161: {  	v8 =	vmul.f32 v29, v5;
	[tilespmem:s29+$0xFFFFFF80] =	vst v4  }
0x162: {  	v28 =	vshll.u32 v22, $0x10;
	[tilespmem:s29+$0xFFFFFF00] =	vst v9;
	v30 =	vld [tilespmem:s2+$0xFFFFFFD0]  }
0x163: {  	v31 =	vshll.u32 v24, $0x10;
	v4 =	vmul.f32 v28, v5;
	[tilespmem:s29+$0x90] =	vst v8  }
0x164: {  	v36 =	vand.u32 $0xFFFF0000, v24;
	v32 =	vmul.f32 v31, v3;
	[tilespmem:s5+$0x60] =	vst v18;
	v33 =	vld [tilespmem:s2+$0xFFFFFF90]  }
0x165: {  	v3 =	vmul.f32 v36, v3;
	[tilespmem:s29+$0x80] =	vst v4;
	v34 =	vshll.u32 v26, $0x10  }
0x166: {  	[tilespmem:s5+$0xFFFFFFE0] =	vst v32;
	v37 =	vld [tilespmem:s2+$0x50];
	v35 =	vand.u32 $0xFFFF0000, v26;
	v14 =	vmul.f32 v34, v12  }
0x167: {  	[tilespmem:s5+$0xFFFFFFF0] =	vst v3;
	v4 =	vmul.f32 v35, v12;
	v38 =	vshll.u32 v30, $0x10  }
0x168: {  	v39 =	vld [tilespmem:s24+$0xFFFFFFB0];
	v9 =	vand.u32 $0xFFFF0000, v30;
	[tilespmem:s29+$0x20] =	vst v14;
	v6 =	vmul.f32 v38, v11  }
0x169: {  	v41 =	vshll.u32 v33, $0x10;
	[tilespmem:s29+$0x30] =	vst v4;
	v40 =	vmul.f32 v9, v11  }
0x16a: {  	v3 =	vand.u32 $0xFFFF0000, v33;
	v9 =	vmul.f32 v41, v20;
	v14 =	vld [tilespmem:s2+$0x20];
	[tilespmem:s29+$0xFFFFFFA0] =	vst v6  }
0x16b: {  	v3 =	vmul.f32 v3, v20;
	v42 =	vshll.u32 v37, $0x10;
	[tilespmem:s29+$0xFFFFFFB0] =	vst v40  }
0x16c: {  	v43 =	vand.u32 $0xFFFF0000, v37;
	[tilespmem:s29+$0xFFFFFF20] =	vst v9;
	v4 =	vmul.f32 v42, v5;
	v44 =	vld [tilespmem:s2+$0xFFFFFFE0]  }
0x16d: {  	v45 =	vshll.u32 v39, $0x10;
	v6 =	vmul.f32 v43, v5;
	[tilespmem:s29+$0xFFFFFF30] =	vst v3  }
0x16e: {  	v49 =	vand.u32 $0xFFFF0000, v39;
	v3 =	vmul.f32 v45, v2;
	v46 =	vld [tilespmem:s2+$0xFFFFFFA0];
	[tilespmem:s29+$0xA0] =	vst v4  }
0x16f: {  	v2 =	vmul.f32 v49, v2;
	[tilespmem:s29+$0xB0] =	vst v6;
	v47 =	vshll.u32 v14, $0x10  }
0x170: {  	[tilespmem:s5+$0xFFFFFF60] =	vst v3;
	v50 =	vld [tilespmem:s2+$0x60];
	v48 =	vand.u32 $0xFFFF0000, v14;
	v13 =	vmul.f32 v47, v12  }
0x171: {  	[tilespmem:s5+$0xFFFFFF70] =	vst v2;
	v4 =	vmul.f32 v48, v12;
	v3 =	vshll.u32 v44, $0x10  }
0x172: {  	v51 =	vld [tilespmem:s24+$0x70];
	v9 =	vand.u32 $0xFFFF0000, v44;
	[tilespmem:s29+$0x40] =	vst v13;
	v3 =	vmul.f32 v3, v11  }
0x173: {  	v53 =	vshll.u32 v46, $0x10;
	[tilespmem:s29+$0x50] =	vst v4;
	v52 =	vmul.f32 v9, v11  }
0x174: {  	v2 =	vand.u32 $0xFFFF0000, v46;
	v9 =	vmul.f32 v53, v20;
	v13 =	vld [tilespmem:s2+$0x30];
	[tilespmem:s29+$0xFFFFFFC0] =	vst v3  }
0x175: {  	v2 =	vmul.f32 v2, v20;
	[tilespmem:s29+$0xFFFFFFD0] =	vst v52;
	v3 =	vshll.u32 v50, $0x10  }
0x176: {  	v54 =	vand.u32 $0xFFFF0000, v50;
	[tilespmem:s29+$0xFFFFFF40] =	vst v9;
	v3 =	vmul.f32 v3, v5;
	v55 =	vld [tilespmem:s2+$0xFFFFFFF0]  }
0x177: {  	v56 =	vshll.u32 v51, $0x10;
	v4 =	vmul.f32 v54, v5;
	[tilespmem:s29+$0xFFFFFF50] =	vst v2  }
0x178: {  	v59 =	vand.u32 $0xFFFF0000, v51;
	v2 =	vmul.f32 v56, v1;
	[tilespmem:s29+$0xC0] =	vst v3;
	v3 =	vld [tilespmem:s2+$0xFFFFFFB0]  }
0x179: {  	v1 =	vmul.f32 v59, v1;
	[tilespmem:s29+$0xD0] =	vst v4;
	v57 =	vand.u32 $0xFFFF0000, v13  }
0x17a: {  	[tilespmem:s5+$0xE0] =	vst v2;
	v58 =	vshll.u32 v13, $0x10;
	v2 =	vld [tilespmem:s2+$0x70];
	v9 =	vmul.f32 v57, v12  }
0x17b: {  	[tilespmem:s5+$0xF0] =	vst v1;
	v60 =	vmul.f32 v58, v12;
	v61 =	vshll.u32 v55, $0x10  }
0x17c: {  	v62 =	vand.u32 $0xFFFF0000, v55;
	[tilespmem:s29+$0x70] =	vst v9;
	v4 =	vmul.f32 v61, v11  }
0x17d: {  	[tilespmem:s29+$0x60] =	vst v60;
	v6 =	vmul.f32 v62, v11;
	v1 =	vshll.u32 v3, $0x10  }
0x17e: {  	v3 =	vand.u32 $0xFFFF0000, v3;
	v1 =	vmul.f32 v1, v20;
	[tilespmem:s29+$0xFFFFFFE0] =	vst v4  }
0x17f: {  	v63 =	vshll.u32 v2, $0x10;
	v3 =	vmul.f32 v3, v20;
	[tilespmem:s29+$0xFFFFFFF0] =	vst v6  }
0x180: {  	v2 =	vand.u32 $0xFFFF0000, v2;
	v4 =	vmul.f32 v63, v5;
	[tilespmem:s29+$0xFFFFFF60] =	vst v1  }
0x181: {  	v1 =	vmul.f32 v2, v5;
	[tilespmem:s29+$0xFFFFFF70] =	vst v3  }
0x182: {  	[tilespmem:s29+$0xE0] =	vst v4  }
0x183: {  	s13 =	simm.s32 $0x180;
	[tilespmem:s29+$0xF0] =	vst v1  }
0x184: {  	[spmem:s16] =	stream.indirect.scatter.add.f32 [tilespmem:s14], [sflag:$0x9], $0x80, s13, s21, $0xb8;
	[tilespmem:$0x1BB80] =	vst v63  }
0x185: {  	_ =	swait.ge [sflag:s15], $0x4000  }
0x186: {  	s0 =	sadd.s32 $0x1, s0;
	s2 =	sadd.s32 $0x30, s11;
	[sflag:s15] =	ssyncset.done $0x0  }
0x187: {  	p1 =	sne.s32 s0, $0x27;
	s29 =	sadd.s32 s7, s2;
	[sflag:s15] =	ssyncadd.s32 $0xFFFFC000  }
0x188: {  	[tilespmem:s21], [sflag:$0x2] =	stream.linear.gather [hbm4b:s29+s3], $0x80, $0x38;
	[tilespmem:$0x1BB80] =	vst v63  }
.Ltmp5:
0x189: {  	_ = 	snop;
	(pc) =	sbr.rel @p1 .LBB2_6-.Ltmp5, $4  }
0x18a: {  	s31 =	sadd.s32 s8, s2  }
0x18b: {  	[tilespmem:s13], [sflag:$0x4] =	stream.linear.gather [hbm4b:s31+s3], $0x80, $0x38;
	[tilespmem:$0x1BB80] =	vst v63  }
0x18c: {  	s24 =	simm.s32 $0x180;
	s2 =	sadd.s32 s9, s2  }
0x18d: {  	[tilespmem:s23], [sflag:$0x6] =	stream.linear.gather [hbm4b:s2+s3], $0x80, $0x38;
	[tilespmem:$0x1BB80] =	vst v63  }
0x18e: {  	_ =	swait.ge [sflag:s25], $0x80  }
0x18f: {  	[sflag:s25] =	ssyncset.done $0x0  }
0x190: {  	[sflag:s25] =	ssyncadd.s32 $0xFFFFFF80  }
0x191: {  	_ =	swait.ge [sflag:s26], $0x80  }
0x192: {  	[sflag:s26] =	ssyncset.done $0x0  }
0x193: {  	s0 =	simm.s32 $0x2;
	[sflag:s26] =	ssyncadd.s32 $0xFFFFFF80  }
0x194: {  	v1 =	vmov s0;
	_ =	swait.ge [sflag:s28], $0x80  }
0x195: {  	v1 =	vand.u32 $0xFFFFFFFE, v1;
	[sflag:s28] =	ssyncset.done $0x0  }
0x196: {  	s13 =	simm.s32 $0x2300;
	s29 =	simm.s32 $0x1;
	v1 =	vbroadcast v1, $0x0;
	[sflag:s28] =	ssyncadd.s32 $0xFFFFFF80  }
0x197: {  	[tilespmem:s13], [sflag:$0x8] =	stream.indirect.gather [hbm4b:s4+s21], $0x40, s21, s21, $0xb8;
	[tilespmem:$0x1BB80] =	vst v63  }
0x198: {  	v2 =	vmov s29;
	_ =	swait.ge [sflag:s30], $0x2000  }
0x199: {  	s31 =	simm.s32 $0x0;
	v2 =	vand.u32 $0xFFFFFFFD, v2;
	[sflag:s30] =	ssyncset.done $0x0  }
0x19a: {  	s1 =	simm.s32 $0x380;
	v3 =	vmov s31;
	v2 =	vbroadcast v2, $0x0;
	[sflag:s30] =	ssyncadd.s32 $0xFFFFE000  }
0x19b: {  	v3 =	vand.u32 $0xFFFFFFFC, v3;
	v4 =	vld [tilespmem:s1+$0x0]  }
0x19c: {  	v3 =	vbroadcast v3, $0x0;
	v8 =	vld.idx.msk [tilespmem:v1+s17+$0x0], $0xffff;
	_ =	sdelay $0x1  }
0x19d: {  	s2 =	simm.s32 $0x3  }
0x19e: {  	v1 =	vmov s2;
	v9 =	vld [tilespmem:s1+$0xFFFFFFC0]  }
0x19f: {  	v7 =	vld.idx.msk [tilespmem:v2+s17+$0x0], $0xffff;
	v2 =	vshll.u32 v4, $0x10  }
0x1a0: {  	v10 =	vld [tilespmem:s1+$0xFFFFFF80];
	v4 =	vand.u32 $0xFFFF0000, v4;
	v2 =	vmul.f32 v2, v8  }
0x1a1: {  	s0 =	simm.s32 $0x4400;
	v6 =	vld.idx.msk [tilespmem:v3+s17+$0x0], $0xffff;
	v3 =	vmul.f32 v4, v8  }
0x1a2: {  	v4 =	vld [tilespmem:s1+$0x40];
	[tilespmem:s0+$0x0] =	vst v2  }
0x1a3: {  	v5 =	vld.idx.msk [tilespmem:v1+s17+$0x0], $0xffff;
	v1 =	vshll.u32 v9, $0x10;
	[tilespmem:s0+$0x10] =	vst v3  }
0x1a4: {  	v1 =	vmul.f32 v1, v7;
	v2 =	vand.u32 $0xFFFF0000, v9;
	v3 =	vld [tilespmem:s1+$0x10]  }
0x1a5: {  	v9 =	vshll.u32 v10, $0x10;
	v2 =	vmul.f32 v2, v7  }
0x1a6: {  	v10 =	vand.u32 $0xFFFF0000, v10;
	[tilespmem:s0+$0xFFFFFF80] =	vst v1;
	v9 =	vmul.f32 v9, v6  }
0x1a7: {  	v10 =	vmul.f32 v10, v6;
	v1 =	vshll.u32 v4, $0x10;
	[tilespmem:s0+$0xFFFFFF90] =	vst v2  }
0x1a8: {  	v2 =	vand.u32 $0xFFFF0000, v4;
	[tilespmem:s0+$0xFFFFFF00] =	vst v9;
	v1 =	vmul.f32 v1, v5;
	v4 =	vld [tilespmem:s1+$0xFFFFFFD0]  }
0x1a9: {  	[tilespmem:s0+$0xFFFFFF10] =	vst v10;
	v2 =	vmul.f32 v2, v5;
	v9 =	vshll.u32 v3, $0x10  }
0x1aa: {  	v10 =	vld [tilespmem:s1+$0xFFFFFF90];
	[tilespmem:s0+$0x80] =	vst v1;
	v1 =	vand.u32 $0xFFFF0000, v3;
	v3 =	vmul.f32 v9, v8  }
0x1ab: {  	[tilespmem:s0+$0x90] =	vst v2;
	v1 =	vmul.f32 v1, v8  }
0x1ac: {  	v2 =	vld [tilespmem:s1+$0x50];
	[tilespmem:s0+$0x20] =	vst v3  }
0x1ad: {  	v3 =	vshll.u32 v4, $0x10;
	[tilespmem:s0+$0x30] =	vst v1  }
0x1ae: {  	s5 =	simm.s32 $0x7;
	v1 =	vand.u32 $0xFFFF0000, v4;
	v3 =	vmul.f32 v3, v7;
	v4 =	vld [tilespmem:s1+$0x20]  }
0x1af: {  	v12 =	vmov s5;
	s2 =	simm.s32 $0x4;
	v11 =	vshll.u32 v10, $0x10;
	v1 =	vmul.f32 v1, v7  }
0x1b0: {  	v9 =	vmov s2;
	v10 =	vand.u32 $0xFFFF0000, v10;
	v11 =	vmul.f32 v11, v6;
	[tilespmem:s0+$0xFFFFFFA0] =	vst v3  }
0x1b1: {  	s5 =	simm.s32 $0x6;
	v3 =	vand.u32 $0xFFFFFFFC, v9;
	v9 =	vmul.f32 v10, v6;
	[tilespmem:s0+$0xFFFFFFB0] =	vst v1;
	v1 =	vshll.u32 v2, $0x10  }
0x1b2: {  	v2 =	vand.u32 $0xFFFF0000, v2;
	[tilespmem:s0+$0xFFFFFF20] =	vst v11;
	v11 =	vmov s5;
	v10 =	vld [tilespmem:s1+$0xFFFFFFE0];
	v1 =	vmul.f32 v1, v5  }
0x1b3: {  	v2 =	vmul.f32 v2, v5;
	[tilespmem:s0+$0xFFFFFF30] =	vst v9;
	v9 =	vand.u32 $0xFFFFFFFE, v11;
	v11 =	vshll.u32 v4, $0x10  }
0x1b4: {  	s11 =	simm.s32 $0x5;
	v13 =	vld [tilespmem:s1+$0xFFFFFFA0];
	[tilespmem:s0+$0xA0] =	vst v1;
	v9 =	vbroadcast v9, $0x0;
	v1 =	vand.u32 $0xFFFF0000, v4;
	v4 =	vmul.f32 v11, v8  }
0x1b5: {  	v3 =	vbroadcast v3, $0x0;
	[tilespmem:s0+$0xB0] =	vst v2;
	v11 =	vmov s11;
	v2 =	vmul.f32 v1, v8  }
0x1b6: {  	s5 =	simm.s32 $0x480;
	v1 =	vand.u32 $0xFFFFFFFD, v11;
	v11 =	vld [tilespmem:s1+$0x60];
	[tilespmem:s0+$0x40] =	vst v4  }
0x1b7: {  	v15 =	vld [tilespmem:s5+$0x0];
	v14 =	vbroadcast v1, $0x0;
	v4 =	vshll.u32 v10, $0x10;
	[tilespmem:s0+$0x50] =	vst v2  }
0x1b8: {  	v2 =	vand.u32 $0xFFFF0000, v10;
	v4 =	vmul.f32 v4, v7;
	v10 =	vld [tilespmem:s1+$0x30]  }
0x1b9: {  	v1 =	vld.idx.msk [tilespmem:v12+s17+$0x0], $0xffff;
	v12 =	vmul.f32 v2, v7;
	v2 =	vshll.u32 v13, $0x10  }
0x1ba: {  	v13 =	vand.u32 $0xFFFF0000, v13;
	v16 =	vmul.f32 v2, v6;
	[tilespmem:s0+$0xFFFFFFC0] =	vst v4;
	v4 =	vld.idx.msk [tilespmem:v9+s17+$0x0], $0xffff  }
0x1bb: {  	v2 =	vld.idx.msk [tilespmem:v3+s17+$0x0], $0xffff;
	v9 =	vmul.f32 v13, v6;
	[tilespmem:s0+$0xFFFFFFD0] =	vst v12;
	v3 =	vshll.u32 v11, $0x10  }
0x1bc: {  	v13 =	vld [tilespmem:s5+$0xFFFFFFC0];
	v11 =	vand.u32 $0xFFFF0000, v11;
	[tilespmem:s0+$0xFFFFFF40] =	vst v16;
	v12 =	vmul.f32 v3, v5  }
0x1bd: {  	v11 =	vmul.f32 v11, v5;
	[tilespmem:s0+$0xFFFFFF50] =	vst v9;
	v3 =	vld.idx.msk [tilespmem:v14+s17+$0x0], $0xffff;
	v9 =	vand.u32 $0xFFFF0000, v10  }
0x1be: {  	v14 =	vld [tilespmem:s5+$0xFFFFFF80];
	v10 =	vshll.u32 v10, $0x10;
	[tilespmem:s0+$0xC0] =	vst v12;
	v9 =	vmul.f32 v9, v8  }
0x1bf: {  	v16 =	vld [tilespmem:s5+$0x40];
	v12 =	vshll.u32 v15, $0x10;
	[tilespmem:s0+$0xD0] =	vst v11;
	v8 =	vmul.f32 v10, v8  }
0x1c0: {  	v11 =	vand.u32 $0xFFFF0000, v15;
	v15 =	vld [tilespmem:s1+$0xFFFFFFF0];
	v12 =	vmul.f32 v12, v4;
	[tilespmem:s0+$0x70] =	vst v9  }
0x1c1: {  	s11 =	simm.s32 $0x4600;
	v10 =	vld [tilespmem:s1+$0xFFFFFFB0];
	v9 =	vmul.f32 v11, v4;
	v11 =	vshll.u32 v13, $0x10;
	[tilespmem:s0+$0x60] =	vst v8  }
0x1c2: {  	v13 =	vand.u32 $0xFFFF0000, v13;
	[tilespmem:s11+$0x0] =	vst v12;
	v11 =	vmul.f32 v11, v3  }
0x1c3: {  	v12 =	vld [tilespmem:s1+$0x70];
	[tilespmem:s11+$0x10] =	vst v9;
	v9 =	vshll.u32 v14, $0x10;
	v8 =	vmul.f32 v13, v3;
	v14 =	vand.u32 $0xFFFF0000, v14  }
0x1c4: {  	v17 =	vshll.u32 v16, $0x10;
	v13 =	vld [tilespmem:s5+$0x10];
	v9 =	vmul.f32 v9, v2;
	v14 =	vmul.f32 v14, v2;
	[tilespmem:s11+$0xFFFFFF80] =	vst v11  }
0x1c5: {  	v11 =	vand.u32 $0xFFFF0000, v16;
	v16 =	vshll.u32 v15, $0x10;
	[tilespmem:s11+$0xFFFFFF90] =	vst v8;
	v8 =	vand.u32 $0xFFFF0000, v15  }
0x1c6: {  	v15 =	vmul.f32 v17, v1;
	v11 =	vmul.f32 v11, v1;
	[tilespmem:s11+$0xFFFFFF00] =	vst v9;
	v17 =	vld [tilespmem:s5+$0xFFFFFFD0];
	v9 =	vshll.u32 v10, $0x10  }
0x1c7: {  	v10 =	vand.u32 $0xFFFF0000, v10;
	[tilespmem:s11+$0xFFFFFF10] =	vst v14;
	v14 =	vmul.f32 v16, v7;
	v16 =	vmul.f32 v8, v7  }
0x1c8: {  	v18 =	vshll.u32 v12, $0x10;
	v19 =	vld [tilespmem:s5+$0xFFFFFF90];
	[tilespmem:s11+$0x80] =	vst v15;
	v9 =	vmul.f32 v9, v6;
	v8 =	vmul.f32 v10, v6  }
0x1c9: {  	s12 =	simm.s32 $0x8;
	[tilespmem:s11+$0x90] =	vst v11;
	v11 =	vand.u32 $0xFFFF0000, v12;
	v7 =	vshll.u32 v13, $0x10;
	v13 =	vand.u32 $0xFFFF0000, v13  }
0x1ca: {  	[tilespmem:s0+$0xFFFFFFE0] =	vst v14;
	v12 =	vld [tilespmem:s5+$0x50];
	v6 =	vmul.f32 v11, v5;
	v11 =	vmov s12;
	v15 =	vmul.f32 v7, v4  }
0x1cb: {  	[tilespmem:s0+$0xFFFFFFF0] =	vst v16;
	v10 =	vmul.f32 v13, v4;
	v7 =	vmul.f32 v18, v5;
	v5 =	vshll.u32 v17, $0x10  }
0x1cc: {  	v11 =	vand.u32 $0xFFFFFFFC, v11;
	v13 =	vand.u32 $0xFFFF0000, v17;
	[tilespmem:s11+$0x20] =	vst v15;
	v5 =	vmul.f32 v5, v3  }
0x1cd: {  	s13 =	simm.s32 $0xB;
	[tilespmem:s11+$0x30] =	vst v10;
	v10 =	vmul.f32 v13, v3;
	v13 =	vshll.u32 v19, $0x10;
	v14 =	vand.u32 $0xFFFF0000, v19  }
0x1ce: {  	s29 =	simm.s32 $0x9;
	v15 =	vmov s13;
	v17 =	vld [tilespmem:s5+$0x20];
	v13 =	vmul.f32 v13, v2;
	v16 =	vmul.f32 v14, v2;
	[tilespmem:s11+$0xFFFFFFA0] =	vst v5  }
0x1cf: {  	v5 =	vmov s29;
	[tilespmem:s11+$0xFFFFFFB0] =	vst v10;
	v14 =	vshll.u32 v12, $0x10;
	v10 =	vbroadcast v11, $0x0  }
0x1d0: {  	v11 =	vand.u32 $0xFFFF0000, v12;
	v12 =	vmul.f32 v14, v1;
	v5 =	vand.u32 $0xFFFFFFFD, v5  }
0x1d1: {  	s31 =	simm.s32 $0xA;
	[tilespmem:s11+$0xFFFFFF20] =	vst v13;
	v14 =	vld [tilespmem:s5+$0xFFFFFFE0];
	v18 =	vmul.f32 v11, v1;
	v11 =	vbroadcast v5, $0x0  }
0x1d2: {  	v13 =	vmov s31;
	[tilespmem:s11+$0xFFFFFF30] =	vst v16  }
0x1d3: {  	v5 =	vand.u32 $0xFFFFFFFE, v13;
	v13 =	vld [tilespmem:s5+$0xFFFFFFA0];
	[tilespmem:s11+$0xA0] =	vst v12;
	v19 =	vshll.u32 v17, $0x10  }
0x1d4: {  	s1 =	simm.s32 $0x4600;
	s12 =	simm.s32 $0x480;
	s13 =	simm.s32 $0xC;
	v12 =	vbroadcast v5, $0x0;
	v5 =	vld.idx.msk [tilespmem:v15+s17+$0x0], $0xffff;
	[tilespmem:s11+$0xB0] =	vst v18;
	v16 =	vand.u32 $0xFFFF0000, v17;
	v15 =	vmul.f32 v19, v4  }
.LBB2_12:
0x1d5: {  	p1 =	slt.u32 s13, $0x7C;
	v16 =	vmul.f32 v16, v4;
	v17 =	vld [tilespmem:s5+$0x60];
	[tilespmem:s0+$0xFFFFFF60] =	vst v9  }
0x1d6: {  	v10 =	vld.idx.msk [tilespmem:v10+s17+$0x0], $0xffff;
	v9 =	vshll.u32 v14, $0x10;
	v14 =	vand.u32 $0xFFFF0000, v14;
	[tilespmem:s11+$0x40] =	vst v15  }
0x1d7: {  	v11 =	vld.idx.msk [tilespmem:v11+s17+$0x0], $0xffff;
	v9 =	vmul.f32 v9, v3;
	v14 =	vmul.f32 v14, v3;
	[tilespmem:s11+$0x50] =	vst v16  }
0x1d8: {  	s5 =	sadd.s32 $0x100, s5;
	v15 =	vshll.u32 v13, $0x10;
	v13 =	vand.u32 $0xFFFF0000, v13;
	v16 =	vld [tilespmem:s12+$0x30];
	[tilespmem:s0+$0xFFFFFF70] =	vst v8  }
0x1d9: {  	v8 =	vld [tilespmem:s5+$0x0];
	v15 =	vmul.f32 v15, v2;
	v13 =	vmul.f32 v13, v2;
	[tilespmem:s11+$0xFFFFFFC0] =	vst v9  }
0x1da: {  	v9 =	vld.idx.msk [tilespmem:v12+s17+$0x0], $0xffff;
	[tilespmem:s11+$0xFFFFFFD0] =	vst v14;
	v12 =	vshll.u32 v17, $0x10;
	v14 =	vand.u32 $0xFFFF0000, v17  }
0x1db: {  	v17 =	vld [tilespmem:s5+$0xFFFFFF80];
	[tilespmem:s11+$0xFFFFFF40] =	vst v15;
	v12 =	vmul.f32 v12, v1;
	v14 =	vmul.f32 v14, v1  }
0x1dc: {  	v15 =	vld [tilespmem:s5+$0xFFFFFFC0];
	[tilespmem:s11+$0xFFFFFF50] =	vst v13  }
0x1dd: {  	v13 =	vld [tilespmem:s5+$0x40];
	v18 =	vshll.u32 v16, $0x10;
	v16 =	vand.u32 $0xFFFF0000, v16;
	[tilespmem:s11+$0xC0] =	vst v12  }
0x1de: {  	v12 =	vld [tilespmem:s12+$0xFFFFFFF0];
	v18 =	vmul.f32 v18, v4;
	v20 =	vmul.f32 v16, v4;
	[tilespmem:s11+$0xD0] =	vst v14  }
0x1df: {  	v14 =	vshll.u32 v8, $0x10;
	v16 =	vld [tilespmem:s12+$0xFFFFFFB0];
	[tilespmem:s0+$0xE0] =	vst v7  }
0x1e0: {  	v8 =	vand.u32 $0xFFFF0000, v8;
	v14 =	vmul.f32 v14, v9;
	v4 =	vmovc v9;
	v7 =	vshll.u32 v17, $0x10;
	[tilespmem:s11+$0x70] =	vst v20;
	v19 =	vld [tilespmem:s12+$0x70];
	s12 =	smov.u32 s5  }
0x1e1: {  	v9 =	vand.u32 $0xFFFF0000, v17;
	v8 =	vmul.f32 v8, v4;
	s11 =	sadd.s32 $0x200, s11;
	v17 =	vshll.u32 v15, $0x10;
	[tilespmem:s1+$0x60] =	vst v18  }
0x1e2: {  	v15 =	vand.u32 $0xFFFF0000, v15;
	[tilespmem:s11+$0x0] =	vst v14;
	v14 =	vshll.u32 v13, $0x10;
	v13 =	vand.u32 $0xFFFF0000, v13  }
0x1e3: {  	v17 =	vmul.f32 v17, v11;
	v15 =	vmul.f32 v15, v11;
	[tilespmem:s11+$0x10] =	vst v8;
	v8 =	vshll.u32 v12, $0x10  }
0x1e4: {  	v7 =	vmul.f32 v7, v10;
	v9 =	vmul.f32 v9, v10;
	v12 =	vand.u32 $0xFFFF0000, v12;
	v18 =	vld [tilespmem:s5+$0x10];
	[tilespmem:s0+$0xF0] =	vst v6;
	s0 =	smov.u32 s1;
	s1 =	smov.u32 s11  }
0x1e5: {  	v13 =	vmul.f32 v13, v5;
	v6 =	vmul.f32 v14, v5;
	v14 =	vshll.u32 v16, $0x10;
	[tilespmem:s11+$0xFFFFFF80] =	vst v17  }
0x1e6: {  	v17 =	vand.u32 $0xFFFF0000, v19;
	[tilespmem:s11+$0xFFFFFF90] =	vst v15;
	v15 =	vand.u32 $0xFFFF0000, v16;
	v16 =	vshll.u32 v19, $0x10  }
0x1e7: {  	v20 =	vmul.f32 v8, v3;
	v12 =	vmul.f32 v12, v3;
	v3 =	vmov v11;
	[tilespmem:s11+$0xFFFFFF00] =	vst v7;
	v19 =	vld [tilespmem:s5+$0xFFFFFFD0]  }
0x1e8: {  	v8 =	vmul.f32 v15, v2;
	[tilespmem:s11+$0xFFFFFF10] =	vst v9;
	v9 =	vmul.f32 v14, v2;
	v2 =	vmov v10  }
0x1e9: {  	v7 =	vmul.f32 v16, v1;
	v11 =	vld [tilespmem:s5+$0xFFFFFF90];
	v10 =	vshll.u32 v18, $0x10;
	[tilespmem:s11+$0x80] =	vst v6;
	v6 =	vmul.f32 v17, v1;
	v1 =	vmovc v5  }
0x1ea: {  	s2 =	sadd.s32 $0x3, s13;
	v5 =	vand.u32 $0xFFFF0000, v18;
	v10 =	vmul.f32 v10, v4;
	[tilespmem:s11+$0x90] =	vst v13  }
0x1eb: {  	v15 =	vmov s2;
	v13 =	vmov s13;
	v5 =	vmul.f32 v5, v4;
	v14 =	vld [tilespmem:s5+$0x50];
	[tilespmem:s0+$0xFFFFFFE0] =	vst v20  }
0x1ec: {  	s2 =	sadd.s32 $0x1, s13;
	v13 =	vand.u32 $0xFFFFFFFC, v13;
	v16 =	vshll.u32 v19, $0x10;
	v17 =	vand.u32 $0xFFFF0000, v19;
	[tilespmem:s11+$0x20] =	vst v10  }
0x1ed: {  	v18 =	vmov s2;
	v16 =	vmul.f32 v16, v3;
	v17 =	vmul.f32 v17, v3;
	[tilespmem:s11+$0x30] =	vst v5  }
0x1ee: {  	v10 =	vbroadcast v13, $0x0;
	v5 =	vshll.u32 v11, $0x10;
	v11 =	vand.u32 $0xFFFF0000, v11;
	v19 =	vld [tilespmem:s5+$0x20];
	[tilespmem:s0+$0xFFFFFFF0] =	vst v12  }
0x1ef: {  	v12 =	vand.u32 $0xFFFFFFFD, v18;
	v5 =	vmul.f32 v5, v2;
	v13 =	vmul.f32 v11, v2;
	[tilespmem:s11+$0xFFFFFFA0] =	vst v16  }
.Ltmp6:
0x1f0: {  	v11 =	vbroadcast v12, $0x0;
	[tilespmem:s11+$0xFFFFFFB0] =	vst v17;
	v12 =	vshll.u32 v14, $0x10;
	v16 =	vand.u32 $0xFFFF0000, v14;
	(pc) =	sbr.rel @p1 .LBB2_12-.Ltmp6, $4  }
0x1f1: {  	s2 =	sadd.s32 $0x2, s13;
	[tilespmem:s11+$0xFFFFFF20] =	vst v5;
	v14 =	vld [tilespmem:s5+$0xFFFFFFE0];
	v5 =	vmul.f32 v12, v1;
	v17 =	vmul.f32 v16, v1  }
0x1f2: {  	v12 =	vmov s2;
	[tilespmem:s11+$0xFFFFFF30] =	vst v13  }
0x1f3: {  	v12 =	vand.u32 $0xFFFFFFFE, v12;
	v13 =	vld [tilespmem:s5+$0xFFFFFFA0];
	v18 =	vshll.u32 v19, $0x10;
	[tilespmem:s11+$0xA0] =	vst v5  }
0x1f4: {  	s13 =	sadd.s32 $0x4, s13;
	v12 =	vbroadcast v12, $0x0;
	v16 =	vand.u32 $0xFFFF0000, v19;
	v5 =	vld.idx.msk [tilespmem:v15+s17+$0x0], $0xffff;
	v15 =	vmul.f32 v18, v4;
	[tilespmem:s11+$0xB0] =	vst v17  }
0x1f5: {  	v16 =	vmul.f32 v16, v4;
	[tilespmem:s0+$0xFFFFFF60] =	vst v9  }
0x1f6: {  	v17 =	vld [tilespmem:s5+$0x60];
	[tilespmem:s11+$0x40] =	vst v15  }
0x1f7: {  	v9 =	vshll.u32 v14, $0x10;
	[tilespmem:s11+$0x50] =	vst v16  }
0x1f8: {  	[tilespmem:s0+$0xFFFFFF70] =	vst v8;
	v14 =	vand.u32 $0xFFFF0000, v14;
	v9 =	vmul.f32 v9, v3;
	v16 =	vld [tilespmem:s12+$0x30]  }
0x1f9: {  	s31 =	sadd.s32 $0x100, s5;
	[tilespmem:s0+$0xE0] =	vst v7;
	v14 =	vmul.f32 v14, v3;
	v15 =	vshll.u32 v13, $0x10  }
0x1fa: {  	v8 =	vand.u32 $0xFFFF0000, v13;
	v13 =	vmul.f32 v15, v2;
	[tilespmem:s11+$0xFFFFFFC0] =	vst v9;
	v9 =	vld [tilespmem:s31+$0x0]  }
0x1fb: {  	v12 =	vld.idx.msk [tilespmem:v12+s17+$0x0], $0xffff;
	v8 =	vmul.f32 v8, v2;
	[tilespmem:s11+$0xFFFFFFD0] =	vst v14;
	v14 =	vshll.u32 v17, $0x10  }
0x1fc: {  	v15 =	vand.u32 $0xFFFF0000, v17;
	[tilespmem:s11+$0xFFFFFF40] =	vst v13;
	v13 =	vmul.f32 v14, v1  }
0x1fd: {  	v14 =	vmul.f32 v15, v1;
	[tilespmem:s11+$0xFFFFFF50] =	vst v8;
	v8 =	vld [tilespmem:s31+$0xFFFFFFC0];
	v15 =	vand.u32 $0xFFFF0000, v16  }
0x1fe: {  	v11 =	vld.idx.msk [tilespmem:v11+s17+$0x0], $0xffff;
	[tilespmem:s11+$0xC0] =	vst v13;
	v13 =	vshll.u32 v16, $0x10;
	v15 =	vmul.f32 v15, v4  }
0x1ff: {  	[tilespmem:s11+$0xD0] =	vst v14;
	v14 =	vld [tilespmem:s31+$0xFFFFFF80];
	v4 =	vmul.f32 v13, v4;
	v13 =	vshll.u32 v9, $0x10  }
0x200: {  	v7 =	vld.idx.msk [tilespmem:v10+s17+$0x0], $0xffff;
	v9 =	vand.u32 $0xFFFF0000, v9;
	v10 =	vmul.f32 v13, v12;
	[tilespmem:s11+$0x70] =	vst v15  }
0x201: {  	s2 =	sadd.s32 $0x200, s11;
	v13 =	vld [tilespmem:s31+$0x40];
	v9 =	vmul.f32 v9, v12;
	[tilespmem:s1+$0x60] =	vst v4  }
0x202: {  	v4 =	vshll.u32 v8, $0x10;
	[tilespmem:s2+$0x0] =	vst v10  }
0x203: {  	v10 =	vld [tilespmem:s12+$0xFFFFFFF0];
	v8 =	vand.u32 $0xFFFF0000, v8;
	[tilespmem:s2+$0x10] =	vst v9;
	v4 =	vmul.f32 v4, v11  }
0x204: {  	[tilespmem:s0+$0xF0] =	vst v6;
	v9 =	vshll.u32 v14, $0x10;
	v8 =	vmul.f32 v8, v11;
	v15 =	vld [tilespmem:s31+$0x10]  }
0x205: {  	v6 =	vand.u32 $0xFFFF0000, v14;
	v9 =	vmul.f32 v9, v7;
	[tilespmem:s2+$0xFFFFFF80] =	vst v4  }
0x206: {  	v6 =	vmul.f32 v6, v7;
	v4 =	vshll.u32 v13, $0x10;
	[tilespmem:s2+$0xFFFFFF90] =	vst v8  }
0x207: {  	v8 =	vand.u32 $0xFFFF0000, v13;
	v4 =	vmul.f32 v4, v5;
	[tilespmem:s2+$0xFFFFFF00] =	vst v9;
	v9 =	vld [tilespmem:s31+$0xFFFFFFD0]  }
0x208: {  	v8 =	vmul.f32 v8, v5;
	[tilespmem:s2+$0xFFFFFF10] =	vst v6;
	v13 =	vshll.u32 v10, $0x10  }
0x209: {  	v6 =	vmul.f32 v13, v3;
	v13 =	vld [tilespmem:s31+$0xFFFFFF90];
	v14 =	vshll.u32 v15, $0x10;
	[tilespmem:s2+$0x80] =	vst v4  }
0x20a: {  	v4 =	vand.u32 $0xFFFF0000, v15;
	[tilespmem:s2+$0x90] =	vst v8;
	v14 =	vmul.f32 v14, v12  }
0x20b: {  	v8 =	vand.u32 $0xFFFF0000, v10;
	v4 =	vmul.f32 v4, v12;
	v10 =	vld [tilespmem:s31+$0x50];
	[tilespmem:s1+$0xFFFFFFE0] =	vst v6  }
0x20c: {  	v3 =	vmul.f32 v8, v3;
	v6 =	vshll.u32 v9, $0x10;
	[tilespmem:s2+$0x20] =	vst v14  }
0x20d: {  	v8 =	vld [tilespmem:s12+$0xFFFFFFB0];
	v9 =	vand.u32 $0xFFFF0000, v9;
	[tilespmem:s2+$0x30] =	vst v4;
	v6 =	vmul.f32 v6, v11  }
0x20e: {  	[tilespmem:s1+$0xFFFFFFF0] =	vst v3;
	v4 =	vmul.f32 v9, v11;
	v14 =	vld [tilespmem:s31+$0x20];
	v9 =	vshll.u32 v13, $0x10  }
0x20f: {  	v3 =	vand.u32 $0xFFFF0000, v13;
	v9 =	vmul.f32 v9, v7;
	[tilespmem:s2+$0xFFFFFFA0] =	vst v6  }
0x210: {  	v3 =	vmul.f32 v3, v7;
	[tilespmem:s2+$0xFFFFFFB0] =	vst v4;
	v4 =	vshll.u32 v10, $0x10  }
0x211: {  	v6 =	vand.u32 $0xFFFF0000, v10;
	v4 =	vmul.f32 v4, v5;
	[tilespmem:s2+$0xFFFFFF20] =	vst v9;
	v9 =	vld [tilespmem:s31+$0xFFFFFFE0]  }
0x212: {  	v10 =	vshll.u32 v8, $0x10;
	v6 =	vmul.f32 v6, v5;
	[tilespmem:s2+$0xFFFFFF30] =	vst v3  }
0x213: {  	v3 =	vmul.f32 v10, v2;
	v10 =	vld [tilespmem:s31+$0xFFFFFFA0];
	v13 =	vshll.u32 v14, $0x10;
	[tilespmem:s2+$0xA0] =	vst v4  }
0x214: {  	v4 =	vand.u32 $0xFFFF0000, v14;
	[tilespmem:s2+$0xB0] =	vst v6;
	v13 =	vmul.f32 v13, v12  }
0x215: {  	v6 =	vand.u32 $0xFFFF0000, v8;
	v4 =	vmul.f32 v4, v12;
	v8 =	vld [tilespmem:s31+$0x60];
	[tilespmem:s1+$0xFFFFFF60] =	vst v3  }
0x216: {  	v2 =	vmul.f32 v6, v2;
	[tilespmem:s2+$0x40] =	vst v13;
	v3 =	vshll.u32 v9, $0x10  }
0x217: {  	v6 =	vld [tilespmem:s12+$0x70];
	[tilespmem:s2+$0x50] =	vst v4;
	v9 =	vand.u32 $0xFFFF0000, v9;
	v3 =	vmul.f32 v3, v11  }
0x218: {  	[tilespmem:s1+$0xFFFFFF70] =	vst v2;
	v13 =	vld [tilespmem:s31+$0x30];
	v4 =	vmul.f32 v9, v11;
	v9 =	vshll.u32 v10, $0x10  }
0x219: {  	v2 =	vand.u32 $0xFFFF0000, v10;
	v9 =	vmul.f32 v9, v7;
	[tilespmem:s2+$0xFFFFFFC0] =	vst v3  }
0x21a: {  	v2 =	vmul.f32 v2, v7;
	[tilespmem:s2+$0xFFFFFFD0] =	vst v4;
	v3 =	vshll.u32 v8, $0x10  }
0x21b: {  	v4 =	vand.u32 $0xFFFF0000, v8;
	[tilespmem:s2+$0xFFFFFF40] =	vst v9;
	v3 =	vmul.f32 v3, v5;
	v8 =	vld [tilespmem:s31+$0xFFFFFFF0]  }
0x21c: {  	v9 =	vshll.u32 v6, $0x10;
	v4 =	vmul.f32 v4, v5;
	[tilespmem:s2+$0xFFFFFF50] =	vst v2  }
0x21d: {  	v2 =	vmul.f32 v9, v1;
	v9 =	vand.u32 $0xFFFF0000, v13;
	[tilespmem:s2+$0xC0] =	vst v3;
	v3 =	vld [tilespmem:s31+$0xFFFFFFB0]  }
0x21e: {  	v10 =	vshll.u32 v13, $0x10;
	v9 =	vmul.f32 v9, v12;
	[tilespmem:s2+$0xD0] =	vst v4  }
0x21f: {  	v4 =	vand.u32 $0xFFFF0000, v6;
	v6 =	vmul.f32 v10, v12;
	[tilespmem:s1+$0xE0] =	vst v2;
	v2 =	vld [tilespmem:s31+$0x70]  }
0x220: {  	v1 =	vmul.f32 v4, v1;
	[tilespmem:s2+$0x70] =	vst v9;
	v4 =	vshll.u32 v8, $0x10  }
0x221: {  	[tilespmem:s2+$0x60] =	vst v6;
	v6 =	vand.u32 $0xFFFF0000, v8;
	v4 =	vmul.f32 v4, v11  }
0x222: {  	[tilespmem:s1+$0xF0] =	vst v1;
	v6 =	vmul.f32 v6, v11;
	v1 =	vshll.u32 v3, $0x10  }
0x223: {  	v3 =	vand.u32 $0xFFFF0000, v3;
	v1 =	vmul.f32 v1, v7;
	[tilespmem:s2+$0xFFFFFFE0] =	vst v4  }
0x224: {  	v4 =	vshll.u32 v2, $0x10;
	v3 =	vmul.f32 v3, v7;
	[tilespmem:s2+$0xFFFFFFF0] =	vst v6  }
0x225: {  	v2 =	vand.u32 $0xFFFF0000, v2;
	v4 =	vmul.f32 v4, v5;
	[tilespmem:s2+$0xFFFFFF60] =	vst v1  }
0x226: {  	v1 =	vmul.f32 v2, v5;
	[tilespmem:s2+$0xFFFFFF70] =	vst v3  }
0x227: {  	[tilespmem:s2+$0xE0] =	vst v4  }
0x228: {  	s5 =	simm.s32 $0x2;
	[tilespmem:s2+$0xF0] =	vst v1  }
0x229: {  	v1 =	vmov s5;
	[spmem:s16] =	stream.indirect.scatter.add.f32 [tilespmem:s14], [sflag:$0x9], $0x80, s22, s21, $0xb8;
	[tilespmem:$0x1BB80] =	vst v63  }
0x22a: {  	v1 =	vand.u32 $0xFFFFFFFE, v1;
	_ =	swait.ge [sflag:s15], $0x4000  }
0x22b: {  	v1 =	vbroadcast v1, $0x0;
	[sflag:s15] =	ssyncset.done $0x0  }
0x22c: {  	s11 =	simm.s32 $0x1;
	[sflag:s15] =	ssyncadd.s32 $0xFFFFC000  }
0x22d: {  	v2 =	vmov s11;
	_ =	swait.ge [sflag:s6], $0x2000  }
0x22e: {  	s12 =	simm.s32 $0x0;
	v2 =	vand.u32 $0xFFFFFFFD, v2;
	[sflag:s6] =	ssyncset.done $0x0  }
0x22f: {  	s13 =	simm.s32 $0x2380;
	v3 =	vmov s12;
	v2 =	vbroadcast v2, $0x0;
	[sflag:s6] =	ssyncadd.s32 $0xFFFFE000  }
0x230: {  	v3 =	vand.u32 $0xFFFFFFFC, v3;
	v4 =	vld [tilespmem:s13+$0x0]  }
0x231: {  	v3 =	vbroadcast v3, $0x0;
	v8 =	vld.idx.msk [tilespmem:v1+s23+$0x0], $0xffff;
	_ =	sdelay $0x1  }
0x232: {  	s29 =	simm.s32 $0x3  }
0x233: {  	v1 =	vmov s29;
	v9 =	vld [tilespmem:s13+$0xFFFFFFC0]  }
0x234: {  	v7 =	vld.idx.msk [tilespmem:v2+s23+$0x0], $0xffff;
	v2 =	vshll.u32 v4, $0x10  }
0x235: {  	v10 =	vld [tilespmem:s13+$0xFFFFFF80];
	v4 =	vand.u32 $0xFFFF0000, v4;
	v2 =	vmul.f32 v2, v8  }
0x236: {  	s0 =	simm.s32 $0x4400;
	v6 =	vld.idx.msk [tilespmem:v3+s23+$0x0], $0xffff;
	v3 =	vmul.f32 v4, v8  }
0x237: {  	v4 =	vld [tilespmem:s13+$0x40];
	[tilespmem:s0+$0x0] =	vst v2  }
0x238: {  	v5 =	vld.idx.msk [tilespmem:v1+s23+$0x0], $0xffff;
	v1 =	vshll.u32 v9, $0x10;
	[tilespmem:s0+$0x10] =	vst v3  }
0x239: {  	v1 =	vmul.f32 v1, v7;
	v2 =	vand.u32 $0xFFFF0000, v9;
	v3 =	vld [tilespmem:s13+$0x10]  }
0x23a: {  	v9 =	vshll.u32 v10, $0x10;
	v2 =	vmul.f32 v2, v7  }
0x23b: {  	v10 =	vand.u32 $0xFFFF0000, v10;
	[tilespmem:s0+$0xFFFFFF80] =	vst v1;
	v9 =	vmul.f32 v9, v6  }
0x23c: {  	v10 =	vmul.f32 v10, v6;
	v1 =	vshll.u32 v4, $0x10;
	[tilespmem:s0+$0xFFFFFF90] =	vst v2  }
0x23d: {  	v2 =	vand.u32 $0xFFFF0000, v4;
	[tilespmem:s0+$0xFFFFFF00] =	vst v9;
	v1 =	vmul.f32 v1, v5;
	v4 =	vld [tilespmem:s13+$0xFFFFFFD0]  }
0x23e: {  	[tilespmem:s0+$0xFFFFFF10] =	vst v10;
	v2 =	vmul.f32 v2, v5;
	v9 =	vshll.u32 v3, $0x10  }
0x23f: {  	v10 =	vld [tilespmem:s13+$0xFFFFFF90];
	[tilespmem:s0+$0x80] =	vst v1;
	v1 =	vand.u32 $0xFFFF0000, v3;
	v3 =	vmul.f32 v9, v8  }
0x240: {  	[tilespmem:s0+$0x90] =	vst v2;
	v1 =	vmul.f32 v1, v8  }
0x241: {  	v2 =	vld [tilespmem:s13+$0x50];
	[tilespmem:s0+$0x20] =	vst v3  }
0x242: {  	v3 =	vshll.u32 v4, $0x10;
	[tilespmem:s0+$0x30] =	vst v1  }
0x243: {  	s31 =	simm.s32 $0x7;
	v1 =	vand.u32 $0xFFFF0000, v4;
	v3 =	vmul.f32 v3, v7;
	v4 =	vld [tilespmem:s13+$0x20]  }
0x244: {  	v12 =	vmov s31;
	s2 =	simm.s32 $0x4;
	v11 =	vshll.u32 v10, $0x10;
	v1 =	vmul.f32 v1, v7  }
0x245: {  	v9 =	vmov s2;
	v10 =	vand.u32 $0xFFFF0000, v10;
	v11 =	vmul.f32 v11, v6;
	[tilespmem:s0+$0xFFFFFFA0] =	vst v3  }
0x246: {  	s5 =	simm.s32 $0x6;
	v3 =	vand.u32 $0xFFFFFFFC, v9;
	v9 =	vmul.f32 v10, v6;
	[tilespmem:s0+$0xFFFFFFB0] =	vst v1;
	v1 =	vshll.u32 v2, $0x10  }
0x247: {  	v2 =	vand.u32 $0xFFFF0000, v2;
	[tilespmem:s0+$0xFFFFFF20] =	vst v11;
	v11 =	vmov s5;
	v10 =	vld [tilespmem:s13+$0xFFFFFFE0];
	v1 =	vmul.f32 v1, v5  }
0x248: {  	v2 =	vmul.f32 v2, v5;
	[tilespmem:s0+$0xFFFFFF30] =	vst v9;
	v9 =	vand.u32 $0xFFFFFFFE, v11;
	v11 =	vshll.u32 v4, $0x10  }
0x249: {  	s11 =	simm.s32 $0x5;
	v13 =	vld [tilespmem:s13+$0xFFFFFFA0];
	[tilespmem:s0+$0xA0] =	vst v1;
	v9 =	vbroadcast v9, $0x0;
	v1 =	vand.u32 $0xFFFF0000, v4;
	v4 =	vmul.f32 v11, v8  }
0x24a: {  	v3 =	vbroadcast v3, $0x0;
	[tilespmem:s0+$0xB0] =	vst v2;
	v11 =	vmov s11;
	v2 =	vmul.f32 v1, v8  }
0x24b: {  	s5 =	simm.s32 $0x2480;
	v1 =	vand.u32 $0xFFFFFFFD, v11;
	v11 =	vld [tilespmem:s13+$0x60];
	[tilespmem:s0+$0x40] =	vst v4  }
0x24c: {  	v15 =	vld [tilespmem:s5+$0x0];
	v14 =	vbroadcast v1, $0x0;
	v4 =	vshll.u32 v10, $0x10;
	[tilespmem:s0+$0x50] =	vst v2  }
0x24d: {  	v2 =	vand.u32 $0xFFFF0000, v10;
	v4 =	vmul.f32 v4, v7;
	v10 =	vld [tilespmem:s13+$0x30]  }
0x24e: {  	v1 =	vld.idx.msk [tilespmem:v12+s23+$0x0], $0xffff;
	v12 =	vmul.f32 v2, v7;
	v2 =	vshll.u32 v13, $0x10  }
0x24f: {  	v13 =	vand.u32 $0xFFFF0000, v13;
	v16 =	vmul.f32 v2, v6;
	[tilespmem:s0+$0xFFFFFFC0] =	vst v4;
	v4 =	vld.idx.msk [tilespmem:v9+s23+$0x0], $0xffff  }
0x250: {  	v2 =	vld.idx.msk [tilespmem:v3+s23+$0x0], $0xffff;
	v9 =	vmul.f32 v13, v6;
	[tilespmem:s0+$0xFFFFFFD0] =	vst v12;
	v3 =	vshll.u32 v11, $0x10  }
0x251: {  	v13 =	vld [tilespmem:s5+$0xFFFFFFC0];
	v11 =	vand.u32 $0xFFFF0000, v11;
	[tilespmem:s0+$0xFFFFFF40] =	vst v16;
	v12 =	vmul.f32 v3, v5  }
0x252: {  	v11 =	vmul.f32 v11, v5;
	[tilespmem:s0+$0xFFFFFF50] =	vst v9;
	v3 =	vld.idx.msk [tilespmem:v14+s23+$0x0], $0xffff;
	v9 =	vand.u32 $0xFFFF0000, v10  }
0x253: {  	v14 =	vld [tilespmem:s5+$0xFFFFFF80];
	v10 =	vshll.u32 v10, $0x10;
	[tilespmem:s0+$0xC0] =	vst v12;
	v9 =	vmul.f32 v9, v8  }
0x254: {  	v16 =	vld [tilespmem:s5+$0x40];
	v12 =	vshll.u32 v15, $0x10;
	[tilespmem:s0+$0xD0] =	vst v11;
	v8 =	vmul.f32 v10, v8  }
0x255: {  	v11 =	vand.u32 $0xFFFF0000, v15;
	v15 =	vld [tilespmem:s13+$0xFFFFFFF0];
	v12 =	vmul.f32 v12, v4;
	[tilespmem:s0+$0x70] =	vst v9  }
0x256: {  	s11 =	simm.s32 $0x4600;
	v10 =	vld [tilespmem:s13+$0xFFFFFFB0];
	v9 =	vmul.f32 v11, v4;
	v11 =	vshll.u32 v13, $0x10;
	[tilespmem:s0+$0x60] =	vst v8  }
0x257: {  	v13 =	vand.u32 $0xFFFF0000, v13;
	[tilespmem:s11+$0x0] =	vst v12;
	v11 =	vmul.f32 v11, v3  }
0x258: {  	v12 =	vld [tilespmem:s13+$0x70];
	[tilespmem:s11+$0x10] =	vst v9;
	v9 =	vshll.u32 v14, $0x10;
	v8 =	vmul.f32 v13, v3;
	v14 =	vand.u32 $0xFFFF0000, v14  }
0x259: {  	v17 =	vshll.u32 v16, $0x10;
	v13 =	vld [tilespmem:s5+$0x10];
	v9 =	vmul.f32 v9, v2;
	v14 =	vmul.f32 v14, v2;
	[tilespmem:s11+$0xFFFFFF80] =	vst v11  }
0x25a: {  	v11 =	vand.u32 $0xFFFF0000, v16;
	v16 =	vshll.u32 v15, $0x10;
	[tilespmem:s11+$0xFFFFFF90] =	vst v8;
	v8 =	vand.u32 $0xFFFF0000, v15  }
0x25b: {  	v15 =	vmul.f32 v17, v1;
	v11 =	vmul.f32 v11, v1;
	[tilespmem:s11+$0xFFFFFF00] =	vst v9;
	v17 =	vld [tilespmem:s5+$0xFFFFFFD0];
	v9 =	vshll.u32 v10, $0x10  }
0x25c: {  	v10 =	vand.u32 $0xFFFF0000, v10;
	[tilespmem:s11+$0xFFFFFF10] =	vst v14;
	v14 =	vmul.f32 v16, v7;
	v16 =	vmul.f32 v8, v7  }
0x25d: {  	v18 =	vshll.u32 v12, $0x10;
	v19 =	vld [tilespmem:s5+$0xFFFFFF90];
	[tilespmem:s11+$0x80] =	vst v15;
	v9 =	vmul.f32 v9, v6;
	v8 =	vmul.f32 v10, v6  }
0x25e: {  	s12 =	simm.s32 $0x8;
	[tilespmem:s11+$0x90] =	vst v11;
	v11 =	vand.u32 $0xFFFF0000, v12;
	v7 =	vshll.u32 v13, $0x10;
	v13 =	vand.u32 $0xFFFF0000, v13  }
0x25f: {  	[tilespmem:s0+$0xFFFFFFE0] =	vst v14;
	v12 =	vld [tilespmem:s5+$0x50];
	v6 =	vmul.f32 v11, v5;
	v11 =	vmov s12;
	v15 =	vmul.f32 v7, v4  }
0x260: {  	[tilespmem:s0+$0xFFFFFFF0] =	vst v16;
	v10 =	vmul.f32 v13, v4;
	v7 =	vmul.f32 v18, v5;
	v5 =	vshll.u32 v17, $0x10  }
0x261: {  	v11 =	vand.u32 $0xFFFFFFFC, v11;
	v13 =	vand.u32 $0xFFFF0000, v17;
	[tilespmem:s11+$0x20] =	vst v15;
	v5 =	vmul.f32 v5, v3  }
0x262: {  	s13 =	simm.s32 $0xB;
	[tilespmem:s11+$0x30] =	vst v10;
	v10 =	vmul.f32 v13, v3;
	v13 =	vshll.u32 v19, $0x10;
	v14 =	vand.u32 $0xFFFF0000, v19  }
0x263: {  	s29 =	simm.s32 $0x9;
	v15 =	vmov s13;
	v17 =	vld [tilespmem:s5+$0x20];
	v13 =	vmul.f32 v13, v2;
	v16 =	vmul.f32 v14, v2;
	[tilespmem:s11+$0xFFFFFFA0] =	vst v5  }
0x264: {  	v5 =	vmov s29;
	[tilespmem:s11+$0xFFFFFFB0] =	vst v10;
	v14 =	vshll.u32 v12, $0x10;
	v10 =	vbroadcast v11, $0x0  }
0x265: {  	v11 =	vand.u32 $0xFFFF0000, v12;
	v12 =	vmul.f32 v14, v1;
	v5 =	vand.u32 $0xFFFFFFFD, v5  }
0x266: {  	s31 =	simm.s32 $0xA;
	[tilespmem:s11+$0xFFFFFF20] =	vst v13;
	v14 =	vld [tilespmem:s5+$0xFFFFFFE0];
	v18 =	vmul.f32 v11, v1;
	v11 =	vbroadcast v5, $0x0  }
0x267: {  	v13 =	vmov s31;
	[tilespmem:s11+$0xFFFFFF30] =	vst v16  }
0x268: {  	v5 =	vand.u32 $0xFFFFFFFE, v13;
	v13 =	vld [tilespmem:s5+$0xFFFFFFA0];
	[tilespmem:s11+$0xA0] =	vst v12;
	v19 =	vshll.u32 v17, $0x10  }
0x269: {  	s1 =	simm.s32 $0x4600;
	s12 =	simm.s32 $0x2480;
	s13 =	simm.s32 $0xC;
	v12 =	vbroadcast v5, $0x0;
	v5 =	vld.idx.msk [tilespmem:v15+s23+$0x0], $0xffff;
	[tilespmem:s11+$0xB0] =	vst v18;
	v16 =	vand.u32 $0xFFFF0000, v17;
	v15 =	vmul.f32 v19, v4  }
.LBB2_14:
0x26a: {  	p1 =	slt.u32 s13, $0x7C;
	v16 =	vmul.f32 v16, v4;
	v17 =	vld [tilespmem:s5+$0x60];
	[tilespmem:s0+$0xFFFFFF60] =	vst v9  }
0x26b: {  	v10 =	vld.idx.msk [tilespmem:v10+s23+$0x0], $0xffff;
	v9 =	vshll.u32 v14, $0x10;
	v14 =	vand.u32 $0xFFFF0000, v14;
	[tilespmem:s11+$0x40] =	vst v15  }
0x26c: {  	v11 =	vld.idx.msk [tilespmem:v11+s23+$0x0], $0xffff;
	v9 =	vmul.f32 v9, v3;
	v14 =	vmul.f32 v14, v3;
	[tilespmem:s11+$0x50] =	vst v16  }
0x26d: {  	s5 =	sadd.s32 $0x100, s5;
	v15 =	vshll.u32 v13, $0x10;
	v13 =	vand.u32 $0xFFFF0000, v13;
	v16 =	vld [tilespmem:s12+$0x30];
	[tilespmem:s0+$0xFFFFFF70] =	vst v8  }
0x26e: {  	v8 =	vld [tilespmem:s5+$0x0];
	v15 =	vmul.f32 v15, v2;
	v13 =	vmul.f32 v13, v2;
	[tilespmem:s11+$0xFFFFFFC0] =	vst v9  }
0x26f: {  	v9 =	vld.idx.msk [tilespmem:v12+s23+$0x0], $0xffff;
	[tilespmem:s11+$0xFFFFFFD0] =	vst v14;
	v12 =	vshll.u32 v17, $0x10;
	v14 =	vand.u32 $0xFFFF0000, v17  }
0x270: {  	v17 =	vld [tilespmem:s5+$0xFFFFFF80];
	[tilespmem:s11+$0xFFFFFF40] =	vst v15;
	v12 =	vmul.f32 v12, v1;
	v14 =	vmul.f32 v14, v1  }
0x271: {  	v15 =	vld [tilespmem:s5+$0xFFFFFFC0];
	[tilespmem:s11+$0xFFFFFF50] =	vst v13  }
0x272: {  	v13 =	vld [tilespmem:s5+$0x40];
	v18 =	vshll.u32 v16, $0x10;
	v16 =	vand.u32 $0xFFFF0000, v16;
	[tilespmem:s11+$0xC0] =	vst v12  }
0x273: {  	v12 =	vld [tilespmem:s12+$0xFFFFFFF0];
	v18 =	vmul.f32 v18, v4;
	v20 =	vmul.f32 v16, v4;
	[tilespmem:s11+$0xD0] =	vst v14  }
0x274: {  	v14 =	vshll.u32 v8, $0x10;
	v16 =	vld [tilespmem:s12+$0xFFFFFFB0];
	[tilespmem:s0+$0xE0] =	vst v7  }
0x275: {  	v8 =	vand.u32 $0xFFFF0000, v8;
	v14 =	vmul.f32 v14, v9;
	v4 =	vmovc v9;
	v7 =	vshll.u32 v17, $0x10;
	[tilespmem:s11+$0x70] =	vst v20;
	v19 =	vld [tilespmem:s12+$0x70];
	s12 =	smov.u32 s5  }
0x276: {  	v9 =	vand.u32 $0xFFFF0000, v17;
	v8 =	vmul.f32 v8, v4;
	s11 =	sadd.s32 $0x200, s11;
	v17 =	vshll.u32 v15, $0x10;
	[tilespmem:s1+$0x60] =	vst v18  }
0x277: {  	v15 =	vand.u32 $0xFFFF0000, v15;
	[tilespmem:s11+$0x0] =	vst v14;
	v14 =	vshll.u32 v13, $0x10;
	v13 =	vand.u32 $0xFFFF0000, v13  }
0x278: {  	v17 =	vmul.f32 v17, v11;
	v15 =	vmul.f32 v15, v11;
	[tilespmem:s11+$0x10] =	vst v8;
	v8 =	vshll.u32 v12, $0x10  }
0x279: {  	v7 =	vmul.f32 v7, v10;
	v9 =	vmul.f32 v9, v10;
	v12 =	vand.u32 $0xFFFF0000, v12;
	v18 =	vld [tilespmem:s5+$0x10];
	[tilespmem:s0+$0xF0] =	vst v6;
	s0 =	smov.u32 s1;
	s1 =	smov.u32 s11  }
0x27a: {  	v13 =	vmul.f32 v13, v5;
	v6 =	vmul.f32 v14, v5;
	v14 =	vshll.u32 v16, $0x10;
	[tilespmem:s11+$0xFFFFFF80] =	vst v17  }
0x27b: {  	v17 =	vand.u32 $0xFFFF0000, v19;
	[tilespmem:s11+$0xFFFFFF90] =	vst v15;
	v15 =	vand.u32 $0xFFFF0000, v16;
	v16 =	vshll.u32 v19, $0x10  }
0x27c: {  	v20 =	vmul.f32 v8, v3;
	v12 =	vmul.f32 v12, v3;
	v3 =	vmov v11;
	[tilespmem:s11+$0xFFFFFF00] =	vst v7;
	v19 =	vld [tilespmem:s5+$0xFFFFFFD0]  }
0x27d: {  	v8 =	vmul.f32 v15, v2;
	[tilespmem:s11+$0xFFFFFF10] =	vst v9;
	v9 =	vmul.f32 v14, v2;
	v2 =	vmov v10  }
0x27e: {  	v7 =	vmul.f32 v16, v1;
	v11 =	vld [tilespmem:s5+$0xFFFFFF90];
	v10 =	vshll.u32 v18, $0x10;
	[tilespmem:s11+$0x80] =	vst v6;
	v6 =	vmul.f32 v17, v1;
	v1 =	vmovc v5  }
0x27f: {  	s2 =	sadd.s32 $0x3, s13;
	v5 =	vand.u32 $0xFFFF0000, v18;
	v10 =	vmul.f32 v10, v4;
	[tilespmem:s11+$0x90] =	vst v13  }
0x280: {  	v15 =	vmov s2;
	v13 =	vmov s13;
	v5 =	vmul.f32 v5, v4;
	v14 =	vld [tilespmem:s5+$0x50];
	[tilespmem:s0+$0xFFFFFFE0] =	vst v20  }
0x281: {  	s2 =	sadd.s32 $0x1, s13;
	v13 =	vand.u32 $0xFFFFFFFC, v13;
	v16 =	vshll.u32 v19, $0x10;
	v17 =	vand.u32 $0xFFFF0000, v19;
	[tilespmem:s11+$0x20] =	vst v10  }
0x282: {  	v18 =	vmov s2;
	v16 =	vmul.f32 v16, v3;
	v17 =	vmul.f32 v17, v3;
	[tilespmem:s11+$0x30] =	vst v5  }
0x283: {  	v10 =	vbroadcast v13, $0x0;
	v5 =	vshll.u32 v11, $0x10;
	v11 =	vand.u32 $0xFFFF0000, v11;
	v19 =	vld [tilespmem:s5+$0x20];
	[tilespmem:s0+$0xFFFFFFF0] =	vst v12  }
0x284: {  	v12 =	vand.u32 $0xFFFFFFFD, v18;
	v5 =	vmul.f32 v5, v2;
	v13 =	vmul.f32 v11, v2;
	[tilespmem:s11+$0xFFFFFFA0] =	vst v16  }
.Ltmp7:
0x285: {  	v11 =	vbroadcast v12, $0x0;
	[tilespmem:s11+$0xFFFFFFB0] =	vst v17;
	v12 =	vshll.u32 v14, $0x10;
	v16 =	vand.u32 $0xFFFF0000, v14;
	(pc) =	sbr.rel @p1 .LBB2_14-.Ltmp7, $4  }
0x286: {  	s2 =	sadd.s32 $0x2, s13;
	[tilespmem:s11+$0xFFFFFF20] =	vst v5;
	v14 =	vld [tilespmem:s5+$0xFFFFFFE0];
	v5 =	vmul.f32 v12, v1;
	v17 =	vmul.f32 v16, v1  }
0x287: {  	v12 =	vmov s2;
	[tilespmem:s11+$0xFFFFFF30] =	vst v13  }
0x288: {  	v12 =	vand.u32 $0xFFFFFFFE, v12;
	v13 =	vld [tilespmem:s5+$0xFFFFFFA0];
	v18 =	vshll.u32 v19, $0x10;
	[tilespmem:s11+$0xA0] =	vst v5  }
0x289: {  	s13 =	sadd.s32 $0x4, s13;
	v12 =	vbroadcast v12, $0x0;
	v16 =	vand.u32 $0xFFFF0000, v19;
	v5 =	vld.idx.msk [tilespmem:v15+s23+$0x0], $0xffff;
	v15 =	vmul.f32 v18, v4;
	[tilespmem:s11+$0xB0] =	vst v17  }
0x28a: {  	_ =	sdelay $0x1  }
0x28b: {  	[tilespmem:s0+$0xFFFFFF60] =	vst v9  }
0x28c: {  	v17 =	vld [tilespmem:s5+$0x60];
	[tilespmem:s0+$0xFFFFFF70] =	vst v8  }
0x28d: {  	v11 =	vld.idx.msk [tilespmem:v11+s23+$0x0], $0xffff;
	[tilespmem:s0+$0xE0] =	vst v7  }
0x28e: {  	v16 =	vmul.f32 v16, v4;
	s13 =	sadd.s32 $0x100, s5;
	v20 =	vld.idx.msk [tilespmem:v10+s23+$0x0], $0xffff;
	[tilespmem:s0+$0xF0] =	vst v6;
	v50 =	vshll.u32 v14, $0x10  }
0x28f: {  	[tilespmem:s11+$0x40] =	vst v15;
	v51 =	vand.u32 $0xFFFF0000, v14;
	v55 =	vld [tilespmem:s13+$0x0];
	v9 =	vmul.f32 v50, v3  }
0x290: {  	v12 =	vld.idx.msk [tilespmem:v12+s23+$0x0], $0xffff;
	[tilespmem:s11+$0x50] =	vst v16;
	v14 =	vmul.f32 v51, v3;
	v52 =	vshll.u32 v13, $0x10  }
0x291: {  	v60 =	vld [tilespmem:s13+$0xFFFFFFC0];
	v53 =	vand.u32 $0xFFFF0000, v13;
	v54 =	vmul.f32 v52, v2;
	[tilespmem:s11+$0xFFFFFFC0] =	vst v9  }
0x292: {  	v63 =	vld [tilespmem:s13+$0xFFFFFF80];
	v8 =	vmul.f32 v53, v2;
	[tilespmem:s11+$0xFFFFFFD0] =	vst v14;
	v56 =	vshll.u32 v17, $0x10  }
0x293: {  	v16 =	vld [tilespmem:s12+$0x30];
	v57 =	vand.u32 $0xFFFF0000, v17;
	[tilespmem:s11+$0xFFFFFF40] =	vst v54;
	v58 =	vmul.f32 v56, v1  }
0x294: {  	v59 =	vmul.f32 v57, v1;
	[tilespmem:s11+$0xFFFFFF50] =	vst v8;
	v19 =	vshll.u32 v55, $0x10  }
0x295: {  	v9 =	vand.u32 $0xFFFF0000, v55;
	v21 =	vmul.f32 v19, v12;
	[tilespmem:s11+$0xC0] =	vst v58  }
0x296: {  	s29 =	sadd.s32 $0x200, s11;
	v22 =	vld [tilespmem:s13+$0x40];
	v8 =	vand.u32 $0xFFFF0000, v60;
	v9 =	vmul.f32 v9, v12;
	[tilespmem:s11+$0xD0] =	vst v59  }
0x297: {  	v27 =	vand.u32 $0xFFFF0000, v63;
	v8 =	vmul.f32 v8, v11;
	[tilespmem:s29+$0x0] =	vst v21  }
0x298: {  	v6 =	vmul.f32 v27, v20;
	v61 =	vand.u32 $0xFFFF0000, v16;
	[tilespmem:s29+$0x10] =	vst v9  }
0x299: {  	v24 =	vld [tilespmem:s12+$0xFFFFFFF0];
	v23 =	vshll.u32 v60, $0x10;
	v62 =	vshll.u32 v16, $0x10;
	v15 =	vmul.f32 v61, v4;
	[tilespmem:s29+$0xFFFFFF90] =	vst v8  }
0x29a: {  	v25 =	vshll.u32 v63, $0x10;
	v18 =	vmul.f32 v62, v4;
	v4 =	vmul.f32 v23, v11;
	[tilespmem:s29+$0xFFFFFF10] =	vst v6  }
0x29b: {  	v29 =	vand.u32 $0xFFFF0000, v22;
	v9 =	vmul.f32 v25, v20;
	v26 =	vld [tilespmem:s13+$0x10];
	[tilespmem:s11+$0x70] =	vst v15  }
0x29c: {  	v8 =	vmul.f32 v29, v5;
	[tilespmem:s29+$0xFFFFFF80] =	vst v4  }
0x29d: {  	v28 =	vshll.u32 v22, $0x10;
	[tilespmem:s29+$0xFFFFFF00] =	vst v9;
	v30 =	vld [tilespmem:s13+$0xFFFFFFD0]  }
0x29e: {  	v31 =	vshll.u32 v24, $0x10;
	v4 =	vmul.f32 v28, v5;
	[tilespmem:s29+$0x90] =	vst v8  }
0x29f: {  	v36 =	vand.u32 $0xFFFF0000, v24;
	v32 =	vmul.f32 v31, v3;
	[tilespmem:s1+$0x60] =	vst v18;
	v33 =	vld [tilespmem:s13+$0xFFFFFF90]  }
0x2a0: {  	v3 =	vmul.f32 v36, v3;
	[tilespmem:s29+$0x80] =	vst v4;
	v34 =	vshll.u32 v26, $0x10  }
0x2a1: {  	[tilespmem:s1+$0xFFFFFFE0] =	vst v32;
	v37 =	vld [tilespmem:s13+$0x50];
	v35 =	vand.u32 $0xFFFF0000, v26;
	v14 =	vmul.f32 v34, v12  }
0x2a2: {  	[tilespmem:s1+$0xFFFFFFF0] =	vst v3;
	v4 =	vmul.f32 v35, v12;
	v38 =	vshll.u32 v30, $0x10  }
0x2a3: {  	v39 =	vld [tilespmem:s12+$0xFFFFFFB0];
	v9 =	vand.u32 $0xFFFF0000, v30;
	[tilespmem:s29+$0x20] =	vst v14;
	v6 =	vmul.f32 v38, v11  }
0x2a4: {  	v41 =	vshll.u32 v33, $0x10;
	[tilespmem:s29+$0x30] =	vst v4;
	v40 =	vmul.f32 v9, v11  }
0x2a5: {  	v3 =	vand.u32 $0xFFFF0000, v33;
	v9 =	vmul.f32 v41, v20;
	v14 =	vld [tilespmem:s13+$0x20];
	[tilespmem:s29+$0xFFFFFFA0] =	vst v6  }
0x2a6: {  	v3 =	vmul.f32 v3, v20;
	v42 =	vshll.u32 v37, $0x10;
	[tilespmem:s29+$0xFFFFFFB0] =	vst v40  }
0x2a7: {  	v43 =	vand.u32 $0xFFFF0000, v37;
	[tilespmem:s29+$0xFFFFFF20] =	vst v9;
	v4 =	vmul.f32 v42, v5;
	v44 =	vld [tilespmem:s13+$0xFFFFFFE0]  }
0x2a8: {  	v45 =	vshll.u32 v39, $0x10;
	v6 =	vmul.f32 v43, v5;
	[tilespmem:s29+$0xFFFFFF30] =	vst v3  }
0x2a9: {  	v49 =	vand.u32 $0xFFFF0000, v39;
	v3 =	vmul.f32 v45, v2;
	v46 =	vld [tilespmem:s13+$0xFFFFFFA0];
	[tilespmem:s29+$0xA0] =	vst v4  }
0x2aa: {  	v2 =	vmul.f32 v49, v2;
	[tilespmem:s29+$0xB0] =	vst v6;
	v47 =	vshll.u32 v14, $0x10  }
0x2ab: {  	[tilespmem:s1+$0xFFFFFF60] =	vst v3;
	v50 =	vld [tilespmem:s13+$0x60];
	v48 =	vand.u32 $0xFFFF0000, v14;
	v13 =	vmul.f32 v47, v12  }
0x2ac: {  	[tilespmem:s1+$0xFFFFFF70] =	vst v2;
	v4 =	vmul.f32 v48, v12;
	v3 =	vshll.u32 v44, $0x10  }
0x2ad: {  	v51 =	vld [tilespmem:s12+$0x70];
	v9 =	vand.u32 $0xFFFF0000, v44;
	[tilespmem:s29+$0x40] =	vst v13;
	v3 =	vmul.f32 v3, v11  }
0x2ae: {  	v53 =	vshll.u32 v46, $0x10;
	[tilespmem:s29+$0x50] =	vst v4;
	v52 =	vmul.f32 v9, v11  }
0x2af: {  	v2 =	vand.u32 $0xFFFF0000, v46;
	v9 =	vmul.f32 v53, v20;
	v13 =	vld [tilespmem:s13+$0x30];
	[tilespmem:s29+$0xFFFFFFC0] =	vst v3  }
0x2b0: {  	v2 =	vmul.f32 v2, v20;
	[tilespmem:s29+$0xFFFFFFD0] =	vst v52;
	v3 =	vshll.u32 v50, $0x10  }
0x2b1: {  	v54 =	vand.u32 $0xFFFF0000, v50;
	[tilespmem:s29+$0xFFFFFF40] =	vst v9;
	v3 =	vmul.f32 v3, v5;
	v55 =	vld [tilespmem:s13+$0xFFFFFFF0]  }
0x2b2: {  	v56 =	vshll.u32 v51, $0x10;
	v4 =	vmul.f32 v54, v5;
	[tilespmem:s29+$0xFFFFFF50] =	vst v2  }
0x2b3: {  	v59 =	vand.u32 $0xFFFF0000, v51;
	v2 =	vmul.f32 v56, v1;
	[tilespmem:s29+$0xC0] =	vst v3;
	v3 =	vld [tilespmem:s13+$0xFFFFFFB0]  }
0x2b4: {  	v1 =	vmul.f32 v59, v1;
	[tilespmem:s29+$0xD0] =	vst v4;
	v57 =	vand.u32 $0xFFFF0000, v13  }
0x2b5: {  	[tilespmem:s1+$0xE0] =	vst v2;
	v58 =	vshll.u32 v13, $0x10;
	v2 =	vld [tilespmem:s13+$0x70];
	v9 =	vmul.f32 v57, v12  }
0x2b6: {  	[tilespmem:s1+$0xF0] =	vst v1;
	v60 =	vmul.f32 v58, v12;
	v61 =	vshll.u32 v55, $0x10  }
0x2b7: {  	v62 =	vand.u32 $0xFFFF0000, v55;
	[tilespmem:s29+$0x70] =	vst v9;
	v4 =	vmul.f32 v61, v11  }
0x2b8: {  	[tilespmem:s29+$0x60] =	vst v60;
	v6 =	vmul.f32 v62, v11;
	v1 =	vshll.u32 v3, $0x10  }
0x2b9: {  	v3 =	vand.u32 $0xFFFF0000, v3;
	v1 =	vmul.f32 v1, v20;
	[tilespmem:s29+$0xFFFFFFE0] =	vst v4  }
0x2ba: {  	v63 =	vshll.u32 v2, $0x10;
	v3 =	vmul.f32 v3, v20;
	[tilespmem:s29+$0xFFFFFFF0] =	vst v6  }
0x2bb: {  	v2 =	vand.u32 $0xFFFF0000, v2;
	v4 =	vmul.f32 v63, v5;
	[tilespmem:s29+$0xFFFFFF60] =	vst v1  }
0x2bc: {  	v1 =	vmul.f32 v2, v5;
	[tilespmem:s29+$0xFFFFFF70] =	vst v3  }
0x2bd: {  	[tilespmem:s29+$0xE0] =	vst v4  }
0x2be: {  	[tilespmem:s29+$0xF0] =	vst v1  }
0x2bf: {  	[spmem:s16] =	stream.indirect.scatter.add.f32 [tilespmem:s14], [sflag:$0x9], $0x80, s24, s21, $0xb8;
	[tilespmem:$0x1BB80] =	vst v63  }
0x2c0: {  	_ =	swait.ge [sflag:s15], $0x4000  }
0x2c1: {  	[sflag:s15] =	ssyncset.done $0x0  }
0x2c2: {  	[sflag:s15] =	ssyncadd.s32 $0xFFFFC000  }
0x2c3: {  	[bflag:$0x0] =	sbarrier.arrive $0xFFFF  }
0x2c4: {  	s11 =	rddreg [dreg:$0x6]  }
0x2c5: {  	[tilespmem:s14], [sflag:$0x9] =	stream.linear.gather [spmem:s11], $0x2800, $0x38;
	[tilespmem:$0x1BB80] =	vst v63  }
0x2c6: {  	_ =	swait.ge [sflag:s15], $0x2800  }
0x2c7: {  	s1 =	rddreg [dreg:$0x7]  }
0x2c8: {  	[sflag:s15] =	ssyncset.done $0x0;
	s31 =	sshrl.u32 s1, $0x3  }
.Ltmp8:
0x2c9: {  	[sflag:s15] =	ssyncadd.s32 $0xFFFFD800;
	s0 =	sadd.s32 s31, s10;
	(pc) =	sbr.rel @!p0 .LBB2_17-.Ltmp8, $4  }
0x2ca: {  	[hbm4b:s0+s3] =	stream.linear.scatter [tilespmem:s14], [sflag:$0x9], $0x2800, $0x38;
	[tilespmem:$0x1BB80] =	vst v63  }
0x2cb: {  	_ =	swait.ge [sflag:s15], $0x2800  }
0x2cc: {  	s12 =	rddreg [dreg:$0x4]  }
0x2cd: {  	s5 =	smov.u32 s11;
	[sflag:s15] =	ssyncset.done $0x0;
	s0 =	sadd.s32 $0xFFFFFFFF, s12  }
.LBB2_16:
0x2ce: {  	[sflag:s15] =	ssyncadd.s32 $0xFFFFD800;
	s1 =	sadd.s32 $0x28000, s1;
	s5 =	sadd.s32 $0x28000, s5  }
0x2cf: {  	[tilespmem:s14], [sflag:$0x9] =	stream.linear.gather [spmem:s5], $0x2800, $0x38;
	[tilespmem:$0x1BB80] =	vst v63  }
0x2d0: {  	p0 =	sne.s32 s0, $0x1;
	s0 =	sadd.s32 $0xFFFFFFFF, s0;
	_ =	swait.ge [sflag:s15], $0x2800  }
.Ltmp9:
0x2d1: {  	s2 =	sshrl.u32 s1, $0x3;
	[sflag:s15] =	ssyncset.done $0x0;
	(pc) =	sbr.rel @p0 .LBB2_16-.Ltmp9, $4  }
0x2d2: {  	s2 =	sadd.s32 s2, s10;
	[sflag:s15] =	ssyncadd.s32 $0xFFFFD800  }
0x2d3: {  	[hbm4b:s2+s3] =	stream.linear.scatter [tilespmem:s14], [sflag:$0x9], $0x2800, $0x38;
	[tilespmem:$0x1BB80] =	vst v63  }
0x2d4: {  	_ =	swait.ge [sflag:s15], $0x2800  }
0x2d5: {  	[sflag:s15] =	ssyncset.done $0x0  }
.LBB2_17:
0x2d6: {  	s1 =	rddreg [dreg:$0x8]  }
0x2d7: {  	s0 =	rddreg [dreg:$0x5];
	s1 =	sadd.s32 $0x1, s1  }
0x2d8: {  	p0 =	sne.s32 s1, s0  }
.Ltmp10:
0x2d9: {  	_ = 	snop;
	(pc) =	sbr.rel @p0 .LBB2_1-.Ltmp10, $2  }
0x2da: {  	_ =	sdelay $0x2  }
0x2db: {  	[sflag:s15] =	ssyncadd.s32 $0xFFFFD800  }
0x2dc: {  	_ =	sfence.sel $0x180000  }
0x2dd: {  	[bflag:$0x0] =	sbarrier.arrive $0xFFFF  }
0x2de: {  	_ =	strace $0x90000047  }
0x2df: {  	s0 =	stileid.u32;
	[bflag:$0x2] =	sbarrier.arrive $0xFFFF  }
0x2e0: {  	p0 =	sne.s32 s0, $0x0;
	s0 =	rddreg [dreg:$0x3]  }
0x2e1: {  	s0 =	sadd.s32 @!p0 $0x100000, s0  }
0x2e2: {  	[sflag:s0] =	ssyncadd.tile.s32 @!p0 $0x1;
	_ =	shalt  }
.Lfunc_end2:
_tile_overlayer_lowered:
.L_overlay_start_2:
0x2e3: {  	(tag) =	ssettag $0x2  }
0x2e4: {  	s0 =	rddreg [dreg:$0x0];
	s2 =	stileid.u32  }
0x2e5: {  	s1 =	rddreg [dreg:$0x1];
	p0 =	sne.s32 s2, $0x0  }
0x2e6: {  	s3 =	rddreg [dreg:$0x2];
	[bflag:$0x3] =	sbarrier.arrive $0xFFFF;
	s2 =	simm.s32 @!p0 $0x1C09  }
0x2e7: {  	[timem:s3], [sflag:s2] =	dma.local @!p0 [hbm:s0], s1  }
0x2e8: {  	s0 =	simm.s32 @!p0 $0x9  }
0x2e9: {  	_ =	swait.ge @!p0 [sflag:s0], s1  }
0x2ea: {  	s1 =	ssub.s32 @!p0 $0x0, s1;
	[sflag:s0] =	ssyncset.done @!p0 $0x0  }
0x2eb: {  	[sflag:s0] =	ssyncadd.s32 @!p0 s1  }
0x2ec: {  	[bflag:$0x3] =	sbarrier.arrive $0xFFFF  }
0x2ed: {  	_ =	shalt  }

</sc_bundles>
